<compile_context>
chip_gen: v7x
topology: tpu7x:2x2x1
jax: 0.10.2.dev20260603
libtpu: 0.0.44.dev20260713+nightly
codegen_flags: <defaults>
</compile_context>

<pallas_src>
import functools

import jax
import jax.numpy as jnp
from jax import lax
from jax.experimental import pallas as pl
from jax.experimental.pallas import tpu as pltpu
from jax.experimental.pallas import tpu_sc as plsc

MARGIN1 = 0.4
MARGIN2 = 0.4

NC = 2
NS = 16
LANES = 16
NW = NC * NS


def _make_lse(B, C, RB):
    def body(ct_ref, o_ref, flat_ref):
        x = ct_ref[...]
        m = jnp.max(x, axis=0)
        s = jnp.sum(jnp.exp(x - m[None, :]), axis=0)
        o_ref[...] = m + jnp.log(s)
        for b in range(RB // 128):
            flat_ref[:, b, :] = x[:, b * 128:(b + 1) * 128]

    return pl.pallas_call(
        body,
        grid=(B // RB,),
        in_specs=[pl.BlockSpec((C, RB), lambda i: (0, i))],
        out_specs=[pl.BlockSpec((RB,), lambda i: (i,)),
                   pl.BlockSpec((C, RB // 128, 128), lambda i: (0, i, 0))],
        out_shape=[jax.ShapeDtypeStruct((B,), jnp.float32),
                   jax.ShapeDtypeStruct((C, B // 128, 128), jnp.float32)],
    )


def _make_sc_dist(B, D, T, K):
    TW = T // NW
    NCHUNK = TW // K
    GROUPS = K // LANES

    mesh = plsc.VectorSubcoreMesh(core_axis_name="c", subcore_axis_name="s")

    buf_t = [
        pltpu.VMEM((K,), jnp.int32),
        pltpu.VMEM((K,), jnp.int32),
        pltpu.VMEM((K,), jnp.int32),
        pltpu.VMEM((K,), jnp.int32),
        pltpu.VMEM((K, D), jnp.float32),
        pltpu.VMEM((K, D), jnp.float32),
        pltpu.VMEM((K, D), jnp.float32),
        pltpu.VMEM((K, D), jnp.float32),
        pltpu.VMEM((4 * K,), jnp.int32),
        pltpu.VMEM((K,), jnp.float32),
        pltpu.VMEM((K,), jnp.float32),
    ]

    @functools.partial(
        pl.kernel,
        mesh=mesh,
        compiler_params=pltpu.CompilerParams(
            needs_layout_passes=False, use_tc_tiling_on_sc=False),
        out_type=[jax.ShapeDtypeStruct((T,), jnp.float32),
                  jax.ShapeDtypeStruct((T,), jnp.float32),
                  jax.ShapeDtypeStruct((4 * T,), jnp.int32)],
        scratch_types=[
            pltpu.VMEM((B,), jnp.int32),
            *buf_t,
            *buf_t,
            pltpu.SemaphoreType.DMA,
            pltpu.SemaphoreType.DMA,
            pltpu.SemaphoreType.DMA,
            pltpu.SemaphoreType.DMA,
            pltpu.SemaphoreType.DMA,
        ],
    )
    def sc_dist(emb, tidx, tgt, d1_out, d2_out, fidx_out,
                target_v, *rest):
        bufs = (rest[0:11], rest[11:22])
        sem_i = rest[22]
        sem_d = (rest[23], rest[24])
        sem_o = (rest[25], rest[26])

        wid = lax.axis_index("s") * NC + lax.axis_index("c")
        base_t = wid * TW

        pltpu.sync_copy(tgt, target_v)

        zf = jnp.zeros((LANES,), jnp.float32)
        iota = lax.iota(jnp.int32, LANES)
        def fire_idx(ch, p):
            tb = base_t + ch * K
            for q in range(4):
                pltpu.async_copy(
                    tidx.at[q, pl.ds(tb, K)], bufs[p][q], sem_i)

        def drain_idx(p):
            for q in range(4):
                pltpu.make_async_copy(
                    tidx.at[q, pl.ds(0, K)], bufs[p][q], sem_i).wait()

        def fire_rows(p):
            for q in range(4):
                pltpu.async_copy(emb.at[bufs[p][q]], bufs[p][4 + q], sem_d[p])

        def drain_rows(p):
            for q in range(4):
                pltpu.make_async_copy(
                    emb.at[bufs[p][q]], bufs[p][4 + q], sem_d[p]).wait()

        def phase_a(p, drain_fidx):
            idxa_v, _, idxr_v, idxn_v = bufs[p][0:4]
            fidx_v = bufs[p][8]
            if drain_fidx:
                pltpu.make_async_copy(
                    fidx_v, fidx_out.at[pl.ds(0, 4 * K)], sem_o[p]).wait()

            def ga(g, carry):
                gb = g * LANES
                av = idxa_v[pl.ds(gb, LANES)]
                rv = idxr_v[pl.ds(gb, LANES)]
                nv = idxn_v[pl.ds(gb, LANES)]
                ta = plsc.load_gather(target_v, [av])
                tr = plsc.load_gather(target_v, [rv])
                tn = plsc.load_gather(target_v, [nv])
                fidx_v[pl.ds(gb, LANES)] = tr * B + av
                fidx_v[pl.ds(K + gb, LANES)] = ta * B + rv
                fidx_v[pl.ds(2 * K + gb, LANES)] = tn * B + av
                fidx_v[pl.ds(3 * K + gb, LANES)] = ta * B + nv
                return carry

            lax.fori_loop(0, GROUPS, ga, 0)

        def phase_b(ch, p, drain_d):
            ra_v, rp_v, rr_v, rn_v = bufs[p][4:8]
            d1_v, d2_v = bufs[p][9], bufs[p][10]
            if drain_d:
                pltpu.make_async_copy(
                    d1_v, d1_out.at[pl.ds(0, K)], sem_o[p]).wait()
                pltpu.make_async_copy(
                    d2_v, d2_out.at[pl.ds(0, K)], sem_o[p]).wait()

            def gb_fn(g, carry):
                gb = g * LANES
                jv = gb + iota

                def dbody(dd, c):
                    dap, dar, dan, dv = c
                    for _ in range(8):
                        cv = jnp.bitwise_and(dv + iota, D - 1)
                        ea = plsc.load_gather(ra_v, [jv, cv])
                        ep = plsc.load_gather(rp_v, [jv, cv])
                        er = plsc.load_gather(rr_v, [jv, cv])
                        en = plsc.load_gather(rn_v, [jv, cv])
                        s1 = ea - ep
                        s2 = ea - er
                        s3 = ea - en
                        dap = dap + s1 * s1
                        dar = dar + s2 * s2
                        dan = dan + s3 * s3
                        dv = dv + 1
                    return (dap, dar, dan, dv)

                dap, dar, dan, _ = lax.fori_loop(
                    0, D // 8, dbody,
                    (zf, zf, zf, jnp.zeros((LANES,), jnp.int32)))
                d1_v[pl.ds(gb, LANES)] = dap - dar
                d2_v[pl.ds(gb, LANES)] = dar - dan
                return carry

            lax.fori_loop(0, GROUPS, gb_fn, 0)
            tb = base_t + ch * K
            pltpu.async_copy(d1_v, d1_out.at[pl.ds(tb, K)], sem_o[p])
            pltpu.async_copy(d2_v, d2_out.at[pl.ds(tb, K)], sem_o[p])
            pltpu.async_copy(
                bufs[p][8], fidx_out.at[pl.ds(4 * tb, 4 * K)], sem_o[p])

        fire_idx(0, 0)
        drain_idx(0)
        phase_a(0, False)
        fire_rows(0)

        def pair_impl(e, first):
            o = e + 1
            e2 = jnp.minimum(e + 2, NCHUNK - 2)

            fire_idx(o, 1)
            drain_idx(1)
            phase_a(1, not first)
            fire_rows(1)

            drain_rows(0)
            phase_b(e, 0, not first)

            fire_idx(e2, 0)
            drain_idx(0)
            phase_a(0, True)
            fire_rows(0)

            drain_rows(1)
            phase_b(o, 1, not first)

        pair_impl(0, True)

        def pair_body(gp, carry):
            pair_impl(2 * gp, False)
            return carry

        lax.fori_loop(1, NCHUNK // 2, pair_body, 0)
        drain_rows(0)
        pltpu.make_async_copy(
            bufs[0][9], d1_out.at[pl.ds(0, K)], sem_o[0]).wait()
        pltpu.make_async_copy(
            bufs[0][10], d2_out.at[pl.ds(0, K)], sem_o[0]).wait()
        pltpu.make_async_copy(
            bufs[1][8], fidx_out.at[pl.ds(0, 4 * K)], sem_o[1]).wait()
        pltpu.make_async_copy(
            bufs[1][9], d1_out.at[pl.ds(0, K)], sem_o[1]).wait()
        pltpu.make_async_copy(
            bufs[1][10], d2_out.at[pl.ds(0, K)], sem_o[1]).wait()

    return sc_dist


def _make_sc_weight(B, T, K):
    TW = T // NW
    NCHUNK = TW // K
    GROUPS = K // LANES

    mesh = plsc.VectorSubcoreMesh(core_axis_name="c", subcore_axis_name="s")

    buf_t = [
        pltpu.VMEM((4 * K,), jnp.int32),
        pltpu.VMEM((4 * K,), jnp.float32),
        pltpu.VMEM((K,), jnp.int32),
        pltpu.VMEM((K,), jnp.int32),
        pltpu.VMEM((K,), jnp.int32),
        pltpu.VMEM((K,), jnp.float32),
        pltpu.VMEM((K,), jnp.float32),
    ]

    @functools.partial(
        pl.kernel,
        mesh=mesh,
        compiler_params=pltpu.CompilerParams(
            needs_layout_passes=False, use_tc_tiling_on_sc=False),
        out_type=jax.ShapeDtypeStruct((NW, LANES), jnp.float32),
        scratch_types=[
            pltpu.VMEM((B,), jnp.float32),
            *buf_t,
            *buf_t,
            pltpu.VMEM((LANES,), jnp.float32),
            pltpu.SemaphoreType.DMA,
            pltpu.SemaphoreType.DMA,
        ],
    )
    def sc_weight(tidx, lse, conf_flat, fidx_in, d1_in, d2_in,
                  out, lse_v, *rest):
        bufs = (rest[0:7], rest[7:14])
        accv = rest[14]
        sem = (rest[15], rest[16])

        wid = lax.axis_index("s") * NC + lax.axis_index("c")
        base_t = wid * TW

        pltpu.sync_copy(lse, lse_v)

        zf = jnp.zeros((LANES,), jnp.float32)

        def fire(ch, p):
            tb = base_t + ch * K
            b = bufs[p]
            pltpu.async_copy(fidx_in.at[pl.ds(4 * tb, 4 * K)], b[0], sem[p])
            pltpu.async_copy(tidx.at[0, pl.ds(tb, K)], b[2], sem[p])
            pltpu.async_copy(tidx.at[2, pl.ds(tb, K)], b[3], sem[p])
            pltpu.async_copy(tidx.at[3, pl.ds(tb, K)], b[4], sem[p])
            pltpu.async_copy(d1_in.at[pl.ds(tb, K)], b[5], sem[p])
            pltpu.async_copy(d2_in.at[pl.ds(tb, K)], b[6], sem[p])

        def drain_pre(p):
            b = bufs[p]
            pltpu.make_async_copy(
                fidx_in.at[pl.ds(0, 4 * K)], b[0], sem[p]).wait()
            pltpu.make_async_copy(
                tidx.at[0, pl.ds(0, K)], b[2], sem[p]).wait()
            pltpu.make_async_copy(
                tidx.at[2, pl.ds(0, K)], b[3], sem[p]).wait()
            pltpu.make_async_copy(
                tidx.at[3, pl.ds(0, K)], b[4], sem[p]).wait()
            pltpu.make_async_copy(d1_in.at[pl.ds(0, K)], b[5], sem[p]).wait()
            pltpu.make_async_copy(d2_in.at[pl.ds(0, K)], b[6], sem[p]).wait()

        def fire_cval(p):
            b = bufs[p]
            pltpu.async_copy(conf_flat.at[b[0]], b[1], sem[p])

        def drain_cval(p):
            b = bufs[p]
            pltpu.make_async_copy(conf_flat.at[b[0]], b[1], sem[p]).wait()

        def compute(p, acc):
            b = bufs[p]
            cval_v, idxa_v, idxr_v, idxn_v, d1_v, d2_v = b[1:7]

            def gb_fn(g, acc_in):
                gb = g * LANES
                av = idxa_v[pl.ds(gb, LANES)]
                rv = idxr_v[pl.ds(gb, LANES)]
                nv = idxn_v[pl.ds(gb, LANES)]
                la = plsc.load_gather(lse_v, [av])
                lr = plsc.load_gather(lse_v, [rv])
                ln = plsc.load_gather(lse_v, [nv])
                c1 = cval_v[pl.ds(gb, LANES)]
                c2 = cval_v[pl.ds(K + gb, LANES)]
                c3 = cval_v[pl.ds(2 * K + gb, LANES)]
                c4 = cval_v[pl.ds(3 * K + gb, LANES)]
                w_rel = jnp.exp(jnp.exp(c1 - la) + jnp.exp(c2 - lr))
                w_neg = jnp.exp(jnp.exp(c3 - la) + jnp.exp(c4 - ln))
                d1 = d1_v[pl.ds(gb, LANES)]
                d2 = d2_v[pl.ds(gb, LANES)]
                loss = (jnp.maximum(d1 + w_rel * MARGIN1, 0.0)
                        + jnp.maximum(d2 + w_neg * MARGIN2, 0.0))
                return acc_in + loss

            return lax.fori_loop(0, GROUPS, gb_fn, acc)

        fire(0, 0)
        drain_pre(0)
        fire_cval(0)

        def pair_body(gp, acc):
            e = 2 * gp
            o = e + 1
            e2 = jnp.minimum(e + 2, NCHUNK - 2)

            fire(o, 1)
            drain_pre(1)
            fire_cval(1)

            drain_cval(0)
            acc = compute(0, acc)

            fire(e2, 0)
            drain_pre(0)
            fire_cval(0)

            drain_cval(1)
            acc = compute(1, acc)
            return acc

        acc = lax.fori_loop(0, NCHUNK // 2, pair_body, zf)
        drain_cval(0)

        accv[...] = acc
        pltpu.sync_copy(accv, out.at[wid])

    return sc_weight


def kernel(embeddings, confidence, target, triplets):
    B, D = embeddings.shape
    C = confidence.shape[1]
    T = triplets.shape[0]

    trip_t = triplets.T

    d1, d2, fidx = _make_sc_dist(B, D, T, 128)(
        embeddings, trip_t, target)

    lse, conf_cm = _make_lse(B, C, 1024)(confidence.T)
    conf_flat = conf_cm.reshape(-1)

    partials = _make_sc_weight(B, T, 512)(
        trip_t, lse, conf_flat, fidx, d1, d2)
    mean = jnp.sum(partials) / jnp.float32(T)
    return (mean, jnp.asarray(T, dtype=jnp.int32))

# --- scband reference (transcript-rebuilt; emitter-appended) ---
"""Pipeline reference for scband-online-triplet-loss-17609365914538 (READ-ONLY COPY).

The authoritative reference and input builder live on the scoring server;
editing this copy changes nothing except your own understanding.
"""

import jax, jax.numpy as jnp
import numpy as np

MARGIN1 = 0.4
MARGIN2 = 0.4

B = 16384
D = 64
C = 1000
T = 65536


def setup_inputs(seed: int = 0) -> dict:
    key = jax.random.key(seed)
    k1, k2, k3, k4 = jax.random.split(key, 4)
    embeddings = jax.random.normal(k1, (B, D), dtype=jnp.float32)
    confidence = jax.random.normal(k2, (B, C), dtype=jnp.float32)
    target = jax.random.randint(k3, (B,), 0, C, dtype=jnp.int32)
    # triplets stand in for triplet_selector.get_triplets(embeddings, target):
    # columns = (anchor, positive, relation, negative) indices into the batch
    triplets = jax.random.randint(k4, (T, 4), 0, B, dtype=jnp.int32)
    return {
        "embeddings": embeddings,
        "confidence": confidence,
        "target": target,
        "triplets": triplets,
    }


def reference(embeddings, confidence, target, triplets):
    conf = jax.nn.softmax(confidence, axis=1)
    a = triplets[:, 0]
    p = triplets[:, 1]
    r = triplets[:, 2]
    n = triplets[:, 3]
    weight_relation = jnp.exp(conf[a, target[r]]) * jnp.exp(conf[r, target[a]])
    weight_negative = jnp.exp(conf[a, target[n]]) * jnp.exp(conf[n, target[a]])
    ap_distances = jnp.sum((embeddings[a] - embeddings[p]) ** 2, axis=1)
    ar_distances = jnp.sum((embeddings[a] - embeddings[r]) ** 2, axis=1)
    an_distances = jnp.sum((embeddings[a] - embeddings[n]) ** 2, axis=1)
    losses = (
        jax.nn.relu(ap_distances - ar_distances + weight_relation * MARGIN1)
        + jax.nn.relu(ar_distances - an_distances + weight_negative * MARGIN2)
    )
    return (losses.mean(), jnp.asarray(triplets.shape[0], dtype=jnp.int32))

if __name__ == "__main__":
    import jax
    _d = setup_inputs()
    print(jax.jit(kernel)(*tuple(_d.values())))

</pallas_src>

<mosaic_0001>
#map = affine_map<(d0, d1) -> (0, 0)>
#map1 = affine_map<(d0, d1) -> (0)>
module attributes {stable_mosaic.version = 14 : i64} {
  func.func @sc_dist(%arg0: i32, %arg1: i32, %arg2: memref<16384x64xf32, #tpu.memory_space<hbm>>, %arg3: memref<4x65536xi32, #tpu.memory_space<hbm>>, %arg4: memref<16384xi32, #tpu.memory_space<hbm>>, %arg5: memref<65536xf32, #tpu.memory_space<hbm>>, %arg6: memref<65536xf32, #tpu.memory_space<hbm>>, %arg7: memref<262144xi32, #tpu.memory_space<hbm>>, %arg8: memref<16384xi32, #tpu.memory_space<vmem>>, %arg9: memref<128xi32, #tpu.memory_space<vmem>>, %arg10: memref<128xi32, #tpu.memory_space<vmem>>, %arg11: memref<128xi32, #tpu.memory_space<vmem>>, %arg12: memref<128xi32, #tpu.memory_space<vmem>>, %arg13: memref<128x64xf32, #tpu.memory_space<vmem>>, %arg14: memref<128x64xf32, #tpu.memory_space<vmem>>, %arg15: memref<128x64xf32, #tpu.memory_space<vmem>>, %arg16: memref<128x64xf32, #tpu.memory_space<vmem>>, %arg17: memref<512xi32, #tpu.memory_space<vmem>>, %arg18: memref<128xf32, #tpu.memory_space<vmem>>, %arg19: memref<128xf32, #tpu.memory_space<vmem>>, %arg20: memref<128xi32, #tpu.memory_space<vmem>>, %arg21: memref<128xi32, #tpu.memory_space<vmem>>, %arg22: memref<128xi32, #tpu.memory_space<vmem>>, %arg23: memref<128xi32, #tpu.memory_space<vmem>>, %arg24: memref<128x64xf32, #tpu.memory_space<vmem>>, %arg25: memref<128x64xf32, #tpu.memory_space<vmem>>, %arg26: memref<128x64xf32, #tpu.memory_space<vmem>>, %arg27: memref<128x64xf32, #tpu.memory_space<vmem>>, %arg28: memref<512xi32, #tpu.memory_space<vmem>>, %arg29: memref<128xf32, #tpu.memory_space<vmem>>, %arg30: memref<128xf32, #tpu.memory_space<vmem>>, %arg31: memref<!tpu.dma_semaphore, #tpu.memory_space<semaphore_mem>>, %arg32: memref<!tpu.dma_semaphore, #tpu.memory_space<semaphore_mem>>, %arg33: memref<!tpu.dma_semaphore, #tpu.memory_space<semaphore_mem>>, %arg34: memref<!tpu.dma_semaphore, #tpu.memory_space<semaphore_mem>>, %arg35: memref<!tpu.dma_semaphore, #tpu.memory_space<semaphore_mem>>) attributes {dimension_semantics = [#tpu.dimension_semantics<core_parallel>, #tpu.dimension_semantics<subcore_parallel>], iteration_bounds = array<i64: 2, 16>, scalar_prefetch = 0 : i64, scratch_operands = 28 : i64, tpu.core_type = #tpu.core_type<sc_vector_subcore>, window_params = [{transform_indices = #map}, {transform_indices = #map}, {transform_indices = #map1}, {transform_indices = #map1}, {transform_indices = #map1}, {transform_indices = #map1}]} {
    %mul3A = arith.constant 2 : i32
    %mul3A_0 = arith.muli %arg1, %mul3A : i32
    %add3A = arith.addi %mul3A_0, %arg0 : i32
    %mul3A_1 = arith.constant 2048 : i32
    %mul3A_2 = arith.muli %add3A, %mul3A_1 : i32
    "tpu.region"() ({
      %run_scoped3A = tpu.sem_alloc : memref<!tpu.dma_semaphore, #tpu.memory_space<semaphore_mem>>
      tpu.enqueue_dma source(%arg4 : memref<16384xi32, #tpu.memory_space<hbm>>) target(%arg8 : memref<16384xi32, #tpu.memory_space<vmem>>) target_semaphore(%run_scoped3A : memref<!tpu.dma_semaphore, #tpu.memory_space<semaphore_mem>>)
      tpu.wait_dma2 semaphore(%run_scoped3A : memref<!tpu.dma_semaphore, #tpu.memory_space<semaphore_mem>>) src(%arg4 : memref<16384xi32, #tpu.memory_space<hbm>>) dst(%arg8 : memref<16384xi32, #tpu.memory_space<vmem>>)
      tpu.yield
    }) : () -> ()
    %broadcast_in_dim3A = arith.constant 0.000000e+00 : f32
    %broadcast_in_dim3A_3 = vector.broadcast %broadcast_in_dim3A : f32 to vector<16xf32>
    %iota3A = tpu.iota {dimensions = array<i32: 0>} : vector<16xi32>
    %add3A_4 = arith.constant 0 : i32
    %add3A_5 = arith.addi %mul3A_2, %add3A_4 : i32
    %dma_start3A = arith.constant 0 : i32
    %dma_start3A_6 = tpu.memref_slice %arg3[%dma_start3A, %add3A_5] : memref<4x65536xi32, #tpu.memory_space<hbm>> -> memref<1x128xi32, #tpu.memory_space<hbm>>
    %dma_start3A_7 = tpu.memref_squeeze %dma_start3A_6 : memref<1x128xi32, #tpu.memory_space<hbm>> -> memref<128xi32, #tpu.memory_space<hbm>>
    %dma_start3A_8 = tpu.memref_slice %arg3[%dma_start3A, %add3A_5] : memref<4x65536xi32, #tpu.memory_space<hbm>> -> memref<1x128xi32, #tpu.memory_space<hbm>>
    %dma_start3A_9 = tpu.memref_squeeze %dma_start3A_8 : memref<1x128xi32, #tpu.memory_space<hbm>> -> memref<128xi32, #tpu.memory_space<hbm>>
    tpu.enqueue_dma source(%dma_start3A_9 : memref<128xi32, #tpu.memory_space<hbm>>) target(%arg9 : memref<128xi32, #tpu.memory_space<vmem>>) target_semaphore(%arg31 : memref<!tpu.dma_semaphore, #tpu.memory_space<semaphore_mem>>)
    %dma_start3A_10 = arith.constant 1 : i32
    %dma_start3A_11 = tpu.memref_slice %arg3[%dma_start3A_10, %add3A_5] : memref<4x65536xi32, #tpu.memory_space<hbm>> -> memref<1x128xi32, #tpu.memory_space<hbm>>
    %dma_start3A_12 = tpu.memref_squeeze %dma_start3A_11 : memref<1x128xi32, #tpu.memory_space<hbm>> -> memref<128xi32, #tpu.memory_space<hbm>>
    %dma_start3A_13 = tpu.memref_slice %arg3[%dma_start3A_10, %add3A_5] : memref<4x65536xi32, #tpu.memory_space<hbm>> -> memref<1x128xi32, #tpu.memory_space<hbm>>
    %dma_start3A_14 = tpu.memref_squeeze %dma_start3A_13 : memref<1x128xi32, #tpu.memory_space<hbm>> -> memref<128xi32, #tpu.memory_space<hbm>>
    tpu.enqueue_dma source(%dma_start3A_14 : memref<128xi32, #tpu.memory_space<hbm>>) target(%arg10 : memref<128xi32, #tpu.memory_space<vmem>>) target_semaphore(%arg31 : memref<!tpu.dma_semaphore, #tpu.memory_space<semaphore_mem>>)
    %dma_start3A_15 = arith.constant 2 : i32
    %dma_start3A_16 = tpu.memref_slice %arg3[%dma_start3A_15, %add3A_5] : memref<4x65536xi32, #tpu.memory_space<hbm>> -> memref<1x128xi32, #tpu.memory_space<hbm>>
    %dma_start3A_17 = tpu.memref_squeeze %dma_start3A_16 : memref<1x128xi32, #tpu.memory_space<hbm>> -> memref<128xi32, #tpu.memory_space<hbm>>
    %dma_start3A_18 = tpu.memref_slice %arg3[%dma_start3A_15, %add3A_5] : memref<4x65536xi32, #tpu.memory_space<hbm>> -> memref<1x128xi32, #tpu.memory_space<hbm>>
    %dma_start3A_19 = tpu.memref_squeeze %dma_start3A_18 : memref<1x128xi32, #tpu.memory_space<hbm>> -> memref<128xi32, #tpu.memory_space<hbm>>
    tpu.enqueue_dma source(%dma_start3A_19 : memref<128xi32, #tpu.memory_space<hbm>>) target(%arg11 : memref<128xi32, #tpu.memory_space<vmem>>) target_semaphore(%arg31 : memref<!tpu.dma_semaphore, #tpu.memory_space<semaphore_mem>>)
    %dma_start3A_20 = arith.constant 3 : i32
    %dma_start3A_21 = tpu.memref_slice %arg3[%dma_start3A_20, %add3A_5] : memref<4x65536xi32, #tpu.memory_space<hbm>> -> memref<1x128xi32, #tpu.memory_space<hbm>>
    %dma_start3A_22 = tpu.memref_squeeze %dma_start3A_21 : memref<1x128xi32, #tpu.memory_space<hbm>> -> memref<128xi32, #tpu.memory_space<hbm>>
    %dma_start3A_23 = tpu.memref_slice %arg3[%dma_start3A_20, %add3A_5] : memref<4x65536xi32, #tpu.memory_space<hbm>> -> memref<1x128xi32, #tpu.memory_space<hbm>>
    %dma_start3A_24 = tpu.memref_squeeze %dma_start3A_23 : memref<1x128xi32, #tpu.memory_space<hbm>> -> memref<128xi32, #tpu.memory_space<hbm>>
    tpu.enqueue_dma source(%dma_start3A_24 : memref<128xi32, #tpu.memory_space<hbm>>) target(%arg12 : memref<128xi32, #tpu.memory_space<vmem>>) target_semaphore(%arg31 : memref<!tpu.dma_semaphore, #tpu.memory_space<semaphore_mem>>)
    %dma_wait3A = arith.constant 0 : i32
    %dma_wait3A_25 = arith.constant 0 : i32
    %dma_wait3A_26 = tpu.memref_slice %arg3[%dma_wait3A, %dma_wait3A_25] : memref<4x65536xi32, #tpu.memory_space<hbm>> -> memref<1x128xi32, #tpu.memory_space<hbm>>
    %dma_wait3A_27 = tpu.memref_squeeze %dma_wait3A_26 : memref<1x128xi32, #tpu.memory_space<hbm>> -> memref<128xi32, #tpu.memory_space<hbm>>
    %dma_wait3A_28 = arith.constant 0 : i32
    %dma_wait3A_29 = tpu.memref_slice %arg3[%dma_wait3A, %dma_wait3A_28] : memref<4x65536xi32, #tpu.memory_space<hbm>> -> memref<1x128xi32, #tpu.memory_space<hbm>>
    %dma_wait3A_30 = tpu.memref_squeeze %dma_wait3A_29 : memref<1x128xi32, #tpu.memory_space<hbm>> -> memref<128xi32, #tpu.memory_space<hbm>>
    tpu.wait_dma2 semaphore(%arg31 : memref<!tpu.dma_semaphore, #tpu.memory_space<semaphore_mem>>) src(%dma_wait3A_30 : memref<128xi32, #tpu.memory_space<hbm>>) dst(%arg9 : memref<128xi32, #tpu.memory_space<vmem>>)
    %dma_wait3A_31 = arith.constant 1 : i32
    %dma_wait3A_32 = arith.constant 0 : i32
    %dma_wait3A_33 = tpu.memref_slice %arg3[%dma_wait3A_31, %dma_wait3A_32] : memref<4x65536xi32, #tpu.memory_space<hbm>> -> memref<1x128xi32, #tpu.memory_space<hbm>>
    %dma_wait3A_34 = tpu.memref_squeeze %dma_wait3A_33 : memref<1x128xi32, #tpu.memory_space<hbm>> -> memref<128xi32, #tpu.memory_space<hbm>>
    %dma_wait3A_35 = arith.constant 0 : i32
    %dma_wait3A_36 = tpu.memref_slice %arg3[%dma_wait3A_31, %dma_wait3A_35] : memref<4x65536xi32, #tpu.memory_space<hbm>> -> memref<1x128xi32, #tpu.memory_space<hbm>>
    %dma_wait3A_37 = tpu.memref_squeeze %dma_wait3A_36 : memref<1x128xi32, #tpu.memory_space<hbm>> -> memref<128xi32, #tpu.memory_space<hbm>>
    tpu.wait_dma2 semaphore(%arg31 : memref<!tpu.dma_semaphore, #tpu.memory_space<semaphore_mem>>) src(%dma_wait3A_37 : memref<128xi32, #tpu.memory_space<hbm>>) dst(%arg10 : memref<128xi32, #tpu.memory_space<vmem>>)
    %dma_wait3A_38 = arith.constant 2 : i32
    %dma_wait3A_39 = arith.constant 0 : i32
    %dma_wait3A_40 = tpu.memref_slice %arg3[%dma_wait3A_38, %dma_wait3A_39] : memref<4x65536xi32, #tpu.memory_space<hbm>> -> memref<1x128xi32, #tpu.memory_space<hbm>>
    %dma_wait3A_41 = tpu.memref_squeeze %dma_wait3A_40 : memref<1x128xi32, #tpu.memory_space<hbm>> -> memref<128xi32, #tpu.memory_space<hbm>>
    %dma_wait3A_42 = arith.constant 0 : i32
    %dma_wait3A_43 = tpu.memref_slice %arg3[%dma_wait3A_38, %dma_wait3A_42] : memref<4x65536xi32, #tpu.memory_space<hbm>> -> memref<1x128xi32, #tpu.memory_space<hbm>>
    %dma_wait3A_44 = tpu.memref_squeeze %dma_wait3A_43 : memref<1x128xi32, #tpu.memory_space<hbm>> -> memref<128xi32, #tpu.memory_space<hbm>>
    tpu.wait_dma2 semaphore(%arg31 : memref<!tpu.dma_semaphore, #tpu.memory_space<semaphore_mem>>) src(%dma_wait3A_44 : memref<128xi32, #tpu.memory_space<hbm>>) dst(%arg11 : memref<128xi32, #tpu.memory_space<vmem>>)
    %dma_wait3A_45 = arith.constant 3 : i32
    %dma_wait3A_46 = arith.constant 0 : i32
    %dma_wait3A_47 = tpu.memref_slice %arg3[%dma_wait3A_45, %dma_wait3A_46] : memref<4x65536xi32, #tpu.memory_space<hbm>> -> memref<1x128xi32, #tpu.memory_space<hbm>>
    %dma_wait3A_48 = tpu.memref_squeeze %dma_wait3A_47 : memref<1x128xi32, #tpu.memory_space<hbm>> -> memref<128xi32, #tpu.memory_space<hbm>>
    %dma_wait3A_49 = arith.constant 0 : i32
    %dma_wait3A_50 = tpu.memref_slice %arg3[%dma_wait3A_45, %dma_wait3A_49] : memref<4x65536xi32, #tpu.memory_space<hbm>> -> memref<1x128xi32, #tpu.memory_space<hbm>>
    %dma_wait3A_51 = tpu.memref_squeeze %dma_wait3A_50 : memref<1x128xi32, #tpu.memory_space<hbm>> -> memref<128xi32, #tpu.memory_space<hbm>>
    tpu.wait_dma2 semaphore(%arg31 : memref<!tpu.dma_semaphore, #tpu.memory_space<semaphore_mem>>) src(%dma_wait3A_51 : memref<128xi32, #tpu.memory_space<hbm>>) dst(%arg12 : memref<128xi32, #tpu.memory_space<vmem>>)
    %scan3A = arith.constant 0 : i32
    %scan3A_52 = arith.constant 0 : i32
    %scan3A_53 = arith.constant 8 : i32
    %scan3A_54 = arith.addi %scan3A_52, %scan3A_53 : i32
    %scan3A_55 = arith.constant 1 : i32
    scf.for %scan3A_306 = %scan3A_52 to %scan3A_54 step %scan3A_55  : i32 {
      %mul3A_307 = arith.constant 16 : i32
      %mul3A_308 = arith.muli %scan3A_306, %mul3A_307 : i32
      %get3A = arith.index_cast %mul3A_308 : i32 to index
      %get3A_309 = tpu.vector_load %arg9[%get3A] {strides = array<i32>} : memref<128xi32, #tpu.memory_space<vmem>>, vector<16xi32>,
      %get3A_310 = arith.index_cast %mul3A_308 : i32 to index
      %get3A_311 = tpu.vector_load %arg11[%get3A_310] {strides = array<i32>} : memref<128xi32, #tpu.memory_space<vmem>>, vector<16xi32>,
      %get3A_312 = arith.index_cast %mul3A_308 : i32 to index
      %get3A_313 = tpu.vector_load %arg12[%get3A_312] {strides = array<i32>} : memref<128xi32, #tpu.memory_space<vmem>>, vector<16xi32>,
      %gather3A = tpu.vector_load_idx %arg8[%get3A_309] : memref<16384xi32, #tpu.memory_space<vmem>>[vector<16xi32>], vector<16xi32>,
      %gather3A_314 = tpu.vector_load_idx %arg8[%get3A_311] : memref<16384xi32, #tpu.memory_space<vmem>>[vector<16xi32>], vector<16xi32>,
      %gather3A_315 = tpu.vector_load_idx %arg8[%get3A_313] : memref<16384xi32, #tpu.memory_space<vmem>>[vector<16xi32>], vector<16xi32>,
      %mul3A_316 = arith.constant 16384 : i32
      %mul3A_317 = vector.broadcast %mul3A_316 : i32 to vector<16xi32>
      %mul3A_318 = arith.muli %gather3A_314, %mul3A_317 : vector<16xi32>
      %add3A_319 = arith.addi %mul3A_318, %get3A_309 : vector<16xi32>
      %swap3A = arith.index_cast %mul3A_308 : i32 to index
      %swap3A_320 = tpu.vector_load %arg17[%swap3A] {strides = array<i32>} : memref<512xi32, #tpu.memory_space<vmem>>, vector<16xi32>,
      tpu.vector_store %arg17[%swap3A], %add3A_319 {strides = array<i32>} : memref<512xi32, #tpu.memory_space<vmem>>, vector<16xi32>,
      %mul3A_321 = arith.constant 16384 : i32
      %mul3A_322 = vector.broadcast %mul3A_321 : i32 to vector<16xi32>
      %mul3A_323 = arith.muli %gather3A, %mul3A_322 : vector<16xi32>
      %add3A_324 = arith.addi %mul3A_323, %get3A_311 : vector<16xi32>
      %add3A_325 = arith.constant 128 : i32
      %add3A_326 = arith.addi %add3A_325, %mul3A_308 : i32
      %swap3A_327 = arith.index_cast %add3A_326 : i32 to index
      %swap3A_328 = tpu.vector_load %arg17[%swap3A_327] {strides = array<i32>} : memref<512xi32, #tpu.memory_space<vmem>>, vector<16xi32>,
      tpu.vector_store %arg17[%swap3A_327], %add3A_324 {strides = array<i32>} : memref<512xi32, #tpu.memory_space<vmem>>, vector<16xi32>,
      %mul3A_329 = arith.constant 16384 : i32
      %mul3A_330 = vector.broadcast %mul3A_329 : i32 to vector<16xi32>
      %mul3A_331 = arith.muli %gather3A_315, %mul3A_330 : vector<16xi32>
      %add3A_332 = arith.addi %mul3A_331, %get3A_309 : vector<16xi32>
      %add3A_333 = arith.constant 256 : i32
      %add3A_334 = arith.addi %add3A_333, %mul3A_308 : i32
      %swap3A_335 = arith.index_cast %add3A_334 : i32 to index
      %swap3A_336 = tpu.vector_load %arg17[%swap3A_335] {strides = array<i32>} : memref<512xi32, #tpu.memory_space<vmem>>, vector<16xi32>,
      tpu.vector_store %arg17[%swap3A_335], %add3A_332 {strides = array<i32>} : memref<512xi32, #tpu.memory_space<vmem>>, vector<16xi32>,
      %mul3A_337 = arith.constant 16384 : i32
      %mul3A_338 = vector.broadcast %mul3A_337 : i32 to vector<16xi32>
      %mul3A_339 = arith.muli %gather3A, %mul3A_338 : vector<16xi32>
      %add3A_340 = arith.addi %mul3A_339, %get3A_313 : vector<16xi32>
      %add3A_341 = arith.constant 384 : i32
      %add3A_342 = arith.addi %add3A_341, %mul3A_308 : i32
      %swap3A_343 = arith.index_cast %add3A_342 : i32 to index
      %swap3A_344 = tpu.vector_load %arg17[%swap3A_343] {strides = array<i32>} : memref<512xi32, #tpu.memory_space<vmem>>, vector<16xi32>,
      tpu.vector_store %arg17[%swap3A_343], %add3A_340 {strides = array<i32>} : memref<512xi32, #tpu.memory_space<vmem>>, vector<16xi32>,
    }
    %scan3A_56 = arith.constant 8 : i32
    %dma_start3A_57 = arith.constant 0 : i32
    %dma_start3A_58 = arith.constant 0 : i32
    %dma_start3A_59 = tpu.memref_slice %arg2[%dma_start3A_57, %dma_start3A_58] : memref<16384x64xf32, #tpu.memory_space<hbm>> -> memref<16384x64xf32, #tpu.memory_space<hbm>>
    tpu.enqueue_indirect_dma source(%dma_start3A_59 : memref<16384x64xf32, #tpu.memory_space<hbm>>) target(%arg13 : memref<128x64xf32, #tpu.memory_space<vmem>>) offsets(%arg9 : memref<128xi32, #tpu.memory_space<vmem>>) semaphore(%arg32 : memref<!tpu.dma_semaphore, #tpu.memory_space<semaphore_mem>>)
    %dma_start3A_60 = arith.constant 0 : i32
    %dma_start3A_61 = arith.constant 0 : i32
    %dma_start3A_62 = tpu.memref_slice %arg2[%dma_start3A_60, %dma_start3A_61] : memref<16384x64xf32, #tpu.memory_space<hbm>> -> memref<16384x64xf32, #tpu.memory_space<hbm>>
    tpu.enqueue_indirect_dma source(%dma_start3A_62 : memref<16384x64xf32, #tpu.memory_space<hbm>>) target(%arg14 : memref<128x64xf32, #tpu.memory_space<vmem>>) offsets(%arg10 : memref<128xi32, #tpu.memory_space<vmem>>) semaphore(%arg32 : memref<!tpu.dma_semaphore, #tpu.memory_space<semaphore_mem>>)
    %dma_start3A_63 = arith.constant 0 : i32
    %dma_start3A_64 = arith.constant 0 : i32
    %dma_start3A_65 = tpu.memref_slice %arg2[%dma_start3A_63, %dma_start3A_64] : memref<16384x64xf32, #tpu.memory_space<hbm>> -> memref<16384x64xf32, #tpu.memory_space<hbm>>
    tpu.enqueue_indirect_dma source(%dma_start3A_65 : memref<16384x64xf32, #tpu.memory_space<hbm>>) target(%arg15 : memref<128x64xf32, #tpu.memory_space<vmem>>) offsets(%arg11 : memref<128xi32, #tpu.memory_space<vmem>>) semaphore(%arg32 : memref<!tpu.dma_semaphore, #tpu.memory_space<semaphore_mem>>)
    %dma_start3A_66 = arith.constant 0 : i32
    %dma_start3A_67 = arith.constant 0 : i32
    %dma_start3A_68 = tpu.memref_slice %arg2[%dma_start3A_66, %dma_start3A_67] : memref<16384x64xf32, #tpu.memory_space<hbm>> -> memref<16384x64xf32, #tpu.memory_space<hbm>>
    tpu.enqueue_indirect_dma source(%dma_start3A_68 : memref<16384x64xf32, #tpu.memory_space<hbm>>) target(%arg16 : memref<128x64xf32, #tpu.memory_space<vmem>>) offsets(%arg12 : memref<128xi32, #tpu.memory_space<vmem>>) semaphore(%arg32 : memref<!tpu.dma_semaphore, #tpu.memory_space<semaphore_mem>>)
    %min3A = arith.constant 2 : i32
    %min3A_69 = arith.constant 14 : i32
    %min3A_70 = arith.minsi %min3A, %min3A_69 : i32
    %add3A_71 = arith.constant 128 : i32
    %add3A_72 = arith.addi %mul3A_2, %add3A_71 : i32
    %dma_start3A_73 = arith.constant 0 : i32
    %dma_start3A_74 = tpu.memref_slice %arg3[%dma_start3A_73, %add3A_72] : memref<4x65536xi32, #tpu.memory_space<hbm>> -> memref<1x128xi32, #tpu.memory_space<hbm>>
    %dma_start3A_75 = tpu.memref_squeeze %dma_start3A_74 : memref<1x128xi32, #tpu.memory_space<hbm>> -> memref<128xi32, #tpu.memory_space<hbm>>
    %dma_start3A_76 = tpu.memref_slice %arg3[%dma_start3A_73, %add3A_72] : memref<4x65536xi32, #tpu.memory_space<hbm>> -> memref<1x128xi32, #tpu.memory_space<hbm>>
    %dma_start3A_77 = tpu.memref_squeeze %dma_start3A_76 : memref<1x128xi32, #tpu.memory_space<hbm>> -> memref<128xi32, #tpu.memory_space<hbm>>
    tpu.enqueue_dma source(%dma_start3A_77 : memref<128xi32, #tpu.memory_space<hbm>>) target(%arg20 : memref<128xi32, #tpu.memory_space<vmem>>) target_semaphore(%arg31 : memref<!tpu.dma_semaphore, #tpu.memory_space<semaphore_mem>>)
    %dma_start3A_78 = arith.constant 1 : i32
    %dma_start3A_79 = tpu.memref_slice %arg3[%dma_start3A_78, %add3A_72] : memref<4x65536xi32, #tpu.memory_space<hbm>> -> memref<1x128xi32, #tpu.memory_space<hbm>>
    %dma_start3A_80 = tpu.memref_squeeze %dma_start3A_79 : memref<1x128xi32, #tpu.memory_space<hbm>> -> memref<128xi32, #tpu.memory_space<hbm>>
    %dma_start3A_81 = tpu.memref_slice %arg3[%dma_start3A_78, %add3A_72] : memref<4x65536xi32, #tpu.memory_space<hbm>> -> memref<1x128xi32, #tpu.memory_space<hbm>>
    %dma_start3A_82 = tpu.memref_squeeze %dma_start3A_81 : memref<1x128xi32, #tpu.memory_space<hbm>> -> memref<128xi32, #tpu.memory_space<hbm>>
    tpu.enqueue_dma source(%dma_start3A_82 : memref<128xi32, #tpu.memory_space<hbm>>) target(%arg21 : memref<128xi32, #tpu.memory_space<vmem>>) target_semaphore(%arg31 : memref<!tpu.dma_semaphore, #tpu.memory_space<semaphore_mem>>)
    %dma_start3A_83 = arith.constant 2 : i32
    %dma_start3A_84 = tpu.memref_slice %arg3[%dma_start3A_83, %add3A_72] : memref<4x65536xi32, #tpu.memory_space<hbm>> -> memref<1x128xi32, #tpu.memory_space<hbm>>
    %dma_start3A_85 = tpu.memref_squeeze %dma_start3A_84 : memref<1x128xi32, #tpu.memory_space<hbm>> -> memref<128xi32, #tpu.memory_space<hbm>>
    %dma_start3A_86 = tpu.memref_slice %arg3[%dma_start3A_83, %add3A_72] : memref<4x65536xi32, #tpu.memory_space<hbm>> -> memref<1x128xi32, #tpu.memory_space<hbm>>
    %dma_start3A_87 = tpu.memref_squeeze %dma_start3A_86 : memref<1x128xi32, #tpu.memory_space<hbm>> -> memref<128xi32, #tpu.memory_space<hbm>>
    tpu.enqueue_dma source(%dma_start3A_87 : memref<128xi32, #tpu.memory_space<hbm>>) target(%arg22 : memref<128xi32, #tpu.memory_space<vmem>>) target_semaphore(%arg31 : memref<!tpu.dma_semaphore, #tpu.memory_space<semaphore_mem>>)
    %dma_start3A_88 = arith.constant 3 : i32
    %dma_start3A_89 = tpu.memref_slice %arg3[%dma_start3A_88, %add3A_72] : memref<4x65536xi32, #tpu.memory_space<hbm>> -> memref<1x128xi32, #tpu.memory_space<hbm>>
    %dma_start3A_90 = tpu.memref_squeeze %dma_start3A_89 : memref<1x128xi32, #tpu.memory_space<hbm>> -> memref<128xi32, #tpu.memory_space<hbm>>
    %dma_start3A_91 = tpu.memref_slice %arg3[%dma_start3A_88, %add3A_72] : memref<4x65536xi32, #tpu.memory_space<hbm>> -> memref<1x128xi32, #tpu.memory_space<hbm>>
    %dma_start3A_92 = tpu.memref_squeeze %dma_start3A_91 : memref<1x128xi32, #tpu.memory_space<hbm>> -> memref<128xi32, #tpu.memory_space<hbm>>
    tpu.enqueue_dma source(%dma_start3A_92 : memref<128xi32, #tpu.memory_space<hbm>>) target(%arg23 : memref<128xi32, #tpu.memory_space<vmem>>) target_semaphore(%arg31 : memref<!tpu.dma_semaphore, #tpu.memory_space<semaphore_mem>>)
    %dma_wait3A_93 = arith.constant 0 : i32
    %dma_wait3A_94 = arith.constant 0 : i32
    %dma_wait3A_95 = tpu.memref_slice %arg3[%dma_wait3A_93, %dma_wait3A_94] : memref<4x65536xi32, #tpu.memory_space<hbm>> -> memref<1x128xi32, #tpu.memory_space<hbm>>
    %dma_wait3A_96 = tpu.memref_squeeze %dma_wait3A_95 : memref<1x128xi32, #tpu.memory_space<hbm>> -> memref<128xi32, #tpu.memory_space<hbm>>
    %dma_wait3A_97 = arith.constant 0 : i32
    %dma_wait3A_98 = tpu.memref_slice %arg3[%dma_wait3A_93, %dma_wait3A_97] : memref<4x65536xi32, #tpu.memory_space<hbm>> -> memref<1x128xi32, #tpu.memory_space<hbm>>
    %dma_wait3A_99 = tpu.memref_squeeze %dma_wait3A_98 : memref<1x128xi32, #tpu.memory_space<hbm>> -> memref<128xi32, #tpu.memory_space<hbm>>
    tpu.wait_dma2 semaphore(%arg31 : memref<!tpu.dma_semaphore, #tpu.memory_space<semaphore_mem>>) src(%dma_wait3A_99 : memref<128xi32, #tpu.memory_space<hbm>>) dst(%arg20 : memref<128xi32, #tpu.memory_space<vmem>>)
    %dma_wait3A_100 = arith.constant 1 : i32
    %dma_wait3A_101 = arith.constant 0 : i32
    %dma_wait3A_102 = tpu.memref_slice %arg3[%dma_wait3A_100, %dma_wait3A_101] : memref<4x65536xi32, #tpu.memory_space<hbm>> -> memref<1x128xi32, #tpu.memory_space<hbm>>
    %dma_wait3A_103 = tpu.memref_squeeze %dma_wait3A_102 : memref<1x128xi32, #tpu.memory_space<hbm>> -> memref<128xi32, #tpu.memory_space<hbm>>
    %dma_wait3A_104 = arith.constant 0 : i32
    %dma_wait3A_105 = tpu.memref_slice %arg3[%dma_wait3A_100, %dma_wait3A_104] : memref<4x65536xi32, #tpu.memory_space<hbm>> -> memref<1x128xi32, #tpu.memory_space<hbm>>
    %dma_wait3A_106 = tpu.memref_squeeze %dma_wait3A_105 : memref<1x128xi32, #tpu.memory_space<hbm>> -> memref<128xi32, #tpu.memory_space<hbm>>
    tpu.wait_dma2 semaphore(%arg31 : memref<!tpu.dma_semaphore, #tpu.memory_space<semaphore_mem>>) src(%dma_wait3A_106 : memref<128xi32, #tpu.memory_space<hbm>>) dst(%arg21 : memref<128xi32, #tpu.memory_space<vmem>>)
    %dma_wait3A_107 = arith.constant 2 : i32
    %dma_wait3A_108 = arith.constant 0 : i32
    %dma_wait3A_109 = tpu.memref_slice %arg3[%dma_wait3A_107, %dma_wait3A_108] : memref<4x65536xi32, #tpu.memory_space<hbm>> -> memref<1x128xi32, #tpu.memory_space<hbm>>
    %dma_wait3A_110 = tpu.memref_squeeze %dma_wait3A_109 : memref<1x128xi32, #tpu.memory_space<hbm>> -> memref<128xi32, #tpu.memory_space<hbm>>
    %dma_wait3A_111 = arith.constant 0 : i32
    %dma_wait3A_112 = tpu.memref_slice %arg3[%dma_wait3A_107, %dma_wait3A_111] : memref<4x65536xi32, #tpu.memory_space<hbm>> -> memref<1x128xi32, #tpu.memory_space<hbm>>
    %dma_wait3A_113 = tpu.memref_squeeze %dma_wait3A_112 : memref<1x128xi32, #tpu.memory_space<hbm>> -> memref<128xi32, #tpu.memory_space<hbm>>
    tpu.wait_dma2 semaphore(%arg31 : memref<!tpu.dma_semaphore, #tpu.memory_space<semaphore_mem>>) src(%dma_wait3A_113 : memref<128xi32, #tpu.memory_space<hbm>>) dst(%arg22 : memref<128xi32, #tpu.memory_space<vmem>>)
    %dma_wait3A_114 = arith.constant 3 : i32
    %dma_wait3A_115 = arith.constant 0 : i32
    %dma_wait3A_116 = tpu.memref_slice %arg3[%dma_wait3A_114, %dma_wait3A_115] : memref<4x65536xi32, #tpu.memory_space<hbm>> -> memref<1x128xi32, #tpu.memory_space<hbm>>
    %dma_wait3A_117 = tpu.memref_squeeze %dma_wait3A_116 : memref<1x128xi32, #tpu.memory_space<hbm>> -> memref<128xi32, #tpu.memory_space<hbm>>
    %dma_wait3A_118 = arith.constant 0 : i32
    %dma_wait3A_119 = tpu.memref_slice %arg3[%dma_wait3A_114, %dma_wait3A_118] : memref<4x65536xi32, #tpu.memory_space<hbm>> -> memref<1x128xi32, #tpu.memory_space<hbm>>
    %dma_wait3A_120 = tpu.memref_squeeze %dma_wait3A_119 : memref<1x128xi32, #tpu.memory_space<hbm>> -> memref<128xi32, #tpu.memory_space<hbm>>
    tpu.wait_dma2 semaphore(%arg31 : memref<!tpu.dma_semaphore, #tpu.memory_space<semaphore_mem>>) src(%dma_wait3A_120 : memref<128xi32, #tpu.memory_space<hbm>>) dst(%arg23 : memref<128xi32, #tpu.memory_space<vmem>>)
    %scan3A_121 = arith.constant 0 : i32
    %scan3A_122 = arith.constant 0 : i32
    %scan3A_123 = arith.constant 8 : i32
    %scan3A_124 = arith.addi %scan3A_122, %scan3A_123 : i32
    %scan3A_125 = arith.constant 1 : i32
    scf.for %scan3A_306 = %scan3A_122 to %scan3A_124 step %scan3A_125  : i32 {
      %mul3A_307 = arith.constant 16 : i32
      %mul3A_308 = arith.muli %scan3A_306, %mul3A_307 : i32
      %get3A = arith.index_cast %mul3A_308 : i32 to index
      %get3A_309 = tpu.vector_load %arg20[%get3A] {strides = array<i32>} : memref<128xi32, #tpu.memory_space<vmem>>, vector<16xi32>,
      %get3A_310 = arith.index_cast %mul3A_308 : i32 to index
      %get3A_311 = tpu.vector_load %arg22[%get3A_310] {strides = array<i32>} : memref<128xi32, #tpu.memory_space<vmem>>, vector<16xi32>,
      %get3A_312 = arith.index_cast %mul3A_308 : i32 to index
      %get3A_313 = tpu.vector_load %arg23[%get3A_312] {strides = array<i32>} : memref<128xi32, #tpu.memory_space<vmem>>, vector<16xi32>,
      %gather3A = tpu.vector_load_idx %arg8[%get3A_309] : memref<16384xi32, #tpu.memory_space<vmem>>[vector<16xi32>], vector<16xi32>,
      %gather3A_314 = tpu.vector_load_idx %arg8[%get3A_311] : memref<16384xi32, #tpu.memory_space<vmem>>[vector<16xi32>], vector<16xi32>,
      %gather3A_315 = tpu.vector_load_idx %arg8[%get3A_313] : memref<16384xi32, #tpu.memory_space<vmem>>[vector<16xi32>], vector<16xi32>,
      %mul3A_316 = arith.constant 16384 : i32
      %mul3A_317 = vector.broadcast %mul3A_316 : i32 to vector<16xi32>
      %mul3A_318 = arith.muli %gather3A_314, %mul3A_317 : vector<16xi32>
      %add3A_319 = arith.addi %mul3A_318, %get3A_309 : vector<16xi32>
      %swap3A = arith.index_cast %mul3A_308 : i32 to index
      %swap3A_320 = tpu.vector_load %arg28[%swap3A] {strides = array<i32>} : memref<512xi32, #tpu.memory_space<vmem>>, vector<16xi32>,
      tpu.vector_store %arg28[%swap3A], %add3A_319 {strides = array<i32>} : memref<512xi32, #tpu.memory_space<vmem>>, vector<16xi32>,
      %mul3A_321 = arith.constant 16384 : i32
      %mul3A_322 = vector.broadcast %mul3A_321 : i32 to vector<16xi32>
      %mul3A_323 = arith.muli %gather3A, %mul3A_322 : vector<16xi32>
      %add3A_324 = arith.addi %mul3A_323, %get3A_311 : vector<16xi32>
      %add3A_325 = arith.constant 128 : i32
      %add3A_326 = arith.addi %add3A_325, %mul3A_308 : i32
      %swap3A_327 = arith.index_cast %add3A_326 : i32 to index
      %swap3A_328 = tpu.vector_load %arg28[%swap3A_327] {strides = array<i32>} : memref<512xi32, #tpu.memory_space<vmem>>, vector<16xi32>,
      tpu.vector_store %arg28[%swap3A_327], %add3A_324 {strides = array<i32>} : memref<512xi32, #tpu.memory_space<vmem>>, vector<16xi32>,
      %mul3A_329 = arith.constant 16384 : i32
      %mul3A_330 = vector.broadcast %mul3A_329 : i32 to vector<16xi32>
      %mul3A_331 = arith.muli %gather3A_315, %mul3A_330 : vector<16xi32>
      %add3A_332 = arith.addi %mul3A_331, %get3A_309 : vector<16xi32>
      %add3A_333 = arith.constant 256 : i32
      %add3A_334 = arith.addi %add3A_333, %mul3A_308 : i32
      %swap3A_335 = arith.index_cast %add3A_334 : i32 to index
      %swap3A_336 = tpu.vector_load %arg28[%swap3A_335] {strides = array<i32>} : memref<512xi32, #tpu.memory_space<vmem>>, vector<16xi32>,
      tpu.vector_store %arg28[%swap3A_335], %add3A_332 {strides = array<i32>} : memref<512xi32, #tpu.memory_space<vmem>>, vector<16xi32>,
      %mul3A_337 = arith.constant 16384 : i32
      %mul3A_338 = vector.broadcast %mul3A_337 : i32 to vector<16xi32>
      %mul3A_339 = arith.muli %gather3A, %mul3A_338 : vector<16xi32>
      %add3A_340 = arith.addi %mul3A_339, %get3A_313 : vector<16xi32>
      %add3A_341 = arith.constant 384 : i32
      %add3A_342 = arith.addi %add3A_341, %mul3A_308 : i32
      %swap3A_343 = arith.index_cast %add3A_342 : i32 to index
      %swap3A_344 = tpu.vector_load %arg28[%swap3A_343] {strides = array<i32>} : memref<512xi32, #tpu.memory_space<vmem>>, vector<16xi32>,
      tpu.vector_store %arg28[%swap3A_343], %add3A_340 {strides = array<i32>} : memref<512xi32, #tpu.memory_space<vmem>>, vector<16xi32>,
    }
    %scan3A_126 = arith.constant 8 : i32
    %dma_start3A_127 = arith.constant 0 : i32
    %dma_start3A_128 = arith.constant 0 : i32
    %dma_start3A_129 = tpu.memref_slice %arg2[%dma_start3A_127, %dma_start3A_128] : memref<16384x64xf32, #tpu.memory_space<hbm>> -> memref<16384x64xf32, #tpu.memory_space<hbm>>
    tpu.enqueue_indirect_dma source(%dma_start3A_129 : memref<16384x64xf32, #tpu.memory_space<hbm>>) target(%arg24 : memref<128x64xf32, #tpu.memory_space<vmem>>) offsets(%arg20 : memref<128xi32, #tpu.memory_space<vmem>>) semaphore(%arg33 : memref<!tpu.dma_semaphore, #tpu.memory_space<semaphore_mem>>)
    %dma_start3A_130 = arith.constant 0 : i32
    %dma_start3A_131 = arith.constant 0 : i32
    %dma_start3A_132 = tpu.memref_slice %arg2[%dma_start3A_130, %dma_start3A_131] : memref<16384x64xf32, #tpu.memory_space<hbm>> -> memref<16384x64xf32, #tpu.memory_space<hbm>>
    tpu.enqueue_indirect_dma source(%dma_start3A_132 : memref<16384x64xf32, #tpu.memory_space<hbm>>) target(%arg25 : memref<128x64xf32, #tpu.memory_space<vmem>>) offsets(%arg21 : memref<128xi32, #tpu.memory_space<vmem>>) semaphore(%arg33 : memref<!tpu.dma_semaphore, #tpu.memory_space<semaphore_mem>>)
    %dma_start3A_133 = arith.constant 0 : i32
    %dma_start3A_134 = arith.constant 0 : i32
    %dma_start3A_135 = tpu.memref_slice %arg2[%dma_start3A_133, %dma_start3A_134] : memref<16384x64xf32, #tpu.memory_space<hbm>> -> memref<16384x64xf32, #tpu.memory_space<hbm>>
    tpu.enqueue_indirect_dma source(%dma_start3A_135 : memref<16384x64xf32, #tpu.memory_space<hbm>>) target(%arg26 : memref<128x64xf32, #tpu.memory_space<vmem>>) offsets(%arg22 : memref<128xi32, #tpu.memory_space<vmem>>) semaphore(%arg33 : memref<!tpu.dma_semaphore, #tpu.memory_space<semaphore_mem>>)
    %dma_start3A_136 = arith.constant 0 : i32
    %dma_start3A_137 = arith.constant 0 : i32
    %dma_start3A_138 = tpu.memref_slice %arg2[%dma_start3A_136, %dma_start3A_137] : memref<16384x64xf32, #tpu.memory_space<hbm>> -> memref<16384x64xf32, #tpu.memory_space<hbm>>
    tpu.enqueue_indirect_dma source(%dma_start3A_138 : memref<16384x64xf32, #tpu.memory_space<hbm>>) target(%arg27 : memref<128x64xf32, #tpu.memory_space<vmem>>) offsets(%arg23 : memref<128xi32, #tpu.memory_space<vmem>>) semaphore(%arg33 : memref<!tpu.dma_semaphore, #tpu.memory_space<semaphore_mem>>)
    %dma_wait3A_139 = arith.constant 0 : i32
    %dma_wait3A_140 = arith.constant 0 : i32
    %dma_wait3A_141 = tpu.memref_slice %arg2[%dma_wait3A_139, %dma_wait3A_140] : memref<16384x64xf32, #tpu.memory_space<hbm>> -> memref<16384x64xf32, #tpu.memory_space<hbm>>
    tpu.wait_indirect_dma semaphore(%arg32 : memref<!tpu.dma_semaphore, #tpu.memory_space<semaphore_mem>>) src(%dma_wait3A_141 : memref<16384x64xf32, #tpu.memory_space<hbm>>) dst(%arg13 : memref<128x64xf32, #tpu.memory_space<vmem>>)
    %dma_wait3A_142 = arith.constant 0 : i32
    %dma_wait3A_143 = arith.constant 0 : i32
    %dma_wait3A_144 = tpu.memref_slice %arg2[%dma_wait3A_142, %dma_wait3A_143] : memref<16384x64xf32, #tpu.memory_space<hbm>> -> memref<16384x64xf32, #tpu.memory_space<hbm>>
    tpu.wait_indirect_dma semaphore(%arg32 : memref<!tpu.dma_semaphore, #tpu.memory_space<semaphore_mem>>) src(%dma_wait3A_144 : memref<16384x64xf32, #tpu.memory_space<hbm>>) dst(%arg14 : memref<128x64xf32, #tpu.memory_space<vmem>>)
    %dma_wait3A_145 = arith.constant 0 : i32
    %dma_wait3A_146 = arith.constant 0 : i32
    %dma_wait3A_147 = tpu.memref_slice %arg2[%dma_wait3A_145, %dma_wait3A_146] : memref<16384x64xf32, #tpu.memory_space<hbm>> -> memref<16384x64xf32, #tpu.memory_space<hbm>>
    tpu.wait_indirect_dma semaphore(%arg32 : memref<!tpu.dma_semaphore, #tpu.memory_space<semaphore_mem>>) src(%dma_wait3A_147 : memref<16384x64xf32, #tpu.memory_space<hbm>>) dst(%arg15 : memref<128x64xf32, #tpu.memory_space<vmem>>)
    %dma_wait3A_148 = arith.constant 0 : i32
    %dma_wait3A_149 = arith.constant 0 : i32
    %dma_wait3A_150 = tpu.memref_slice %arg2[%dma_wait3A_148, %dma_wait3A_149] : memref<16384x64xf32, #tpu.memory_space<hbm>> -> memref<16384x64xf32, #tpu.memory_space<hbm>>
    tpu.wait_indirect_dma semaphore(%arg32 : memref<!tpu.dma_semaphore, #tpu.memory_space<semaphore_mem>>) src(%dma_wait3A_150 : memref<16384x64xf32, #tpu.memory_space<hbm>>) dst(%arg16 : memref<128x64xf32, #tpu.memory_space<vmem>>)
    %scan3A_151 = arith.constant 0 : i32
    %scan3A_152 = arith.constant 0 : i32
    %scan3A_153 = arith.constant 8 : i32
    %scan3A_154 = arith.addi %scan3A_152, %scan3A_153 : i32
    %scan3A_155 = arith.constant 1 : i32
    scf.for %scan3A_306 = %scan3A_152 to %scan3A_154 step %scan3A_155  : i32 {
      %mul3A_307 = arith.constant 16 : i32
      %mul3A_308 = arith.muli %scan3A_306, %mul3A_307 : i32
      %add3A_309 = vector.broadcast %mul3A_308 : i32 to vector<16xi32>
      %add3A_310 = arith.addi %add3A_309, %iota3A : vector<16xi32>
      %broadcast_in_dim3A_311 = arith.constant 0 : i32
      %broadcast_in_dim3A_312 = vector.broadcast %broadcast_in_dim3A_311 : i32 to vector<16xi32>
      %scan3A_313 = arith.constant 0 : i32
      %scan3A_314 = arith.constant 8 : i32
      %scan3A_315 = arith.addi %scan3A_313, %scan3A_314 : i32
      %scan3A_316 = arith.constant 1 : i32
      %scan3A_317:4 = scf.for %scan3A_323 = %scan3A_313 to %scan3A_315 step %scan3A_316 iter_args(%scan3A_324 = %broadcast_in_dim3A_3, %scan3A_325 = %broadcast_in_dim3A_3, %scan3A_326 = %broadcast_in_dim3A_3, %scan3A_327 = %broadcast_in_dim3A_312) -> (vector<16xf32>, vector<16xf32>, vector<16xf32>, vector<16xi32>)  : i32 {
        %add3A_328 = arith.addi %scan3A_327, %iota3A : vector<16xi32>
        %and3A = arith.constant 63 : i32
        %and3A_329 = vector.broadcast %and3A : i32 to vector<16xi32>
        %and3A_330 = arith.andi %add3A_328, %and3A_329 : vector<16xi32>
        %gather3A = tpu.vector_load_idx %arg13[%add3A_310, %and3A_330] : memref<128x64xf32, #tpu.memory_space<vmem>>[vector<16xi32>, vector<16xi32>], vector<16xf32>,
        %gather3A_331 = tpu.vector_load_idx %arg14[%add3A_310, %and3A_330] : memref<128x64xf32, #tpu.memory_space<vmem>>[vector<16xi32>, vector<16xi32>], vector<16xf32>,
        %gather3A_332 = tpu.vector_load_idx %arg15[%add3A_310, %and3A_330] : memref<128x64xf32, #tpu.memory_space<vmem>>[vector<16xi32>, vector<16xi32>], vector<16xf32>,
        %gather3A_333 = tpu.vector_load_idx %arg16[%add3A_310, %and3A_330] : memref<128x64xf32, #tpu.memory_space<vmem>>[vector<16xi32>, vector<16xi32>], vector<16xf32>,
        %sub3A_334 = arith.subf %gather3A, %gather3A_331 : vector<16xf32>
        %sub3A_335 = arith.subf %gather3A, %gather3A_332 : vector<16xf32>
        %sub3A_336 = arith.subf %gather3A, %gather3A_333 : vector<16xf32>
        %mul3A_337 = arith.mulf %sub3A_334, %sub3A_334 : vector<16xf32>
        %add3A_338 = arith.addf %scan3A_324, %mul3A_337 : vector<16xf32>
        %mul3A_339 = arith.mulf %sub3A_335, %sub3A_335 : vector<16xf32>
        %add3A_340 = arith.addf %scan3A_325, %mul3A_339 : vector<16xf32>
        %mul3A_341 = arith.mulf %sub3A_336, %sub3A_336 : vector<16xf32>
        %add3A_342 = arith.addf %scan3A_326, %mul3A_341 : vector<16xf32>
        %add3A_343 = arith.constant 1 : i32
        %add3A_344 = vector.broadcast %add3A_343 : i32 to vector<16xi32>
        %add3A_345 = arith.addi %scan3A_327, %add3A_344 : vector<16xi32>
        %add3A_346 = arith.addi %add3A_345, %iota3A : vector<16xi32>
        %and3A_347 = arith.constant 63 : i32
        %and3A_348 = vector.broadcast %and3A_347 : i32 to vector<16xi32>
        %and3A_349 = arith.andi %add3A_346, %and3A_348 : vector<16xi32>
        %gather3A_350 = tpu.vector_load_idx %arg13[%add3A_310, %and3A_349] : memref<128x64xf32, #tpu.memory_space<vmem>>[vector<16xi32>, vector<16xi32>], vector<16xf32>,
        %gather3A_351 = tpu.vector_load_idx %arg14[%add3A_310, %and3A_349] : memref<128x64xf32, #tpu.memory_space<vmem>>[vector<16xi32>, vector<16xi32>], vector<16xf32>,
        %gather3A_352 = tpu.vector_load_idx %arg15[%add3A_310, %and3A_349] : memref<128x64xf32, #tpu.memory_space<vmem>>[vector<16xi32>, vector<16xi32>], vector<16xf32>,
        %gather3A_353 = tpu.vector_load_idx %arg16[%add3A_310, %and3A_349] : memref<128x64xf32, #tpu.memory_space<vmem>>[vector<16xi32>, vector<16xi32>], vector<16xf32>,
        %sub3A_354 = arith.subf %gather3A_350, %gather3A_351 : vector<16xf32>
        %sub3A_355 = arith.subf %gather3A_350, %gather3A_352 : vector<16xf32>
        %sub3A_356 = arith.subf %gather3A_350, %gather3A_353 : vector<16xf32>
        %mul3A_357 = arith.mulf %sub3A_354, %sub3A_354 : vector<16xf32>
        %add3A_358 = arith.addf %add3A_338, %mul3A_357 : vector<16xf32>
        %mul3A_359 = arith.mulf %sub3A_355, %sub3A_355 : vector<16xf32>
        %add3A_360 = arith.addf %add3A_340, %mul3A_359 : vector<16xf32>
        %mul3A_361 = arith.mulf %sub3A_356, %sub3A_356 : vector<16xf32>
        %add3A_362 = arith.addf %add3A_342, %mul3A_361 : vector<16xf32>
        %add3A_363 = arith.constant 1 : i32
        %add3A_364 = vector.broadcast %add3A_363 : i32 to vector<16xi32>
        %add3A_365 = arith.addi %add3A_345, %add3A_364 : vector<16xi32>
        %add3A_366 = arith.addi %add3A_365, %iota3A : vector<16xi32>
        %and3A_367 = arith.constant 63 : i32
        %and3A_368 = vector.broadcast %and3A_367 : i32 to vector<16xi32>
        %and3A_369 = arith.andi %add3A_366, %and3A_368 : vector<16xi32>
        %gather3A_370 = tpu.vector_load_idx %arg13[%add3A_310, %and3A_369] : memref<128x64xf32, #tpu.memory_space<vmem>>[vector<16xi32>, vector<16xi32>], vector<16xf32>,
        %gather3A_371 = tpu.vector_load_idx %arg14[%add3A_310, %and3A_369] : memref<128x64xf32, #tpu.memory_space<vmem>>[vector<16xi32>, vector<16xi32>], vector<16xf32>,
        %gather3A_372 = tpu.vector_load_idx %arg15[%add3A_310, %and3A_369] : memref<128x64xf32, #tpu.memory_space<vmem>>[vector<16xi32>, vector<16xi32>], vector<16xf32>,
        %gather3A_373 = tpu.vector_load_idx %arg16[%add3A_310, %and3A_369] : memref<128x64xf32, #tpu.memory_space<vmem>>[vector<16xi32>, vector<16xi32>], vector<16xf32>,
        %sub3A_374 = arith.subf %gather3A_370, %gather3A_371 : vector<16xf32>
        %sub3A_375 = arith.subf %gather3A_370, %gather3A_372 : vector<16xf32>
        %sub3A_376 = arith.subf %gather3A_370, %gather3A_373 : vector<16xf32>
        %mul3A_377 = arith.mulf %sub3A_374, %sub3A_374 : vector<16xf32>
        %add3A_378 = arith.addf %add3A_358, %mul3A_377 : vector<16xf32>
        %mul3A_379 = arith.mulf %sub3A_375, %sub3A_375 : vector<16xf32>
        %add3A_380 = arith.addf %add3A_360, %mul3A_379 : vector<16xf32>
        %mul3A_381 = arith.mulf %sub3A_376, %sub3A_376 : vector<16xf32>
        %add3A_382 = arith.addf %add3A_362, %mul3A_381 : vector<16xf32>
        %add3A_383 = arith.constant 1 : i32
        %add3A_384 = vector.broadcast %add3A_383 : i32 to vector<16xi32>
        %add3A_385 = arith.addi %add3A_365, %add3A_384 : vector<16xi32>
        %add3A_386 = arith.addi %add3A_385, %iota3A : vector<16xi32>
        %and3A_387 = arith.constant 63 : i32
        %and3A_388 = vector.broadcast %and3A_387 : i32 to vector<16xi32>
        %and3A_389 = arith.andi %add3A_386, %and3A_388 : vector<16xi32>
        %gather3A_390 = tpu.vector_load_idx %arg13[%add3A_310, %and3A_389] : memref<128x64xf32, #tpu.memory_space<vmem>>[vector<16xi32>, vector<16xi32>], vector<16xf32>,
        %gather3A_391 = tpu.vector_load_idx %arg14[%add3A_310, %and3A_389] : memref<128x64xf32, #tpu.memory_space<vmem>>[vector<16xi32>, vector<16xi32>], vector<16xf32>,
        %gather3A_392 = tpu.vector_load_idx %arg15[%add3A_310, %and3A_389] : memref<128x64xf32, #tpu.memory_space<vmem>>[vector<16xi32>, vector<16xi32>], vector<16xf32>,
        %gather3A_393 = tpu.vector_load_idx %arg16[%add3A_310, %and3A_389] : memref<128x64xf32, #tpu.memory_space<vmem>>[vector<16xi32>, vector<16xi32>], vector<16xf32>,
        %sub3A_394 = arith.subf %gather3A_390, %gather3A_391 : vector<16xf32>
        %sub3A_395 = arith.subf %gather3A_390, %gather3A_392 : vector<16xf32>
        %sub3A_396 = arith.subf %gather3A_390, %gather3A_393 : vector<16xf32>
        %mul3A_397 = arith.mulf %sub3A_394, %sub3A_394 : vector<16xf32>
        %add3A_398 = arith.addf %add3A_378, %mul3A_397 : vector<16xf32>
        %mul3A_399 = arith.mulf %sub3A_395, %sub3A_395 : vector<16xf32>
        %add3A_400 = arith.addf %add3A_380, %mul3A_399 : vector<16xf32>
        %mul3A_401 = arith.mulf %sub3A_396, %sub3A_396 : vector<16xf32>
        %add3A_402 = arith.addf %add3A_382, %mul3A_401 : vector<16xf32>
        %add3A_403 = arith.constant 1 : i32
        %add3A_404 = vector.broadcast %add3A_403 : i32 to vector<16xi32>
        %add3A_405 = arith.addi %add3A_385, %add3A_404 : vector<16xi32>
        %add3A_406 = arith.addi %add3A_405, %iota3A : vector<16xi32>
        %and3A_407 = arith.constant 63 : i32
        %and3A_408 = vector.broadcast %and3A_407 : i32 to vector<16xi32>
        %and3A_409 = arith.andi %add3A_406, %and3A_408 : vector<16xi32>
        %gather3A_410 = tpu.vector_load_idx %arg13[%add3A_310, %and3A_409] : memref<128x64xf32, #tpu.memory_space<vmem>>[vector<16xi32>, vector<16xi32>], vector<16xf32>,
        %gather3A_411 = tpu.vector_load_idx %arg14[%add3A_310, %and3A_409] : memref<128x64xf32, #tpu.memory_space<vmem>>[vector<16xi32>, vector<16xi32>], vector<16xf32>,
        %gather3A_412 = tpu.vector_load_idx %arg15[%add3A_310, %and3A_409] : memref<128x64xf32, #tpu.memory_space<vmem>>[vector<16xi32>, vector<16xi32>], vector<16xf32>,
        %gather3A_413 = tpu.vector_load_idx %arg16[%add3A_310, %and3A_409] : memref<128x64xf32, #tpu.memory_space<vmem>>[vector<16xi32>, vector<16xi32>], vector<16xf32>,
        %sub3A_414 = arith.subf %gather3A_410, %gather3A_411 : vector<16xf32>
        %sub3A_415 = arith.subf %gather3A_410, %gather3A_412 : vector<16xf32>
        %sub3A_416 = arith.subf %gather3A_410, %gather3A_413 : vector<16xf32>
        %mul3A_417 = arith.mulf %sub3A_414, %sub3A_414 : vector<16xf32>
        %add3A_418 = arith.addf %add3A_398, %mul3A_417 : vector<16xf32>
        %mul3A_419 = arith.mulf %sub3A_415, %sub3A_415 : vector<16xf32>
        %add3A_420 = arith.addf %add3A_400, %mul3A_419 : vector<16xf32>
        %mul3A_421 = arith.mulf %sub3A_416, %sub3A_416 : vector<16xf32>
        %add3A_422 = arith.addf %add3A_402, %mul3A_421 : vector<16xf32>
        %add3A_423 = arith.constant 1 : i32
        %add3A_424 = vector.broadcast %add3A_423 : i32 to vector<16xi32>
        %add3A_425 = arith.addi %add3A_405, %add3A_424 : vector<16xi32>
        %add3A_426 = arith.addi %add3A_425, %iota3A : vector<16xi32>
        %and3A_427 = arith.constant 63 : i32
        %and3A_428 = vector.broadcast %and3A_427 : i32 to vector<16xi32>
        %and3A_429 = arith.andi %add3A_426, %and3A_428 : vector<16xi32>
        %gather3A_430 = tpu.vector_load_idx %arg13[%add3A_310, %and3A_429] : memref<128x64xf32, #tpu.memory_space<vmem>>[vector<16xi32>, vector<16xi32>], vector<16xf32>,
        %gather3A_431 = tpu.vector_load_idx %arg14[%add3A_310, %and3A_429] : memref<128x64xf32, #tpu.memory_space<vmem>>[vector<16xi32>, vector<16xi32>], vector<16xf32>,
        %gather3A_432 = tpu.vector_load_idx %arg15[%add3A_310, %and3A_429] : memref<128x64xf32, #tpu.memory_space<vmem>>[vector<16xi32>, vector<16xi32>], vector<16xf32>,
        %gather3A_433 = tpu.vector_load_idx %arg16[%add3A_310, %and3A_429] : memref<128x64xf32, #tpu.memory_space<vmem>>[vector<16xi32>, vector<16xi32>], vector<16xf32>,
        %sub3A_434 = arith.subf %gather3A_430, %gather3A_431 : vector<16xf32>
        %sub3A_435 = arith.subf %gather3A_430, %gather3A_432 : vector<16xf32>
        %sub3A_436 = arith.subf %gather3A_430, %gather3A_433 : vector<16xf32>
        %mul3A_437 = arith.mulf %sub3A_434, %sub3A_434 : vector<16xf32>
        %add3A_438 = arith.addf %add3A_418, %mul3A_437 : vector<16xf32>
        %mul3A_439 = arith.mulf %sub3A_435, %sub3A_435 : vector<16xf32>
        %add3A_440 = arith.addf %add3A_420, %mul3A_439 : vector<16xf32>
        %mul3A_441 = arith.mulf %sub3A_436, %sub3A_436 : vector<16xf32>
        %add3A_442 = arith.addf %add3A_422, %mul3A_441 : vector<16xf32>
        %add3A_443 = arith.constant 1 : i32
        %add3A_444 = vector.broadcast %add3A_443 : i32 to vector<16xi32>
        %add3A_445 = arith.addi %add3A_425, %add3A_444 : vector<16xi32>
        %add3A_446 = arith.addi %add3A_445, %iota3A : vector<16xi32>
        %and3A_447 = arith.constant 63 : i32
        %and3A_448 = vector.broadcast %and3A_447 : i32 to vector<16xi32>
        %and3A_449 = arith.andi %add3A_446, %and3A_448 : vector<16xi32>
        %gather3A_450 = tpu.vector_load_idx %arg13[%add3A_310, %and3A_449] : memref<128x64xf32, #tpu.memory_space<vmem>>[vector<16xi32>, vector<16xi32>], vector<16xf32>,
        %gather3A_451 = tpu.vector_load_idx %arg14[%add3A_310, %and3A_449] : memref<128x64xf32, #tpu.memory_space<vmem>>[vector<16xi32>, vector<16xi32>], vector<16xf32>,
        %gather3A_452 = tpu.vector_load_idx %arg15[%add3A_310, %and3A_449] : memref<128x64xf32, #tpu.memory_space<vmem>>[vector<16xi32>, vector<16xi32>], vector<16xf32>,
        %gather3A_453 = tpu.vector_load_idx %arg16[%add3A_310, %and3A_449] : memref<128x64xf32, #tpu.memory_space<vmem>>[vector<16xi32>, vector<16xi32>], vector<16xf32>,
        %sub3A_454 = arith.subf %gather3A_450, %gather3A_451 : vector<16xf32>
        %sub3A_455 = arith.subf %gather3A_450, %gather3A_452 : vector<16xf32>
        %sub3A_456 = arith.subf %gather3A_450, %gather3A_453 : vector<16xf32>
        %mul3A_457 = arith.mulf %sub3A_454, %sub3A_454 : vector<16xf32>
        %add3A_458 = arith.addf %add3A_438, %mul3A_457 : vector<16xf32>
        %mul3A_459 = arith.mulf %sub3A_455, %sub3A_455 : vector<16xf32>
        %add3A_460 = arith.addf %add3A_440, %mul3A_459 : vector<16xf32>
        %mul3A_461 = arith.mulf %sub3A_456, %sub3A_456 : vector<16xf32>
        %add3A_462 = arith.addf %add3A_442, %mul3A_461 : vector<16xf32>
        %add3A_463 = arith.constant 1 : i32
        %add3A_464 = vector.broadcast %add3A_463 : i32 to vector<16xi32>
        %add3A_465 = arith.addi %add3A_445, %add3A_464 : vector<16xi32>
        %add3A_466 = arith.addi %add3A_465, %iota3A : vector<16xi32>
        %and3A_467 = arith.constant 63 : i32
        %and3A_468 = vector.broadcast %and3A_467 : i32 to vector<16xi32>
        %and3A_469 = arith.andi %add3A_466, %and3A_468 : vector<16xi32>
        %gather3A_470 = tpu.vector_load_idx %arg13[%add3A_310, %and3A_469] : memref<128x64xf32, #tpu.memory_space<vmem>>[vector<16xi32>, vector<16xi32>], vector<16xf32>,
        %gather3A_471 = tpu.vector_load_idx %arg14[%add3A_310, %and3A_469] : memref<128x64xf32, #tpu.memory_space<vmem>>[vector<16xi32>, vector<16xi32>], vector<16xf32>,
        %gather3A_472 = tpu.vector_load_idx %arg15[%add3A_310, %and3A_469] : memref<128x64xf32, #tpu.memory_space<vmem>>[vector<16xi32>, vector<16xi32>], vector<16xf32>,
        %gather3A_473 = tpu.vector_load_idx %arg16[%add3A_310, %and3A_469] : memref<128x64xf32, #tpu.memory_space<vmem>>[vector<16xi32>, vector<16xi32>], vector<16xf32>,
        %sub3A_474 = arith.subf %gather3A_470, %gather3A_471 : vector<16xf32>
        %sub3A_475 = arith.subf %gather3A_470, %gather3A_472 : vector<16xf32>
        %sub3A_476 = arith.subf %gather3A_470, %gather3A_473 : vector<16xf32>
        %mul3A_477 = arith.mulf %sub3A_474, %sub3A_474 : vector<16xf32>
        %add3A_478 = arith.addf %add3A_458, %mul3A_477 : vector<16xf32>
        %mul3A_479 = arith.mulf %sub3A_475, %sub3A_475 : vector<16xf32>
        %add3A_480 = arith.addf %add3A_460, %mul3A_479 : vector<16xf32>
        %mul3A_481 = arith.mulf %sub3A_476, %sub3A_476 : vector<16xf32>
        %add3A_482 = arith.addf %add3A_462, %mul3A_481 : vector<16xf32>
        %add3A_483 = arith.constant 1 : i32
        %add3A_484 = vector.broadcast %add3A_483 : i32 to vector<16xi32>
        %add3A_485 = arith.addi %add3A_465, %add3A_484 : vector<16xi32>
        scf.yield %add3A_478, %add3A_480, %add3A_482, %add3A_485 : vector<16xf32>, vector<16xf32>, vector<16xf32>, vector<16xi32>
      }
      %scan3A_318 = arith.constant 8 : i32
      %sub3A = arith.subf %scan3A_317#0, %scan3A_317#1 : vector<16xf32>
      %swap3A = arith.index_cast %mul3A_308 : i32 to index
      %swap3A_319 = tpu.vector_load %arg18[%swap3A] {strides = array<i32>} : memref<128xf32, #tpu.memory_space<vmem>>, vector<16xf32>,
      tpu.vector_store %arg18[%swap3A], %sub3A {strides = array<i32>} : memref<128xf32, #tpu.memory_space<vmem>>, vector<16xf32>,
      %sub3A_320 = arith.subf %scan3A_317#1, %scan3A_317#2 : vector<16xf32>
      %swap3A_321 = arith.index_cast %mul3A_308 : i32 to index
      %swap3A_322 = tpu.vector_load %arg19[%swap3A_321] {strides = array<i32>} : memref<128xf32, #tpu.memory_space<vmem>>, vector<16xf32>,
      tpu.vector_store %arg19[%swap3A_321], %sub3A_320 {strides = array<i32>} : memref<128xf32, #tpu.memory_space<vmem>>, vector<16xf32>,
    }
    %scan3A_156 = arith.constant 8 : i32
    %add3A_157 = arith.constant 0 : i32
    %add3A_158 = arith.addi %mul3A_2, %add3A_157 : i32
    %dma_start3A_159 = tpu.memref_slice %arg5[%add3A_158] : memref<65536xf32, #tpu.memory_space<hbm>> -> memref<128xf32, #tpu.memory_space<hbm>>
    %dma_start3A_160 = tpu.memref_slice %arg5[%add3A_158] : memref<65536xf32, #tpu.memory_space<hbm>> -> memref<128xf32, #tpu.memory_space<hbm>>
    tpu.enqueue_dma source(%arg18 : memref<128xf32, #tpu.memory_space<vmem>>) target(%dma_start3A_160 : memref<128xf32, #tpu.memory_space<hbm>>) target_semaphore(%arg34 : memref<!tpu.dma_semaphore, #tpu.memory_space<semaphore_mem>>)
    %dma_start3A_161 = tpu.memref_slice %arg6[%add3A_158] : memref<65536xf32, #tpu.memory_space<hbm>> -> memref<128xf32, #tpu.memory_space<hbm>>
    %dma_start3A_162 = tpu.memref_slice %arg6[%add3A_158] : memref<65536xf32, #tpu.memory_space<hbm>> -> memref<128xf32, #tpu.memory_space<hbm>>
    tpu.enqueue_dma source(%arg19 : memref<128xf32, #tpu.memory_space<vmem>>) target(%dma_start3A_162 : memref<128xf32, #tpu.memory_space<hbm>>) target_semaphore(%arg34 : memref<!tpu.dma_semaphore, #tpu.memory_space<semaphore_mem>>)
    %mul3A_163 = arith.constant 4 : i32
    %mul3A_164 = arith.muli %mul3A_163, %add3A_158 : i32
    %dma_start3A_165 = tpu.memref_slice %arg7[%mul3A_164] : memref<262144xi32, #tpu.memory_space<hbm>> -> memref<512xi32, #tpu.memory_space<hbm>>
    %dma_start3A_166 = tpu.memref_slice %arg7[%mul3A_164] : memref<262144xi32, #tpu.memory_space<hbm>> -> memref<512xi32, #tpu.memory_space<hbm>>
    tpu.enqueue_dma source(%arg17 : memref<512xi32, #tpu.memory_space<vmem>>) target(%dma_start3A_166 : memref<512xi32, #tpu.memory_space<hbm>>) target_semaphore(%arg34 : memref<!tpu.dma_semaphore, #tpu.memory_space<semaphore_mem>>)
    %mul3A_167 = arith.constant 128 : i32
    %mul3A_168 = arith.muli %min3A_70, %mul3A_167 : i32
    %add3A_169 = arith.addi %mul3A_2, %mul3A_168 : i32
    %dma_start3A_170 = arith.constant 0 : i32
    %dma_start3A_171 = tpu.memref_slice %arg3[%dma_start3A_170, %add3A_169] : memref<4x65536xi32, #tpu.memory_space<hbm>> -> memref<1x128xi32, #tpu.memory_space<hbm>>
    %dma_start3A_172 = tpu.memref_squeeze %dma_start3A_171 : memref<1x128xi32, #tpu.memory_space<hbm>> -> memref<128xi32, #tpu.memory_space<hbm>>
    %dma_start3A_173 = tpu.memref_slice %arg3[%dma_start3A_170, %add3A_169] : memref<4x65536xi32, #tpu.memory_space<hbm>> -> memref<1x128xi32, #tpu.memory_space<hbm>>
    %dma_start3A_174 = tpu.memref_squeeze %dma_start3A_173 : memref<1x128xi32, #tpu.memory_space<hbm>> -> memref<128xi32, #tpu.memory_space<hbm>>
    tpu.enqueue_dma source(%dma_start3A_174 : memref<128xi32, #tpu.memory_space<hbm>>) target(%arg9 : memref<128xi32, #tpu.memory_space<vmem>>) target_semaphore(%arg31 : memref<!tpu.dma_semaphore, #tpu.memory_space<semaphore_mem>>)
    %dma_start3A_175 = arith.constant 1 : i32
    %dma_start3A_176 = tpu.memref_slice %arg3[%dma_start3A_175, %add3A_169] : memref<4x65536xi32, #tpu.memory_space<hbm>> -> memref<1x128xi32, #tpu.memory_space<hbm>>
    %dma_start3A_177 = tpu.memref_squeeze %dma_start3A_176 : memref<1x128xi32, #tpu.memory_space<hbm>> -> memref<128xi32, #tpu.memory_space<hbm>>
    %dma_start3A_178 = tpu.memref_slice %arg3[%dma_start3A_175, %add3A_169] : memref<4x65536xi32, #tpu.memory_space<hbm>> -> memref<1x128xi32, #tpu.memory_space<hbm>>
    %dma_start3A_179 = tpu.memref_squeeze %dma_start3A_178 : memref<1x128xi32, #tpu.memory_space<hbm>> -> memref<128xi32, #tpu.memory_space<hbm>>
    tpu.enqueue_dma source(%dma_start3A_179 : memref<128xi32, #tpu.memory_space<hbm>>) target(%arg10 : memref<128xi32, #tpu.memory_space<vmem>>) target_semaphore(%arg31 : memref<!tpu.dma_semaphore, #tpu.memory_space<semaphore_mem>>)
    %dma_start3A_180 = arith.constant 2 : i32
    %dma_start3A_181 = tpu.memref_slice %arg3[%dma_start3A_180, %add3A_169] : memref<4x65536xi32, #tpu.memory_space<hbm>> -> memref<1x128xi32, #tpu.memory_space<hbm>>
    %dma_start3A_182 = tpu.memref_squeeze %dma_start3A_181 : memref<1x128xi32, #tpu.memory_space<hbm>> -> memref<128xi32, #tpu.memory_space<hbm>>
    %dma_start3A_183 = tpu.memref_slice %arg3[%dma_start3A_180, %add3A_169] : memref<4x65536xi32, #tpu.memory_space<hbm>> -> memref<1x128xi32, #tpu.memory_space<hbm>>
    %dma_start3A_184 = tpu.memref_squeeze %dma_start3A_183 : memref<1x128xi32, #tpu.memory_space<hbm>> -> memref<128xi32, #tpu.memory_space<hbm>>
    tpu.enqueue_dma source(%dma_start3A_184 : memref<128xi32, #tpu.memory_space<hbm>>) target(%arg11 : memref<128xi32, #tpu.memory_space<vmem>>) target_semaphore(%arg31 : memref<!tpu.dma_semaphore, #tpu.memory_space<semaphore_mem>>)
    %dma_start3A_185 = arith.constant 3 : i32
    %dma_start3A_186 = tpu.memref_slice %arg3[%dma_start3A_185, %add3A_169] : memref<4x65536xi32, #tpu.memory_space<hbm>> -> memref<1x128xi32, #tpu.memory_space<hbm>>
    %dma_start3A_187 = tpu.memref_squeeze %dma_start3A_186 : memref<1x128xi32, #tpu.memory_space<hbm>> -> memref<128xi32, #tpu.memory_space<hbm>>
    %dma_start3A_188 = tpu.memref_slice %arg3[%dma_start3A_185, %add3A_169] : memref<4x65536xi32, #tpu.memory_space<hbm>> -> memref<1x128xi32, #tpu.memory_space<hbm>>
    %dma_start3A_189 = tpu.memref_squeeze %dma_start3A_188 : memref<1x128xi32, #tpu.memory_space<hbm>> -> memref<128xi32, #tpu.memory_space<hbm>>
    tpu.enqueue_dma source(%dma_start3A_189 : memref<128xi32, #tpu.memory_space<hbm>>) target(%arg12 : memref<128xi32, #tpu.memory_space<vmem>>) target_semaphore(%arg31 : memref<!tpu.dma_semaphore, #tpu.memory_space<semaphore_mem>>)
    %dma_wait3A_190 = arith.constant 0 : i32
    %dma_wait3A_191 = arith.constant 0 : i32
    %dma_wait3A_192 = tpu.memref_slice %arg3[%dma_wait3A_190, %dma_wait3A_191] : memref<4x65536xi32, #tpu.memory_space<hbm>> -> memref<1x128xi32, #tpu.memory_space<hbm>>
    %dma_wait3A_193 = tpu.memref_squeeze %dma_wait3A_192 : memref<1x128xi32, #tpu.memory_space<hbm>> -> memref<128xi32, #tpu.memory_space<hbm>>
    %dma_wait3A_194 = arith.constant 0 : i32
    %dma_wait3A_195 = tpu.memref_slice %arg3[%dma_wait3A_190, %dma_wait3A_194] : memref<4x65536xi32, #tpu.memory_space<hbm>> -> memref<1x128xi32, #tpu.memory_space<hbm>>
    %dma_wait3A_196 = tpu.memref_squeeze %dma_wait3A_195 : memref<1x128xi32, #tpu.memory_space<hbm>> -> memref<128xi32, #tpu.memory_space<hbm>>
    tpu.wait_dma2 semaphore(%arg31 : memref<!tpu.dma_semaphore, #tpu.memory_space<semaphore_mem>>) src(%dma_wait3A_196 : memref<128xi32, #tpu.memory_space<hbm>>) dst(%arg9 : memref<128xi32, #tpu.memory_space<vmem>>)
    %dma_wait3A_197 = arith.constant 1 : i32
    %dma_wait3A_198 = arith.constant 0 : i32
    %dma_wait3A_199 = tpu.memref_slice %arg3[%dma_wait3A_197, %dma_wait3A_198] : memref<4x65536xi32, #tpu.memory_space<hbm>> -> memref<1x128xi32, #tpu.memory_space<hbm>>
    %dma_wait3A_200 = tpu.memref_squeeze %dma_wait3A_199 : memref<1x128xi32, #tpu.memory_space<hbm>> -> memref<128xi32, #tpu.memory_space<hbm>>
    %dma_wait3A_201 = arith.constant 0 : i32
    %dma_wait3A_202 = tpu.memref_slice %arg3[%dma_wait3A_197, %dma_wait3A_201] : memref<4x65536xi32, #tpu.memory_space<hbm>> -> memref<1x128xi32, #tpu.memory_space<hbm>>
    %dma_wait3A_203 = tpu.memref_squeeze %dma_wait3A_202 : memref<1x128xi32, #tpu.memory_space<hbm>> -> memref<128xi32, #tpu.memory_space<hbm>>
    tpu.wait_dma2 semaphore(%arg31 : memref<!tpu.dma_semaphore, #tpu.memory_space<semaphore_mem>>) src(%dma_wait3A_203 : memref<128xi32, #tpu.memory_space<hbm>>) dst(%arg10 : memref<128xi32, #tpu.memory_space<vmem>>)
    %dma_wait3A_204 = arith.constant 2 : i32
    %dma_wait3A_205 = arith.constant 0 : i32
    %dma_wait3A_206 = tpu.memref_slice %arg3[%dma_wait3A_204, %dma_wait3A_205] : memref<4x65536xi32, #tpu.memory_space<hbm>> -> memref<1x128xi32, #tpu.memory_space<hbm>>
    %dma_wait3A_207 = tpu.memref_squeeze %dma_wait3A_206 : memref<1x128xi32, #tpu.memory_space<hbm>> -> memref<128xi32, #tpu.memory_space<hbm>>
    %dma_wait3A_208 = arith.constant 0 : i32
    %dma_wait3A_209 = tpu.memref_slice %arg3[%dma_wait3A_204, %dma_wait3A_208] : memref<4x65536xi32, #tpu.memory_space<hbm>> -> memref<1x128xi32, #tpu.memory_space<hbm>>
    %dma_wait3A_210 = tpu.memref_squeeze %dma_wait3A_209 : memref<1x128xi32, #tpu.memory_space<hbm>> -> memref<128xi32, #tpu.memory_space<hbm>>
    tpu.wait_dma2 semaphore(%arg31 : memref<!tpu.dma_semaphore, #tpu.memory_space<semaphore_mem>>) src(%dma_wait3A_210 : memref<128xi32, #tpu.memory_space<hbm>>) dst(%arg11 : memref<128xi32, #tpu.memory_space<vmem>>)
    %dma_wait3A_211 = arith.constant 3 : i32
    %dma_wait3A_212 = arith.constant 0 : i32
    %dma_wait3A_213 = tpu.memref_slice %arg3[%dma_wait3A_211, %dma_wait3A_212] : memref<4x65536xi32, #tpu.memory_space<hbm>> -> memref<1x128xi32, #tpu.memory_space<hbm>>
    %dma_wait3A_214 = tpu.memref_squeeze %dma_wait3A_213 : memref<1x128xi32, #tpu.memory_space<hbm>> -> memref<128xi32, #tpu.memory_space<hbm>>
    %dma_wait3A_215 = arith.constant 0 : i32
    %dma_wait3A_216 = tpu.memref_slice %arg3[%dma_wait3A_211, %dma_wait3A_215] : memref<4x65536xi32, #tpu.memory_space<hbm>> -> memref<1x128xi32, #tpu.memory_space<hbm>>
    %dma_wait3A_217 = tpu.memref_squeeze %dma_wait3A_216 : memref<1x128xi32, #tpu.memory_space<hbm>> -> memref<128xi32, #tpu.memory_space<hbm>>
    tpu.wait_dma2 semaphore(%arg31 : memref<!tpu.dma_semaphore, #tpu.memory_space<semaphore_mem>>) src(%dma_wait3A_217 : memref<128xi32, #tpu.memory_space<hbm>>) dst(%arg12 : memref<128xi32, #tpu.memory_space<vmem>>)
    %dma_wait3A_218 = arith.constant 0 : i32
    %dma_wait3A_219 = tpu.memref_slice %arg7[%dma_wait3A_218] : memref<262144xi32, #tpu.memory_space<hbm>> -> memref<512xi32, #tpu.memory_space<hbm>>
    %dma_wait3A_220 = arith.constant 0 : i32
    %dma_wait3A_221 = tpu.memref_slice %arg7[%dma_wait3A_220] : memref<262144xi32, #tpu.memory_space<hbm>> -> memref<512xi32, #tpu.memory_space<hbm>>
    tpu.wait_dma2 semaphore(%arg34 : memref<!tpu.dma_semaphore, #tpu.memory_space<semaphore_mem>>) src(%arg17 : memref<512xi32, #tpu.memory_space<vmem>>) dst(%dma_wait3A_221 : memref<512xi32, #tpu.memory_space<hbm>>)
    %scan3A_222 = arith.constant 0 : i32
    %scan3A_223 = arith.constant 0 : i32
    %scan3A_224 = arith.constant 8 : i32
    %scan3A_225 = arith.addi %scan3A_223, %scan3A_224 : i32
    %scan3A_226 = arith.constant 1 : i32
    scf.for %scan3A_306 = %scan3A_223 to %scan3A_225 step %scan3A_226  : i32 {
      %mul3A_307 = arith.constant 16 : i32
      %mul3A_308 = arith.muli %scan3A_306, %mul3A_307 : i32
      %get3A = arith.index_cast %mul3A_308 : i32 to index
      %get3A_309 = tpu.vector_load %arg9[%get3A] {strides = array<i32>} : memref<128xi32, #tpu.memory_space<vmem>>, vector<16xi32>,
      %get3A_310 = arith.index_cast %mul3A_308 : i32 to index
      %get3A_311 = tpu.vector_load %arg11[%get3A_310] {strides = array<i32>} : memref<128xi32, #tpu.memory_space<vmem>>, vector<16xi32>,
      %get3A_312 = arith.index_cast %mul3A_308 : i32 to index
      %get3A_313 = tpu.vector_load %arg12[%get3A_312] {strides = array<i32>} : memref<128xi32, #tpu.memory_space<vmem>>, vector<16xi32>,
      %gather3A = tpu.vector_load_idx %arg8[%get3A_309] : memref<16384xi32, #tpu.memory_space<vmem>>[vector<16xi32>], vector<16xi32>,
      %gather3A_314 = tpu.vector_load_idx %arg8[%get3A_311] : memref<16384xi32, #tpu.memory_space<vmem>>[vector<16xi32>], vector<16xi32>,
      %gather3A_315 = tpu.vector_load_idx %arg8[%get3A_313] : memref<16384xi32, #tpu.memory_space<vmem>>[vector<16xi32>], vector<16xi32>,
      %mul3A_316 = arith.constant 16384 : i32
      %mul3A_317 = vector.broadcast %mul3A_316 : i32 to vector<16xi32>
      %mul3A_318 = arith.muli %gather3A_314, %mul3A_317 : vector<16xi32>
      %add3A_319 = arith.addi %mul3A_318, %get3A_309 : vector<16xi32>
      %swap3A = arith.index_cast %mul3A_308 : i32 to index
      %swap3A_320 = tpu.vector_load %arg17[%swap3A] {strides = array<i32>} : memref<512xi32, #tpu.memory_space<vmem>>, vector<16xi32>,
      tpu.vector_store %arg17[%swap3A], %add3A_319 {strides = array<i32>} : memref<512xi32, #tpu.memory_space<vmem>>, vector<16xi32>,
      %mul3A_321 = arith.constant 16384 : i32
      %mul3A_322 = vector.broadcast %mul3A_321 : i32 to vector<16xi32>
      %mul3A_323 = arith.muli %gather3A, %mul3A_322 : vector<16xi32>
      %add3A_324 = arith.addi %mul3A_323, %get3A_311 : vector<16xi32>
      %add3A_325 = arith.constant 128 : i32
      %add3A_326 = arith.addi %add3A_325, %mul3A_308 : i32
      %swap3A_327 = arith.index_cast %add3A_326 : i32 to index
      %swap3A_328 = tpu.vector_load %arg17[%swap3A_327] {strides = array<i32>} : memref<512xi32, #tpu.memory_space<vmem>>, vector<16xi32>,
      tpu.vector_store %arg17[%swap3A_327], %add3A_324 {strides = array<i32>} : memref<512xi32, #tpu.memory_space<vmem>>, vector<16xi32>,
      %mul3A_329 = arith.constant 16384 : i32
      %mul3A_330 = vector.broadcast %mul3A_329 : i32 to vector<16xi32>
      %mul3A_331 = arith.muli %gather3A_315, %mul3A_330 : vector<16xi32>
      %add3A_332 = arith.addi %mul3A_331, %get3A_309 : vector<16xi32>
      %add3A_333 = arith.constant 256 : i32
      %add3A_334 = arith.addi %add3A_333, %mul3A_308 : i32
      %swap3A_335 = arith.index_cast %add3A_334 : i32 to index
      %swap3A_336 = tpu.vector_load %arg17[%swap3A_335] {strides = array<i32>} : memref<512xi32, #tpu.memory_space<vmem>>, vector<16xi32>,
      tpu.vector_store %arg17[%swap3A_335], %add3A_332 {strides = array<i32>} : memref<512xi32, #tpu.memory_space<vmem>>, vector<16xi32>,
      %mul3A_337 = arith.constant 16384 : i32
      %mul3A_338 = vector.broadcast %mul3A_337 : i32 to vector<16xi32>
      %mul3A_339 = arith.muli %gather3A, %mul3A_338 : vector<16xi32>
      %add3A_340 = arith.addi %mul3A_339, %get3A_313 : vector<16xi32>
      %add3A_341 = arith.constant 384 : i32
      %add3A_342 = arith.addi %add3A_341, %mul3A_308 : i32
      %swap3A_343 = arith.index_cast %add3A_342 : i32 to index
      %swap3A_344 = tpu.vector_load %arg17[%swap3A_343] {strides = array<i32>} : memref<512xi32, #tpu.memory_space<vmem>>, vector<16xi32>,
      tpu.vector_store %arg17[%swap3A_343], %add3A_340 {strides = array<i32>} : memref<512xi32, #tpu.memory_space<vmem>>, vector<16xi32>,
    }
    %scan3A_227 = arith.constant 8 : i32
    %dma_start3A_228 = arith.constant 0 : i32
    %dma_start3A_229 = arith.constant 0 : i32
    %dma_start3A_230 = tpu.memref_slice %arg2[%dma_start3A_228, %dma_start3A_229] : memref<16384x64xf32, #tpu.memory_space<hbm>> -> memref<16384x64xf32, #tpu.memory_space<hbm>>
    tpu.enqueue_indirect_dma source(%dma_start3A_230 : memref<16384x64xf32, #tpu.memory_space<hbm>>) target(%arg13 : memref<128x64xf32, #tpu.memory_space<vmem>>) offsets(%arg9 : memref<128xi32, #tpu.memory_space<vmem>>) semaphore(%arg32 : memref<!tpu.dma_semaphore, #tpu.memory_space<semaphore_mem>>)
    %dma_start3A_231 = arith.constant 0 : i32
    %dma_start3A_232 = arith.constant 0 : i32
    %dma_start3A_233 = tpu.memref_slice %arg2[%dma_start3A_231, %dma_start3A_232] : memref<16384x64xf32, #tpu.memory_space<hbm>> -> memref<16384x64xf32, #tpu.memory_space<hbm>>
    tpu.enqueue_indirect_dma source(%dma_start3A_233 : memref<16384x64xf32, #tpu.memory_space<hbm>>) target(%arg14 : memref<128x64xf32, #tpu.memory_space<vmem>>) offsets(%arg10 : memref<128xi32, #tpu.memory_space<vmem>>) semaphore(%arg32 : memref<!tpu.dma_semaphore, #tpu.memory_space<semaphore_mem>>)
    %dma_start3A_234 = arith.constant 0 : i32
    %dma_start3A_235 = arith.constant 0 : i32
    %dma_start3A_236 = tpu.memref_slice %arg2[%dma_start3A_234, %dma_start3A_235] : memref<16384x64xf32, #tpu.memory_space<hbm>> -> memref<16384x64xf32, #tpu.memory_space<hbm>>
    tpu.enqueue_indirect_dma source(%dma_start3A_236 : memref<16384x64xf32, #tpu.memory_space<hbm>>) target(%arg15 : memref<128x64xf32, #tpu.memory_space<vmem>>) offsets(%arg11 : memref<128xi32, #tpu.memory_space<vmem>>) semaphore(%arg32 : memref<!tpu.dma_semaphore, #tpu.memory_space<semaphore_mem>>)
    %dma_start3A_237 = arith.constant 0 : i32
    %dma_start3A_238 = arith.constant 0 : i32
    %dma_start3A_239 = tpu.memref_slice %arg2[%dma_start3A_237, %dma_start3A_238] : memref<16384x64xf32, #tpu.memory_space<hbm>> -> memref<16384x64xf32, #tpu.memory_space<hbm>>
    tpu.enqueue_indirect_dma source(%dma_start3A_239 : memref<16384x64xf32, #tpu.memory_space<hbm>>) target(%arg16 : memref<128x64xf32, #tpu.memory_space<vmem>>) offsets(%arg12 : memref<128xi32, #tpu.memory_space<vmem>>) semaphore(%arg32 : memref<!tpu.dma_semaphore, #tpu.memory_space<semaphore_mem>>)
    %dma_wait3A_240 = arith.constant 0 : i32
    %dma_wait3A_241 = arith.constant 0 : i32
    %dma_wait3A_242 = tpu.memref_slice %arg2[%dma_wait3A_240, %dma_wait3A_241] : memref<16384x64xf32, #tpu.memory_space<hbm>> -> memref<16384x64xf32, #tpu.memory_space<hbm>>
    tpu.wait_indirect_dma semaphore(%arg33 : memref<!tpu.dma_semaphore, #tpu.memory_space<semaphore_mem>>) src(%dma_wait3A_242 : memref<16384x64xf32, #tpu.memory_space<hbm>>) dst(%arg24 : memref<128x64xf32, #tpu.memory_space<vmem>>)
    %dma_wait3A_243 = arith.constant 0 : i32
    %dma_wait3A_244 = arith.constant 0 : i32
    %dma_wait3A_245 = tpu.memref_slice %arg2[%dma_wait3A_243, %dma_wait3A_244] : memref<16384x64xf32, #tpu.memory_space<hbm>> -> memref<16384x64xf32, #tpu.memory_space<hbm>>
    tpu.wait_indirect_dma semaphore(%arg33 : memref<!tpu.dma_semaphore, #tpu.memory_space<semaphore_mem>>) src(%dma_wait3A_245 : memref<16384x64xf32, #tpu.memory_space<hbm>>) dst(%arg25 : memref<128x64xf32, #tpu.memory_space<vmem>>)
    %dma_wait3A_246 = arith.constant 0 : i32
    %dma_wait3A_247 = arith.constant 0 : i32
    %dma_wait3A_248 = tpu.memref_slice %arg2[%dma_wait3A_246, %dma_wait3A_247] : memref<16384x64xf32, #tpu.memory_space<hbm>> -> memref<16384x64xf32, #tpu.memory_space<hbm>>
    tpu.wait_indirect_dma semaphore(%arg33 : memref<!tpu.dma_semaphore, #tpu.memory_space<semaphore_mem>>) src(%dma_wait3A_248 : memref<16384x64xf32, #tpu.memory_space<hbm>>) dst(%arg26 : memref<128x64xf32, #tpu.memory_space<vmem>>)
    %dma_wait3A_249 = arith.constant 0 : i32
    %dma_wait3A_250 = arith.constant 0 : i32
    %dma_wait3A_251 = tpu.memref_slice %arg2[%dma_wait3A_249, %dma_wait3A_250] : memref<16384x64xf32, #tpu.memory_space<hbm>> -> memref<16384x64xf32, #tpu.memory_space<hbm>>
    tpu.wait_indirect_dma semaphore(%arg33 : memref<!tpu.dma_semaphore, #tpu.memory_space<semaphore_mem>>) src(%dma_wait3A_251 : memref<16384x64xf32, #tpu.memory_space<hbm>>) dst(%arg27 : memref<128x64xf32, #tpu.memory_space<vmem>>)
    %scan3A_252 = arith.constant 0 : i32
    %scan3A_253 = arith.constant 0 : i32
    %scan3A_254 = arith.constant 8 : i32
    %scan3A_255 = arith.addi %scan3A_253, %scan3A_254 : i32
    %scan3A_256 = arith.constant 1 : i32
    scf.for %scan3A_306 = %scan3A_253 to %scan3A_255 step %scan3A_256  : i32 {
      %mul3A_307 = arith.constant 16 : i32
      %mul3A_308 = arith.muli %scan3A_306, %mul3A_307 : i32
      %add3A_309 = vector.broadcast %mul3A_308 : i32 to vector<16xi32>
      %add3A_310 = arith.addi %add3A_309, %iota3A : vector<16xi32>
      %broadcast_in_dim3A_311 = arith.constant 0 : i32
      %broadcast_in_dim3A_312 = vector.broadcast %broadcast_in_dim3A_311 : i32 to vector<16xi32>
      %scan3A_313 = arith.constant 0 : i32
      %scan3A_314 = arith.constant 8 : i32
      %scan3A_315 = arith.addi %scan3A_313, %scan3A_314 : i32
      %scan3A_316 = arith.constant 1 : i32
      %scan3A_317:4 = scf.for %scan3A_323 = %scan3A_313 to %scan3A_315 step %scan3A_316 iter_args(%scan3A_324 = %broadcast_in_dim3A_3, %scan3A_325 = %broadcast_in_dim3A_3, %scan3A_326 = %broadcast_in_dim3A_3, %scan3A_327 = %broadcast_in_dim3A_312) -> (vector<16xf32>, vector<16xf32>, vector<16xf32>, vector<16xi32>)  : i32 {
        %add3A_328 = arith.addi %scan3A_327, %iota3A : vector<16xi32>
        %and3A = arith.constant 63 : i32
        %and3A_329 = vector.broadcast %and3A : i32 to vector<16xi32>
        %and3A_330 = arith.andi %add3A_328, %and3A_329 : vector<16xi32>
        %gather3A = tpu.vector_load_idx %arg24[%add3A_310, %and3A_330] : memref<128x64xf32, #tpu.memory_space<vmem>>[vector<16xi32>, vector<16xi32>], vector<16xf32>,
        %gather3A_331 = tpu.vector_load_idx %arg25[%add3A_310, %and3A_330] : memref<128x64xf32, #tpu.memory_space<vmem>>[vector<16xi32>, vector<16xi32>], vector<16xf32>,
        %gather3A_332 = tpu.vector_load_idx %arg26[%add3A_310, %and3A_330] : memref<128x64xf32, #tpu.memory_space<vmem>>[vector<16xi32>, vector<16xi32>], vector<16xf32>,
        %gather3A_333 = tpu.vector_load_idx %arg27[%add3A_310, %and3A_330] : memref<128x64xf32, #tpu.memory_space<vmem>>[vector<16xi32>, vector<16xi32>], vector<16xf32>,
        %sub3A_334 = arith.subf %gather3A, %gather3A_331 : vector<16xf32>
        %sub3A_335 = arith.subf %gather3A, %gather3A_332 : vector<16xf32>
        %sub3A_336 = arith.subf %gather3A, %gather3A_333 : vector<16xf32>
        %mul3A_337 = arith.mulf %sub3A_334, %sub3A_334 : vector<16xf32>
        %add3A_338 = arith.addf %scan3A_324, %mul3A_337 : vector<16xf32>
        %mul3A_339 = arith.mulf %sub3A_335, %sub3A_335 : vector<16xf32>
        %add3A_340 = arith.addf %scan3A_325, %mul3A_339 : vector<16xf32>
        %mul3A_341 = arith.mulf %sub3A_336, %sub3A_336 : vector<16xf32>
        %add3A_342 = arith.addf %scan3A_326, %mul3A_341 : vector<16xf32>
        %add3A_343 = arith.constant 1 : i32
        %add3A_344 = vector.broadcast %add3A_343 : i32 to vector<16xi32>
        %add3A_345 = arith.addi %scan3A_327, %add3A_344 : vector<16xi32>
        %add3A_346 = arith.addi %add3A_345, %iota3A : vector<16xi32>
        %and3A_347 = arith.constant 63 : i32
        %and3A_348 = vector.broadcast %and3A_347 : i32 to vector<16xi32>
        %and3A_349 = arith.andi %add3A_346, %and3A_348 : vector<16xi32>
        %gather3A_350 = tpu.vector_load_idx %arg24[%add3A_310, %and3A_349] : memref<128x64xf32, #tpu.memory_space<vmem>>[vector<16xi32>, vector<16xi32>], vector<16xf32>,
        %gather3A_351 = tpu.vector_load_idx %arg25[%add3A_310, %and3A_349] : memref<128x64xf32, #tpu.memory_space<vmem>>[vector<16xi32>, vector<16xi32>], vector<16xf32>,
        %gather3A_352 = tpu.vector_load_idx %arg26[%add3A_310, %and3A_349] : memref<128x64xf32, #tpu.memory_space<vmem>>[vector<16xi32>, vector<16xi32>], vector<16xf32>,
        %gather3A_353 = tpu.vector_load_idx %arg27[%add3A_310, %and3A_349] : memref<128x64xf32, #tpu.memory_space<vmem>>[vector<16xi32>, vector<16xi32>], vector<16xf32>,
        %sub3A_354 = arith.subf %gather3A_350, %gather3A_351 : vector<16xf32>
        %sub3A_355 = arith.subf %gather3A_350, %gather3A_352 : vector<16xf32>
        %sub3A_356 = arith.subf %gather3A_350, %gather3A_353 : vector<16xf32>
        %mul3A_357 = arith.mulf %sub3A_354, %sub3A_354 : vector<16xf32>
        %add3A_358 = arith.addf %add3A_338, %mul3A_357 : vector<16xf32>
        %mul3A_359 = arith.mulf %sub3A_355, %sub3A_355 : vector<16xf32>
        %add3A_360 = arith.addf %add3A_340, %mul3A_359 : vector<16xf32>
        %mul3A_361 = arith.mulf %sub3A_356, %sub3A_356 : vector<16xf32>
        %add3A_362 = arith.addf %add3A_342, %mul3A_361 : vector<16xf32>
        %add3A_363 = arith.constant 1 : i32
        %add3A_364 = vector.broadcast %add3A_363 : i32 to vector<16xi32>
        %add3A_365 = arith.addi %add3A_345, %add3A_364 : vector<16xi32>
        %add3A_366 = arith.addi %add3A_365, %iota3A : vector<16xi32>
        %and3A_367 = arith.constant 63 : i32
        %and3A_368 = vector.broadcast %and3A_367 : i32 to vector<16xi32>
        %and3A_369 = arith.andi %add3A_366, %and3A_368 : vector<16xi32>
        %gather3A_370 = tpu.vector_load_idx %arg24[%add3A_310, %and3A_369] : memref<128x64xf32, #tpu.memory_space<vmem>>[vector<16xi32>, vector<16xi32>], vector<16xf32>,
        %gather3A_371 = tpu.vector_load_idx %arg25[%add3A_310, %and3A_369] : memref<128x64xf32, #tpu.memory_space<vmem>>[vector<16xi32>, vector<16xi32>], vector<16xf32>,
        %gather3A_372 = tpu.vector_load_idx %arg26[%add3A_310, %and3A_369] : memref<128x64xf32, #tpu.memory_space<vmem>>[vector<16xi32>, vector<16xi32>], vector<16xf32>,
        %gather3A_373 = tpu.vector_load_idx %arg27[%add3A_310, %and3A_369] : memref<128x64xf32, #tpu.memory_space<vmem>>[vector<16xi32>, vector<16xi32>], vector<16xf32>,
        %sub3A_374 = arith.subf %gather3A_370, %gather3A_371 : vector<16xf32>
        %sub3A_375 = arith.subf %gather3A_370, %gather3A_372 : vector<16xf32>
        %sub3A_376 = arith.subf %gather3A_370, %gather3A_373 : vector<16xf32>
        %mul3A_377 = arith.mulf %sub3A_374, %sub3A_374 : vector<16xf32>
        %add3A_378 = arith.addf %add3A_358, %mul3A_377 : vector<16xf32>
        %mul3A_379 = arith.mulf %sub3A_375, %sub3A_375 : vector<16xf32>
        %add3A_380 = arith.addf %add3A_360, %mul3A_379 : vector<16xf32>
        %mul3A_381 = arith.mulf %sub3A_376, %sub3A_376 : vector<16xf32>
        %add3A_382 = arith.addf %add3A_362, %mul3A_381 : vector<16xf32>
        %add3A_383 = arith.constant 1 : i32
        %add3A_384 = vector.broadcast %add3A_383 : i32 to vector<16xi32>
        %add3A_385 = arith.addi %add3A_365, %add3A_384 : vector<16xi32>
        %add3A_386 = arith.addi %add3A_385, %iota3A : vector<16xi32>
        %and3A_387 = arith.constant 63 : i32
        %and3A_388 = vector.broadcast %and3A_387 : i32 to vector<16xi32>
        %and3A_389 = arith.andi %add3A_386, %and3A_388 : vector<16xi32>
        %gather3A_390 = tpu.vector_load_idx %arg24[%add3A_310, %and3A_389] : memref<128x64xf32, #tpu.memory_space<vmem>>[vector<16xi32>, vector<16xi32>], vector<16xf32>,
        %gather3A_391 = tpu.vector_load_idx %arg25[%add3A_310, %and3A_389] : memref<128x64xf32, #tpu.memory_space<vmem>>[vector<16xi32>, vector<16xi32>], vector<16xf32>,
        %gather3A_392 = tpu.vector_load_idx %arg26[%add3A_310, %and3A_389] : memref<128x64xf32, #tpu.memory_space<vmem>>[vector<16xi32>, vector<16xi32>], vector<16xf32>,
        %gather3A_393 = tpu.vector_load_idx %arg27[%add3A_310, %and3A_389] : memref<128x64xf32, #tpu.memory_space<vmem>>[vector<16xi32>, vector<16xi32>], vector<16xf32>,
        %sub3A_394 = arith.subf %gather3A_390, %gather3A_391 : vector<16xf32>
        %sub3A_395 = arith.subf %gather3A_390, %gather3A_392 : vector<16xf32>
        %sub3A_396 = arith.subf %gather3A_390, %gather3A_393 : vector<16xf32>
        %mul3A_397 = arith.mulf %sub3A_394, %sub3A_394 : vector<16xf32>
        %add3A_398 = arith.addf %add3A_378, %mul3A_397 : vector<16xf32>
        %mul3A_399 = arith.mulf %sub3A_395, %sub3A_395 : vector<16xf32>
        %add3A_400 = arith.addf %add3A_380, %mul3A_399 : vector<16xf32>
        %mul3A_401 = arith.mulf %sub3A_396, %sub3A_396 : vector<16xf32>
        %add3A_402 = arith.addf %add3A_382, %mul3A_401 : vector<16xf32>
        %add3A_403 = arith.constant 1 : i32
        %add3A_404 = vector.broadcast %add3A_403 : i32 to vector<16xi32>
        %add3A_405 = arith.addi %add3A_385, %add3A_404 : vector<16xi32>
        %add3A_406 = arith.addi %add3A_405, %iota3A : vector<16xi32>
        %and3A_407 = arith.constant 63 : i32
        %and3A_408 = vector.broadcast %and3A_407 : i32 to vector<16xi32>
        %and3A_409 = arith.andi %add3A_406, %and3A_408 : vector<16xi32>
        %gather3A_410 = tpu.vector_load_idx %arg24[%add3A_310, %and3A_409] : memref<128x64xf32, #tpu.memory_space<vmem>>[vector<16xi32>, vector<16xi32>], vector<16xf32>,
        %gather3A_411 = tpu.vector_load_idx %arg25[%add3A_310, %and3A_409] : memref<128x64xf32, #tpu.memory_space<vmem>>[vector<16xi32>, vector<16xi32>], vector<16xf32>,
        %gather3A_412 = tpu.vector_load_idx %arg26[%add3A_310, %and3A_409] : memref<128x64xf32, #tpu.memory_space<vmem>>[vector<16xi32>, vector<16xi32>], vector<16xf32>,
        %gather3A_413 = tpu.vector_load_idx %arg27[%add3A_310, %and3A_409] : memref<128x64xf32, #tpu.memory_space<vmem>>[vector<16xi32>, vector<16xi32>], vector<16xf32>,
        %sub3A_414 = arith.subf %gather3A_410, %gather3A_411 : vector<16xf32>
        %sub3A_415 = arith.subf %gather3A_410, %gather3A_412 : vector<16xf32>
        %sub3A_416 = arith.subf %gather3A_410, %gather3A_413 : vector<16xf32>
        %mul3A_417 = arith.mulf %sub3A_414, %sub3A_414 : vector<16xf32>
        %add3A_418 = arith.addf %add3A_398, %mul3A_417 : vector<16xf32>
        %mul3A_419 = arith.mulf %sub3A_415, %sub3A_415 : vector<16xf32>
        %add3A_420 = arith.addf %add3A_400, %mul3A_419 : vector<16xf32>
        %mul3A_421 = arith.mulf %sub3A_416, %sub3A_416 : vector<16xf32>
        %add3A_422 = arith.addf %add3A_402, %mul3A_421 : vector<16xf32>
        %add3A_423 = arith.constant 1 : i32
        %add3A_424 = vector.broadcast %add3A_423 : i32 to vector<16xi32>
        %add3A_425 = arith.addi %add3A_405, %add3A_424 : vector<16xi32>
        %add3A_426 = arith.addi %add3A_425, %iota3A : vector<16xi32>
        %and3A_427 = arith.constant 63 : i32
        %and3A_428 = vector.broadcast %and3A_427 : i32 to vector<16xi32>
        %and3A_429 = arith.andi %add3A_426, %and3A_428 : vector<16xi32>
        %gather3A_430 = tpu.vector_load_idx %arg24[%add3A_310, %and3A_429] : memref<128x64xf32, #tpu.memory_space<vmem>>[vector<16xi32>, vector<16xi32>], vector<16xf32>,
        %gather3A_431 = tpu.vector_load_idx %arg25[%add3A_310, %and3A_429] : memref<128x64xf32, #tpu.memory_space<vmem>>[vector<16xi32>, vector<16xi32>], vector<16xf32>,
        %gather3A_432 = tpu.vector_load_idx %arg26[%add3A_310, %and3A_429] : memref<128x64xf32, #tpu.memory_space<vmem>>[vector<16xi32>, vector<16xi32>], vector<16xf32>,
        %gather3A_433 = tpu.vector_load_idx %arg27[%add3A_310, %and3A_429] : memref<128x64xf32, #tpu.memory_space<vmem>>[vector<16xi32>, vector<16xi32>], vector<16xf32>,
        %sub3A_434 = arith.subf %gather3A_430, %gather3A_431 : vector<16xf32>
        %sub3A_435 = arith.subf %gather3A_430, %gather3A_432 : vector<16xf32>
        %sub3A_436 = arith.subf %gather3A_430, %gather3A_433 : vector<16xf32>
        %mul3A_437 = arith.mulf %sub3A_434, %sub3A_434 : vector<16xf32>
        %add3A_438 = arith.addf %add3A_418, %mul3A_437 : vector<16xf32>
        %mul3A_439 = arith.mulf %sub3A_435, %sub3A_435 : vector<16xf32>
        %add3A_440 = arith.addf %add3A_420, %mul3A_439 : vector<16xf32>
        %mul3A_441 = arith.mulf %sub3A_436, %sub3A_436 : vector<16xf32>
        %add3A_442 = arith.addf %add3A_422, %mul3A_441 : vector<16xf32>
        %add3A_443 = arith.constant 1 : i32
        %add3A_444 = vector.broadcast %add3A_443 : i32 to vector<16xi32>
        %add3A_445 = arith.addi %add3A_425, %add3A_444 : vector<16xi32>
        %add3A_446 = arith.addi %add3A_445, %iota3A : vector<16xi32>
        %and3A_447 = arith.constant 63 : i32
        %and3A_448 = vector.broadcast %and3A_447 : i32 to vector<16xi32>
        %and3A_449 = arith.andi %add3A_446, %and3A_448 : vector<16xi32>
        %gather3A_450 = tpu.vector_load_idx %arg24[%add3A_310, %and3A_449] : memref<128x64xf32, #tpu.memory_space<vmem>>[vector<16xi32>, vector<16xi32>], vector<16xf32>,
        %gather3A_451 = tpu.vector_load_idx %arg25[%add3A_310, %and3A_449] : memref<128x64xf32, #tpu.memory_space<vmem>>[vector<16xi32>, vector<16xi32>], vector<16xf32>,
        %gather3A_452 = tpu.vector_load_idx %arg26[%add3A_310, %and3A_449] : memref<128x64xf32, #tpu.memory_space<vmem>>[vector<16xi32>, vector<16xi32>], vector<16xf32>,
        %gather3A_453 = tpu.vector_load_idx %arg27[%add3A_310, %and3A_449] : memref<128x64xf32, #tpu.memory_space<vmem>>[vector<16xi32>, vector<16xi32>], vector<16xf32>,
        %sub3A_454 = arith.subf %gather3A_450, %gather3A_451 : vector<16xf32>
        %sub3A_455 = arith.subf %gather3A_450, %gather3A_452 : vector<16xf32>
        %sub3A_456 = arith.subf %gather3A_450, %gather3A_453 : vector<16xf32>
        %mul3A_457 = arith.mulf %sub3A_454, %sub3A_454 : vector<16xf32>
        %add3A_458 = arith.addf %add3A_438, %mul3A_457 : vector<16xf32>
        %mul3A_459 = arith.mulf %sub3A_455, %sub3A_455 : vector<16xf32>
        %add3A_460 = arith.addf %add3A_440, %mul3A_459 : vector<16xf32>
        %mul3A_461 = arith.mulf %sub3A_456, %sub3A_456 : vector<16xf32>
        %add3A_462 = arith.addf %add3A_442, %mul3A_461 : vector<16xf32>
        %add3A_463 = arith.constant 1 : i32
        %add3A_464 = vector.broadcast %add3A_463 : i32 to vector<16xi32>
        %add3A_465 = arith.addi %add3A_445, %add3A_464 : vector<16xi32>
        %add3A_466 = arith.addi %add3A_465, %iota3A : vector<16xi32>
        %and3A_467 = arith.constant 63 : i32
        %and3A_468 = vector.broadcast %and3A_467 : i32 to vector<16xi32>
        %and3A_469 = arith.andi %add3A_466, %and3A_468 : vector<16xi32>
        %gather3A_470 = tpu.vector_load_idx %arg24[%add3A_310, %and3A_469] : memref<128x64xf32, #tpu.memory_space<vmem>>[vector<16xi32>, vector<16xi32>], vector<16xf32>,
        %gather3A_471 = tpu.vector_load_idx %arg25[%add3A_310, %and3A_469] : memref<128x64xf32, #tpu.memory_space<vmem>>[vector<16xi32>, vector<16xi32>], vector<16xf32>,
        %gather3A_472 = tpu.vector_load_idx %arg26[%add3A_310, %and3A_469] : memref<128x64xf32, #tpu.memory_space<vmem>>[vector<16xi32>, vector<16xi32>], vector<16xf32>,
        %gather3A_473 = tpu.vector_load_idx %arg27[%add3A_310, %and3A_469] : memref<128x64xf32, #tpu.memory_space<vmem>>[vector<16xi32>, vector<16xi32>], vector<16xf32>,
        %sub3A_474 = arith.subf %gather3A_470, %gather3A_471 : vector<16xf32>
        %sub3A_475 = arith.subf %gather3A_470, %gather3A_472 : vector<16xf32>
        %sub3A_476 = arith.subf %gather3A_470, %gather3A_473 : vector<16xf32>
        %mul3A_477 = arith.mulf %sub3A_474, %sub3A_474 : vector<16xf32>
        %add3A_478 = arith.addf %add3A_458, %mul3A_477 : vector<16xf32>
        %mul3A_479 = arith.mulf %sub3A_475, %sub3A_475 : vector<16xf32>
        %add3A_480 = arith.addf %add3A_460, %mul3A_479 : vector<16xf32>
        %mul3A_481 = arith.mulf %sub3A_476, %sub3A_476 : vector<16xf32>
        %add3A_482 = arith.addf %add3A_462, %mul3A_481 : vector<16xf32>
        %add3A_483 = arith.constant 1 : i32
        %add3A_484 = vector.broadcast %add3A_483 : i32 to vector<16xi32>
        %add3A_485 = arith.addi %add3A_465, %add3A_484 : vector<16xi32>
        scf.yield %add3A_478, %add3A_480, %add3A_482, %add3A_485 : vector<16xf32>, vector<16xf32>, vector<16xf32>, vector<16xi32>
      }
      %scan3A_318 = arith.constant 8 : i32
      %sub3A = arith.subf %scan3A_317#0, %scan3A_317#1 : vector<16xf32>
      %swap3A = arith.index_cast %mul3A_308 : i32 to index
      %swap3A_319 = tpu.vector_load %arg29[%swap3A] {strides = array<i32>} : memref<128xf32, #tpu.memory_space<vmem>>, vector<16xf32>,
      tpu.vector_store %arg29[%swap3A], %sub3A {strides = array<i32>} : memref<128xf32, #tpu.memory_space<vmem>>, vector<16xf32>,
      %sub3A_320 = arith.subf %scan3A_317#1, %scan3A_317#2 : vector<16xf32>
      %swap3A_321 = arith.index_cast %mul3A_308 : i32 to index
      %swap3A_322 = tpu.vector_load %arg30[%swap3A_321] {strides = array<i32>} : memref<128xf32, #tpu.memory_space<vmem>>, vector<16xf32>,
      tpu.vector_store %arg30[%swap3A_321], %sub3A_320 {strides = array<i32>} : memref<128xf32, #tpu.memory_space<vmem>>, vector<16xf32>,
    }
    %scan3A_257 = arith.constant 8 : i32
    %add3A_258 = arith.constant 128 : i32
    %add3A_259 = arith.addi %mul3A_2, %add3A_258 : i32
    %dma_start3A_260 = tpu.memref_slice %arg5[%add3A_259] : memref<65536xf32, #tpu.memory_space<hbm>> -> memref<128xf32, #tpu.memory_space<hbm>>
    %dma_start3A_261 = tpu.memref_slice %arg5[%add3A_259] : memref<65536xf32, #tpu.memory_space<hbm>> -> memref<128xf32, #tpu.memory_space<hbm>>
    tpu.enqueue_dma source(%arg29 : memref<128xf32, #tpu.memory_space<vmem>>) target(%dma_start3A_261 : memref<128xf32, #tpu.memory_space<hbm>>) target_semaphore(%arg35 : memref<!tpu.dma_semaphore, #tpu.memory_space<semaphore_mem>>)
    %dma_start3A_262 = tpu.memref_slice %arg6[%add3A_259] : memref<65536xf32, #tpu.memory_space<hbm>> -> memref<128xf32, #tpu.memory_space<hbm>>
    %dma_start3A_263 = tpu.memref_slice %arg6[%add3A_259] : memref<65536xf32, #tpu.memory_space<hbm>> -> memref<128xf32, #tpu.memory_space<hbm>>
    tpu.enqueue_dma source(%arg30 : memref<128xf32, #tpu.memory_space<vmem>>) target(%dma_start3A_263 : memref<128xf32, #tpu.memory_space<hbm>>) target_semaphore(%arg35 : memref<!tpu.dma_semaphore, #tpu.memory_space<semaphore_mem>>)
    %mul3A_264 = arith.constant 4 : i32
    %mul3A_265 = arith.muli %mul3A_264, %add3A_259 : i32
    %dma_start3A_266 = tpu.memref_slice %arg7[%mul3A_265] : memref<262144xi32, #tpu.memory_space<hbm>> -> memref<512xi32, #tpu.memory_space<hbm>>
    %dma_start3A_267 = tpu.memref_slice %arg7[%mul3A_265] : memref<262144xi32, #tpu.memory_space<hbm>> -> memref<512xi32, #tpu.memory_space<hbm>>
    tpu.enqueue_dma source(%arg28 : memref<512xi32, #tpu.memory_space<vmem>>) target(%dma_start3A_267 : memref<512xi32, #tpu.memory_space<hbm>>) target_semaphore(%arg35 : memref<!tpu.dma_semaphore, #tpu.memory_space<semaphore_mem>>)
    %scan3A_268 = arith.constant 0 : i32
    %scan3A_269 = arith.constant 1 : i32
    %scan3A_270 = arith.constant 7 : i32
    %scan3A_271 = arith.addi %scan3A_269, %scan3A_270 : i32
    %scan3A_272 = arith.constant 1 : i32
    scf.for %scan3A_306 = %scan3A_269 to %scan3A_271 step %scan3A_272  : i32 {
      %mul3A_307 = arith.constant 2 : i32
      %mul3A_308 = arith.muli %mul3A_307, %scan3A_306 : i32
      %add3A_309 = arith.constant 1 : i32
      %add3A_310 = arith.addi %mul3A_308, %add3A_309 : i32
      %add3A_311 = arith.constant 2 : i32
      %add3A_312 = arith.addi %mul3A_308, %add3A_311 : i32
      %min3A_313 = arith.constant 14 : i32
      %min3A_314 = arith.minsi %add3A_312, %min3A_313 : i32
      %mul3A_315 = arith.constant 128 : i32
      %mul3A_316 = arith.muli %add3A_310, %mul3A_315 : i32
      %add3A_317 = arith.addi %mul3A_2, %mul3A_316 : i32
      %dma_start3A_318 = arith.constant 0 : i32
      %dma_start3A_319 = tpu.memref_slice %arg3[%dma_start3A_318, %add3A_317] : memref<4x65536xi32, #tpu.memory_space<hbm>> -> memref<1x128xi32, #tpu.memory_space<hbm>>
      %dma_start3A_320 = tpu.memref_squeeze %dma_start3A_319 : memref<1x128xi32, #tpu.memory_space<hbm>> -> memref<128xi32, #tpu.memory_space<hbm>>
      %dma_start3A_321 = tpu.memref_slice %arg3[%dma_start3A_318, %add3A_317] : memref<4x65536xi32, #tpu.memory_space<hbm>> -> memref<1x128xi32, #tpu.memory_space<hbm>>
      %dma_start3A_322 = tpu.memref_squeeze %dma_start3A_321 : memref<1x128xi32, #tpu.memory_space<hbm>> -> memref<128xi32, #tpu.memory_space<hbm>>
      tpu.enqueue_dma source(%dma_start3A_322 : memref<128xi32, #tpu.memory_space<hbm>>) target(%arg20 : memref<128xi32, #tpu.memory_space<vmem>>) target_semaphore(%arg31 : memref<!tpu.dma_semaphore, #tpu.memory_space<semaphore_mem>>)
      %dma_start3A_323 = arith.constant 1 : i32
      %dma_start3A_324 = tpu.memref_slice %arg3[%dma_start3A_323, %add3A_317] : memref<4x65536xi32, #tpu.memory_space<hbm>> -> memref<1x128xi32, #tpu.memory_space<hbm>>
      %dma_start3A_325 = tpu.memref_squeeze %dma_start3A_324 : memref<1x128xi32, #tpu.memory_space<hbm>> -> memref<128xi32, #tpu.memory_space<hbm>>
      %dma_start3A_326 = tpu.memref_slice %arg3[%dma_start3A_323, %add3A_317] : memref<4x65536xi32, #tpu.memory_space<hbm>> -> memref<1x128xi32, #tpu.memory_space<hbm>>
      %dma_start3A_327 = tpu.memref_squeeze %dma_start3A_326 : memref<1x128xi32, #tpu.memory_space<hbm>> -> memref<128xi32, #tpu.memory_space<hbm>>
      tpu.enqueue_dma source(%dma_start3A_327 : memref<128xi32, #tpu.memory_space<hbm>>) target(%arg21 : memref<128xi32, #tpu.memory_space<vmem>>) target_semaphore(%arg31 : memref<!tpu.dma_semaphore, #tpu.memory_space<semaphore_mem>>)
      %dma_start3A_328 = arith.constant 2 : i32
      %dma_start3A_329 = tpu.memref_slice %arg3[%dma_start3A_328, %add3A_317] : memref<4x65536xi32, #tpu.memory_space<hbm>> -> memref<1x128xi32, #tpu.memory_space<hbm>>
      %dma_start3A_330 = tpu.memref_squeeze %dma_start3A_329 : memref<1x128xi32, #tpu.memory_space<hbm>> -> memref<128xi32, #tpu.memory_space<hbm>>
      %dma_start3A_331 = tpu.memref_slice %arg3[%dma_start3A_328, %add3A_317] : memref<4x65536xi32, #tpu.memory_space<hbm>> -> memref<1x128xi32, #tpu.memory_space<hbm>>
      %dma_start3A_332 = tpu.memref_squeeze %dma_start3A_331 : memref<1x128xi32, #tpu.memory_space<hbm>> -> memref<128xi32, #tpu.memory_space<hbm>>
      tpu.enqueue_dma source(%dma_start3A_332 : memref<128xi32, #tpu.memory_space<hbm>>) target(%arg22 : memref<128xi32, #tpu.memory_space<vmem>>) target_semaphore(%arg31 : memref<!tpu.dma_semaphore, #tpu.memory_space<semaphore_mem>>)
      %dma_start3A_333 = arith.constant 3 : i32
      %dma_start3A_334 = tpu.memref_slice %arg3[%dma_start3A_333, %add3A_317] : memref<4x65536xi32, #tpu.memory_space<hbm>> -> memref<1x128xi32, #tpu.memory_space<hbm>>
      %dma_start3A_335 = tpu.memref_squeeze %dma_start3A_334 : memref<1x128xi32, #tpu.memory_space<hbm>> -> memref<128xi32, #tpu.memory_space<hbm>>
      %dma_start3A_336 = tpu.memref_slice %arg3[%dma_start3A_333, %add3A_317] : memref<4x65536xi32, #tpu.memory_space<hbm>> -> memref<1x128xi32, #tpu.memory_space<hbm>>
      %dma_start3A_337 = tpu.memref_squeeze %dma_start3A_336 : memref<1x128xi32, #tpu.memory_space<hbm>> -> memref<128xi32, #tpu.memory_space<hbm>>
      tpu.enqueue_dma source(%dma_start3A_337 : memref<128xi32, #tpu.memory_space<hbm>>) target(%arg23 : memref<128xi32, #tpu.memory_space<vmem>>) target_semaphore(%arg31 : memref<!tpu.dma_semaphore, #tpu.memory_space<semaphore_mem>>)
      %dma_wait3A_338 = arith.constant 0 : i32
      %dma_wait3A_339 = arith.constant 0 : i32
      %dma_wait3A_340 = tpu.memref_slice %arg3[%dma_wait3A_338, %dma_wait3A_339] : memref<4x65536xi32, #tpu.memory_space<hbm>> -> memref<1x128xi32, #tpu.memory_space<hbm>>
      %dma_wait3A_341 = tpu.memref_squeeze %dma_wait3A_340 : memref<1x128xi32, #tpu.memory_space<hbm>> -> memref<128xi32, #tpu.memory_space<hbm>>
      %dma_wait3A_342 = arith.constant 0 : i32
      %dma_wait3A_343 = tpu.memref_slice %arg3[%dma_wait3A_338, %dma_wait3A_342] : memref<4x65536xi32, #tpu.memory_space<hbm>> -> memref<1x128xi32, #tpu.memory_space<hbm>>
      %dma_wait3A_344 = tpu.memref_squeeze %dma_wait3A_343 : memref<1x128xi32, #tpu.memory_space<hbm>> -> memref<128xi32, #tpu.memory_space<hbm>>
      tpu.wait_dma2 semaphore(%arg31 : memref<!tpu.dma_semaphore, #tpu.memory_space<semaphore_mem>>) src(%dma_wait3A_344 : memref<128xi32, #tpu.memory_space<hbm>>) dst(%arg20 : memref<128xi32, #tpu.memory_space<vmem>>)
      %dma_wait3A_345 = arith.constant 1 : i32
      %dma_wait3A_346 = arith.constant 0 : i32
      %dma_wait3A_347 = tpu.memref_slice %arg3[%dma_wait3A_345, %dma_wait3A_346] : memref<4x65536xi32, #tpu.memory_space<hbm>> -> memref<1x128xi32, #tpu.memory_space<hbm>>
      %dma_wait3A_348 = tpu.memref_squeeze %dma_wait3A_347 : memref<1x128xi32, #tpu.memory_space<hbm>> -> memref<128xi32, #tpu.memory_space<hbm>>
      %dma_wait3A_349 = arith.constant 0 : i32
      %dma_wait3A_350 = tpu.memref_slice %arg3[%dma_wait3A_345, %dma_wait3A_349] : memref<4x65536xi32, #tpu.memory_space<hbm>> -> memref<1x128xi32, #tpu.memory_space<hbm>>
      %dma_wait3A_351 = tpu.memref_squeeze %dma_wait3A_350 : memref<1x128xi32, #tpu.memory_space<hbm>> -> memref<128xi32, #tpu.memory_space<hbm>>
      tpu.wait_dma2 semaphore(%arg31 : memref<!tpu.dma_semaphore, #tpu.memory_space<semaphore_mem>>) src(%dma_wait3A_351 : memref<128xi32, #tpu.memory_space<hbm>>) dst(%arg21 : memref<128xi32, #tpu.memory_space<vmem>>)
      %dma_wait3A_352 = arith.constant 2 : i32
      %dma_wait3A_353 = arith.constant 0 : i32
      %dma_wait3A_354 = tpu.memref_slice %arg3[%dma_wait3A_352, %dma_wait3A_353] : memref<4x65536xi32, #tpu.memory_space<hbm>> -> memref<1x128xi32, #tpu.memory_space<hbm>>
      %dma_wait3A_355 = tpu.memref_squeeze %dma_wait3A_354 : memref<1x128xi32, #tpu.memory_space<hbm>> -> memref<128xi32, #tpu.memory_space<hbm>>
      %dma_wait3A_356 = arith.constant 0 : i32
      %dma_wait3A_357 = tpu.memref_slice %arg3[%dma_wait3A_352, %dma_wait3A_356] : memref<4x65536xi32, #tpu.memory_space<hbm>> -> memref<1x128xi32, #tpu.memory_space<hbm>>
      %dma_wait3A_358 = tpu.memref_squeeze %dma_wait3A_357 : memref<1x128xi32, #tpu.memory_space<hbm>> -> memref<128xi32, #tpu.memory_space<hbm>>
      tpu.wait_dma2 semaphore(%arg31 : memref<!tpu.dma_semaphore, #tpu.memory_space<semaphore_mem>>) src(%dma_wait3A_358 : memref<128xi32, #tpu.memory_space<hbm>>) dst(%arg22 : memref<128xi32, #tpu.memory_space<vmem>>)
      %dma_wait3A_359 = arith.constant 3 : i32
      %dma_wait3A_360 = arith.constant 0 : i32
      %dma_wait3A_361 = tpu.memref_slice %arg3[%dma_wait3A_359, %dma_wait3A_360] : memref<4x65536xi32, #tpu.memory_space<hbm>> -> memref<1x128xi32, #tpu.memory_space<hbm>>
      %dma_wait3A_362 = tpu.memref_squeeze %dma_wait3A_361 : memref<1x128xi32, #tpu.memory_space<hbm>> -> memref<128xi32, #tpu.memory_space<hbm>>
      %dma_wait3A_363 = arith.constant 0 : i32
      %dma_wait3A_364 = tpu.memref_slice %arg3[%dma_wait3A_359, %dma_wait3A_363] : memref<4x65536xi32, #tpu.memory_space<hbm>> -> memref<1x128xi32, #tpu.memory_space<hbm>>
      %dma_wait3A_365 = tpu.memref_squeeze %dma_wait3A_364 : memref<1x128xi32, #tpu.memory_space<hbm>> -> memref<128xi32, #tpu.memory_space<hbm>>
      tpu.wait_dma2 semaphore(%arg31 : memref<!tpu.dma_semaphore, #tpu.memory_space<semaphore_mem>>) src(%dma_wait3A_365 : memref<128xi32, #tpu.memory_space<hbm>>) dst(%arg23 : memref<128xi32, #tpu.memory_space<vmem>>)
      %dma_wait3A_366 = arith.constant 0 : i32
      %dma_wait3A_367 = tpu.memref_slice %arg7[%dma_wait3A_366] : memref<262144xi32, #tpu.memory_space<hbm>> -> memref<512xi32, #tpu.memory_space<hbm>>
      %dma_wait3A_368 = arith.constant 0 : i32
      %dma_wait3A_369 = tpu.memref_slice %arg7[%dma_wait3A_368] : memref<262144xi32, #tpu.memory_space<hbm>> -> memref<512xi32, #tpu.memory_space<hbm>>
      tpu.wait_dma2 semaphore(%arg35 : memref<!tpu.dma_semaphore, #tpu.memory_space<semaphore_mem>>) src(%arg28 : memref<512xi32, #tpu.memory_space<vmem>>) dst(%dma_wait3A_369 : memref<512xi32, #tpu.memory_space<hbm>>)
      %scan3A_370 = arith.constant 0 : i32
      %scan3A_371 = arith.constant 0 : i32
      %scan3A_372 = arith.constant 8 : i32
      %scan3A_373 = arith.addi %scan3A_371, %scan3A_372 : i32
      %scan3A_374 = arith.constant 1 : i32
      scf.for %scan3A_535 = %scan3A_371 to %scan3A_373 step %scan3A_374  : i32 {
        %mul3A_536 = arith.constant 16 : i32
        %mul3A_537 = arith.muli %scan3A_535, %mul3A_536 : i32
        %get3A = arith.index_cast %mul3A_537 : i32 to index
        %get3A_538 = tpu.vector_load %arg20[%get3A] {strides = array<i32>} : memref<128xi32, #tpu.memory_space<vmem>>, vector<16xi32>,
        %get3A_539 = arith.index_cast %mul3A_537 : i32 to index
        %get3A_540 = tpu.vector_load %arg22[%get3A_539] {strides = array<i32>} : memref<128xi32, #tpu.memory_space<vmem>>, vector<16xi32>,
        %get3A_541 = arith.index_cast %mul3A_537 : i32 to index
        %get3A_542 = tpu.vector_load %arg23[%get3A_541] {strides = array<i32>} : memref<128xi32, #tpu.memory_space<vmem>>, vector<16xi32>,
        %gather3A = tpu.vector_load_idx %arg8[%get3A_538] : memref<16384xi32, #tpu.memory_space<vmem>>[vector<16xi32>], vector<16xi32>,
        %gather3A_543 = tpu.vector_load_idx %arg8[%get3A_540] : memref<16384xi32, #tpu.memory_space<vmem>>[vector<16xi32>], vector<16xi32>,
        %gather3A_544 = tpu.vector_load_idx %arg8[%get3A_542] : memref<16384xi32, #tpu.memory_space<vmem>>[vector<16xi32>], vector<16xi32>,
        %mul3A_545 = arith.constant 16384 : i32
        %mul3A_546 = vector.broadcast %mul3A_545 : i32 to vector<16xi32>
        %mul3A_547 = arith.muli %gather3A_543, %mul3A_546 : vector<16xi32>
        %add3A_548 = arith.addi %mul3A_547, %get3A_538 : vector<16xi32>
        %swap3A = arith.index_cast %mul3A_537 : i32 to index
        %swap3A_549 = tpu.vector_load %arg28[%swap3A] {strides = array<i32>} : memref<512xi32, #tpu.memory_space<vmem>>, vector<16xi32>,
        tpu.vector_store %arg28[%swap3A], %add3A_548 {strides = array<i32>} : memref<512xi32, #tpu.memory_space<vmem>>, vector<16xi32>,
        %mul3A_550 = arith.constant 16384 : i32
        %mul3A_551 = vector.broadcast %mul3A_550 : i32 to vector<16xi32>
        %mul3A_552 = arith.muli %gather3A, %mul3A_551 : vector<16xi32>
        %add3A_553 = arith.addi %mul3A_552, %get3A_540 : vector<16xi32>
        %add3A_554 = arith.constant 128 : i32
        %add3A_555 = arith.addi %add3A_554, %mul3A_537 : i32
        %swap3A_556 = arith.index_cast %add3A_555 : i32 to index
        %swap3A_557 = tpu.vector_load %arg28[%swap3A_556] {strides = array<i32>} : memref<512xi32, #tpu.memory_space<vmem>>, vector<16xi32>,
        tpu.vector_store %arg28[%swap3A_556], %add3A_553 {strides = array<i32>} : memref<512xi32, #tpu.memory_space<vmem>>, vector<16xi32>,
        %mul3A_558 = arith.constant 16384 : i32
        %mul3A_559 = vector.broadcast %mul3A_558 : i32 to vector<16xi32>
        %mul3A_560 = arith.muli %gather3A_544, %mul3A_559 : vector<16xi32>
        %add3A_561 = arith.addi %mul3A_560, %get3A_538 : vector<16xi32>
        %add3A_562 = arith.constant 256 : i32
        %add3A_563 = arith.addi %add3A_562, %mul3A_537 : i32
        %swap3A_564 = arith.index_cast %add3A_563 : i32 to index
        %swap3A_565 = tpu.vector_load %arg28[%swap3A_564] {strides = array<i32>} : memref<512xi32, #tpu.memory_space<vmem>>, vector<16xi32>,
        tpu.vector_store %arg28[%swap3A_564], %add3A_561 {strides = array<i32>} : memref<512xi32, #tpu.memory_space<vmem>>, vector<16xi32>,
        %mul3A_566 = arith.constant 16384 : i32
        %mul3A_567 = vector.broadcast %mul3A_566 : i32 to vector<16xi32>
        %mul3A_568 = arith.muli %gather3A, %mul3A_567 : vector<16xi32>
        %add3A_569 = arith.addi %mul3A_568, %get3A_542 : vector<16xi32>
        %add3A_570 = arith.constant 384 : i32
        %add3A_571 = arith.addi %add3A_570, %mul3A_537 : i32
        %swap3A_572 = arith.index_cast %add3A_571 : i32 to index
        %swap3A_573 = tpu.vector_load %arg28[%swap3A_572] {strides = array<i32>} : memref<512xi32, #tpu.memory_space<vmem>>, vector<16xi32>,
        tpu.vector_store %arg28[%swap3A_572], %add3A_569 {strides = array<i32>} : memref<512xi32, #tpu.memory_space<vmem>>, vector<16xi32>,
      }
      %scan3A_375 = arith.constant 8 : i32
      %dma_start3A_376 = arith.constant 0 : i32
      %dma_start3A_377 = arith.constant 0 : i32
      %dma_start3A_378 = tpu.memref_slice %arg2[%dma_start3A_376, %dma_start3A_377] : memref<16384x64xf32, #tpu.memory_space<hbm>> -> memref<16384x64xf32, #tpu.memory_space<hbm>>
      tpu.enqueue_indirect_dma source(%dma_start3A_378 : memref<16384x64xf32, #tpu.memory_space<hbm>>) target(%arg24 : memref<128x64xf32, #tpu.memory_space<vmem>>) offsets(%arg20 : memref<128xi32, #tpu.memory_space<vmem>>) semaphore(%arg33 : memref<!tpu.dma_semaphore, #tpu.memory_space<semaphore_mem>>)
      %dma_start3A_379 = arith.constant 0 : i32
      %dma_start3A_380 = arith.constant 0 : i32
      %dma_start3A_381 = tpu.memref_slice %arg2[%dma_start3A_379, %dma_start3A_380] : memref<16384x64xf32, #tpu.memory_space<hbm>> -> memref<16384x64xf32, #tpu.memory_space<hbm>>
      tpu.enqueue_indirect_dma source(%dma_start3A_381 : memref<16384x64xf32, #tpu.memory_space<hbm>>) target(%arg25 : memref<128x64xf32, #tpu.memory_space<vmem>>) offsets(%arg21 : memref<128xi32, #tpu.memory_space<vmem>>) semaphore(%arg33 : memref<!tpu.dma_semaphore, #tpu.memory_space<semaphore_mem>>)
      %dma_start3A_382 = arith.constant 0 : i32
      %dma_start3A_383 = arith.constant 0 : i32
      %dma_start3A_384 = tpu.memref_slice %arg2[%dma_start3A_382, %dma_start3A_383] : memref<16384x64xf32, #tpu.memory_space<hbm>> -> memref<16384x64xf32, #tpu.memory_space<hbm>>
      tpu.enqueue_indirect_dma source(%dma_start3A_384 : memref<16384x64xf32, #tpu.memory_space<hbm>>) target(%arg26 : memref<128x64xf32, #tpu.memory_space<vmem>>) offsets(%arg22 : memref<128xi32, #tpu.memory_space<vmem>>) semaphore(%arg33 : memref<!tpu.dma_semaphore, #tpu.memory_space<semaphore_mem>>)
      %dma_start3A_385 = arith.constant 0 : i32
      %dma_start3A_386 = arith.constant 0 : i32
      %dma_start3A_387 = tpu.memref_slice %arg2[%dma_start3A_385, %dma_start3A_386] : memref<16384x64xf32, #tpu.memory_space<hbm>> -> memref<16384x64xf32, #tpu.memory_space<hbm>>
      tpu.enqueue_indirect_dma source(%dma_start3A_387 : memref<16384x64xf32, #tpu.memory_space<hbm>>) target(%arg27 : memref<128x64xf32, #tpu.memory_space<vmem>>) offsets(%arg23 : memref<128xi32, #tpu.memory_space<vmem>>) semaphore(%arg33 : memref<!tpu.dma_semaphore, #tpu.memory_space<semaphore_mem>>)
      %dma_wait3A_388 = arith.constant 0 : i32
      %dma_wait3A_389 = arith.constant 0 : i32
      %dma_wait3A_390 = tpu.memref_slice %arg2[%dma_wait3A_388, %dma_wait3A_389] : memref<16384x64xf32, #tpu.memory_space<hbm>> -> memref<16384x64xf32, #tpu.memory_space<hbm>>
      tpu.wait_indirect_dma semaphore(%arg32 : memref<!tpu.dma_semaphore, #tpu.memory_space<semaphore_mem>>) src(%dma_wait3A_390 : memref<16384x64xf32, #tpu.memory_space<hbm>>) dst(%arg13 : memref<128x64xf32, #tpu.memory_space<vmem>>)
      %dma_wait3A_391 = arith.constant 0 : i32
      %dma_wait3A_392 = arith.constant 0 : i32
      %dma_wait3A_393 = tpu.memref_slice %arg2[%dma_wait3A_391, %dma_wait3A_392] : memref<16384x64xf32, #tpu.memory_space<hbm>> -> memref<16384x64xf32, #tpu.memory_space<hbm>>
      tpu.wait_indirect_dma semaphore(%arg32 : memref<!tpu.dma_semaphore, #tpu.memory_space<semaphore_mem>>) src(%dma_wait3A_393 : memref<16384x64xf32, #tpu.memory_space<hbm>>) dst(%arg14 : memref<128x64xf32, #tpu.memory_space<vmem>>)
      %dma_wait3A_394 = arith.constant 0 : i32
      %dma_wait3A_395 = arith.constant 0 : i32
      %dma_wait3A_396 = tpu.memref_slice %arg2[%dma_wait3A_394, %dma_wait3A_395] : memref<16384x64xf32, #tpu.memory_space<hbm>> -> memref<16384x64xf32, #tpu.memory_space<hbm>>
      tpu.wait_indirect_dma semaphore(%arg32 : memref<!tpu.dma_semaphore, #tpu.memory_space<semaphore_mem>>) src(%dma_wait3A_396 : memref<16384x64xf32, #tpu.memory_space<hbm>>) dst(%arg15 : memref<128x64xf32, #tpu.memory_space<vmem>>)
      %dma_wait3A_397 = arith.constant 0 : i32
      %dma_wait3A_398 = arith.constant 0 : i32
      %dma_wait3A_399 = tpu.memref_slice %arg2[%dma_wait3A_397, %dma_wait3A_398] : memref<16384x64xf32, #tpu.memory_space<hbm>> -> memref<16384x64xf32, #tpu.memory_space<hbm>>
      tpu.wait_indirect_dma semaphore(%arg32 : memref<!tpu.dma_semaphore, #tpu.memory_space<semaphore_mem>>) src(%dma_wait3A_399 : memref<16384x64xf32, #tpu.memory_space<hbm>>) dst(%arg16 : memref<128x64xf32, #tpu.memory_space<vmem>>)
      %dma_wait3A_400 = arith.constant 0 : i32
      %dma_wait3A_401 = tpu.memref_slice %arg5[%dma_wait3A_400] : memref<65536xf32, #tpu.memory_space<hbm>> -> memref<128xf32, #tpu.memory_space<hbm>>
      %dma_wait3A_402 = arith.constant 0 : i32
      %dma_wait3A_403 = tpu.memref_slice %arg5[%dma_wait3A_402] : memref<65536xf32, #tpu.memory_space<hbm>> -> memref<128xf32, #tpu.memory_space<hbm>>
      tpu.wait_dma2 semaphore(%arg34 : memref<!tpu.dma_semaphore, #tpu.memory_space<semaphore_mem>>) src(%arg18 : memref<128xf32, #tpu.memory_space<vmem>>) dst(%dma_wait3A_403 : memref<128xf32, #tpu.memory_space<hbm>>)
      %dma_wait3A_404 = arith.constant 0 : i32
      %dma_wait3A_405 = tpu.memref_slice %arg6[%dma_wait3A_404] : memref<65536xf32, #tpu.memory_space<hbm>> -> memref<128xf32, #tpu.memory_space<hbm>>
      %dma_wait3A_406 = arith.constant 0 : i32
      %dma_wait3A_407 = tpu.memref_slice %arg6[%dma_wait3A_406] : memref<65536xf32, #tpu.memory_space<hbm>> -> memref<128xf32, #tpu.memory_space<hbm>>
      tpu.wait_dma2 semaphore(%arg34 : memref<!tpu.dma_semaphore, #tpu.memory_space<semaphore_mem>>) src(%arg19 : memref<128xf32, #tpu.memory_space<vmem>>) dst(%dma_wait3A_407 : memref<128xf32, #tpu.memory_space<hbm>>)
      %scan3A_408 = arith.constant 0 : i32
      %scan3A_409 = arith.constant 0 : i32
      %scan3A_410 = arith.constant 8 : i32
      %scan3A_411 = arith.addi %scan3A_409, %scan3A_410 : i32
      %scan3A_412 = arith.constant 1 : i32
      scf.for %scan3A_535 = %scan3A_409 to %scan3A_411 step %scan3A_412  : i32 {
        %mul3A_536 = arith.constant 16 : i32
        %mul3A_537 = arith.muli %scan3A_535, %mul3A_536 : i32
        %add3A_538 = vector.broadcast %mul3A_537 : i32 to vector<16xi32>
        %add3A_539 = arith.addi %add3A_538, %iota3A : vector<16xi32>
        %broadcast_in_dim3A_540 = arith.constant 0 : i32
        %broadcast_in_dim3A_541 = vector.broadcast %broadcast_in_dim3A_540 : i32 to vector<16xi32>
        %scan3A_542 = arith.constant 0 : i32
        %scan3A_543 = arith.constant 8 : i32
        %scan3A_544 = arith.addi %scan3A_542, %scan3A_543 : i32
        %scan3A_545 = arith.constant 1 : i32
        %scan3A_546:4 = scf.for %scan3A_552 = %scan3A_542 to %scan3A_544 step %scan3A_545 iter_args(%scan3A_553 = %broadcast_in_dim3A_3, %scan3A_554 = %broadcast_in_dim3A_3, %scan3A_555 = %broadcast_in_dim3A_3, %scan3A_556 = %broadcast_in_dim3A_541) -> (vector<16xf32>, vector<16xf32>, vector<16xf32>, vector<16xi32>)  : i32 {
          %add3A_557 = arith.addi %scan3A_556, %iota3A : vector<16xi32>
          %and3A = arith.constant 63 : i32
          %and3A_558 = vector.broadcast %and3A : i32 to vector<16xi32>
          %and3A_559 = arith.andi %add3A_557, %and3A_558 : vector<16xi32>
          %gather3A = tpu.vector_load_idx %arg13[%add3A_539, %and3A_559] : memref<128x64xf32, #tpu.memory_space<vmem>>[vector<16xi32>, vector<16xi32>], vector<16xf32>,
          %gather3A_560 = tpu.vector_load_idx %arg14[%add3A_539, %and3A_559] : memref<128x64xf32, #tpu.memory_space<vmem>>[vector<16xi32>, vector<16xi32>], vector<16xf32>,
          %gather3A_561 = tpu.vector_load_idx %arg15[%add3A_539, %and3A_559] : memref<128x64xf32, #tpu.memory_space<vmem>>[vector<16xi32>, vector<16xi32>], vector<16xf32>,
          %gather3A_562 = tpu.vector_load_idx %arg16[%add3A_539, %and3A_559] : memref<128x64xf32, #tpu.memory_space<vmem>>[vector<16xi32>, vector<16xi32>], vector<16xf32>,
          %sub3A_563 = arith.subf %gather3A, %gather3A_560 : vector<16xf32>
          %sub3A_564 = arith.subf %gather3A, %gather3A_561 : vector<16xf32>
          %sub3A_565 = arith.subf %gather3A, %gather3A_562 : vector<16xf32>
          %mul3A_566 = arith.mulf %sub3A_563, %sub3A_563 : vector<16xf32>
          %add3A_567 = arith.addf %scan3A_553, %mul3A_566 : vector<16xf32>
          %mul3A_568 = arith.mulf %sub3A_564, %sub3A_564 : vector<16xf32>
          %add3A_569 = arith.addf %scan3A_554, %mul3A_568 : vector<16xf32>
          %mul3A_570 = arith.mulf %sub3A_565, %sub3A_565 : vector<16xf32>
          %add3A_571 = arith.addf %scan3A_555, %mul3A_570 : vector<16xf32>
          %add3A_572 = arith.constant 1 : i32
          %add3A_573 = vector.broadcast %add3A_572 : i32 to vector<16xi32>
          %add3A_574 = arith.addi %scan3A_556, %add3A_573 : vector<16xi32>
          %add3A_575 = arith.addi %add3A_574, %iota3A : vector<16xi32>
          %and3A_576 = arith.constant 63 : i32
          %and3A_577 = vector.broadcast %and3A_576 : i32 to vector<16xi32>
          %and3A_578 = arith.andi %add3A_575, %and3A_577 : vector<16xi32>
          %gather3A_579 = tpu.vector_load_idx %arg13[%add3A_539, %and3A_578] : memref<128x64xf32, #tpu.memory_space<vmem>>[vector<16xi32>, vector<16xi32>], vector<16xf32>,
          %gather3A_580 = tpu.vector_load_idx %arg14[%add3A_539, %and3A_578] : memref<128x64xf32, #tpu.memory_space<vmem>>[vector<16xi32>, vector<16xi32>], vector<16xf32>,
          %gather3A_581 = tpu.vector_load_idx %arg15[%add3A_539, %and3A_578] : memref<128x64xf32, #tpu.memory_space<vmem>>[vector<16xi32>, vector<16xi32>], vector<16xf32>,
          %gather3A_582 = tpu.vector_load_idx %arg16[%add3A_539, %and3A_578] : memref<128x64xf32, #tpu.memory_space<vmem>>[vector<16xi32>, vector<16xi32>], vector<16xf32>,
          %sub3A_583 = arith.subf %gather3A_579, %gather3A_580 : vector<16xf32>
          %sub3A_584 = arith.subf %gather3A_579, %gather3A_581 : vector<16xf32>
          %sub3A_585 = arith.subf %gather3A_579, %gather3A_582 : vector<16xf32>
          %mul3A_586 = arith.mulf %sub3A_583, %sub3A_583 : vector<16xf32>
          %add3A_587 = arith.addf %add3A_567, %mul3A_586 : vector<16xf32>
          %mul3A_588 = arith.mulf %sub3A_584, %sub3A_584 : vector<16xf32>
          %add3A_589 = arith.addf %add3A_569, %mul3A_588 : vector<16xf32>
          %mul3A_590 = arith.mulf %sub3A_585, %sub3A_585 : vector<16xf32>
          %add3A_591 = arith.addf %add3A_571, %mul3A_590 : vector<16xf32>
          %add3A_592 = arith.constant 1 : i32
          %add3A_593 = vector.broadcast %add3A_592 : i32 to vector<16xi32>
          %add3A_594 = arith.addi %add3A_574, %add3A_593 : vector<16xi32>
          %add3A_595 = arith.addi %add3A_594, %iota3A : vector<16xi32>
          %and3A_596 = arith.constant 63 : i32
          %and3A_597 = vector.broadcast %and3A_596 : i32 to vector<16xi32>
          %and3A_598 = arith.andi %add3A_595, %and3A_597 : vector<16xi32>
          %gather3A_599 = tpu.vector_load_idx %arg13[%add3A_539, %and3A_598] : memref<128x64xf32, #tpu.memory_space<vmem>>[vector<16xi32>, vector<16xi32>], vector<16xf32>,
          %gather3A_600 = tpu.vector_load_idx %arg14[%add3A_539, %and3A_598] : memref<128x64xf32, #tpu.memory_space<vmem>>[vector<16xi32>, vector<16xi32>], vector<16xf32>,
          %gather3A_601 = tpu.vector_load_idx %arg15[%add3A_539, %and3A_598] : memref<128x64xf32, #tpu.memory_space<vmem>>[vector<16xi32>, vector<16xi32>], vector<16xf32>,
          %gather3A_602 = tpu.vector_load_idx %arg16[%add3A_539, %and3A_598] : memref<128x64xf32, #tpu.memory_space<vmem>>[vector<16xi32>, vector<16xi32>], vector<16xf32>,
          %sub3A_603 = arith.subf %gather3A_599, %gather3A_600 : vector<16xf32>
          %sub3A_604 = arith.subf %gather3A_599, %gather3A_601 : vector<16xf32>
          %sub3A_605 = arith.subf %gather3A_599, %gather3A_602 : vector<16xf32>
          %mul3A_606 = arith.mulf %sub3A_603, %sub3A_603 : vector<16xf32>
          %add3A_607 = arith.addf %add3A_587, %mul3A_606 : vector<16xf32>
          %mul3A_608 = arith.mulf %sub3A_604, %sub3A_604 : vector<16xf32>
          %add3A_609 = arith.addf %add3A_589, %mul3A_608 : vector<16xf32>
          %mul3A_610 = arith.mulf %sub3A_605, %sub3A_605 : vector<16xf32>
          %add3A_611 = arith.addf %add3A_591, %mul3A_610 : vector<16xf32>
          %add3A_612 = arith.constant 1 : i32
          %add3A_613 = vector.broadcast %add3A_612 : i32 to vector<16xi32>
          %add3A_614 = arith.addi %add3A_594, %add3A_613 : vector<16xi32>
          %add3A_615 = arith.addi %add3A_614, %iota3A : vector<16xi32>
          %and3A_616 = arith.constant 63 : i32
          %and3A_617 = vector.broadcast %and3A_616 : i32 to vector<16xi32>
          %and3A_618 = arith.andi %add3A_615, %and3A_617 : vector<16xi32>
          %gather3A_619 = tpu.vector_load_idx %arg13[%add3A_539, %and3A_618] : memref<128x64xf32, #tpu.memory_space<vmem>>[vector<16xi32>, vector<16xi32>], vector<16xf32>,
          %gather3A_620 = tpu.vector_load_idx %arg14[%add3A_539, %and3A_618] : memref<128x64xf32, #tpu.memory_space<vmem>>[vector<16xi32>, vector<16xi32>], vector<16xf32>,
          %gather3A_621 = tpu.vector_load_idx %arg15[%add3A_539, %and3A_618] : memref<128x64xf32, #tpu.memory_space<vmem>>[vector<16xi32>, vector<16xi32>], vector<16xf32>,
          %gather3A_622 = tpu.vector_load_idx %arg16[%add3A_539, %and3A_618] : memref<128x64xf32, #tpu.memory_space<vmem>>[vector<16xi32>, vector<16xi32>], vector<16xf32>,
          %sub3A_623 = arith.subf %gather3A_619, %gather3A_620 : vector<16xf32>
          %sub3A_624 = arith.subf %gather3A_619, %gather3A_621 : vector<16xf32>
          %sub3A_625 = arith.subf %gather3A_619, %gather3A_622 : vector<16xf32>
          %mul3A_626 = arith.mulf %sub3A_623, %sub3A_623 : vector<16xf32>
          %add3A_627 = arith.addf %add3A_607, %mul3A_626 : vector<16xf32>
          %mul3A_628 = arith.mulf %sub3A_624, %sub3A_624 : vector<16xf32>
          %add3A_629 = arith.addf %add3A_609, %mul3A_628 : vector<16xf32>
          %mul3A_630 = arith.mulf %sub3A_625, %sub3A_625 : vector<16xf32>
          %add3A_631 = arith.addf %add3A_611, %mul3A_630 : vector<16xf32>
          %add3A_632 = arith.constant 1 : i32
          %add3A_633 = vector.broadcast %add3A_632 : i32 to vector<16xi32>
          %add3A_634 = arith.addi %add3A_614, %add3A_633 : vector<16xi32>
          %add3A_635 = arith.addi %add3A_634, %iota3A : vector<16xi32>
          %and3A_636 = arith.constant 63 : i32
          %and3A_637 = vector.broadcast %and3A_636 : i32 to vector<16xi32>
          %and3A_638 = arith.andi %add3A_635, %and3A_637 : vector<16xi32>
          %gather3A_639 = tpu.vector_load_idx %arg13[%add3A_539, %and3A_638] : memref<128x64xf32, #tpu.memory_space<vmem>>[vector<16xi32>, vector<16xi32>], vector<16xf32>,
          %gather3A_640 = tpu.vector_load_idx %arg14[%add3A_539, %and3A_638] : memref<128x64xf32, #tpu.memory_space<vmem>>[vector<16xi32>, vector<16xi32>], vector<16xf32>,
          %gather3A_641 = tpu.vector_load_idx %arg15[%add3A_539, %and3A_638] : memref<128x64xf32, #tpu.memory_space<vmem>>[vector<16xi32>, vector<16xi32>], vector<16xf32>,
          %gather3A_642 = tpu.vector_load_idx %arg16[%add3A_539, %and3A_638] : memref<128x64xf32, #tpu.memory_space<vmem>>[vector<16xi32>, vector<16xi32>], vector<16xf32>,
          %sub3A_643 = arith.subf %gather3A_639, %gather3A_640 : vector<16xf32>
          %sub3A_644 = arith.subf %gather3A_639, %gather3A_641 : vector<16xf32>
          %sub3A_645 = arith.subf %gather3A_639, %gather3A_642 : vector<16xf32>
          %mul3A_646 = arith.mulf %sub3A_643, %sub3A_643 : vector<16xf32>
          %add3A_647 = arith.addf %add3A_627, %mul3A_646 : vector<16xf32>
          %mul3A_648 = arith.mulf %sub3A_644, %sub3A_644 : vector<16xf32>
          %add3A_649 = arith.addf %add3A_629, %mul3A_648 : vector<16xf32>
          %mul3A_650 = arith.mulf %sub3A_645, %sub3A_645 : vector<16xf32>
          %add3A_651 = arith.addf %add3A_631, %mul3A_650 : vector<16xf32>
          %add3A_652 = arith.constant 1 : i32
          %add3A_653 = vector.broadcast %add3A_652 : i32 to vector<16xi32>
          %add3A_654 = arith.addi %add3A_634, %add3A_653 : vector<16xi32>
          %add3A_655 = arith.addi %add3A_654, %iota3A : vector<16xi32>
          %and3A_656 = arith.constant 63 : i32
          %and3A_657 = vector.broadcast %and3A_656 : i32 to vector<16xi32>
          %and3A_658 = arith.andi %add3A_655, %and3A_657 : vector<16xi32>
          %gather3A_659 = tpu.vector_load_idx %arg13[%add3A_539, %and3A_658] : memref<128x64xf32, #tpu.memory_space<vmem>>[vector<16xi32>, vector<16xi32>], vector<16xf32>,
          %gather3A_660 = tpu.vector_load_idx %arg14[%add3A_539, %and3A_658] : memref<128x64xf32, #tpu.memory_space<vmem>>[vector<16xi32>, vector<16xi32>], vector<16xf32>,
          %gather3A_661 = tpu.vector_load_idx %arg15[%add3A_539, %and3A_658] : memref<128x64xf32, #tpu.memory_space<vmem>>[vector<16xi32>, vector<16xi32>], vector<16xf32>,
          %gather3A_662 = tpu.vector_load_idx %arg16[%add3A_539, %and3A_658] : memref<128x64xf32, #tpu.memory_space<vmem>>[vector<16xi32>, vector<16xi32>], vector<16xf32>,
          %sub3A_663 = arith.subf %gather3A_659, %gather3A_660 : vector<16xf32>
          %sub3A_664 = arith.subf %gather3A_659, %gather3A_661 : vector<16xf32>
          %sub3A_665 = arith.subf %gather3A_659, %gather3A_662 : vector<16xf32>
          %mul3A_666 = arith.mulf %sub3A_663, %sub3A_663 : vector<16xf32>
          %add3A_667 = arith.addf %add3A_647, %mul3A_666 : vector<16xf32>
          %mul3A_668 = arith.mulf %sub3A_664, %sub3A_664 : vector<16xf32>
          %add3A_669 = arith.addf %add3A_649, %mul3A_668 : vector<16xf32>
          %mul3A_670 = arith.mulf %sub3A_665, %sub3A_665 : vector<16xf32>
          %add3A_671 = arith.addf %add3A_651, %mul3A_670 : vector<16xf32>
          %add3A_672 = arith.constant 1 : i32
          %add3A_673 = vector.broadcast %add3A_672 : i32 to vector<16xi32>
          %add3A_674 = arith.addi %add3A_654, %add3A_673 : vector<16xi32>
          %add3A_675 = arith.addi %add3A_674, %iota3A : vector<16xi32>
          %and3A_676 = arith.constant 63 : i32
          %and3A_677 = vector.broadcast %and3A_676 : i32 to vector<16xi32>
          %and3A_678 = arith.andi %add3A_675, %and3A_677 : vector<16xi32>
          %gather3A_679 = tpu.vector_load_idx %arg13[%add3A_539, %and3A_678] : memref<128x64xf32, #tpu.memory_space<vmem>>[vector<16xi32>, vector<16xi32>], vector<16xf32>,
          %gather3A_680 = tpu.vector_load_idx %arg14[%add3A_539, %and3A_678] : memref<128x64xf32, #tpu.memory_space<vmem>>[vector<16xi32>, vector<16xi32>], vector<16xf32>,
          %gather3A_681 = tpu.vector_load_idx %arg15[%add3A_539, %and3A_678] : memref<128x64xf32, #tpu.memory_space<vmem>>[vector<16xi32>, vector<16xi32>], vector<16xf32>,
          %gather3A_682 = tpu.vector_load_idx %arg16[%add3A_539, %and3A_678] : memref<128x64xf32, #tpu.memory_space<vmem>>[vector<16xi32>, vector<16xi32>], vector<16xf32>,
          %sub3A_683 = arith.subf %gather3A_679, %gather3A_680 : vector<16xf32>
          %sub3A_684 = arith.subf %gather3A_679, %gather3A_681 : vector<16xf32>
          %sub3A_685 = arith.subf %gather3A_679, %gather3A_682 : vector<16xf32>
          %mul3A_686 = arith.mulf %sub3A_683, %sub3A_683 : vector<16xf32>
          %add3A_687 = arith.addf %add3A_667, %mul3A_686 : vector<16xf32>
          %mul3A_688 = arith.mulf %sub3A_684, %sub3A_684 : vector<16xf32>
          %add3A_689 = arith.addf %add3A_669, %mul3A_688 : vector<16xf32>
          %mul3A_690 = arith.mulf %sub3A_685, %sub3A_685 : vector<16xf32>
          %add3A_691 = arith.addf %add3A_671, %mul3A_690 : vector<16xf32>
          %add3A_692 = arith.constant 1 : i32
          %add3A_693 = vector.broadcast %add3A_692 : i32 to vector<16xi32>
          %add3A_694 = arith.addi %add3A_674, %add3A_693 : vector<16xi32>
          %add3A_695 = arith.addi %add3A_694, %iota3A : vector<16xi32>
          %and3A_696 = arith.constant 63 : i32
          %and3A_697 = vector.broadcast %and3A_696 : i32 to vector<16xi32>
          %and3A_698 = arith.andi %add3A_695, %and3A_697 : vector<16xi32>
          %gather3A_699 = tpu.vector_load_idx %arg13[%add3A_539, %and3A_698] : memref<128x64xf32, #tpu.memory_space<vmem>>[vector<16xi32>, vector<16xi32>], vector<16xf32>,
          %gather3A_700 = tpu.vector_load_idx %arg14[%add3A_539, %and3A_698] : memref<128x64xf32, #tpu.memory_space<vmem>>[vector<16xi32>, vector<16xi32>], vector<16xf32>,
          %gather3A_701 = tpu.vector_load_idx %arg15[%add3A_539, %and3A_698] : memref<128x64xf32, #tpu.memory_space<vmem>>[vector<16xi32>, vector<16xi32>], vector<16xf32>,
          %gather3A_702 = tpu.vector_load_idx %arg16[%add3A_539, %and3A_698] : memref<128x64xf32, #tpu.memory_space<vmem>>[vector<16xi32>, vector<16xi32>], vector<16xf32>,
          %sub3A_703 = arith.subf %gather3A_699, %gather3A_700 : vector<16xf32>
          %sub3A_704 = arith.subf %gather3A_699, %gather3A_701 : vector<16xf32>
          %sub3A_705 = arith.subf %gather3A_699, %gather3A_702 : vector<16xf32>
          %mul3A_706 = arith.mulf %sub3A_703, %sub3A_703 : vector<16xf32>
          %add3A_707 = arith.addf %add3A_687, %mul3A_706 : vector<16xf32>
          %mul3A_708 = arith.mulf %sub3A_704, %sub3A_704 : vector<16xf32>
          %add3A_709 = arith.addf %add3A_689, %mul3A_708 : vector<16xf32>
          %mul3A_710 = arith.mulf %sub3A_705, %sub3A_705 : vector<16xf32>
          %add3A_711 = arith.addf %add3A_691, %mul3A_710 : vector<16xf32>
          %add3A_712 = arith.constant 1 : i32
          %add3A_713 = vector.broadcast %add3A_712 : i32 to vector<16xi32>
          %add3A_714 = arith.addi %add3A_694, %add3A_713 : vector<16xi32>
          scf.yield %add3A_707, %add3A_709, %add3A_711, %add3A_714 : vector<16xf32>, vector<16xf32>, vector<16xf32>, vector<16xi32>
        }
        %scan3A_547 = arith.constant 8 : i32
        %sub3A = arith.subf %scan3A_546#0, %scan3A_546#1 : vector<16xf32>
        %swap3A = arith.index_cast %mul3A_537 : i32 to index
        %swap3A_548 = tpu.vector_load %arg18[%swap3A] {strides = array<i32>} : memref<128xf32, #tpu.memory_space<vmem>>, vector<16xf32>,
        tpu.vector_store %arg18[%swap3A], %sub3A {strides = array<i32>} : memref<128xf32, #tpu.memory_space<vmem>>, vector<16xf32>,
        %sub3A_549 = arith.subf %scan3A_546#1, %scan3A_546#2 : vector<16xf32>
        %swap3A_550 = arith.index_cast %mul3A_537 : i32 to index
        %swap3A_551 = tpu.vector_load %arg19[%swap3A_550] {strides = array<i32>} : memref<128xf32, #tpu.memory_space<vmem>>, vector<16xf32>,
        tpu.vector_store %arg19[%swap3A_550], %sub3A_549 {strides = array<i32>} : memref<128xf32, #tpu.memory_space<vmem>>, vector<16xf32>,
      }
      %scan3A_413 = arith.constant 8 : i32
      %mul3A_414 = arith.constant 128 : i32
      %mul3A_415 = arith.muli %mul3A_308, %mul3A_414 : i32
      %add3A_416 = arith.addi %mul3A_2, %mul3A_415 : i32
      %dma_start3A_417 = tpu.memref_slice %arg5[%add3A_416] : memref<65536xf32, #tpu.memory_space<hbm>> -> memref<128xf32, #tpu.memory_space<hbm>>
      %dma_start3A_418 = tpu.memref_slice %arg5[%add3A_416] : memref<65536xf32, #tpu.memory_space<hbm>> -> memref<128xf32, #tpu.memory_space<hbm>>
      tpu.enqueue_dma source(%arg18 : memref<128xf32, #tpu.memory_space<vmem>>) target(%dma_start3A_418 : memref<128xf32, #tpu.memory_space<hbm>>) target_semaphore(%arg34 : memref<!tpu.dma_semaphore, #tpu.memory_space<semaphore_mem>>)
      %dma_start3A_419 = tpu.memref_slice %arg6[%add3A_416] : memref<65536xf32, #tpu.memory_space<hbm>> -> memref<128xf32, #tpu.memory_space<hbm>>
      %dma_start3A_420 = tpu.memref_slice %arg6[%add3A_416] : memref<65536xf32, #tpu.memory_space<hbm>> -> memref<128xf32, #tpu.memory_space<hbm>>
      tpu.enqueue_dma source(%arg19 : memref<128xf32, #tpu.memory_space<vmem>>) target(%dma_start3A_420 : memref<128xf32, #tpu.memory_space<hbm>>) target_semaphore(%arg34 : memref<!tpu.dma_semaphore, #tpu.memory_space<semaphore_mem>>)
      %mul3A_421 = arith.constant 4 : i32
      %mul3A_422 = arith.muli %mul3A_421, %add3A_416 : i32
      %dma_start3A_423 = tpu.memref_slice %arg7[%mul3A_422] : memref<262144xi32, #tpu.memory_space<hbm>> -> memref<512xi32, #tpu.memory_space<hbm>>
      %dma_start3A_424 = tpu.memref_slice %arg7[%mul3A_422] : memref<262144xi32, #tpu.memory_space<hbm>> -> memref<512xi32, #tpu.memory_space<hbm>>
      tpu.enqueue_dma source(%arg17 : memref<512xi32, #tpu.memory_space<vmem>>) target(%dma_start3A_424 : memref<512xi32, #tpu.memory_space<hbm>>) target_semaphore(%arg34 : memref<!tpu.dma_semaphore, #tpu.memory_space<semaphore_mem>>)
      %mul3A_425 = arith.constant 128 : i32
      %mul3A_426 = arith.muli %min3A_314, %mul3A_425 : i32
      %add3A_427 = arith.addi %mul3A_2, %mul3A_426 : i32
      %dma_start3A_428 = arith.constant 0 : i32
      %dma_start3A_429 = tpu.memref_slice %arg3[%dma_start3A_428, %add3A_427] : memref<4x65536xi32, #tpu.memory_space<hbm>> -> memref<1x128xi32, #tpu.memory_space<hbm>>
      %dma_start3A_430 = tpu.memref_squeeze %dma_start3A_429 : memref<1x128xi32, #tpu.memory_space<hbm>> -> memref<128xi32, #tpu.memory_space<hbm>>
      %dma_start3A_431 = tpu.memref_slice %arg3[%dma_start3A_428, %add3A_427] : memref<4x65536xi32, #tpu.memory_space<hbm>> -> memref<1x128xi32, #tpu.memory_space<hbm>>
      %dma_start3A_432 = tpu.memref_squeeze %dma_start3A_431 : memref<1x128xi32, #tpu.memory_space<hbm>> -> memref<128xi32, #tpu.memory_space<hbm>>
      tpu.enqueue_dma source(%dma_start3A_432 : memref<128xi32, #tpu.memory_space<hbm>>) target(%arg9 : memref<128xi32, #tpu.memory_space<vmem>>) target_semaphore(%arg31 : memref<!tpu.dma_semaphore, #tpu.memory_space<semaphore_mem>>)
      %dma_start3A_433 = arith.constant 1 : i32
      %dma_start3A_434 = tpu.memref_slice %arg3[%dma_start3A_433, %add3A_427] : memref<4x65536xi32, #tpu.memory_space<hbm>> -> memref<1x128xi32, #tpu.memory_space<hbm>>
      %dma_start3A_435 = tpu.memref_squeeze %dma_start3A_434 : memref<1x128xi32, #tpu.memory_space<hbm>> -> memref<128xi32, #tpu.memory_space<hbm>>
      %dma_start3A_436 = tpu.memref_slice %arg3[%dma_start3A_433, %add3A_427] : memref<4x65536xi32, #tpu.memory_space<hbm>> -> memref<1x128xi32, #tpu.memory_space<hbm>>
      %dma_start3A_437 = tpu.memref_squeeze %dma_start3A_436 : memref<1x128xi32, #tpu.memory_space<hbm>> -> memref<128xi32, #tpu.memory_space<hbm>>
      tpu.enqueue_dma source(%dma_start3A_437 : memref<128xi32, #tpu.memory_space<hbm>>) target(%arg10 : memref<128xi32, #tpu.memory_space<vmem>>) target_semaphore(%arg31 : memref<!tpu.dma_semaphore, #tpu.memory_space<semaphore_mem>>)
      %dma_start3A_438 = arith.constant 2 : i32
      %dma_start3A_439 = tpu.memref_slice %arg3[%dma_start3A_438, %add3A_427] : memref<4x65536xi32, #tpu.memory_space<hbm>> -> memref<1x128xi32, #tpu.memory_space<hbm>>
      %dma_start3A_440 = tpu.memref_squeeze %dma_start3A_439 : memref<1x128xi32, #tpu.memory_space<hbm>> -> memref<128xi32, #tpu.memory_space<hbm>>
      %dma_start3A_441 = tpu.memref_slice %arg3[%dma_start3A_438, %add3A_427] : memref<4x65536xi32, #tpu.memory_space<hbm>> -> memref<1x128xi32, #tpu.memory_space<hbm>>
      %dma_start3A_442 = tpu.memref_squeeze %dma_start3A_441 : memref<1x128xi32, #tpu.memory_space<hbm>> -> memref<128xi32, #tpu.memory_space<hbm>>
      tpu.enqueue_dma source(%dma_start3A_442 : memref<128xi32, #tpu.memory_space<hbm>>) target(%arg11 : memref<128xi32, #tpu.memory_space<vmem>>) target_semaphore(%arg31 : memref<!tpu.dma_semaphore, #tpu.memory_space<semaphore_mem>>)
      %dma_start3A_443 = arith.constant 3 : i32
      %dma_start3A_444 = tpu.memref_slice %arg3[%dma_start3A_443, %add3A_427] : memref<4x65536xi32, #tpu.memory_space<hbm>> -> memref<1x128xi32, #tpu.memory_space<hbm>>
      %dma_start3A_445 = tpu.memref_squeeze %dma_start3A_444 : memref<1x128xi32, #tpu.memory_space<hbm>> -> memref<128xi32, #tpu.memory_space<hbm>>
      %dma_start3A_446 = tpu.memref_slice %arg3[%dma_start3A_443, %add3A_427] : memref<4x65536xi32, #tpu.memory_space<hbm>> -> memref<1x128xi32, #tpu.memory_space<hbm>>
      %dma_start3A_447 = tpu.memref_squeeze %dma_start3A_446 : memref<1x128xi32, #tpu.memory_space<hbm>> -> memref<128xi32, #tpu.memory_space<hbm>>
      tpu.enqueue_dma source(%dma_start3A_447 : memref<128xi32, #tpu.memory_space<hbm>>) target(%arg12 : memref<128xi32, #tpu.memory_space<vmem>>) target_semaphore(%arg31 : memref<!tpu.dma_semaphore, #tpu.memory_space<semaphore_mem>>)
      %dma_wait3A_448 = arith.constant 0 : i32
      %dma_wait3A_449 = arith.constant 0 : i32
      %dma_wait3A_450 = tpu.memref_slice %arg3[%dma_wait3A_448, %dma_wait3A_449] : memref<4x65536xi32, #tpu.memory_space<hbm>> -> memref<1x128xi32, #tpu.memory_space<hbm>>
      %dma_wait3A_451 = tpu.memref_squeeze %dma_wait3A_450 : memref<1x128xi32, #tpu.memory_space<hbm>> -> memref<128xi32, #tpu.memory_space<hbm>>
      %dma_wait3A_452 = arith.constant 0 : i32
      %dma_wait3A_453 = tpu.memref_slice %arg3[%dma_wait3A_448, %dma_wait3A_452] : memref<4x65536xi32, #tpu.memory_space<hbm>> -> memref<1x128xi32, #tpu.memory_space<hbm>>
      %dma_wait3A_454 = tpu.memref_squeeze %dma_wait3A_453 : memref<1x128xi32, #tpu.memory_space<hbm>> -> memref<128xi32, #tpu.memory_space<hbm>>
      tpu.wait_dma2 semaphore(%arg31 : memref<!tpu.dma_semaphore, #tpu.memory_space<semaphore_mem>>) src(%dma_wait3A_454 : memref<128xi32, #tpu.memory_space<hbm>>) dst(%arg9 : memref<128xi32, #tpu.memory_space<vmem>>)
      %dma_wait3A_455 = arith.constant 1 : i32
      %dma_wait3A_456 = arith.constant 0 : i32
      %dma_wait3A_457 = tpu.memref_slice %arg3[%dma_wait3A_455, %dma_wait3A_456] : memref<4x65536xi32, #tpu.memory_space<hbm>> -> memref<1x128xi32, #tpu.memory_space<hbm>>
      %dma_wait3A_458 = tpu.memref_squeeze %dma_wait3A_457 : memref<1x128xi32, #tpu.memory_space<hbm>> -> memref<128xi32, #tpu.memory_space<hbm>>
      %dma_wait3A_459 = arith.constant 0 : i32
      %dma_wait3A_460 = tpu.memref_slice %arg3[%dma_wait3A_455, %dma_wait3A_459] : memref<4x65536xi32, #tpu.memory_space<hbm>> -> memref<1x128xi32, #tpu.memory_space<hbm>>
      %dma_wait3A_461 = tpu.memref_squeeze %dma_wait3A_460 : memref<1x128xi32, #tpu.memory_space<hbm>> -> memref<128xi32, #tpu.memory_space<hbm>>
      tpu.wait_dma2 semaphore(%arg31 : memref<!tpu.dma_semaphore, #tpu.memory_space<semaphore_mem>>) src(%dma_wait3A_461 : memref<128xi32, #tpu.memory_space<hbm>>) dst(%arg10 : memref<128xi32, #tpu.memory_space<vmem>>)
      %dma_wait3A_462 = arith.constant 2 : i32
      %dma_wait3A_463 = arith.constant 0 : i32
      %dma_wait3A_464 = tpu.memref_slice %arg3[%dma_wait3A_462, %dma_wait3A_463] : memref<4x65536xi32, #tpu.memory_space<hbm>> -> memref<1x128xi32, #tpu.memory_space<hbm>>
      %dma_wait3A_465 = tpu.memref_squeeze %dma_wait3A_464 : memref<1x128xi32, #tpu.memory_space<hbm>> -> memref<128xi32, #tpu.memory_space<hbm>>
      %dma_wait3A_466 = arith.constant 0 : i32
      %dma_wait3A_467 = tpu.memref_slice %arg3[%dma_wait3A_462, %dma_wait3A_466] : memref<4x65536xi32, #tpu.memory_space<hbm>> -> memref<1x128xi32, #tpu.memory_space<hbm>>
      %dma_wait3A_468 = tpu.memref_squeeze %dma_wait3A_467 : memref<1x128xi32, #tpu.memory_space<hbm>> -> memref<128xi32, #tpu.memory_space<hbm>>
      tpu.wait_dma2 semaphore(%arg31 : memref<!tpu.dma_semaphore, #tpu.memory_space<semaphore_mem>>) src(%dma_wait3A_468 : memref<128xi32, #tpu.memory_space<hbm>>) dst(%arg11 : memref<128xi32, #tpu.memory_space<vmem>>)
      %dma_wait3A_469 = arith.constant 3 : i32
      %dma_wait3A_470 = arith.constant 0 : i32
      %dma_wait3A_471 = tpu.memref_slice %arg3[%dma_wait3A_469, %dma_wait3A_470] : memref<4x65536xi32, #tpu.memory_space<hbm>> -> memref<1x128xi32, #tpu.memory_space<hbm>>
      %dma_wait3A_472 = tpu.memref_squeeze %dma_wait3A_471 : memref<1x128xi32, #tpu.memory_space<hbm>> -> memref<128xi32, #tpu.memory_space<hbm>>
      %dma_wait3A_473 = arith.constant 0 : i32
      %dma_wait3A_474 = tpu.memref_slice %arg3[%dma_wait3A_469, %dma_wait3A_473] : memref<4x65536xi32, #tpu.memory_space<hbm>> -> memref<1x128xi32, #tpu.memory_space<hbm>>
      %dma_wait3A_475 = tpu.memref_squeeze %dma_wait3A_474 : memref<1x128xi32, #tpu.memory_space<hbm>> -> memref<128xi32, #tpu.memory_space<hbm>>
      tpu.wait_dma2 semaphore(%arg31 : memref<!tpu.dma_semaphore, #tpu.memory_space<semaphore_mem>>) src(%dma_wait3A_475 : memref<128xi32, #tpu.memory_space<hbm>>) dst(%arg12 : memref<128xi32, #tpu.memory_space<vmem>>)
      %dma_wait3A_476 = arith.constant 0 : i32
      %dma_wait3A_477 = tpu.memref_slice %arg7[%dma_wait3A_476] : memref<262144xi32, #tpu.memory_space<hbm>> -> memref<512xi32, #tpu.memory_space<hbm>>
      %dma_wait3A_478 = arith.constant 0 : i32
      %dma_wait3A_479 = tpu.memref_slice %arg7[%dma_wait3A_478] : memref<262144xi32, #tpu.memory_space<hbm>> -> memref<512xi32, #tpu.memory_space<hbm>>
      tpu.wait_dma2 semaphore(%arg34 : memref<!tpu.dma_semaphore, #tpu.memory_space<semaphore_mem>>) src(%arg17 : memref<512xi32, #tpu.memory_space<vmem>>) dst(%dma_wait3A_479 : memref<512xi32, #tpu.memory_space<hbm>>)
      %scan3A_480 = arith.constant 0 : i32
      %scan3A_481 = arith.constant 0 : i32
      %scan3A_482 = arith.constant 8 : i32
      %scan3A_483 = arith.addi %scan3A_481, %scan3A_482 : i32
      %scan3A_484 = arith.constant 1 : i32
      scf.for %scan3A_535 = %scan3A_481 to %scan3A_483 step %scan3A_484  : i32 {
        %mul3A_536 = arith.constant 16 : i32
        %mul3A_537 = arith.muli %scan3A_535, %mul3A_536 : i32
        %get3A = arith.index_cast %mul3A_537 : i32 to index
        %get3A_538 = tpu.vector_load %arg9[%get3A] {strides = array<i32>} : memref<128xi32, #tpu.memory_space<vmem>>, vector<16xi32>,
        %get3A_539 = arith.index_cast %mul3A_537 : i32 to index
        %get3A_540 = tpu.vector_load %arg11[%get3A_539] {strides = array<i32>} : memref<128xi32, #tpu.memory_space<vmem>>, vector<16xi32>,
        %get3A_541 = arith.index_cast %mul3A_537 : i32 to index
        %get3A_542 = tpu.vector_load %arg12[%get3A_541] {strides = array<i32>} : memref<128xi32, #tpu.memory_space<vmem>>, vector<16xi32>,
        %gather3A = tpu.vector_load_idx %arg8[%get3A_538] : memref<16384xi32, #tpu.memory_space<vmem>>[vector<16xi32>], vector<16xi32>,
        %gather3A_543 = tpu.vector_load_idx %arg8[%get3A_540] : memref<16384xi32, #tpu.memory_space<vmem>>[vector<16xi32>], vector<16xi32>,
        %gather3A_544 = tpu.vector_load_idx %arg8[%get3A_542] : memref<16384xi32, #tpu.memory_space<vmem>>[vector<16xi32>], vector<16xi32>,
        %mul3A_545 = arith.constant 16384 : i32
        %mul3A_546 = vector.broadcast %mul3A_545 : i32 to vector<16xi32>
        %mul3A_547 = arith.muli %gather3A_543, %mul3A_546 : vector<16xi32>
        %add3A_548 = arith.addi %mul3A_547, %get3A_538 : vector<16xi32>
        %swap3A = arith.index_cast %mul3A_537 : i32 to index
        %swap3A_549 = tpu.vector_load %arg17[%swap3A] {strides = array<i32>} : memref<512xi32, #tpu.memory_space<vmem>>, vector<16xi32>,
        tpu.vector_store %arg17[%swap3A], %add3A_548 {strides = array<i32>} : memref<512xi32, #tpu.memory_space<vmem>>, vector<16xi32>,
        %mul3A_550 = arith.constant 16384 : i32
        %mul3A_551 = vector.broadcast %mul3A_550 : i32 to vector<16xi32>
        %mul3A_552 = arith.muli %gather3A, %mul3A_551 : vector<16xi32>
        %add3A_553 = arith.addi %mul3A_552, %get3A_540 : vector<16xi32>
        %add3A_554 = arith.constant 128 : i32
        %add3A_555 = arith.addi %add3A_554, %mul3A_537 : i32
        %swap3A_556 = arith.index_cast %add3A_555 : i32 to index
        %swap3A_557 = tpu.vector_load %arg17[%swap3A_556] {strides = array<i32>} : memref<512xi32, #tpu.memory_space<vmem>>, vector<16xi32>,
        tpu.vector_store %arg17[%swap3A_556], %add3A_553 {strides = array<i32>} : memref<512xi32, #tpu.memory_space<vmem>>, vector<16xi32>,
        %mul3A_558 = arith.constant 16384 : i32
        %mul3A_559 = vector.broadcast %mul3A_558 : i32 to vector<16xi32>
        %mul3A_560 = arith.muli %gather3A_544, %mul3A_559 : vector<16xi32>
        %add3A_561 = arith.addi %mul3A_560, %get3A_538 : vector<16xi32>
        %add3A_562 = arith.constant 256 : i32
        %add3A_563 = arith.addi %add3A_562, %mul3A_537 : i32
        %swap3A_564 = arith.index_cast %add3A_563 : i32 to index
        %swap3A_565 = tpu.vector_load %arg17[%swap3A_564] {strides = array<i32>} : memref<512xi32, #tpu.memory_space<vmem>>, vector<16xi32>,
        tpu.vector_store %arg17[%swap3A_564], %add3A_561 {strides = array<i32>} : memref<512xi32, #tpu.memory_space<vmem>>, vector<16xi32>,
        %mul3A_566 = arith.constant 16384 : i32
        %mul3A_567 = vector.broadcast %mul3A_566 : i32 to vector<16xi32>
        %mul3A_568 = arith.muli %gather3A, %mul3A_567 : vector<16xi32>
        %add3A_569 = arith.addi %mul3A_568, %get3A_542 : vector<16xi32>
        %add3A_570 = arith.constant 384 : i32
        %add3A_571 = arith.addi %add3A_570, %mul3A_537 : i32
        %swap3A_572 = arith.index_cast %add3A_571 : i32 to index
        %swap3A_573 = tpu.vector_load %arg17[%swap3A_572] {strides = array<i32>} : memref<512xi32, #tpu.memory_space<vmem>>, vector<16xi32>,
        tpu.vector_store %arg17[%swap3A_572], %add3A_569 {strides = array<i32>} : memref<512xi32, #tpu.memory_space<vmem>>, vector<16xi32>,
      }
      %scan3A_485 = arith.constant 8 : i32
      %dma_start3A_486 = arith.constant 0 : i32
      %dma_start3A_487 = arith.constant 0 : i32
      %dma_start3A_488 = tpu.memref_slice %arg2[%dma_start3A_486, %dma_start3A_487] : memref<16384x64xf32, #tpu.memory_space<hbm>> -> memref<16384x64xf32, #tpu.memory_space<hbm>>
      tpu.enqueue_indirect_dma source(%dma_start3A_488 : memref<16384x64xf32, #tpu.memory_space<hbm>>) target(%arg13 : memref<128x64xf32, #tpu.memory_space<vmem>>) offsets(%arg9 : memref<128xi32, #tpu.memory_space<vmem>>) semaphore(%arg32 : memref<!tpu.dma_semaphore, #tpu.memory_space<semaphore_mem>>)
      %dma_start3A_489 = arith.constant 0 : i32
      %dma_start3A_490 = arith.constant 0 : i32
      %dma_start3A_491 = tpu.memref_slice %arg2[%dma_start3A_489, %dma_start3A_490] : memref<16384x64xf32, #tpu.memory_space<hbm>> -> memref<16384x64xf32, #tpu.memory_space<hbm>>
      tpu.enqueue_indirect_dma source(%dma_start3A_491 : memref<16384x64xf32, #tpu.memory_space<hbm>>) target(%arg14 : memref<128x64xf32, #tpu.memory_space<vmem>>) offsets(%arg10 : memref<128xi32, #tpu.memory_space<vmem>>) semaphore(%arg32 : memref<!tpu.dma_semaphore, #tpu.memory_space<semaphore_mem>>)
      %dma_start3A_492 = arith.constant 0 : i32
      %dma_start3A_493 = arith.constant 0 : i32
      %dma_start3A_494 = tpu.memref_slice %arg2[%dma_start3A_492, %dma_start3A_493] : memref<16384x64xf32, #tpu.memory_space<hbm>> -> memref<16384x64xf32, #tpu.memory_space<hbm>>
      tpu.enqueue_indirect_dma source(%dma_start3A_494 : memref<16384x64xf32, #tpu.memory_space<hbm>>) target(%arg15 : memref<128x64xf32, #tpu.memory_space<vmem>>) offsets(%arg11 : memref<128xi32, #tpu.memory_space<vmem>>) semaphore(%arg32 : memref<!tpu.dma_semaphore, #tpu.memory_space<semaphore_mem>>)
      %dma_start3A_495 = arith.constant 0 : i32
      %dma_start3A_496 = arith.constant 0 : i32
      %dma_start3A_497 = tpu.memref_slice %arg2[%dma_start3A_495, %dma_start3A_496] : memref<16384x64xf32, #tpu.memory_space<hbm>> -> memref<16384x64xf32, #tpu.memory_space<hbm>>
      tpu.enqueue_indirect_dma source(%dma_start3A_497 : memref<16384x64xf32, #tpu.memory_space<hbm>>) target(%arg16 : memref<128x64xf32, #tpu.memory_space<vmem>>) offsets(%arg12 : memref<128xi32, #tpu.memory_space<vmem>>) semaphore(%arg32 : memref<!tpu.dma_semaphore, #tpu.memory_space<semaphore_mem>>)
      %dma_wait3A_498 = arith.constant 0 : i32
      %dma_wait3A_499 = arith.constant 0 : i32
      %dma_wait3A_500 = tpu.memref_slice %arg2[%dma_wait3A_498, %dma_wait3A_499] : memref<16384x64xf32, #tpu.memory_space<hbm>> -> memref<16384x64xf32, #tpu.memory_space<hbm>>
      tpu.wait_indirect_dma semaphore(%arg33 : memref<!tpu.dma_semaphore, #tpu.memory_space<semaphore_mem>>) src(%dma_wait3A_500 : memref<16384x64xf32, #tpu.memory_space<hbm>>) dst(%arg24 : memref<128x64xf32, #tpu.memory_space<vmem>>)
      %dma_wait3A_501 = arith.constant 0 : i32
      %dma_wait3A_502 = arith.constant 0 : i32
      %dma_wait3A_503 = tpu.memref_slice %arg2[%dma_wait3A_501, %dma_wait3A_502] : memref<16384x64xf32, #tpu.memory_space<hbm>> -> memref<16384x64xf32, #tpu.memory_space<hbm>>
      tpu.wait_indirect_dma semaphore(%arg33 : memref<!tpu.dma_semaphore, #tpu.memory_space<semaphore_mem>>) src(%dma_wait3A_503 : memref<16384x64xf32, #tpu.memory_space<hbm>>) dst(%arg25 : memref<128x64xf32, #tpu.memory_space<vmem>>)
      %dma_wait3A_504 = arith.constant 0 : i32
      %dma_wait3A_505 = arith.constant 0 : i32
      %dma_wait3A_506 = tpu.memref_slice %arg2[%dma_wait3A_504, %dma_wait3A_505] : memref<16384x64xf32, #tpu.memory_space<hbm>> -> memref<16384x64xf32, #tpu.memory_space<hbm>>
      tpu.wait_indirect_dma semaphore(%arg33 : memref<!tpu.dma_semaphore, #tpu.memory_space<semaphore_mem>>) src(%dma_wait3A_506 : memref<16384x64xf32, #tpu.memory_space<hbm>>) dst(%arg26 : memref<128x64xf32, #tpu.memory_space<vmem>>)
      %dma_wait3A_507 = arith.constant 0 : i32
      %dma_wait3A_508 = arith.constant 0 : i32
      %dma_wait3A_509 = tpu.memref_slice %arg2[%dma_wait3A_507, %dma_wait3A_508] : memref<16384x64xf32, #tpu.memory_space<hbm>> -> memref<16384x64xf32, #tpu.memory_space<hbm>>
      tpu.wait_indirect_dma semaphore(%arg33 : memref<!tpu.dma_semaphore, #tpu.memory_space<semaphore_mem>>) src(%dma_wait3A_509 : memref<16384x64xf32, #tpu.memory_space<hbm>>) dst(%arg27 : memref<128x64xf32, #tpu.memory_space<vmem>>)
      %dma_wait3A_510 = arith.constant 0 : i32
      %dma_wait3A_511 = tpu.memref_slice %arg5[%dma_wait3A_510] : memref<65536xf32, #tpu.memory_space<hbm>> -> memref<128xf32, #tpu.memory_space<hbm>>
      %dma_wait3A_512 = arith.constant 0 : i32
      %dma_wait3A_513 = tpu.memref_slice %arg5[%dma_wait3A_512] : memref<65536xf32, #tpu.memory_space<hbm>> -> memref<128xf32, #tpu.memory_space<hbm>>
      tpu.wait_dma2 semaphore(%arg35 : memref<!tpu.dma_semaphore, #tpu.memory_space<semaphore_mem>>) src(%arg29 : memref<128xf32, #tpu.memory_space<vmem>>) dst(%dma_wait3A_513 : memref<128xf32, #tpu.memory_space<hbm>>)
      %dma_wait3A_514 = arith.constant 0 : i32
      %dma_wait3A_515 = tpu.memref_slice %arg6[%dma_wait3A_514] : memref<65536xf32, #tpu.memory_space<hbm>> -> memref<128xf32, #tpu.memory_space<hbm>>
      %dma_wait3A_516 = arith.constant 0 : i32
      %dma_wait3A_517 = tpu.memref_slice %arg6[%dma_wait3A_516] : memref<65536xf32, #tpu.memory_space<hbm>> -> memref<128xf32, #tpu.memory_space<hbm>>
      tpu.wait_dma2 semaphore(%arg35 : memref<!tpu.dma_semaphore, #tpu.memory_space<semaphore_mem>>) src(%arg30 : memref<128xf32, #tpu.memory_space<vmem>>) dst(%dma_wait3A_517 : memref<128xf32, #tpu.memory_space<hbm>>)
      %scan3A_518 = arith.constant 0 : i32
      %scan3A_519 = arith.constant 0 : i32
      %scan3A_520 = arith.constant 8 : i32
      %scan3A_521 = arith.addi %scan3A_519, %scan3A_520 : i32
      %scan3A_522 = arith.constant 1 : i32
      scf.for %scan3A_535 = %scan3A_519 to %scan3A_521 step %scan3A_522  : i32 {
        %mul3A_536 = arith.constant 16 : i32
        %mul3A_537 = arith.muli %scan3A_535, %mul3A_536 : i32
        %add3A_538 = vector.broadcast %mul3A_537 : i32 to vector<16xi32>
        %add3A_539 = arith.addi %add3A_538, %iota3A : vector<16xi32>
        %broadcast_in_dim3A_540 = arith.constant 0 : i32
        %broadcast_in_dim3A_541 = vector.broadcast %broadcast_in_dim3A_540 : i32 to vector<16xi32>
        %scan3A_542 = arith.constant 0 : i32
        %scan3A_543 = arith.constant 8 : i32
        %scan3A_544 = arith.addi %scan3A_542, %scan3A_543 : i32
        %scan3A_545 = arith.constant 1 : i32
        %scan3A_546:4 = scf.for %scan3A_552 = %scan3A_542 to %scan3A_544 step %scan3A_545 iter_args(%scan3A_553 = %broadcast_in_dim3A_3, %scan3A_554 = %broadcast_in_dim3A_3, %scan3A_555 = %broadcast_in_dim3A_3, %scan3A_556 = %broadcast_in_dim3A_541) -> (vector<16xf32>, vector<16xf32>, vector<16xf32>, vector<16xi32>)  : i32 {
          %add3A_557 = arith.addi %scan3A_556, %iota3A : vector<16xi32>
          %and3A = arith.constant 63 : i32
          %and3A_558 = vector.broadcast %and3A : i32 to vector<16xi32>
          %and3A_559 = arith.andi %add3A_557, %and3A_558 : vector<16xi32>
          %gather3A = tpu.vector_load_idx %arg24[%add3A_539, %and3A_559] : memref<128x64xf32, #tpu.memory_space<vmem>>[vector<16xi32>, vector<16xi32>], vector<16xf32>,
          %gather3A_560 = tpu.vector_load_idx %arg25[%add3A_539, %and3A_559] : memref<128x64xf32, #tpu.memory_space<vmem>>[vector<16xi32>, vector<16xi32>], vector<16xf32>,
          %gather3A_561 = tpu.vector_load_idx %arg26[%add3A_539, %and3A_559] : memref<128x64xf32, #tpu.memory_space<vmem>>[vector<16xi32>, vector<16xi32>], vector<16xf32>,
          %gather3A_562 = tpu.vector_load_idx %arg27[%add3A_539, %and3A_559] : memref<128x64xf32, #tpu.memory_space<vmem>>[vector<16xi32>, vector<16xi32>], vector<16xf32>,
          %sub3A_563 = arith.subf %gather3A, %gather3A_560 : vector<16xf32>
          %sub3A_564 = arith.subf %gather3A, %gather3A_561 : vector<16xf32>
          %sub3A_565 = arith.subf %gather3A, %gather3A_562 : vector<16xf32>
          %mul3A_566 = arith.mulf %sub3A_563, %sub3A_563 : vector<16xf32>
          %add3A_567 = arith.addf %scan3A_553, %mul3A_566 : vector<16xf32>
          %mul3A_568 = arith.mulf %sub3A_564, %sub3A_564 : vector<16xf32>
          %add3A_569 = arith.addf %scan3A_554, %mul3A_568 : vector<16xf32>
          %mul3A_570 = arith.mulf %sub3A_565, %sub3A_565 : vector<16xf32>
          %add3A_571 = arith.addf %scan3A_555, %mul3A_570 : vector<16xf32>
          %add3A_572 = arith.constant 1 : i32
          %add3A_573 = vector.broadcast %add3A_572 : i32 to vector<16xi32>
          %add3A_574 = arith.addi %scan3A_556, %add3A_573 : vector<16xi32>
          %add3A_575 = arith.addi %add3A_574, %iota3A : vector<16xi32>
          %and3A_576 = arith.constant 63 : i32
          %and3A_577 = vector.broadcast %and3A_576 : i32 to vector<16xi32>
          %and3A_578 = arith.andi %add3A_575, %and3A_577 : vector<16xi32>
          %gather3A_579 = tpu.vector_load_idx %arg24[%add3A_539, %and3A_578] : memref<128x64xf32, #tpu.memory_space<vmem>>[vector<16xi32>, vector<16xi32>], vector<16xf32>,
          %gather3A_580 = tpu.vector_load_idx %arg25[%add3A_539, %and3A_578] : memref<128x64xf32, #tpu.memory_space<vmem>>[vector<16xi32>, vector<16xi32>], vector<16xf32>,
          %gather3A_581 = tpu.vector_load_idx %arg26[%add3A_539, %and3A_578] : memref<128x64xf32, #tpu.memory_space<vmem>>[vector<16xi32>, vector<16xi32>], vector<16xf32>,
          %gather3A_582 = tpu.vector_load_idx %arg27[%add3A_539, %and3A_578] : memref<128x64xf32, #tpu.memory_space<vmem>>[vector<16xi32>, vector<16xi32>], vector<16xf32>,
          %sub3A_583 = arith.subf %gather3A_579, %gather3A_580 : vector<16xf32>
          %sub3A_584 = arith.subf %gather3A_579, %gather3A_581 : vector<16xf32>
          %sub3A_585 = arith.subf %gather3A_579, %gather3A_582 : vector<16xf32>
          %mul3A_586 = arith.mulf %sub3A_583, %sub3A_583 : vector<16xf32>
          %add3A_587 = arith.addf %add3A_567, %mul3A_586 : vector<16xf32>
          %mul3A_588 = arith.mulf %sub3A_584, %sub3A_584 : vector<16xf32>
          %add3A_589 = arith.addf %add3A_569, %mul3A_588 : vector<16xf32>
          %mul3A_590 = arith.mulf %sub3A_585, %sub3A_585 : vector<16xf32>
          %add3A_591 = arith.addf %add3A_571, %mul3A_590 : vector<16xf32>
          %add3A_592 = arith.constant 1 : i32
          %add3A_593 = vector.broadcast %add3A_592 : i32 to vector<16xi32>
          %add3A_594 = arith.addi %add3A_574, %add3A_593 : vector<16xi32>
          %add3A_595 = arith.addi %add3A_594, %iota3A : vector<16xi32>
          %and3A_596 = arith.constant 63 : i32
          %and3A_597 = vector.broadcast %and3A_596 : i32 to vector<16xi32>
          %and3A_598 = arith.andi %add3A_595, %and3A_597 : vector<16xi32>
          %gather3A_599 = tpu.vector_load_idx %arg24[%add3A_539, %and3A_598] : memref<128x64xf32, #tpu.memory_space<vmem>>[vector<16xi32>, vector<16xi32>], vector<16xf32>,
          %gather3A_600 = tpu.vector_load_idx %arg25[%add3A_539, %and3A_598] : memref<128x64xf32, #tpu.memory_space<vmem>>[vector<16xi32>, vector<16xi32>], vector<16xf32>,
          %gather3A_601 = tpu.vector_load_idx %arg26[%add3A_539, %and3A_598] : memref<128x64xf32, #tpu.memory_space<vmem>>[vector<16xi32>, vector<16xi32>], vector<16xf32>,
          %gather3A_602 = tpu.vector_load_idx %arg27[%add3A_539, %and3A_598] : memref<128x64xf32, #tpu.memory_space<vmem>>[vector<16xi32>, vector<16xi32>], vector<16xf32>,
          %sub3A_603 = arith.subf %gather3A_599, %gather3A_600 : vector<16xf32>
          %sub3A_604 = arith.subf %gather3A_599, %gather3A_601 : vector<16xf32>
          %sub3A_605 = arith.subf %gather3A_599, %gather3A_602 : vector<16xf32>
          %mul3A_606 = arith.mulf %sub3A_603, %sub3A_603 : vector<16xf32>
          %add3A_607 = arith.addf %add3A_587, %mul3A_606 : vector<16xf32>
          %mul3A_608 = arith.mulf %sub3A_604, %sub3A_604 : vector<16xf32>
          %add3A_609 = arith.addf %add3A_589, %mul3A_608 : vector<16xf32>
          %mul3A_610 = arith.mulf %sub3A_605, %sub3A_605 : vector<16xf32>
          %add3A_611 = arith.addf %add3A_591, %mul3A_610 : vector<16xf32>
          %add3A_612 = arith.constant 1 : i32
          %add3A_613 = vector.broadcast %add3A_612 : i32 to vector<16xi32>
          %add3A_614 = arith.addi %add3A_594, %add3A_613 : vector<16xi32>
          %add3A_615 = arith.addi %add3A_614, %iota3A : vector<16xi32>
          %and3A_616 = arith.constant 63 : i32
          %and3A_617 = vector.broadcast %and3A_616 : i32 to vector<16xi32>
          %and3A_618 = arith.andi %add3A_615, %and3A_617 : vector<16xi32>
          %gather3A_619 = tpu.vector_load_idx %arg24[%add3A_539, %and3A_618] : memref<128x64xf32, #tpu.memory_space<vmem>>[vector<16xi32>, vector<16xi32>], vector<16xf32>,
          %gather3A_620 = tpu.vector_load_idx %arg25[%add3A_539, %and3A_618] : memref<128x64xf32, #tpu.memory_space<vmem>>[vector<16xi32>, vector<16xi32>], vector<16xf32>,
          %gather3A_621 = tpu.vector_load_idx %arg26[%add3A_539, %and3A_618] : memref<128x64xf32, #tpu.memory_space<vmem>>[vector<16xi32>, vector<16xi32>], vector<16xf32>,
          %gather3A_622 = tpu.vector_load_idx %arg27[%add3A_539, %and3A_618] : memref<128x64xf32, #tpu.memory_space<vmem>>[vector<16xi32>, vector<16xi32>], vector<16xf32>,
          %sub3A_623 = arith.subf %gather3A_619, %gather3A_620 : vector<16xf32>
          %sub3A_624 = arith.subf %gather3A_619, %gather3A_621 : vector<16xf32>
          %sub3A_625 = arith.subf %gather3A_619, %gather3A_622 : vector<16xf32>
          %mul3A_626 = arith.mulf %sub3A_623, %sub3A_623 : vector<16xf32>
          %add3A_627 = arith.addf %add3A_607, %mul3A_626 : vector<16xf32>
          %mul3A_628 = arith.mulf %sub3A_624, %sub3A_624 : vector<16xf32>
          %add3A_629 = arith.addf %add3A_609, %mul3A_628 : vector<16xf32>
          %mul3A_630 = arith.mulf %sub3A_625, %sub3A_625 : vector<16xf32>
          %add3A_631 = arith.addf %add3A_611, %mul3A_630 : vector<16xf32>
          %add3A_632 = arith.constant 1 : i32
          %add3A_633 = vector.broadcast %add3A_632 : i32 to vector<16xi32>
          %add3A_634 = arith.addi %add3A_614, %add3A_633 : vector<16xi32>
          %add3A_635 = arith.addi %add3A_634, %iota3A : vector<16xi32>
          %and3A_636 = arith.constant 63 : i32
          %and3A_637 = vector.broadcast %and3A_636 : i32 to vector<16xi32>
          %and3A_638 = arith.andi %add3A_635, %and3A_637 : vector<16xi32>
          %gather3A_639 = tpu.vector_load_idx %arg24[%add3A_539, %and3A_638] : memref<128x64xf32, #tpu.memory_space<vmem>>[vector<16xi32>, vector<16xi32>], vector<16xf32>,
          %gather3A_640 = tpu.vector_load_idx %arg25[%add3A_539, %and3A_638] : memref<128x64xf32, #tpu.memory_space<vmem>>[vector<16xi32>, vector<16xi32>], vector<16xf32>,
          %gather3A_641 = tpu.vector_load_idx %arg26[%add3A_539, %and3A_638] : memref<128x64xf32, #tpu.memory_space<vmem>>[vector<16xi32>, vector<16xi32>], vector<16xf32>,
          %gather3A_642 = tpu.vector_load_idx %arg27[%add3A_539, %and3A_638] : memref<128x64xf32, #tpu.memory_space<vmem>>[vector<16xi32>, vector<16xi32>], vector<16xf32>,
          %sub3A_643 = arith.subf %gather3A_639, %gather3A_640 : vector<16xf32>
          %sub3A_644 = arith.subf %gather3A_639, %gather3A_641 : vector<16xf32>
          %sub3A_645 = arith.subf %gather3A_639, %gather3A_642 : vector<16xf32>
          %mul3A_646 = arith.mulf %sub3A_643, %sub3A_643 : vector<16xf32>
          %add3A_647 = arith.addf %add3A_627, %mul3A_646 : vector<16xf32>
          %mul3A_648 = arith.mulf %sub3A_644, %sub3A_644 : vector<16xf32>
          %add3A_649 = arith.addf %add3A_629, %mul3A_648 : vector<16xf32>
          %mul3A_650 = arith.mulf %sub3A_645, %sub3A_645 : vector<16xf32>
          %add3A_651 = arith.addf %add3A_631, %mul3A_650 : vector<16xf32>
          %add3A_652 = arith.constant 1 : i32
          %add3A_653 = vector.broadcast %add3A_652 : i32 to vector<16xi32>
          %add3A_654 = arith.addi %add3A_634, %add3A_653 : vector<16xi32>
          %add3A_655 = arith.addi %add3A_654, %iota3A : vector<16xi32>
          %and3A_656 = arith.constant 63 : i32
          %and3A_657 = vector.broadcast %and3A_656 : i32 to vector<16xi32>
          %and3A_658 = arith.andi %add3A_655, %and3A_657 : vector<16xi32>
          %gather3A_659 = tpu.vector_load_idx %arg24[%add3A_539, %and3A_658] : memref<128x64xf32, #tpu.memory_space<vmem>>[vector<16xi32>, vector<16xi32>], vector<16xf32>,
          %gather3A_660 = tpu.vector_load_idx %arg25[%add3A_539, %and3A_658] : memref<128x64xf32, #tpu.memory_space<vmem>>[vector<16xi32>, vector<16xi32>], vector<16xf32>,
          %gather3A_661 = tpu.vector_load_idx %arg26[%add3A_539, %and3A_658] : memref<128x64xf32, #tpu.memory_space<vmem>>[vector<16xi32>, vector<16xi32>], vector<16xf32>,
          %gather3A_662 = tpu.vector_load_idx %arg27[%add3A_539, %and3A_658] : memref<128x64xf32, #tpu.memory_space<vmem>>[vector<16xi32>, vector<16xi32>], vector<16xf32>,
          %sub3A_663 = arith.subf %gather3A_659, %gather3A_660 : vector<16xf32>
          %sub3A_664 = arith.subf %gather3A_659, %gather3A_661 : vector<16xf32>
          %sub3A_665 = arith.subf %gather3A_659, %gather3A_662 : vector<16xf32>
          %mul3A_666 = arith.mulf %sub3A_663, %sub3A_663 : vector<16xf32>
          %add3A_667 = arith.addf %add3A_647, %mul3A_666 : vector<16xf32>
          %mul3A_668 = arith.mulf %sub3A_664, %sub3A_664 : vector<16xf32>
          %add3A_669 = arith.addf %add3A_649, %mul3A_668 : vector<16xf32>
          %mul3A_670 = arith.mulf %sub3A_665, %sub3A_665 : vector<16xf32>
          %add3A_671 = arith.addf %add3A_651, %mul3A_670 : vector<16xf32>
          %add3A_672 = arith.constant 1 : i32
          %add3A_673 = vector.broadcast %add3A_672 : i32 to vector<16xi32>
          %add3A_674 = arith.addi %add3A_654, %add3A_673 : vector<16xi32>
          %add3A_675 = arith.addi %add3A_674, %iota3A : vector<16xi32>
          %and3A_676 = arith.constant 63 : i32
          %and3A_677 = vector.broadcast %and3A_676 : i32 to vector<16xi32>
          %and3A_678 = arith.andi %add3A_675, %and3A_677 : vector<16xi32>
          %gather3A_679 = tpu.vector_load_idx %arg24[%add3A_539, %and3A_678] : memref<128x64xf32, #tpu.memory_space<vmem>>[vector<16xi32>, vector<16xi32>], vector<16xf32>,
          %gather3A_680 = tpu.vector_load_idx %arg25[%add3A_539, %and3A_678] : memref<128x64xf32, #tpu.memory_space<vmem>>[vector<16xi32>, vector<16xi32>], vector<16xf32>,
          %gather3A_681 = tpu.vector_load_idx %arg26[%add3A_539, %and3A_678] : memref<128x64xf32, #tpu.memory_space<vmem>>[vector<16xi32>, vector<16xi32>], vector<16xf32>,
          %gather3A_682 = tpu.vector_load_idx %arg27[%add3A_539, %and3A_678] : memref<128x64xf32, #tpu.memory_space<vmem>>[vector<16xi32>, vector<16xi32>], vector<16xf32>,
          %sub3A_683 = arith.subf %gather3A_679, %gather3A_680 : vector<16xf32>
          %sub3A_684 = arith.subf %gather3A_679, %gather3A_681 : vector<16xf32>
          %sub3A_685 = arith.subf %gather3A_679, %gather3A_682 : vector<16xf32>
          %mul3A_686 = arith.mulf %sub3A_683, %sub3A_683 : vector<16xf32>
          %add3A_687 = arith.addf %add3A_667, %mul3A_686 : vector<16xf32>
          %mul3A_688 = arith.mulf %sub3A_684, %sub3A_684 : vector<16xf32>
          %add3A_689 = arith.addf %add3A_669, %mul3A_688 : vector<16xf32>
          %mul3A_690 = arith.mulf %sub3A_685, %sub3A_685 : vector<16xf32>
          %add3A_691 = arith.addf %add3A_671, %mul3A_690 : vector<16xf32>
          %add3A_692 = arith.constant 1 : i32
          %add3A_693 = vector.broadcast %add3A_692 : i32 to vector<16xi32>
          %add3A_694 = arith.addi %add3A_674, %add3A_693 : vector<16xi32>
          %add3A_695 = arith.addi %add3A_694, %iota3A : vector<16xi32>
          %and3A_696 = arith.constant 63 : i32
          %and3A_697 = vector.broadcast %and3A_696 : i32 to vector<16xi32>
          %and3A_698 = arith.andi %add3A_695, %and3A_697 : vector<16xi32>
          %gather3A_699 = tpu.vector_load_idx %arg24[%add3A_539, %and3A_698] : memref<128x64xf32, #tpu.memory_space<vmem>>[vector<16xi32>, vector<16xi32>], vector<16xf32>,
          %gather3A_700 = tpu.vector_load_idx %arg25[%add3A_539, %and3A_698] : memref<128x64xf32, #tpu.memory_space<vmem>>[vector<16xi32>, vector<16xi32>], vector<16xf32>,
          %gather3A_701 = tpu.vector_load_idx %arg26[%add3A_539, %and3A_698] : memref<128x64xf32, #tpu.memory_space<vmem>>[vector<16xi32>, vector<16xi32>], vector<16xf32>,
          %gather3A_702 = tpu.vector_load_idx %arg27[%add3A_539, %and3A_698] : memref<128x64xf32, #tpu.memory_space<vmem>>[vector<16xi32>, vector<16xi32>], vector<16xf32>,
          %sub3A_703 = arith.subf %gather3A_699, %gather3A_700 : vector<16xf32>
          %sub3A_704 = arith.subf %gather3A_699, %gather3A_701 : vector<16xf32>
          %sub3A_705 = arith.subf %gather3A_699, %gather3A_702 : vector<16xf32>
          %mul3A_706 = arith.mulf %sub3A_703, %sub3A_703 : vector<16xf32>
          %add3A_707 = arith.addf %add3A_687, %mul3A_706 : vector<16xf32>
          %mul3A_708 = arith.mulf %sub3A_704, %sub3A_704 : vector<16xf32>
          %add3A_709 = arith.addf %add3A_689, %mul3A_708 : vector<16xf32>
          %mul3A_710 = arith.mulf %sub3A_705, %sub3A_705 : vector<16xf32>
          %add3A_711 = arith.addf %add3A_691, %mul3A_710 : vector<16xf32>
          %add3A_712 = arith.constant 1 : i32
          %add3A_713 = vector.broadcast %add3A_712 : i32 to vector<16xi32>
          %add3A_714 = arith.addi %add3A_694, %add3A_713 : vector<16xi32>
          scf.yield %add3A_707, %add3A_709, %add3A_711, %add3A_714 : vector<16xf32>, vector<16xf32>, vector<16xf32>, vector<16xi32>
        }
        %scan3A_547 = arith.constant 8 : i32
        %sub3A = arith.subf %scan3A_546#0, %scan3A_546#1 : vector<16xf32>
        %swap3A = arith.index_cast %mul3A_537 : i32 to index
        %swap3A_548 = tpu.vector_load %arg29[%swap3A] {strides = array<i32>} : memref<128xf32, #tpu.memory_space<vmem>>, vector<16xf32>,
        tpu.vector_store %arg29[%swap3A], %sub3A {strides = array<i32>} : memref<128xf32, #tpu.memory_space<vmem>>, vector<16xf32>,
        %sub3A_549 = arith.subf %scan3A_546#1, %scan3A_546#2 : vector<16xf32>
        %swap3A_550 = arith.index_cast %mul3A_537 : i32 to index
        %swap3A_551 = tpu.vector_load %arg30[%swap3A_550] {strides = array<i32>} : memref<128xf32, #tpu.memory_space<vmem>>, vector<16xf32>,
        tpu.vector_store %arg30[%swap3A_550], %sub3A_549 {strides = array<i32>} : memref<128xf32, #tpu.memory_space<vmem>>, vector<16xf32>,
      }
      %scan3A_523 = arith.constant 8 : i32
      %mul3A_524 = arith.constant 128 : i32
      %mul3A_525 = arith.muli %add3A_310, %mul3A_524 : i32
      %add3A_526 = arith.addi %mul3A_2, %mul3A_525 : i32
      %dma_start3A_527 = tpu.memref_slice %arg5[%add3A_526] : memref<65536xf32, #tpu.memory_space<hbm>> -> memref<128xf32, #tpu.memory_space<hbm>>
      %dma_start3A_528 = tpu.memref_slice %arg5[%add3A_526] : memref<65536xf32, #tpu.memory_space<hbm>> -> memref<128xf32, #tpu.memory_space<hbm>>
      tpu.enqueue_dma source(%arg29 : memref<128xf32, #tpu.memory_space<vmem>>) target(%dma_start3A_528 : memref<128xf32, #tpu.memory_space<hbm>>) target_semaphore(%arg35 : memref<!tpu.dma_semaphore, #tpu.memory_space<semaphore_mem>>)
      %dma_start3A_529 = tpu.memref_slice %arg6[%add3A_526] : memref<65536xf32, #tpu.memory_space<hbm>> -> memref<128xf32, #tpu.memory_space<hbm>>
      %dma_start3A_530 = tpu.memref_slice %arg6[%add3A_526] : memref<65536xf32, #tpu.memory_space<hbm>> -> memref<128xf32, #tpu.memory_space<hbm>>
      tpu.enqueue_dma source(%arg30 : memref<128xf32, #tpu.memory_space<vmem>>) target(%dma_start3A_530 : memref<128xf32, #tpu.memory_space<hbm>>) target_semaphore(%arg35 : memref<!tpu.dma_semaphore, #tpu.memory_space<semaphore_mem>>)
      %mul3A_531 = arith.constant 4 : i32
      %mul3A_532 = arith.muli %mul3A_531, %add3A_526 : i32
      %dma_start3A_533 = tpu.memref_slice %arg7[%mul3A_532] : memref<262144xi32, #tpu.memory_space<hbm>> -> memref<512xi32, #tpu.memory_space<hbm>>
      %dma_start3A_534 = tpu.memref_slice %arg7[%mul3A_532] : memref<262144xi32, #tpu.memory_space<hbm>> -> memref<512xi32, #tpu.memory_space<hbm>>
      tpu.enqueue_dma source(%arg28 : memref<512xi32, #tpu.memory_space<vmem>>) target(%dma_start3A_534 : memref<512xi32, #tpu.memory_space<hbm>>) target_semaphore(%arg35 : memref<!tpu.dma_semaphore, #tpu.memory_space<semaphore_mem>>)
    }
    %scan3A_273 = arith.constant 7 : i32
    %dma_wait3A_274 = arith.constant 0 : i32
    %dma_wait3A_275 = arith.constant 0 : i32
    %dma_wait3A_276 = tpu.memref_slice %arg2[%dma_wait3A_274, %dma_wait3A_275] : memref<16384x64xf32, #tpu.memory_space<hbm>> -> memref<16384x64xf32, #tpu.memory_space<hbm>>
    tpu.wait_indirect_dma semaphore(%arg32 : memref<!tpu.dma_semaphore, #tpu.memory_space<semaphore_mem>>) src(%dma_wait3A_276 : memref<16384x64xf32, #tpu.memory_space<hbm>>) dst(%arg13 : memref<128x64xf32, #tpu.memory_space<vmem>>)
    %dma_wait3A_277 = arith.constant 0 : i32
    %dma_wait3A_278 = arith.constant 0 : i32
    %dma_wait3A_279 = tpu.memref_slice %arg2[%dma_wait3A_277, %dma_wait3A_278] : memref<16384x64xf32, #tpu.memory_space<hbm>> -> memref<16384x64xf32, #tpu.memory_space<hbm>>
    tpu.wait_indirect_dma semaphore(%arg32 : memref<!tpu.dma_semaphore, #tpu.memory_space<semaphore_mem>>) src(%dma_wait3A_279 : memref<16384x64xf32, #tpu.memory_space<hbm>>) dst(%arg14 : memref<128x64xf32, #tpu.memory_space<vmem>>)
    %dma_wait3A_280 = arith.constant 0 : i32
    %dma_wait3A_281 = arith.constant 0 : i32
    %dma_wait3A_282 = tpu.memref_slice %arg2[%dma_wait3A_280, %dma_wait3A_281] : memref<16384x64xf32, #tpu.memory_space<hbm>> -> memref<16384x64xf32, #tpu.memory_space<hbm>>
    tpu.wait_indirect_dma semaphore(%arg32 : memref<!tpu.dma_semaphore, #tpu.memory_space<semaphore_mem>>) src(%dma_wait3A_282 : memref<16384x64xf32, #tpu.memory_space<hbm>>) dst(%arg15 : memref<128x64xf32, #tpu.memory_space<vmem>>)
    %dma_wait3A_283 = arith.constant 0 : i32
    %dma_wait3A_284 = arith.constant 0 : i32
    %dma_wait3A_285 = tpu.memref_slice %arg2[%dma_wait3A_283, %dma_wait3A_284] : memref<16384x64xf32, #tpu.memory_space<hbm>> -> memref<16384x64xf32, #tpu.memory_space<hbm>>
    tpu.wait_indirect_dma semaphore(%arg32 : memref<!tpu.dma_semaphore, #tpu.memory_space<semaphore_mem>>) src(%dma_wait3A_285 : memref<16384x64xf32, #tpu.memory_space<hbm>>) dst(%arg16 : memref<128x64xf32, #tpu.memory_space<vmem>>)
    %dma_wait3A_286 = arith.constant 0 : i32
    %dma_wait3A_287 = tpu.memref_slice %arg5[%dma_wait3A_286] : memref<65536xf32, #tpu.memory_space<hbm>> -> memref<128xf32, #tpu.memory_space<hbm>>
    %dma_wait3A_288 = arith.constant 0 : i32
    %dma_wait3A_289 = tpu.memref_slice %arg5[%dma_wait3A_288] : memref<65536xf32, #tpu.memory_space<hbm>> -> memref<128xf32, #tpu.memory_space<hbm>>
    tpu.wait_dma2 semaphore(%arg34 : memref<!tpu.dma_semaphore, #tpu.memory_space<semaphore_mem>>) src(%arg18 : memref<128xf32, #tpu.memory_space<vmem>>) dst(%dma_wait3A_289 : memref<128xf32, #tpu.memory_space<hbm>>)
    %dma_wait3A_290 = arith.constant 0 : i32
    %dma_wait3A_291 = tpu.memref_slice %arg6[%dma_wait3A_290] : memref<65536xf32, #tpu.memory_space<hbm>> -> memref<128xf32, #tpu.memory_space<hbm>>
    %dma_wait3A_292 = arith.constant 0 : i32
    %dma_wait3A_293 = tpu.memref_slice %arg6[%dma_wait3A_292] : memref<65536xf32, #tpu.memory_space<hbm>> -> memref<128xf32, #tpu.memory_space<hbm>>
    tpu.wait_dma2 semaphore(%arg34 : memref<!tpu.dma_semaphore, #tpu.memory_space<semaphore_mem>>) src(%arg19 : memref<128xf32, #tpu.memory_space<vmem>>) dst(%dma_wait3A_293 : memref<128xf32, #tpu.memory_space<hbm>>)
    %dma_wait3A_294 = arith.constant 0 : i32
    %dma_wait3A_295 = tpu.memref_slice %arg7[%dma_wait3A_294] : memref<262144xi32, #tpu.memory_space<hbm>> -> memref<512xi32, #tpu.memory_space<hbm>>
    %dma_wait3A_296 = arith.constant 0 : i32
    %dma_wait3A_297 = tpu.memref_slice %arg7[%dma_wait3A_296] : memref<262144xi32, #tpu.memory_space<hbm>> -> memref<512xi32, #tpu.memory_space<hbm>>
    tpu.wait_dma2 semaphore(%arg35 : memref<!tpu.dma_semaphore, #tpu.memory_space<semaphore_mem>>) src(%arg28 : memref<512xi32, #tpu.memory_space<vmem>>) dst(%dma_wait3A_297 : memref<512xi32, #tpu.memory_space<hbm>>)
    %dma_wait3A_298 = arith.constant 0 : i32
    %dma_wait3A_299 = tpu.memref_slice %arg5[%dma_wait3A_298] : memref<65536xf32, #tpu.memory_space<hbm>> -> memref<128xf32, #tpu.memory_space<hbm>>
    %dma_wait3A_300 = arith.constant 0 : i32
    %dma_wait3A_301 = tpu.memref_slice %arg5[%dma_wait3A_300] : memref<65536xf32, #tpu.memory_space<hbm>> -> memref<128xf32, #tpu.memory_space<hbm>>
    tpu.wait_dma2 semaphore(%arg35 : memref<!tpu.dma_semaphore, #tpu.memory_space<semaphore_mem>>) src(%arg29 : memref<128xf32, #tpu.memory_space<vmem>>) dst(%dma_wait3A_301 : memref<128xf32, #tpu.memory_space<hbm>>)
    %dma_wait3A_302 = arith.constant 0 : i32
    %dma_wait3A_303 = tpu.memref_slice %arg6[%dma_wait3A_302] : memref<65536xf32, #tpu.memory_space<hbm>> -> memref<128xf32, #tpu.memory_space<hbm>>
    %dma_wait3A_304 = arith.constant 0 : i32
    %dma_wait3A_305 = tpu.memref_slice %arg6[%dma_wait3A_304] : memref<65536xf32, #tpu.memory_space<hbm>> -> memref<128xf32, #tpu.memory_space<hbm>>
    tpu.wait_dma2 semaphore(%arg35 : memref<!tpu.dma_semaphore, #tpu.memory_space<semaphore_mem>>) src(%arg30 : memref<128xf32, #tpu.memory_space<vmem>>) dst(%dma_wait3A_305 : memref<128xf32, #tpu.memory_space<hbm>>)
    return
  }
}

#map = affine_map<(d0, d1) -> (0, 0)>
#map1 = affine_map<(d0, d1) -> (0)>
module attributes {stable_mosaic.version = 14 : i64} {
  func.func @sc_weight(%arg0: i32, %arg1: i32, %arg2: memref<4x65536xi32, #tpu.memory_space<hbm>>, %arg3: memref<16384xf32, #tpu.memory_space<hbm>>, %arg4: memref<16384000xf32, #tpu.memory_space<hbm>>, %arg5: memref<262144xi32, #tpu.memory_space<hbm>>, %arg6: memref<65536xf32, #tpu.memory_space<hbm>>, %arg7: memref<65536xf32, #tpu.memory_space<hbm>>, %arg8: memref<32x16xf32, #tpu.memory_space<hbm>>, %arg9: memref<16384xf32, #tpu.memory_space<vmem>>, %arg10: memref<2048xi32, #tpu.memory_space<vmem>>, %arg11: memref<2048xf32, #tpu.memory_space<vmem>>, %arg12: memref<512xi32, #tpu.memory_space<vmem>>, %arg13: memref<512xi32, #tpu.memory_space<vmem>>, %arg14: memref<512xi32, #tpu.memory_space<vmem>>, %arg15: memref<512xf32, #tpu.memory_space<vmem>>, %arg16: memref<512xf32, #tpu.memory_space<vmem>>, %arg17: memref<2048xi32, #tpu.memory_space<vmem>>, %arg18: memref<2048xf32, #tpu.memory_space<vmem>>, %arg19: memref<512xi32, #tpu.memory_space<vmem>>, %arg20: memref<512xi32, #tpu.memory_space<vmem>>, %arg21: memref<512xi32, #tpu.memory_space<vmem>>, %arg22: memref<512xf32, #tpu.memory_space<vmem>>, %arg23: memref<512xf32, #tpu.memory_space<vmem>>, %arg24: memref<16xf32, #tpu.memory_space<vmem>>, %arg25: memref<!tpu.dma_semaphore, #tpu.memory_space<semaphore_mem>>, %arg26: memref<!tpu.dma_semaphore, #tpu.memory_space<semaphore_mem>>) attributes {dimension_semantics = [#tpu.dimension_semantics<core_parallel>, #tpu.dimension_semantics<subcore_parallel>], iteration_bounds = array<i64: 2, 16>, scalar_prefetch = 0 : i64, scratch_operands = 18 : i64, tpu.core_type = #tpu.core_type<sc_vector_subcore>, window_params = [{transform_indices = #map}, {transform_indices = #map1}, {transform_indices = #map1}, {transform_indices = #map1}, {transform_indices = #map1}, {transform_indices = #map1}, {transform_indices = #map}]} {
    %mul3A = arith.constant 2 : i32
    %mul3A_0 = arith.muli %arg1, %mul3A : i32
    %add3A = arith.addi %mul3A_0, %arg0 : i32
    %mul3A_1 = arith.constant 2048 : i32
    %mul3A_2 = arith.muli %add3A, %mul3A_1 : i32
    "tpu.region"() ({
      %run_scoped3A = tpu.sem_alloc : memref<!tpu.dma_semaphore, #tpu.memory_space<semaphore_mem>>
      tpu.enqueue_dma source(%arg3 : memref<16384xf32, #tpu.memory_space<hbm>>) target(%arg9 : memref<16384xf32, #tpu.memory_space<vmem>>) target_semaphore(%run_scoped3A : memref<!tpu.dma_semaphore, #tpu.memory_space<semaphore_mem>>)
      tpu.wait_dma2 semaphore(%run_scoped3A : memref<!tpu.dma_semaphore, #tpu.memory_space<semaphore_mem>>) src(%arg3 : memref<16384xf32, #tpu.memory_space<hbm>>) dst(%arg9 : memref<16384xf32, #tpu.memory_space<vmem>>)
      tpu.yield
    }) : () -> ()
    %broadcast_in_dim3A = arith.constant 0.000000e+00 : f32
    %broadcast_in_dim3A_3 = vector.broadcast %broadcast_in_dim3A : f32 to vector<16xf32>
    %add3A_4 = arith.constant 0 : i32
    %add3A_5 = arith.addi %mul3A_2, %add3A_4 : i32
    %mul3A_6 = arith.constant 4 : i32
    %mul3A_7 = arith.muli %mul3A_6, %add3A_5 : i32
    %dma_start3A = tpu.memref_slice %arg5[%mul3A_7] : memref<262144xi32, #tpu.memory_space<hbm>> -> memref<2048xi32, #tpu.memory_space<hbm>>
    %dma_start3A_8 = tpu.memref_slice %arg5[%mul3A_7] : memref<262144xi32, #tpu.memory_space<hbm>> -> memref<2048xi32, #tpu.memory_space<hbm>>
    tpu.enqueue_dma source(%dma_start3A_8 : memref<2048xi32, #tpu.memory_space<hbm>>) target(%arg10 : memref<2048xi32, #tpu.memory_space<vmem>>) target_semaphore(%arg25 : memref<!tpu.dma_semaphore, #tpu.memory_space<semaphore_mem>>)
    %dma_start3A_9 = arith.constant 0 : i32
    %dma_start3A_10 = tpu.memref_slice %arg2[%dma_start3A_9, %add3A_5] : memref<4x65536xi32, #tpu.memory_space<hbm>> -> memref<1x512xi32, #tpu.memory_space<hbm>>
    %dma_start3A_11 = tpu.memref_squeeze %dma_start3A_10 : memref<1x512xi32, #tpu.memory_space<hbm>> -> memref<512xi32, #tpu.memory_space<hbm>>
    %dma_start3A_12 = tpu.memref_slice %arg2[%dma_start3A_9, %add3A_5] : memref<4x65536xi32, #tpu.memory_space<hbm>> -> memref<1x512xi32, #tpu.memory_space<hbm>>
    %dma_start3A_13 = tpu.memref_squeeze %dma_start3A_12 : memref<1x512xi32, #tpu.memory_space<hbm>> -> memref<512xi32, #tpu.memory_space<hbm>>
    tpu.enqueue_dma source(%dma_start3A_13 : memref<512xi32, #tpu.memory_space<hbm>>) target(%arg12 : memref<512xi32, #tpu.memory_space<vmem>>) target_semaphore(%arg25 : memref<!tpu.dma_semaphore, #tpu.memory_space<semaphore_mem>>)
    %dma_start3A_14 = arith.constant 2 : i32
    %dma_start3A_15 = tpu.memref_slice %arg2[%dma_start3A_14, %add3A_5] : memref<4x65536xi32, #tpu.memory_space<hbm>> -> memref<1x512xi32, #tpu.memory_space<hbm>>
    %dma_start3A_16 = tpu.memref_squeeze %dma_start3A_15 : memref<1x512xi32, #tpu.memory_space<hbm>> -> memref<512xi32, #tpu.memory_space<hbm>>
    %dma_start3A_17 = tpu.memref_slice %arg2[%dma_start3A_14, %add3A_5] : memref<4x65536xi32, #tpu.memory_space<hbm>> -> memref<1x512xi32, #tpu.memory_space<hbm>>
    %dma_start3A_18 = tpu.memref_squeeze %dma_start3A_17 : memref<1x512xi32, #tpu.memory_space<hbm>> -> memref<512xi32, #tpu.memory_space<hbm>>
    tpu.enqueue_dma source(%dma_start3A_18 : memref<512xi32, #tpu.memory_space<hbm>>) target(%arg13 : memref<512xi32, #tpu.memory_space<vmem>>) target_semaphore(%arg25 : memref<!tpu.dma_semaphore, #tpu.memory_space<semaphore_mem>>)
    %dma_start3A_19 = arith.constant 3 : i32
    %dma_start3A_20 = tpu.memref_slice %arg2[%dma_start3A_19, %add3A_5] : memref<4x65536xi32, #tpu.memory_space<hbm>> -> memref<1x512xi32, #tpu.memory_space<hbm>>
    %dma_start3A_21 = tpu.memref_squeeze %dma_start3A_20 : memref<1x512xi32, #tpu.memory_space<hbm>> -> memref<512xi32, #tpu.memory_space<hbm>>
    %dma_start3A_22 = tpu.memref_slice %arg2[%dma_start3A_19, %add3A_5] : memref<4x65536xi32, #tpu.memory_space<hbm>> -> memref<1x512xi32, #tpu.memory_space<hbm>>
    %dma_start3A_23 = tpu.memref_squeeze %dma_start3A_22 : memref<1x512xi32, #tpu.memory_space<hbm>> -> memref<512xi32, #tpu.memory_space<hbm>>
    tpu.enqueue_dma source(%dma_start3A_23 : memref<512xi32, #tpu.memory_space<hbm>>) target(%arg14 : memref<512xi32, #tpu.memory_space<vmem>>) target_semaphore(%arg25 : memref<!tpu.dma_semaphore, #tpu.memory_space<semaphore_mem>>)
    %dma_start3A_24 = tpu.memref_slice %arg6[%add3A_5] : memref<65536xf32, #tpu.memory_space<hbm>> -> memref<512xf32, #tpu.memory_space<hbm>>
    %dma_start3A_25 = tpu.memref_slice %arg6[%add3A_5] : memref<65536xf32, #tpu.memory_space<hbm>> -> memref<512xf32, #tpu.memory_space<hbm>>
    tpu.enqueue_dma source(%dma_start3A_25 : memref<512xf32, #tpu.memory_space<hbm>>) target(%arg15 : memref<512xf32, #tpu.memory_space<vmem>>) target_semaphore(%arg25 : memref<!tpu.dma_semaphore, #tpu.memory_space<semaphore_mem>>)
    %dma_start3A_26 = tpu.memref_slice %arg7[%add3A_5] : memref<65536xf32, #tpu.memory_space<hbm>> -> memref<512xf32, #tpu.memory_space<hbm>>
    %dma_start3A_27 = tpu.memref_slice %arg7[%add3A_5] : memref<65536xf32, #tpu.memory_space<hbm>> -> memref<512xf32, #tpu.memory_space<hbm>>
    tpu.enqueue_dma source(%dma_start3A_27 : memref<512xf32, #tpu.memory_space<hbm>>) target(%arg16 : memref<512xf32, #tpu.memory_space<vmem>>) target_semaphore(%arg25 : memref<!tpu.dma_semaphore, #tpu.memory_space<semaphore_mem>>)
    %dma_wait3A = arith.constant 0 : i32
    %dma_wait3A_28 = tpu.memref_slice %arg5[%dma_wait3A] : memref<262144xi32, #tpu.memory_space<hbm>> -> memref<2048xi32, #tpu.memory_space<hbm>>
    %dma_wait3A_29 = arith.constant 0 : i32
    %dma_wait3A_30 = tpu.memref_slice %arg5[%dma_wait3A_29] : memref<262144xi32, #tpu.memory_space<hbm>> -> memref<2048xi32, #tpu.memory_space<hbm>>
    tpu.wait_dma2 semaphore(%arg25 : memref<!tpu.dma_semaphore, #tpu.memory_space<semaphore_mem>>) src(%dma_wait3A_30 : memref<2048xi32, #tpu.memory_space<hbm>>) dst(%arg10 : memref<2048xi32, #tpu.memory_space<vmem>>)
    %dma_wait3A_31 = arith.constant 0 : i32
    %dma_wait3A_32 = arith.constant 0 : i32
    %dma_wait3A_33 = tpu.memref_slice %arg2[%dma_wait3A_31, %dma_wait3A_32] : memref<4x65536xi32, #tpu.memory_space<hbm>> -> memref<1x512xi32, #tpu.memory_space<hbm>>
    %dma_wait3A_34 = tpu.memref_squeeze %dma_wait3A_33 : memref<1x512xi32, #tpu.memory_space<hbm>> -> memref<512xi32, #tpu.memory_space<hbm>>
    %dma_wait3A_35 = arith.constant 0 : i32
    %dma_wait3A_36 = tpu.memref_slice %arg2[%dma_wait3A_31, %dma_wait3A_35] : memref<4x65536xi32, #tpu.memory_space<hbm>> -> memref<1x512xi32, #tpu.memory_space<hbm>>
    %dma_wait3A_37 = tpu.memref_squeeze %dma_wait3A_36 : memref<1x512xi32, #tpu.memory_space<hbm>> -> memref<512xi32, #tpu.memory_space<hbm>>
    tpu.wait_dma2 semaphore(%arg25 : memref<!tpu.dma_semaphore, #tpu.memory_space<semaphore_mem>>) src(%dma_wait3A_37 : memref<512xi32, #tpu.memory_space<hbm>>) dst(%arg12 : memref<512xi32, #tpu.memory_space<vmem>>)
    %dma_wait3A_38 = arith.constant 2 : i32
    %dma_wait3A_39 = arith.constant 0 : i32
    %dma_wait3A_40 = tpu.memref_slice %arg2[%dma_wait3A_38, %dma_wait3A_39] : memref<4x65536xi32, #tpu.memory_space<hbm>> -> memref<1x512xi32, #tpu.memory_space<hbm>>
    %dma_wait3A_41 = tpu.memref_squeeze %dma_wait3A_40 : memref<1x512xi32, #tpu.memory_space<hbm>> -> memref<512xi32, #tpu.memory_space<hbm>>
    %dma_wait3A_42 = arith.constant 0 : i32
    %dma_wait3A_43 = tpu.memref_slice %arg2[%dma_wait3A_38, %dma_wait3A_42] : memref<4x65536xi32, #tpu.memory_space<hbm>> -> memref<1x512xi32, #tpu.memory_space<hbm>>
    %dma_wait3A_44 = tpu.memref_squeeze %dma_wait3A_43 : memref<1x512xi32, #tpu.memory_space<hbm>> -> memref<512xi32, #tpu.memory_space<hbm>>
    tpu.wait_dma2 semaphore(%arg25 : memref<!tpu.dma_semaphore, #tpu.memory_space<semaphore_mem>>) src(%dma_wait3A_44 : memref<512xi32, #tpu.memory_space<hbm>>) dst(%arg13 : memref<512xi32, #tpu.memory_space<vmem>>)
    %dma_wait3A_45 = arith.constant 3 : i32
    %dma_wait3A_46 = arith.constant 0 : i32
    %dma_wait3A_47 = tpu.memref_slice %arg2[%dma_wait3A_45, %dma_wait3A_46] : memref<4x65536xi32, #tpu.memory_space<hbm>> -> memref<1x512xi32, #tpu.memory_space<hbm>>
    %dma_wait3A_48 = tpu.memref_squeeze %dma_wait3A_47 : memref<1x512xi32, #tpu.memory_space<hbm>> -> memref<512xi32, #tpu.memory_space<hbm>>
    %dma_wait3A_49 = arith.constant 0 : i32
    %dma_wait3A_50 = tpu.memref_slice %arg2[%dma_wait3A_45, %dma_wait3A_49] : memref<4x65536xi32, #tpu.memory_space<hbm>> -> memref<1x512xi32, #tpu.memory_space<hbm>>
    %dma_wait3A_51 = tpu.memref_squeeze %dma_wait3A_50 : memref<1x512xi32, #tpu.memory_space<hbm>> -> memref<512xi32, #tpu.memory_space<hbm>>
    tpu.wait_dma2 semaphore(%arg25 : memref<!tpu.dma_semaphore, #tpu.memory_space<semaphore_mem>>) src(%dma_wait3A_51 : memref<512xi32, #tpu.memory_space<hbm>>) dst(%arg14 : memref<512xi32, #tpu.memory_space<vmem>>)
    %dma_wait3A_52 = arith.constant 0 : i32
    %dma_wait3A_53 = tpu.memref_slice %arg6[%dma_wait3A_52] : memref<65536xf32, #tpu.memory_space<hbm>> -> memref<512xf32, #tpu.memory_space<hbm>>
    %dma_wait3A_54 = arith.constant 0 : i32
    %dma_wait3A_55 = tpu.memref_slice %arg6[%dma_wait3A_54] : memref<65536xf32, #tpu.memory_space<hbm>> -> memref<512xf32, #tpu.memory_space<hbm>>
    tpu.wait_dma2 semaphore(%arg25 : memref<!tpu.dma_semaphore, #tpu.memory_space<semaphore_mem>>) src(%dma_wait3A_55 : memref<512xf32, #tpu.memory_space<hbm>>) dst(%arg15 : memref<512xf32, #tpu.memory_space<vmem>>)
    %dma_wait3A_56 = arith.constant 0 : i32
    %dma_wait3A_57 = tpu.memref_slice %arg7[%dma_wait3A_56] : memref<65536xf32, #tpu.memory_space<hbm>> -> memref<512xf32, #tpu.memory_space<hbm>>
    %dma_wait3A_58 = arith.constant 0 : i32
    %dma_wait3A_59 = tpu.memref_slice %arg7[%dma_wait3A_58] : memref<65536xf32, #tpu.memory_space<hbm>> -> memref<512xf32, #tpu.memory_space<hbm>>
    tpu.wait_dma2 semaphore(%arg25 : memref<!tpu.dma_semaphore, #tpu.memory_space<semaphore_mem>>) src(%dma_wait3A_59 : memref<512xf32, #tpu.memory_space<hbm>>) dst(%arg16 : memref<512xf32, #tpu.memory_space<vmem>>)
    %dma_start3A_60 = arith.constant 0 : i32
    %dma_start3A_61 = tpu.memref_slice %arg4[%dma_start3A_60] : memref<16384000xf32, #tpu.memory_space<hbm>> -> memref<16384000xf32, #tpu.memory_space<hbm>>
    tpu.enqueue_indirect_dma source(%dma_start3A_61 : memref<16384000xf32, #tpu.memory_space<hbm>>) target(%arg11 : memref<2048xf32, #tpu.memory_space<vmem>>) offsets(%arg10 : memref<2048xi32, #tpu.memory_space<vmem>>) semaphore(%arg25 : memref<!tpu.dma_semaphore, #tpu.memory_space<semaphore_mem>>)
    %scan3A = arith.constant 0 : i32
    %scan3A_62 = arith.constant 2 : i32
    %scan3A_63 = arith.addi %scan3A, %scan3A_62 : i32
    %scan3A_64 = arith.constant 1 : i32
    %scan3A_65 = scf.for %scan3A_70 = %scan3A to %scan3A_63 step %scan3A_64 iter_args(%scan3A_71 = %broadcast_in_dim3A_3) -> (vector<16xf32>)  : i32 {
      %mul3A_72 = arith.constant 2 : i32
      %mul3A_73 = arith.muli %mul3A_72, %scan3A_70 : i32
      %add3A_74 = arith.constant 1 : i32
      %add3A_75 = arith.addi %mul3A_73, %add3A_74 : i32
      %add3A_76 = arith.constant 2 : i32
      %add3A_77 = arith.addi %mul3A_73, %add3A_76 : i32
      %min3A = arith.constant 2 : i32
      %min3A_78 = arith.minsi %add3A_77, %min3A : i32
      %mul3A_79 = arith.constant 512 : i32
      %mul3A_80 = arith.muli %add3A_75, %mul3A_79 : i32
      %add3A_81 = arith.addi %mul3A_2, %mul3A_80 : i32
      %mul3A_82 = arith.constant 4 : i32
      %mul3A_83 = arith.muli %mul3A_82, %add3A_81 : i32
      %dma_start3A_84 = tpu.memref_slice %arg5[%mul3A_83] : memref<262144xi32, #tpu.memory_space<hbm>> -> memref<2048xi32, #tpu.memory_space<hbm>>
      %dma_start3A_85 = tpu.memref_slice %arg5[%mul3A_83] : memref<262144xi32, #tpu.memory_space<hbm>> -> memref<2048xi32, #tpu.memory_space<hbm>>
      tpu.enqueue_dma source(%dma_start3A_85 : memref<2048xi32, #tpu.memory_space<hbm>>) target(%arg17 : memref<2048xi32, #tpu.memory_space<vmem>>) target_semaphore(%arg26 : memref<!tpu.dma_semaphore, #tpu.memory_space<semaphore_mem>>)
      %dma_start3A_86 = arith.constant 0 : i32
      %dma_start3A_87 = tpu.memref_slice %arg2[%dma_start3A_86, %add3A_81] : memref<4x65536xi32, #tpu.memory_space<hbm>> -> memref<1x512xi32, #tpu.memory_space<hbm>>
      %dma_start3A_88 = tpu.memref_squeeze %dma_start3A_87 : memref<1x512xi32, #tpu.memory_space<hbm>> -> memref<512xi32, #tpu.memory_space<hbm>>
      %dma_start3A_89 = tpu.memref_slice %arg2[%dma_start3A_86, %add3A_81] : memref<4x65536xi32, #tpu.memory_space<hbm>> -> memref<1x512xi32, #tpu.memory_space<hbm>>
      %dma_start3A_90 = tpu.memref_squeeze %dma_start3A_89 : memref<1x512xi32, #tpu.memory_space<hbm>> -> memref<512xi32, #tpu.memory_space<hbm>>
      tpu.enqueue_dma source(%dma_start3A_90 : memref<512xi32, #tpu.memory_space<hbm>>) target(%arg19 : memref<512xi32, #tpu.memory_space<vmem>>) target_semaphore(%arg26 : memref<!tpu.dma_semaphore, #tpu.memory_space<semaphore_mem>>)
      %dma_start3A_91 = arith.constant 2 : i32
      %dma_start3A_92 = tpu.memref_slice %arg2[%dma_start3A_91, %add3A_81] : memref<4x65536xi32, #tpu.memory_space<hbm>> -> memref<1x512xi32, #tpu.memory_space<hbm>>
      %dma_start3A_93 = tpu.memref_squeeze %dma_start3A_92 : memref<1x512xi32, #tpu.memory_space<hbm>> -> memref<512xi32, #tpu.memory_space<hbm>>
      %dma_start3A_94 = tpu.memref_slice %arg2[%dma_start3A_91, %add3A_81] : memref<4x65536xi32, #tpu.memory_space<hbm>> -> memref<1x512xi32, #tpu.memory_space<hbm>>
      %dma_start3A_95 = tpu.memref_squeeze %dma_start3A_94 : memref<1x512xi32, #tpu.memory_space<hbm>> -> memref<512xi32, #tpu.memory_space<hbm>>
      tpu.enqueue_dma source(%dma_start3A_95 : memref<512xi32, #tpu.memory_space<hbm>>) target(%arg20 : memref<512xi32, #tpu.memory_space<vmem>>) target_semaphore(%arg26 : memref<!tpu.dma_semaphore, #tpu.memory_space<semaphore_mem>>)
      %dma_start3A_96 = arith.constant 3 : i32
      %dma_start3A_97 = tpu.memref_slice %arg2[%dma_start3A_96, %add3A_81] : memref<4x65536xi32, #tpu.memory_space<hbm>> -> memref<1x512xi32, #tpu.memory_space<hbm>>
      %dma_start3A_98 = tpu.memref_squeeze %dma_start3A_97 : memref<1x512xi32, #tpu.memory_space<hbm>> -> memref<512xi32, #tpu.memory_space<hbm>>
      %dma_start3A_99 = tpu.memref_slice %arg2[%dma_start3A_96, %add3A_81] : memref<4x65536xi32, #tpu.memory_space<hbm>> -> memref<1x512xi32, #tpu.memory_space<hbm>>
      %dma_start3A_100 = tpu.memref_squeeze %dma_start3A_99 : memref<1x512xi32, #tpu.memory_space<hbm>> -> memref<512xi32, #tpu.memory_space<hbm>>
      tpu.enqueue_dma source(%dma_start3A_100 : memref<512xi32, #tpu.memory_space<hbm>>) target(%arg21 : memref<512xi32, #tpu.memory_space<vmem>>) target_semaphore(%arg26 : memref<!tpu.dma_semaphore, #tpu.memory_space<semaphore_mem>>)
      %dma_start3A_101 = tpu.memref_slice %arg6[%add3A_81] : memref<65536xf32, #tpu.memory_space<hbm>> -> memref<512xf32, #tpu.memory_space<hbm>>
      %dma_start3A_102 = tpu.memref_slice %arg6[%add3A_81] : memref<65536xf32, #tpu.memory_space<hbm>> -> memref<512xf32, #tpu.memory_space<hbm>>
      tpu.enqueue_dma source(%dma_start3A_102 : memref<512xf32, #tpu.memory_space<hbm>>) target(%arg22 : memref<512xf32, #tpu.memory_space<vmem>>) target_semaphore(%arg26 : memref<!tpu.dma_semaphore, #tpu.memory_space<semaphore_mem>>)
      %dma_start3A_103 = tpu.memref_slice %arg7[%add3A_81] : memref<65536xf32, #tpu.memory_space<hbm>> -> memref<512xf32, #tpu.memory_space<hbm>>
      %dma_start3A_104 = tpu.memref_slice %arg7[%add3A_81] : memref<65536xf32, #tpu.memory_space<hbm>> -> memref<512xf32, #tpu.memory_space<hbm>>
      tpu.enqueue_dma source(%dma_start3A_104 : memref<512xf32, #tpu.memory_space<hbm>>) target(%arg23 : memref<512xf32, #tpu.memory_space<vmem>>) target_semaphore(%arg26 : memref<!tpu.dma_semaphore, #tpu.memory_space<semaphore_mem>>)
      %dma_wait3A_105 = arith.constant 0 : i32
      %dma_wait3A_106 = tpu.memref_slice %arg5[%dma_wait3A_105] : memref<262144xi32, #tpu.memory_space<hbm>> -> memref<2048xi32, #tpu.memory_space<hbm>>
      %dma_wait3A_107 = arith.constant 0 : i32
      %dma_wait3A_108 = tpu.memref_slice %arg5[%dma_wait3A_107] : memref<262144xi32, #tpu.memory_space<hbm>> -> memref<2048xi32, #tpu.memory_space<hbm>>
      tpu.wait_dma2 semaphore(%arg26 : memref<!tpu.dma_semaphore, #tpu.memory_space<semaphore_mem>>) src(%dma_wait3A_108 : memref<2048xi32, #tpu.memory_space<hbm>>) dst(%arg17 : memref<2048xi32, #tpu.memory_space<vmem>>)
      %dma_wait3A_109 = arith.constant 0 : i32
      %dma_wait3A_110 = arith.constant 0 : i32
      %dma_wait3A_111 = tpu.memref_slice %arg2[%dma_wait3A_109, %dma_wait3A_110] : memref<4x65536xi32, #tpu.memory_space<hbm>> -> memref<1x512xi32, #tpu.memory_space<hbm>>
      %dma_wait3A_112 = tpu.memref_squeeze %dma_wait3A_111 : memref<1x512xi32, #tpu.memory_space<hbm>> -> memref<512xi32, #tpu.memory_space<hbm>>
      %dma_wait3A_113 = arith.constant 0 : i32
      %dma_wait3A_114 = tpu.memref_slice %arg2[%dma_wait3A_109, %dma_wait3A_113] : memref<4x65536xi32, #tpu.memory_space<hbm>> -> memref<1x512xi32, #tpu.memory_space<hbm>>
      %dma_wait3A_115 = tpu.memref_squeeze %dma_wait3A_114 : memref<1x512xi32, #tpu.memory_space<hbm>> -> memref<512xi32, #tpu.memory_space<hbm>>
      tpu.wait_dma2 semaphore(%arg26 : memref<!tpu.dma_semaphore, #tpu.memory_space<semaphore_mem>>) src(%dma_wait3A_115 : memref<512xi32, #tpu.memory_space<hbm>>) dst(%arg19 : memref<512xi32, #tpu.memory_space<vmem>>)
      %dma_wait3A_116 = arith.constant 2 : i32
      %dma_wait3A_117 = arith.constant 0 : i32
      %dma_wait3A_118 = tpu.memref_slice %arg2[%dma_wait3A_116, %dma_wait3A_117] : memref<4x65536xi32, #tpu.memory_space<hbm>> -> memref<1x512xi32, #tpu.memory_space<hbm>>
      %dma_wait3A_119 = tpu.memref_squeeze %dma_wait3A_118 : memref<1x512xi32, #tpu.memory_space<hbm>> -> memref<512xi32, #tpu.memory_space<hbm>>
      %dma_wait3A_120 = arith.constant 0 : i32
      %dma_wait3A_121 = tpu.memref_slice %arg2[%dma_wait3A_116, %dma_wait3A_120] : memref<4x65536xi32, #tpu.memory_space<hbm>> -> memref<1x512xi32, #tpu.memory_space<hbm>>
      %dma_wait3A_122 = tpu.memref_squeeze %dma_wait3A_121 : memref<1x512xi32, #tpu.memory_space<hbm>> -> memref<512xi32, #tpu.memory_space<hbm>>
      tpu.wait_dma2 semaphore(%arg26 : memref<!tpu.dma_semaphore, #tpu.memory_space<semaphore_mem>>) src(%dma_wait3A_122 : memref<512xi32, #tpu.memory_space<hbm>>) dst(%arg20 : memref<512xi32, #tpu.memory_space<vmem>>)
      %dma_wait3A_123 = arith.constant 3 : i32
      %dma_wait3A_124 = arith.constant 0 : i32
      %dma_wait3A_125 = tpu.memref_slice %arg2[%dma_wait3A_123, %dma_wait3A_124] : memref<4x65536xi32, #tpu.memory_space<hbm>> -> memref<1x512xi32, #tpu.memory_space<hbm>>
      %dma_wait3A_126 = tpu.memref_squeeze %dma_wait3A_125 : memref<1x512xi32, #tpu.memory_space<hbm>> -> memref<512xi32, #tpu.memory_space<hbm>>
      %dma_wait3A_127 = arith.constant 0 : i32
      %dma_wait3A_128 = tpu.memref_slice %arg2[%dma_wait3A_123, %dma_wait3A_127] : memref<4x65536xi32, #tpu.memory_space<hbm>> -> memref<1x512xi32, #tpu.memory_space<hbm>>
      %dma_wait3A_129 = tpu.memref_squeeze %dma_wait3A_128 : memref<1x512xi32, #tpu.memory_space<hbm>> -> memref<512xi32, #tpu.memory_space<hbm>>
      tpu.wait_dma2 semaphore(%arg26 : memref<!tpu.dma_semaphore, #tpu.memory_space<semaphore_mem>>) src(%dma_wait3A_129 : memref<512xi32, #tpu.memory_space<hbm>>) dst(%arg21 : memref<512xi32, #tpu.memory_space<vmem>>)
      %dma_wait3A_130 = arith.constant 0 : i32
      %dma_wait3A_131 = tpu.memref_slice %arg6[%dma_wait3A_130] : memref<65536xf32, #tpu.memory_space<hbm>> -> memref<512xf32, #tpu.memory_space<hbm>>
      %dma_wait3A_132 = arith.constant 0 : i32
      %dma_wait3A_133 = tpu.memref_slice %arg6[%dma_wait3A_132] : memref<65536xf32, #tpu.memory_space<hbm>> -> memref<512xf32, #tpu.memory_space<hbm>>
      tpu.wait_dma2 semaphore(%arg26 : memref<!tpu.dma_semaphore, #tpu.memory_space<semaphore_mem>>) src(%dma_wait3A_133 : memref<512xf32, #tpu.memory_space<hbm>>) dst(%arg22 : memref<512xf32, #tpu.memory_space<vmem>>)
      %dma_wait3A_134 = arith.constant 0 : i32
      %dma_wait3A_135 = tpu.memref_slice %arg7[%dma_wait3A_134] : memref<65536xf32, #tpu.memory_space<hbm>> -> memref<512xf32, #tpu.memory_space<hbm>>
      %dma_wait3A_136 = arith.constant 0 : i32
      %dma_wait3A_137 = tpu.memref_slice %arg7[%dma_wait3A_136] : memref<65536xf32, #tpu.memory_space<hbm>> -> memref<512xf32, #tpu.memory_space<hbm>>
      tpu.wait_dma2 semaphore(%arg26 : memref<!tpu.dma_semaphore, #tpu.memory_space<semaphore_mem>>) src(%dma_wait3A_137 : memref<512xf32, #tpu.memory_space<hbm>>) dst(%arg23 : memref<512xf32, #tpu.memory_space<vmem>>)
      %dma_start3A_138 = arith.constant 0 : i32
      %dma_start3A_139 = tpu.memref_slice %arg4[%dma_start3A_138] : memref<16384000xf32, #tpu.memory_space<hbm>> -> memref<16384000xf32, #tpu.memory_space<hbm>>
      tpu.enqueue_indirect_dma source(%dma_start3A_139 : memref<16384000xf32, #tpu.memory_space<hbm>>) target(%arg18 : memref<2048xf32, #tpu.memory_space<vmem>>) offsets(%arg17 : memref<2048xi32, #tpu.memory_space<vmem>>) semaphore(%arg26 : memref<!tpu.dma_semaphore, #tpu.memory_space<semaphore_mem>>)
      %dma_wait3A_140 = arith.constant 0 : i32
      %dma_wait3A_141 = tpu.memref_slice %arg4[%dma_wait3A_140] : memref<16384000xf32, #tpu.memory_space<hbm>> -> memref<16384000xf32, #tpu.memory_space<hbm>>
      tpu.wait_indirect_dma semaphore(%arg25 : memref<!tpu.dma_semaphore, #tpu.memory_space<semaphore_mem>>) src(%dma_wait3A_141 : memref<16384000xf32, #tpu.memory_space<hbm>>) dst(%arg11 : memref<2048xf32, #tpu.memory_space<vmem>>)
      %scan3A_142 = arith.constant 0 : i32
      %scan3A_143 = arith.constant 32 : i32
      %scan3A_144 = arith.addi %scan3A_142, %scan3A_143 : i32
      %scan3A_145 = arith.constant 1 : i32
      %scan3A_146 = scf.for %scan3A_217 = %scan3A_142 to %scan3A_144 step %scan3A_145 iter_args(%scan3A_218 = %scan3A_71) -> (vector<16xf32>)  : i32 {
        %mul3A_219 = arith.constant 16 : i32
        %mul3A_220 = arith.muli %scan3A_217, %mul3A_219 : i32
        %get3A = arith.index_cast %mul3A_220 : i32 to index
        %get3A_221 = tpu.vector_load %arg12[%get3A] {strides = array<i32>} : memref<512xi32, #tpu.memory_space<vmem>>, vector<16xi32>,
        %get3A_222 = arith.index_cast %mul3A_220 : i32 to index
        %get3A_223 = tpu.vector_load %arg13[%get3A_222] {strides = array<i32>} : memref<512xi32, #tpu.memory_space<vmem>>, vector<16xi32>,
        %get3A_224 = arith.index_cast %mul3A_220 : i32 to index
        %get3A_225 = tpu.vector_load %arg14[%get3A_224] {strides = array<i32>} : memref<512xi32, #tpu.memory_space<vmem>>, vector<16xi32>,
        %gather3A = tpu.vector_load_idx %arg9[%get3A_221] : memref<16384xf32, #tpu.memory_space<vmem>>[vector<16xi32>], vector<16xf32>,
        %gather3A_226 = tpu.vector_load_idx %arg9[%get3A_223] : memref<16384xf32, #tpu.memory_space<vmem>>[vector<16xi32>], vector<16xf32>,
        %gather3A_227 = tpu.vector_load_idx %arg9[%get3A_225] : memref<16384xf32, #tpu.memory_space<vmem>>[vector<16xi32>], vector<16xf32>,
        %get3A_228 = arith.index_cast %mul3A_220 : i32 to index
        %get3A_229 = tpu.vector_load %arg11[%get3A_228] {strides = array<i32>} : memref<2048xf32, #tpu.memory_space<vmem>>, vector<16xf32>,
        %add3A_230 = arith.constant 512 : i32
        %add3A_231 = arith.addi %add3A_230, %mul3A_220 : i32
        %get3A_232 = arith.index_cast %add3A_231 : i32 to index
        %get3A_233 = tpu.vector_load %arg11[%get3A_232] {strides = array<i32>} : memref<2048xf32, #tpu.memory_space<vmem>>, vector<16xf32>,
        %add3A_234 = arith.constant 1024 : i32
        %add3A_235 = arith.addi %add3A_234, %mul3A_220 : i32
        %get3A_236 = arith.index_cast %add3A_235 : i32 to index
        %get3A_237 = tpu.vector_load %arg11[%get3A_236] {strides = array<i32>} : memref<2048xf32, #tpu.memory_space<vmem>>, vector<16xf32>,
        %add3A_238 = arith.constant 1536 : i32
        %add3A_239 = arith.addi %add3A_238, %mul3A_220 : i32
        %get3A_240 = arith.index_cast %add3A_239 : i32 to index
        %get3A_241 = tpu.vector_load %arg11[%get3A_240] {strides = array<i32>} : memref<2048xf32, #tpu.memory_space<vmem>>, vector<16xf32>,
        %sub3A = arith.subf %get3A_229, %gather3A : vector<16xf32>
        %exp3A = math.exp %sub3A : vector<16xf32>
        %sub3A_242 = arith.subf %get3A_233, %gather3A_226 : vector<16xf32>
        %exp3A_243 = math.exp %sub3A_242 : vector<16xf32>
        %add3A_244 = arith.addf %exp3A, %exp3A_243 : vector<16xf32>
        %exp3A_245 = math.exp %add3A_244 : vector<16xf32>
        %sub3A_246 = arith.subf %get3A_237, %gather3A : vector<16xf32>
        %exp3A_247 = math.exp %sub3A_246 : vector<16xf32>
        %sub3A_248 = arith.subf %get3A_241, %gather3A_227 : vector<16xf32>
        %exp3A_249 = math.exp %sub3A_248 : vector<16xf32>
        %add3A_250 = arith.addf %exp3A_247, %exp3A_249 : vector<16xf32>
        %exp3A_251 = math.exp %add3A_250 : vector<16xf32>
        %get3A_252 = arith.index_cast %mul3A_220 : i32 to index
        %get3A_253 = tpu.vector_load %arg15[%get3A_252] {strides = array<i32>} : memref<512xf32, #tpu.memory_space<vmem>>, vector<16xf32>,
        %get3A_254 = arith.index_cast %mul3A_220 : i32 to index
        %get3A_255 = tpu.vector_load %arg16[%get3A_254] {strides = array<i32>} : memref<512xf32, #tpu.memory_space<vmem>>, vector<16xf32>,
        %mul3A_256 = arith.constant 4.000000e-01 : f32
        %mul3A_257 = vector.broadcast %mul3A_256 : f32 to vector<16xf32>
        %mul3A_258 = arith.mulf %exp3A_245, %mul3A_257 : vector<16xf32>
        %add3A_259 = arith.addf %get3A_253, %mul3A_258 : vector<16xf32>
        %max3A = arith.constant 0.000000e+00 : f32
        %max3A_260 = vector.broadcast %max3A : f32 to vector<16xf32>
        %max3A_261 = arith.maximumf %add3A_259, %max3A_260 : vector<16xf32>
        %mul3A_262 = arith.constant 4.000000e-01 : f32
        %mul3A_263 = vector.broadcast %mul3A_262 : f32 to vector<16xf32>
        %mul3A_264 = arith.mulf %exp3A_251, %mul3A_263 : vector<16xf32>
        %add3A_265 = arith.addf %get3A_255, %mul3A_264 : vector<16xf32>
        %max3A_266 = arith.constant 0.000000e+00 : f32
        %max3A_267 = vector.broadcast %max3A_266 : f32 to vector<16xf32>
        %max3A_268 = arith.maximumf %add3A_265, %max3A_267 : vector<16xf32>
        %add3A_269 = arith.addf %max3A_261, %max3A_268 : vector<16xf32>
        %add3A_270 = arith.addf %scan3A_218, %add3A_269 : vector<16xf32>
        scf.yield %add3A_270 : vector<16xf32>
      }
      %scan3A_147 = arith.constant 32 : i32
      %mul3A_148 = arith.constant 512 : i32
      %mul3A_149 = arith.muli %min3A_78, %mul3A_148 : i32
      %add3A_150 = arith.addi %mul3A_2, %mul3A_149 : i32
      %mul3A_151 = arith.constant 4 : i32
      %mul3A_152 = arith.muli %mul3A_151, %add3A_150 : i32
      %dma_start3A_153 = tpu.memref_slice %arg5[%mul3A_152] : memref<262144xi32, #tpu.memory_space<hbm>> -> memref<2048xi32, #tpu.memory_space<hbm>>
      %dma_start3A_154 = tpu.memref_slice %arg5[%mul3A_152] : memref<262144xi32, #tpu.memory_space<hbm>> -> memref<2048xi32, #tpu.memory_space<hbm>>
      tpu.enqueue_dma source(%dma_start3A_154 : memref<2048xi32, #tpu.memory_space<hbm>>) target(%arg10 : memref<2048xi32, #tpu.memory_space<vmem>>) target_semaphore(%arg25 : memref<!tpu.dma_semaphore, #tpu.memory_space<semaphore_mem>>)
      %dma_start3A_155 = arith.constant 0 : i32
      %dma_start3A_156 = tpu.memref_slice %arg2[%dma_start3A_155, %add3A_150] : memref<4x65536xi32, #tpu.memory_space<hbm>> -> memref<1x512xi32, #tpu.memory_space<hbm>>
      %dma_start3A_157 = tpu.memref_squeeze %dma_start3A_156 : memref<1x512xi32, #tpu.memory_space<hbm>> -> memref<512xi32, #tpu.memory_space<hbm>>
      %dma_start3A_158 = tpu.memref_slice %arg2[%dma_start3A_155, %add3A_150] : memref<4x65536xi32, #tpu.memory_space<hbm>> -> memref<1x512xi32, #tpu.memory_space<hbm>>
      %dma_start3A_159 = tpu.memref_squeeze %dma_start3A_158 : memref<1x512xi32, #tpu.memory_space<hbm>> -> memref<512xi32, #tpu.memory_space<hbm>>
      tpu.enqueue_dma source(%dma_start3A_159 : memref<512xi32, #tpu.memory_space<hbm>>) target(%arg12 : memref<512xi32, #tpu.memory_space<vmem>>) target_semaphore(%arg25 : memref<!tpu.dma_semaphore, #tpu.memory_space<semaphore_mem>>)
      %dma_start3A_160 = arith.constant 2 : i32
      %dma_start3A_161 = tpu.memref_slice %arg2[%dma_start3A_160, %add3A_150] : memref<4x65536xi32, #tpu.memory_space<hbm>> -> memref<1x512xi32, #tpu.memory_space<hbm>>
      %dma_start3A_162 = tpu.memref_squeeze %dma_start3A_161 : memref<1x512xi32, #tpu.memory_space<hbm>> -> memref<512xi32, #tpu.memory_space<hbm>>
      %dma_start3A_163 = tpu.memref_slice %arg2[%dma_start3A_160, %add3A_150] : memref<4x65536xi32, #tpu.memory_space<hbm>> -> memref<1x512xi32, #tpu.memory_space<hbm>>
      %dma_start3A_164 = tpu.memref_squeeze %dma_start3A_163 : memref<1x512xi32, #tpu.memory_space<hbm>> -> memref<512xi32, #tpu.memory_space<hbm>>
      tpu.enqueue_dma source(%dma_start3A_164 : memref<512xi32, #tpu.memory_space<hbm>>) target(%arg13 : memref<512xi32, #tpu.memory_space<vmem>>) target_semaphore(%arg25 : memref<!tpu.dma_semaphore, #tpu.memory_space<semaphore_mem>>)
      %dma_start3A_165 = arith.constant 3 : i32
      %dma_start3A_166 = tpu.memref_slice %arg2[%dma_start3A_165, %add3A_150] : memref<4x65536xi32, #tpu.memory_space<hbm>> -> memref<1x512xi32, #tpu.memory_space<hbm>>
      %dma_start3A_167 = tpu.memref_squeeze %dma_start3A_166 : memref<1x512xi32, #tpu.memory_space<hbm>> -> memref<512xi32, #tpu.memory_space<hbm>>
      %dma_start3A_168 = tpu.memref_slice %arg2[%dma_start3A_165, %add3A_150] : memref<4x65536xi32, #tpu.memory_space<hbm>> -> memref<1x512xi32, #tpu.memory_space<hbm>>
      %dma_start3A_169 = tpu.memref_squeeze %dma_start3A_168 : memref<1x512xi32, #tpu.memory_space<hbm>> -> memref<512xi32, #tpu.memory_space<hbm>>
      tpu.enqueue_dma source(%dma_start3A_169 : memref<512xi32, #tpu.memory_space<hbm>>) target(%arg14 : memref<512xi32, #tpu.memory_space<vmem>>) target_semaphore(%arg25 : memref<!tpu.dma_semaphore, #tpu.memory_space<semaphore_mem>>)
      %dma_start3A_170 = tpu.memref_slice %arg6[%add3A_150] : memref<65536xf32, #tpu.memory_space<hbm>> -> memref<512xf32, #tpu.memory_space<hbm>>
      %dma_start3A_171 = tpu.memref_slice %arg6[%add3A_150] : memref<65536xf32, #tpu.memory_space<hbm>> -> memref<512xf32, #tpu.memory_space<hbm>>
      tpu.enqueue_dma source(%dma_start3A_171 : memref<512xf32, #tpu.memory_space<hbm>>) target(%arg15 : memref<512xf32, #tpu.memory_space<vmem>>) target_semaphore(%arg25 : memref<!tpu.dma_semaphore, #tpu.memory_space<semaphore_mem>>)
      %dma_start3A_172 = tpu.memref_slice %arg7[%add3A_150] : memref<65536xf32, #tpu.memory_space<hbm>> -> memref<512xf32, #tpu.memory_space<hbm>>
      %dma_start3A_173 = tpu.memref_slice %arg7[%add3A_150] : memref<65536xf32, #tpu.memory_space<hbm>> -> memref<512xf32, #tpu.memory_space<hbm>>
      tpu.enqueue_dma source(%dma_start3A_173 : memref<512xf32, #tpu.memory_space<hbm>>) target(%arg16 : memref<512xf32, #tpu.memory_space<vmem>>) target_semaphore(%arg25 : memref<!tpu.dma_semaphore, #tpu.memory_space<semaphore_mem>>)
      %dma_wait3A_174 = arith.constant 0 : i32
      %dma_wait3A_175 = tpu.memref_slice %arg5[%dma_wait3A_174] : memref<262144xi32, #tpu.memory_space<hbm>> -> memref<2048xi32, #tpu.memory_space<hbm>>
      %dma_wait3A_176 = arith.constant 0 : i32
      %dma_wait3A_177 = tpu.memref_slice %arg5[%dma_wait3A_176] : memref<262144xi32, #tpu.memory_space<hbm>> -> memref<2048xi32, #tpu.memory_space<hbm>>
      tpu.wait_dma2 semaphore(%arg25 : memref<!tpu.dma_semaphore, #tpu.memory_space<semaphore_mem>>) src(%dma_wait3A_177 : memref<2048xi32, #tpu.memory_space<hbm>>) dst(%arg10 : memref<2048xi32, #tpu.memory_space<vmem>>)
      %dma_wait3A_178 = arith.constant 0 : i32
      %dma_wait3A_179 = arith.constant 0 : i32
      %dma_wait3A_180 = tpu.memref_slice %arg2[%dma_wait3A_178, %dma_wait3A_179] : memref<4x65536xi32, #tpu.memory_space<hbm>> -> memref<1x512xi32, #tpu.memory_space<hbm>>
      %dma_wait3A_181 = tpu.memref_squeeze %dma_wait3A_180 : memref<1x512xi32, #tpu.memory_space<hbm>> -> memref<512xi32, #tpu.memory_space<hbm>>
      %dma_wait3A_182 = arith.constant 0 : i32
      %dma_wait3A_183 = tpu.memref_slice %arg2[%dma_wait3A_178, %dma_wait3A_182] : memref<4x65536xi32, #tpu.memory_space<hbm>> -> memref<1x512xi32, #tpu.memory_space<hbm>>
      %dma_wait3A_184 = tpu.memref_squeeze %dma_wait3A_183 : memref<1x512xi32, #tpu.memory_space<hbm>> -> memref<512xi32, #tpu.memory_space<hbm>>
      tpu.wait_dma2 semaphore(%arg25 : memref<!tpu.dma_semaphore, #tpu.memory_space<semaphore_mem>>) src(%dma_wait3A_184 : memref<512xi32, #tpu.memory_space<hbm>>) dst(%arg12 : memref<512xi32, #tpu.memory_space<vmem>>)
      %dma_wait3A_185 = arith.constant 2 : i32
      %dma_wait3A_186 = arith.constant 0 : i32
      %dma_wait3A_187 = tpu.memref_slice %arg2[%dma_wait3A_185, %dma_wait3A_186] : memref<4x65536xi32, #tpu.memory_space<hbm>> -> memref<1x512xi32, #tpu.memory_space<hbm>>
      %dma_wait3A_188 = tpu.memref_squeeze %dma_wait3A_187 : memref<1x512xi32, #tpu.memory_space<hbm>> -> memref<512xi32, #tpu.memory_space<hbm>>
      %dma_wait3A_189 = arith.constant 0 : i32
      %dma_wait3A_190 = tpu.memref_slice %arg2[%dma_wait3A_185, %dma_wait3A_189] : memref<4x65536xi32, #tpu.memory_space<hbm>> -> memref<1x512xi32, #tpu.memory_space<hbm>>
      %dma_wait3A_191 = tpu.memref_squeeze %dma_wait3A_190 : memref<1x512xi32, #tpu.memory_space<hbm>> -> memref<512xi32, #tpu.memory_space<hbm>>
      tpu.wait_dma2 semaphore(%arg25 : memref<!tpu.dma_semaphore, #tpu.memory_space<semaphore_mem>>) src(%dma_wait3A_191 : memref<512xi32, #tpu.memory_space<hbm>>) dst(%arg13 : memref<512xi32, #tpu.memory_space<vmem>>)
      %dma_wait3A_192 = arith.constant 3 : i32
      %dma_wait3A_193 = arith.constant 0 : i32
      %dma_wait3A_194 = tpu.memref_slice %arg2[%dma_wait3A_192, %dma_wait3A_193] : memref<4x65536xi32, #tpu.memory_space<hbm>> -> memref<1x512xi32, #tpu.memory_space<hbm>>
      %dma_wait3A_195 = tpu.memref_squeeze %dma_wait3A_194 : memref<1x512xi32, #tpu.memory_space<hbm>> -> memref<512xi32, #tpu.memory_space<hbm>>
      %dma_wait3A_196 = arith.constant 0 : i32
      %dma_wait3A_197 = tpu.memref_slice %arg2[%dma_wait3A_192, %dma_wait3A_196] : memref<4x65536xi32, #tpu.memory_space<hbm>> -> memref<1x512xi32, #tpu.memory_space<hbm>>
      %dma_wait3A_198 = tpu.memref_squeeze %dma_wait3A_197 : memref<1x512xi32, #tpu.memory_space<hbm>> -> memref<512xi32, #tpu.memory_space<hbm>>
      tpu.wait_dma2 semaphore(%arg25 : memref<!tpu.dma_semaphore, #tpu.memory_space<semaphore_mem>>) src(%dma_wait3A_198 : memref<512xi32, #tpu.memory_space<hbm>>) dst(%arg14 : memref<512xi32, #tpu.memory_space<vmem>>)
      %dma_wait3A_199 = arith.constant 0 : i32
      %dma_wait3A_200 = tpu.memref_slice %arg6[%dma_wait3A_199] : memref<65536xf32, #tpu.memory_space<hbm>> -> memref<512xf32, #tpu.memory_space<hbm>>
      %dma_wait3A_201 = arith.constant 0 : i32
      %dma_wait3A_202 = tpu.memref_slice %arg6[%dma_wait3A_201] : memref<65536xf32, #tpu.memory_space<hbm>> -> memref<512xf32, #tpu.memory_space<hbm>>
      tpu.wait_dma2 semaphore(%arg25 : memref<!tpu.dma_semaphore, #tpu.memory_space<semaphore_mem>>) src(%dma_wait3A_202 : memref<512xf32, #tpu.memory_space<hbm>>) dst(%arg15 : memref<512xf32, #tpu.memory_space<vmem>>)
      %dma_wait3A_203 = arith.constant 0 : i32
      %dma_wait3A_204 = tpu.memref_slice %arg7[%dma_wait3A_203] : memref<65536xf32, #tpu.memory_space<hbm>> -> memref<512xf32, #tpu.memory_space<hbm>>
      %dma_wait3A_205 = arith.constant 0 : i32
      %dma_wait3A_206 = tpu.memref_slice %arg7[%dma_wait3A_205] : memref<65536xf32, #tpu.memory_space<hbm>> -> memref<512xf32, #tpu.memory_space<hbm>>
      tpu.wait_dma2 semaphore(%arg25 : memref<!tpu.dma_semaphore, #tpu.memory_space<semaphore_mem>>) src(%dma_wait3A_206 : memref<512xf32, #tpu.memory_space<hbm>>) dst(%arg16 : memref<512xf32, #tpu.memory_space<vmem>>)
      %dma_start3A_207 = arith.constant 0 : i32
      %dma_start3A_208 = tpu.memref_slice %arg4[%dma_start3A_207] : memref<16384000xf32, #tpu.memory_space<hbm>> -> memref<16384000xf32, #tpu.memory_space<hbm>>
      tpu.enqueue_indirect_dma source(%dma_start3A_208 : memref<16384000xf32, #tpu.memory_space<hbm>>) target(%arg11 : memref<2048xf32, #tpu.memory_space<vmem>>) offsets(%arg10 : memref<2048xi32, #tpu.memory_space<vmem>>) semaphore(%arg25 : memref<!tpu.dma_semaphore, #tpu.memory_space<semaphore_mem>>)
      %dma_wait3A_209 = arith.constant 0 : i32
      %dma_wait3A_210 = tpu.memref_slice %arg4[%dma_wait3A_209] : memref<16384000xf32, #tpu.memory_space<hbm>> -> memref<16384000xf32, #tpu.memory_space<hbm>>
      tpu.wait_indirect_dma semaphore(%arg26 : memref<!tpu.dma_semaphore, #tpu.memory_space<semaphore_mem>>) src(%dma_wait3A_210 : memref<16384000xf32, #tpu.memory_space<hbm>>) dst(%arg18 : memref<2048xf32, #tpu.memory_space<vmem>>)
      %scan3A_211 = arith.constant 0 : i32
      %scan3A_212 = arith.constant 32 : i32
      %scan3A_213 = arith.addi %scan3A_211, %scan3A_212 : i32
      %scan3A_214 = arith.constant 1 : i32
      %scan3A_215 = scf.for %scan3A_217 = %scan3A_211 to %scan3A_213 step %scan3A_214 iter_args(%scan3A_218 = %scan3A_146) -> (vector<16xf32>)  : i32 {
        %mul3A_219 = arith.constant 16 : i32
        %mul3A_220 = arith.muli %scan3A_217, %mul3A_219 : i32
        %get3A = arith.index_cast %mul3A_220 : i32 to index
        %get3A_221 = tpu.vector_load %arg19[%get3A] {strides = array<i32>} : memref<512xi32, #tpu.memory_space<vmem>>, vector<16xi32>,
        %get3A_222 = arith.index_cast %mul3A_220 : i32 to index
        %get3A_223 = tpu.vector_load %arg20[%get3A_222] {strides = array<i32>} : memref<512xi32, #tpu.memory_space<vmem>>, vector<16xi32>,
        %get3A_224 = arith.index_cast %mul3A_220 : i32 to index
        %get3A_225 = tpu.vector_load %arg21[%get3A_224] {strides = array<i32>} : memref<512xi32, #tpu.memory_space<vmem>>, vector<16xi32>,
        %gather3A = tpu.vector_load_idx %arg9[%get3A_221] : memref<16384xf32, #tpu.memory_space<vmem>>[vector<16xi32>], vector<16xf32>,
        %gather3A_226 = tpu.vector_load_idx %arg9[%get3A_223] : memref<16384xf32, #tpu.memory_space<vmem>>[vector<16xi32>], vector<16xf32>,
        %gather3A_227 = tpu.vector_load_idx %arg9[%get3A_225] : memref<16384xf32, #tpu.memory_space<vmem>>[vector<16xi32>], vector<16xf32>,
        %get3A_228 = arith.index_cast %mul3A_220 : i32 to index
        %get3A_229 = tpu.vector_load %arg18[%get3A_228] {strides = array<i32>} : memref<2048xf32, #tpu.memory_space<vmem>>, vector<16xf32>,
        %add3A_230 = arith.constant 512 : i32
        %add3A_231 = arith.addi %add3A_230, %mul3A_220 : i32
        %get3A_232 = arith.index_cast %add3A_231 : i32 to index
        %get3A_233 = tpu.vector_load %arg18[%get3A_232] {strides = array<i32>} : memref<2048xf32, #tpu.memory_space<vmem>>, vector<16xf32>,
        %add3A_234 = arith.constant 1024 : i32
        %add3A_235 = arith.addi %add3A_234, %mul3A_220 : i32
        %get3A_236 = arith.index_cast %add3A_235 : i32 to index
        %get3A_237 = tpu.vector_load %arg18[%get3A_236] {strides = array<i32>} : memref<2048xf32, #tpu.memory_space<vmem>>, vector<16xf32>,
        %add3A_238 = arith.constant 1536 : i32
        %add3A_239 = arith.addi %add3A_238, %mul3A_220 : i32
        %get3A_240 = arith.index_cast %add3A_239 : i32 to index
        %get3A_241 = tpu.vector_load %arg18[%get3A_240] {strides = array<i32>} : memref<2048xf32, #tpu.memory_space<vmem>>, vector<16xf32>,
        %sub3A = arith.subf %get3A_229, %gather3A : vector<16xf32>
        %exp3A = math.exp %sub3A : vector<16xf32>
        %sub3A_242 = arith.subf %get3A_233, %gather3A_226 : vector<16xf32>
        %exp3A_243 = math.exp %sub3A_242 : vector<16xf32>
        %add3A_244 = arith.addf %exp3A, %exp3A_243 : vector<16xf32>
        %exp3A_245 = math.exp %add3A_244 : vector<16xf32>
        %sub3A_246 = arith.subf %get3A_237, %gather3A : vector<16xf32>
        %exp3A_247 = math.exp %sub3A_246 : vector<16xf32>
        %sub3A_248 = arith.subf %get3A_241, %gather3A_227 : vector<16xf32>
        %exp3A_249 = math.exp %sub3A_248 : vector<16xf32>
        %add3A_250 = arith.addf %exp3A_247, %exp3A_249 : vector<16xf32>
        %exp3A_251 = math.exp %add3A_250 : vector<16xf32>
        %get3A_252 = arith.index_cast %mul3A_220 : i32 to index
        %get3A_253 = tpu.vector_load %arg22[%get3A_252] {strides = array<i32>} : memref<512xf32, #tpu.memory_space<vmem>>, vector<16xf32>,
        %get3A_254 = arith.index_cast %mul3A_220 : i32 to index
        %get3A_255 = tpu.vector_load %arg23[%get3A_254] {strides = array<i32>} : memref<512xf32, #tpu.memory_space<vmem>>, vector<16xf32>,
        %mul3A_256 = arith.constant 4.000000e-01 : f32
        %mul3A_257 = vector.broadcast %mul3A_256 : f32 to vector<16xf32>
        %mul3A_258 = arith.mulf %exp3A_245, %mul3A_257 : vector<16xf32>
        %add3A_259 = arith.addf %get3A_253, %mul3A_258 : vector<16xf32>
        %max3A = arith.constant 0.000000e+00 : f32
        %max3A_260 = vector.broadcast %max3A : f32 to vector<16xf32>
        %max3A_261 = arith.maximumf %add3A_259, %max3A_260 : vector<16xf32>
        %mul3A_262 = arith.constant 4.000000e-01 : f32
        %mul3A_263 = vector.broadcast %mul3A_262 : f32 to vector<16xf32>
        %mul3A_264 = arith.mulf %exp3A_251, %mul3A_263 : vector<16xf32>
        %add3A_265 = arith.addf %get3A_255, %mul3A_264 : vector<16xf32>
        %max3A_266 = arith.constant 0.000000e+00 : f32
        %max3A_267 = vector.broadcast %max3A_266 : f32 to vector<16xf32>
        %max3A_268 = arith.maximumf %add3A_265, %max3A_267 : vector<16xf32>
        %add3A_269 = arith.addf %max3A_261, %max3A_268 : vector<16xf32>
        %add3A_270 = arith.addf %scan3A_218, %add3A_269 : vector<16xf32>
        scf.yield %add3A_270 : vector<16xf32>
      }
      %scan3A_216 = arith.constant 32 : i32
      scf.yield %scan3A_215 : vector<16xf32>
    }
    %scan3A_66 = arith.constant 2 : i32
    %dma_wait3A_67 = arith.constant 0 : i32
    %dma_wait3A_68 = tpu.memref_slice %arg4[%dma_wait3A_67] : memref<16384000xf32, #tpu.memory_space<hbm>> -> memref<16384000xf32, #tpu.memory_space<hbm>>
    tpu.wait_indirect_dma semaphore(%arg25 : memref<!tpu.dma_semaphore, #tpu.memory_space<semaphore_mem>>) src(%dma_wait3A_68 : memref<16384000xf32, #tpu.memory_space<hbm>>) dst(%arg11 : memref<2048xf32, #tpu.memory_space<vmem>>)
    %swap3A = arith.constant 0 : index
    %swap3A_69 = tpu.vector_load %arg24[%swap3A] {strides = array<i32>} : memref<16xf32, #tpu.memory_space<vmem>>, vector<16xf32>,
    tpu.vector_store %arg24[%swap3A], %scan3A_65 {strides = array<i32>} : memref<16xf32, #tpu.memory_space<vmem>>, vector<16xf32>,
    "tpu.region"() ({
      %run_scoped3A = tpu.sem_alloc : memref<!tpu.dma_semaphore, #tpu.memory_space<semaphore_mem>>
      %dma_start3A_70 = arith.constant 0 : i32
      %dma_start3A_71 = tpu.memref_slice %arg8[%add3A, %dma_start3A_70] : memref<32x16xf32, #tpu.memory_space<hbm>> -> memref<1x16xf32, #tpu.memory_space<hbm>>
      %dma_start3A_72 = tpu.memref_squeeze %dma_start3A_71 : memref<1x16xf32, #tpu.memory_space<hbm>> -> memref<16xf32, #tpu.memory_space<hbm>>
      %dma_start3A_73 = arith.constant 0 : i32
      %dma_start3A_74 = tpu.memref_slice %arg8[%add3A, %dma_start3A_73] : memref<32x16xf32, #tpu.memory_space<hbm>> -> memref<1x16xf32, #tpu.memory_space<hbm>>
      %dma_start3A_75 = tpu.memref_squeeze %dma_start3A_74 : memref<1x16xf32, #tpu.memory_space<hbm>> -> memref<16xf32, #tpu.memory_space<hbm>>
      tpu.enqueue_dma source(%arg24 : memref<16xf32, #tpu.memory_space<vmem>>) target(%dma_start3A_75 : memref<16xf32, #tpu.memory_space<hbm>>) target_semaphore(%run_scoped3A : memref<!tpu.dma_semaphore, #tpu.memory_space<semaphore_mem>>)
      %dma_wait3A_76 = arith.constant 0 : i32
      %dma_wait3A_77 = tpu.memref_slice %arg8[%add3A, %dma_wait3A_76] : memref<32x16xf32, #tpu.memory_space<hbm>> -> memref<1x16xf32, #tpu.memory_space<hbm>>
      %dma_wait3A_78 = tpu.memref_squeeze %dma_wait3A_77 : memref<1x16xf32, #tpu.memory_space<hbm>> -> memref<16xf32, #tpu.memory_space<hbm>>
      %dma_wait3A_79 = arith.constant 0 : i32
      %dma_wait3A_80 = tpu.memref_slice %arg8[%add3A, %dma_wait3A_79] : memref<32x16xf32, #tpu.memory_space<hbm>> -> memref<1x16xf32, #tpu.memory_space<hbm>>
      %dma_wait3A_81 = tpu.memref_squeeze %dma_wait3A_80 : memref<1x16xf32, #tpu.memory_space<hbm>> -> memref<16xf32, #tpu.memory_space<hbm>>
      tpu.wait_dma2 semaphore(%run_scoped3A : memref<!tpu.dma_semaphore, #tpu.memory_space<semaphore_mem>>) src(%arg24 : memref<16xf32, #tpu.memory_space<vmem>>) dst(%dma_wait3A_81 : memref<16xf32, #tpu.memory_space<hbm>>)
      tpu.yield
    }) : () -> ()
    return
  }
}

module attributes {stable_mosaic.version = 14 : i64} {
  func.func @body(%arg0: i32, %arg1: memref<1000x1024xf32, #tpu.memory_space<vmem>>, %arg2: memref<1024xf32, #tpu.memory_space<vmem>>, %arg3: memref<1000x8x128xf32, #tpu.memory_space<vmem>>) attributes {dimension_semantics = [#tpu.dimension_semantics<arbitrary>], iteration_bounds = array<i64: 16>, scalar_prefetch = 0 : i64, scratch_operands = 0 : i64, tpu.core_type = #tpu.core_type<tc>, window_params = [{transform_indices = @transform_0, window_bounds = array<i64: 1000, 1024>}, {transform_indices = @transform_1, window_bounds = array<i64: 1024>}, {transform_indices = @transform_2, window_bounds = array<i64: 1000, 8, 128>}]} {
    %get3A = arith.constant 0 : index
    %get3A_0 = arith.constant 0 : index
    %get3A_1 = vector.load %arg1[%get3A, %get3A_0] : memref<1000x1024xf32, #tpu.memory_space<vmem>>, vector<1000x1024xf32>
    %reduce_max3A = arith.constant dense<0xFF800000> : vector<1024xf32>
    %reduce_max3A_2 = vector.multi_reduction <maximumf>, %get3A_1, %reduce_max3A [0] : vector<1000x1024xf32> to vector<1024xf32>
    %broadcast_in_dim3A = vector.shape_cast %reduce_max3A_2 : vector<1024xf32> to vector<1x1024xf32>
    %sub3A = vector.broadcast %broadcast_in_dim3A : vector<1x1024xf32> to vector<1000x1024xf32>
    %sub3A_3 = arith.subf %get3A_1, %sub3A : vector<1000x1024xf32>
    %exp3A = math.exp %sub3A_3 : vector<1000x1024xf32>
    %reduce_sum3A = arith.constant dense<0.000000e+00> : vector<1024xf32>
    %reduce_sum3A_4 = vector.multi_reduction <add>, %exp3A, %reduce_sum3A [0] : vector<1000x1024xf32> to vector<1024xf32>
    %log3A = math.log %reduce_sum3A_4 : vector<1024xf32>
    %add3A = arith.addf %reduce_max3A_2, %log3A : vector<1024xf32>
    %swap3A = arith.constant 0 : index
    %swap3A_5 = vector.load %arg2[%swap3A] : memref<1024xf32, #tpu.memory_space<vmem>>, vector<1024xf32>
    tpu.vector_store %arg2[%swap3A], %add3A {strides = array<i32>} : memref<1024xf32, #tpu.memory_space<vmem>>, vector<1024xf32>,
    %slice3A = vector.extract_strided_slice %get3A_1 {offsets = [0, 0], sizes = [1000, 128], strides = [1, 1]} : vector<1000x1024xf32> to vector<1000x128xf32>
    %swap3A_6 = arith.constant 0 : index
    %swap3A_7 = arith.constant 0 : index
    %swap3A_8 = arith.constant 0 : index
    %swap3A_9 = vector.load %arg3[%swap3A_6, %swap3A_7, %swap3A_8] : memref<1000x8x128xf32, #tpu.memory_space<vmem>>, vector<1000x1x128xf32>
    %swap3A_10 = vector.shape_cast %swap3A_9 : vector<1000x1x128xf32> to vector<1000x128xf32>
    %swap3A_11 = vector.shape_cast %slice3A : vector<1000x128xf32> to vector<1000x1x128xf32>
    tpu.vector_store %arg3[%swap3A_6, %swap3A_7, %swap3A_8], %swap3A_11 {strides = array<i32>} : memref<1000x8x128xf32, #tpu.memory_space<vmem>>, vector<1000x1x128xf32>,
    %slice3A_12 = vector.extract_strided_slice %get3A_1 {offsets = [0, 128], sizes = [1000, 128], strides = [1, 1]} : vector<1000x1024xf32> to vector<1000x128xf32>
    %swap3A_13 = arith.constant 0 : index
    %swap3A_14 = arith.constant 1 : index
    %swap3A_15 = arith.constant 0 : index
    %swap3A_16 = vector.load %arg3[%swap3A_13, %swap3A_14, %swap3A_15] : memref<1000x8x128xf32, #tpu.memory_space<vmem>>, vector<1000x1x128xf32>
    %swap3A_17 = vector.shape_cast %swap3A_16 : vector<1000x1x128xf32> to vector<1000x128xf32>
    %swap3A_18 = vector.shape_cast %slice3A_12 : vector<1000x128xf32> to vector<1000x1x128xf32>
    tpu.vector_store %arg3[%swap3A_13, %swap3A_14, %swap3A_15], %swap3A_18 {strides = array<i32>} : memref<1000x8x128xf32, #tpu.memory_space<vmem>>, vector<1000x1x128xf32>,
    %slice3A_19 = vector.extract_strided_slice %get3A_1 {offsets = [0, 256], sizes = [1000, 128], strides = [1, 1]} : vector<1000x1024xf32> to vector<1000x128xf32>
    %swap3A_20 = arith.constant 0 : index
    %swap3A_21 = arith.constant 2 : index
    %swap3A_22 = arith.constant 0 : index
    %swap3A_23 = vector.load %arg3[%swap3A_20, %swap3A_21, %swap3A_22] : memref<1000x8x128xf32, #tpu.memory_space<vmem>>, vector<1000x1x128xf32>
    %swap3A_24 = vector.shape_cast %swap3A_23 : vector<1000x1x128xf32> to vector<1000x128xf32>
    %swap3A_25 = vector.shape_cast %slice3A_19 : vector<1000x128xf32> to vector<1000x1x128xf32>
    tpu.vector_store %arg3[%swap3A_20, %swap3A_21, %swap3A_22], %swap3A_25 {strides = array<i32>} : memref<1000x8x128xf32, #tpu.memory_space<vmem>>, vector<1000x1x128xf32>,
    %slice3A_26 = vector.extract_strided_slice %get3A_1 {offsets = [0, 384], sizes = [1000, 128], strides = [1, 1]} : vector<1000x1024xf32> to vector<1000x128xf32>
    %swap3A_27 = arith.constant 0 : index
    %swap3A_28 = arith.constant 3 : index
    %swap3A_29 = arith.constant 0 : index
    %swap3A_30 = vector.load %arg3[%swap3A_27, %swap3A_28, %swap3A_29] : memref<1000x8x128xf32, #tpu.memory_space<vmem>>, vector<1000x1x128xf32>
    %swap3A_31 = vector.shape_cast %swap3A_30 : vector<1000x1x128xf32> to vector<1000x128xf32>
    %swap3A_32 = vector.shape_cast %slice3A_26 : vector<1000x128xf32> to vector<1000x1x128xf32>
    tpu.vector_store %arg3[%swap3A_27, %swap3A_28, %swap3A_29], %swap3A_32 {strides = array<i32>} : memref<1000x8x128xf32, #tpu.memory_space<vmem>>, vector<1000x1x128xf32>,
    %slice3A_33 = vector.extract_strided_slice %get3A_1 {offsets = [0, 512], sizes = [1000, 128], strides = [1, 1]} : vector<1000x1024xf32> to vector<1000x128xf32>
    %swap3A_34 = arith.constant 0 : index
    %swap3A_35 = arith.constant 4 : index
    %swap3A_36 = arith.constant 0 : index
    %swap3A_37 = vector.load %arg3[%swap3A_34, %swap3A_35, %swap3A_36] : memref<1000x8x128xf32, #tpu.memory_space<vmem>>, vector<1000x1x128xf32>
    %swap3A_38 = vector.shape_cast %swap3A_37 : vector<1000x1x128xf32> to vector<1000x128xf32>
    %swap3A_39 = vector.shape_cast %slice3A_33 : vector<1000x128xf32> to vector<1000x1x128xf32>
    tpu.vector_store %arg3[%swap3A_34, %swap3A_35, %swap3A_36], %swap3A_39 {strides = array<i32>} : memref<1000x8x128xf32, #tpu.memory_space<vmem>>, vector<1000x1x128xf32>,
    %slice3A_40 = vector.extract_strided_slice %get3A_1 {offsets = [0, 640], sizes = [1000, 128], strides = [1, 1]} : vector<1000x1024xf32> to vector<1000x128xf32>
    %swap3A_41 = arith.constant 0 : index
    %swap3A_42 = arith.constant 5 : index
    %swap3A_43 = arith.constant 0 : index
    %swap3A_44 = vector.load %arg3[%swap3A_41, %swap3A_42, %swap3A_43] : memref<1000x8x128xf32, #tpu.memory_space<vmem>>, vector<1000x1x128xf32>
    %swap3A_45 = vector.shape_cast %swap3A_44 : vector<1000x1x128xf32> to vector<1000x128xf32>
    %swap3A_46 = vector.shape_cast %slice3A_40 : vector<1000x128xf32> to vector<1000x1x128xf32>
    tpu.vector_store %arg3[%swap3A_41, %swap3A_42, %swap3A_43], %swap3A_46 {strides = array<i32>} : memref<1000x8x128xf32, #tpu.memory_space<vmem>>, vector<1000x1x128xf32>,
    %slice3A_47 = vector.extract_strided_slice %get3A_1 {offsets = [0, 768], sizes = [1000, 128], strides = [1, 1]} : vector<1000x1024xf32> to vector<1000x128xf32>
    %swap3A_48 = arith.constant 0 : index
    %swap3A_49 = arith.constant 6 : index
    %swap3A_50 = arith.constant 0 : index
    %swap3A_51 = vector.load %arg3[%swap3A_48, %swap3A_49, %swap3A_50] : memref<1000x8x128xf32, #tpu.memory_space<vmem>>, vector<1000x1x128xf32>
    %swap3A_52 = vector.shape_cast %swap3A_51 : vector<1000x1x128xf32> to vector<1000x128xf32>
    %swap3A_53 = vector.shape_cast %slice3A_47 : vector<1000x128xf32> to vector<1000x1x128xf32>
    tpu.vector_store %arg3[%swap3A_48, %swap3A_49, %swap3A_50], %swap3A_53 {strides = array<i32>} : memref<1000x8x128xf32, #tpu.memory_space<vmem>>, vector<1000x1x128xf32>,
    %slice3A_54 = vector.extract_strided_slice %get3A_1 {offsets = [0, 896], sizes = [1000, 128], strides = [1, 1]} : vector<1000x1024xf32> to vector<1000x128xf32>
    %swap3A_55 = arith.constant 0 : index
    %swap3A_56 = arith.constant 7 : index
    %swap3A_57 = arith.constant 0 : index
    %swap3A_58 = vector.load %arg3[%swap3A_55, %swap3A_56, %swap3A_57] : memref<1000x8x128xf32, #tpu.memory_space<vmem>>, vector<1000x1x128xf32>
    %swap3A_59 = vector.shape_cast %swap3A_58 : vector<1000x1x128xf32> to vector<1000x128xf32>
    %swap3A_60 = vector.shape_cast %slice3A_54 : vector<1000x128xf32> to vector<1000x1x128xf32>
    tpu.vector_store %arg3[%swap3A_55, %swap3A_56, %swap3A_57], %swap3A_60 {strides = array<i32>} : memref<1000x8x128xf32, #tpu.memory_space<vmem>>, vector<1000x1x128xf32>,
    return
  }
  func.func @transform_0(%arg0: i32) -> (i32, i32) {
    %c0_i32 = arith.constant 0 : i32
    %c0_i32_0 = arith.constant 0 : i32
    return %c0_i32, %arg0 : i32, i32
  }
  func.func @transform_1(%arg0: i32) -> i32 {
    %c0_i32 = arith.constant 0 : i32
    return %arg0 : i32
  }
  func.func @transform_2(%arg0: i32) -> (i32, i32, i32) {
    %c0_i32 = arith.constant 0 : i32
    %c0_i32_0 = arith.constant 0 : i32
    %c0_i32_1 = arith.constant 0 : i32
    return %c0_i32, %arg0, %c0_i32_0 : i32, i32, i32
  }
}

</mosaic_0001>

<sc_bundles>
// kernel: kernel.5.cloned.1.call-start
scs
__scs_entry_jumppad:
0x0: {  	(pc) =	sbr.rel $0x88, $3  }
0x1: {  	(tag) =	ssettag $0x0;
	lr =	simm.s32 $0x1  }
0x2: {  	[smem:$0x3F9D] =	sst lr;
	_ =	strace $0xD0000000  }
0x3: {  	_ = 	snop  }
0x4: {  	_ = 	snop  }
0x5: {  	_ = 	snop  }
0x6: {  	_ = 	snop  }
0x7: {  	_ = 	snop  }
__scs_overlays_trampoline_lowered:
0x8: {  	[smem:$0x3FAC] =	sst s0  }
0x9: {  	[smem:$0x3FAD] =	sst s1  }
0xa: {  	[smem:$0x3FAE] =	sst s2  }
0xb: {  	[smem:$0x3FAF] =	sst s3  }
0xc: {  	[smem:$0x3FB0] =	sst s4  }
0xd: {  	[smem:$0x3FB1] =	sst s5  }
0xe: {  	[smem:$0x3FB2] =	sst s6  }
0xf: {  	[smem:$0x3FB3] =	sst s7  }
0x10: {  	[smem:$0x3FB4] =	sst s8  }
0x11: {  	[smem:$0x3FB5] =	sst s9;
	s0 =	simm.s32 @!p0 $0x0  }
0x12: {  	s1 =	sld [smem:$0x3F9B];
	s0 =	simm.s32 @p0 $0x1  }
0x13: {  	[smem:$0x3FB6] =	sst s0;
	s0 =	simm.s32 @!p1 $0x0  }
0x14: {  	s2 =	sld [smem:$0x3F9A];
	s0 =	simm.s32 @p1 $0x1  }
0x15: {  	[smem:$0x3FB7] =	sst s0;
	s0 =	simm.s32 @!p2 $0x0  }
0x16: {  	s3 =	sld [smem:$0x3FDB];
	s0 =	simm.s32 @p2 $0x1  }
0x17: {  	s4 =	simm.s32 $0x1BF5;
	[smem:$0x3FB9] =	sst s0  }
0x18: {  	s0 =	sld [smem:$0x3F9C];
	_ =	swait.ge [sflag:s4], $0x0  }
0x19: {  	s7 =	sld [smem:$0x3F9D]  }
0x1a: {  	s8 =	sadd.s32 $0xFFFFE003, lr  }
0x1b: {  	s9 =	sadd.s32 $0xFFFFFEF7, lr;
	s5 =	simm.s32 $0xFFFFFFFF;
	p2 =	slt.u32 s8, $0xFFFFF086  }
0x1c: {  	p1 =	slt.u32 s9, $0xF7A;
	s5 =	simm.s32 @!p2 $0x0  }
0x1d: {  	s5 =	simm.s32 @p1 $0x1;
	p0 =	seq.s32 s7, s2  }
0x1e: {  	s7 =	smul.u32 @!p0 $0xF7A, s2;
	p2 =	seq.s32 @!p0 s5, $0x0  }
0x1f: {  	s9 =	smul.u32 $0xF7A, s1;
	s8 =	simm.s32 @!p0 $0x1BF5;
	p2 =	por !p2, p0  }
0x20: {  	[sflag:s8] =	ssyncset.s32 @!p0 $0xFFFFF086;
	s6 =	sadd.s32 @!p0 s3, s7;
	s7 =	simm.s32 @!p0 $0x108  }
0x21: {  	s3 =	sadd.s32 s3, s9;
	s6 =	sadd.s32 @!p0 $0x88, s6;
	s7 =	simm.s32 @p2 $0x1082  }
0x22: {  	[simem:s7], [sflag:s8] =	dma.local @!p0 [hbm:s6], $0xF7A  }
0x23: {  	s9 =	sor.u32 $0xD0000000, s2;
	s6 =	simm.s32 $0x108;
	_ =	swait.ge @!p0 [sflag:s8], $0x0  }
0x24: {  	s3 =	sadd.s32 $0x88, s3;
	s6 =	simm.s32 @!p1 $0x1082;
	[sflag:s4] =	ssyncset.s32 $0xFFFFF086  }
0x25: {  	[simem:s6], [sflag:s4] =	dma.local [hbm:s3], $0xF7A  }
0x26: {  	[smem:$0x3F9D] =	sst s1;
	(tag) =	ssettag s2;
	_ =	strace s9  }
0x27: {  	s1 =	sld [smem:$0x3FAD]  }
0x28: {  	s2 =	sld [smem:$0x3FAE]  }
0x29: {  	s4 =	sld [smem:$0x3FB0]  }
0x2a: {  	p0 =	seq.s32 s5, $0x0;
	s5 =	sld [smem:$0x3FB1]  }
0x2b: {  	s6 =	sld [smem:$0x3FB2]  }
0x2c: {  	s7 =	sld [smem:$0x3FB3]  }
0x2d: {  	s3 =	simm.s32 $0x108;
	s8 =	sld [smem:$0x3FB4]  }
0x2e: {  	s3 =	simm.s32 @!p0 $0x1082;
	s9 =	sld [smem:$0x3FB5]  }
0x2f: {  	lr =	sadd.s32 s0, s3;
	s0 =	sld [smem:$0x3FAC]  }
0x30: {  	s3 =	sld [smem:$0x3FAF]  }
0x31: {  	[smem:$0x3FB8] =	sst s10  }
0x32: {  	s10 =	sld [smem:$0x3FB6];
	_ =	sdelay $0x3  }
0x33: {  	p0 =	seq.s32 s10, $0x1;
	s10 =	sld [smem:$0x3FB8];
	_ =	sdelay $0x3  }
0x34: {  	[smem:$0x3FB8] =	sst s10  }
0x35: {  	s10 =	sld [smem:$0x3FB7];
	_ =	sdelay $0x3  }
0x36: {  	p1 =	seq.s32 s10, $0x1;
	s10 =	sld [smem:$0x3FB8];
	_ =	sdelay $0x3  }
0x37: {  	[smem:$0x3FB8] =	sst s10  }
0x38: {  	s10 =	sld [smem:$0x3FB9]  }
0x39: {  	_ = 	snop;
	(pc) =	sbr.ind lr, $3  }
0x3a: {  	_ = 	snop  }
0x3b: {  	_ = 	snop  }
0x3c: {  	p2 =	seq.s32 s10, $0x1;
	s10 =	sld [smem:$0x3FB8]  }
0x3d: {  	_ =	shalt  }
0x3e: {  	_ =	shalt  }
0x3f: {  	_ =	shalt  }
0x40: {  	_ =	shalt  }
0x41: {  	_ =	shalt  }
0x42: {  	_ =	shalt  }
0x43: {  	_ =	shalt  }
0x44: {  	_ =	shalt  }
0x45: {  	_ =	shalt  }
0x46: {  	_ =	shalt  }
0x47: {  	_ =	shalt  }
0x48: {  	_ =	shalt  }
0x49: {  	_ =	shalt  }
0x4a: {  	_ =	shalt  }
0x4b: {  	_ =	shalt  }
0x4c: {  	_ =	shalt  }
0x4d: {  	_ =	shalt  }
0x4e: {  	_ =	shalt  }
0x4f: {  	_ =	shalt  }
0x50: {  	_ =	shalt  }
0x51: {  	_ =	shalt  }
0x52: {  	_ =	shalt  }
0x53: {  	_ =	shalt  }
0x54: {  	_ =	shalt  }
0x55: {  	_ =	shalt  }
0x56: {  	_ =	shalt  }
0x57: {  	_ =	shalt  }
0x58: {  	_ =	shalt  }
0x59: {  	_ =	shalt  }
0x5a: {  	_ =	shalt  }
0x5b: {  	_ =	shalt  }
0x5c: {  	_ =	shalt  }
0x5d: {  	_ =	shalt  }
0x5e: {  	_ =	shalt  }
0x5f: {  	_ =	shalt  }
0x60: {  	_ =	shalt  }
0x61: {  	_ =	shalt  }
0x62: {  	_ =	shalt  }
0x63: {  	_ =	shalt  }
0x64: {  	_ =	shalt  }
0x65: {  	_ =	shalt  }
0x66: {  	_ =	shalt  }
0x67: {  	_ =	shalt  }
0x68: {  	_ =	shalt  }
0x69: {  	_ =	shalt  }
0x6a: {  	_ =	shalt  }
0x6b: {  	_ =	shalt  }
0x6c: {  	_ =	shalt  }
0x6d: {  	_ =	shalt  }
0x6e: {  	_ =	shalt  }
0x6f: {  	_ =	shalt  }
0x70: {  	_ =	shalt  }
0x71: {  	_ =	shalt  }
0x72: {  	_ =	shalt  }
0x73: {  	_ =	shalt  }
0x74: {  	_ =	shalt  }
0x75: {  	_ =	shalt  }
0x76: {  	_ =	shalt  }
0x77: {  	_ =	shalt  }
0x78: {  	_ =	shalt  }
0x79: {  	_ =	shalt  }
0x7a: {  	_ =	shalt  }
0x7b: {  	_ =	shalt  }
0x7c: {  	_ =	shalt  }
0x7d: {  	_ =	shalt  }
0x7e: {  	_ =	shalt  }
0x7f: {  	_ =	shalt  }
0x80: {  	_ =	shalt  }
0x81: {  	_ =	shalt  }
0x82: {  	_ =	shalt  }
0x83: {  	_ =	shalt  }
0x84: {  	_ =	shalt  }
0x85: {  	_ =	shalt  }
0x86: {  	_ =	shalt  }
0x87: {  	_ =	shalt  }
.Lfunc_end0:
.L_simem_size_0:
called_computation_lowered:
.L_overlay_start_0:
0x88: {  	s2 =	sld [smem:$0x3FD9]  }
0x89: {  	s3 =	sld [smem:$0x3FFE];
	_ =	sdelay $0x1  }
0x8a: {  	s1 =	srdreg.scid  }
0x8b: {  	s0 =	sand.u32 $0x1, s1  }
0x8c: {  	s17 =	sshll.u32 s0, $0xA;
	s2 =	sadd.s32 s3, s2  }
0x8d: {  	s2 =	sadd.s32 s2, s17  }
0x8e: {  	[smem:$0x3FC4] =	sst s2  }
0x8f: {  	_ = 	snop  }
0x90: {  	s2 =	sld [smem:$0x3FC7];
	(tm) =	ssettm $0x1  }
0x91: {  	s18 =	sld [smem:$0x3FFB];
	_ =	sdelay $0x3  }
0x92: {  	_ =	strace s18  }
0x93: {  	s3 =	sld [smem:$0x3FFC];
	_ =	sdelay $0x3  }
0x94: {  	_ =	strace s3  }
0x95: {  	s3 =	sld [smem:$0x3FFD];
	_ =	sdelay $0x3  }
0x96: {  	_ =	strace s3  }
0x97: {  	_ =	strace $0x8FFFFFFF  }
0x98: {  	s19 =	sld [smem:$0x3FDB];
	_ =	sdelay $0x1  }
0x99: {  	s4 =	simm.s32 $_scs_section_size  }
0x9a: {  	s5 =	simm.s32 $_size__tile_overlayer_lowered;
	s6 =	simm.s32 $_tile_overlayer_lowered  }
0x9b: {  	s22 =	simm.s32 $0x1BFF;
	s21 =	sshll.u32 s6, $0x1;
	s3 =	sadd.s32 s4, s19  }
0x9c: {  	s7 =	simm.s32 $0x0;
	s20 =	sshll.u32 s5, $0x1;
	s5 =	sadd.s32 s21, s3  }
0x9d: {  	[timem:s7], [sflag:s22] =	dma.local [hbm:s5], s20  }
0x9e: {  	_ =	swait.ge [sflag:s22], s20  }
0x9f: {  	s4 =	ssub.s32 $0x0, s20;
	[sflag:s22] =	ssyncset.done $0x0  }
0xa0: {  	[sflag:s22] =	ssyncadd.s32 s4;
	_ =	sdelay $0x1  }
0xa1: {  	s23 =	simm.s32 $0x1B8B  }
0xa2: {  	_ =	swait.ge [sflag:s23], $0x1  }
0xa3: {  	[sflag:s23] =	ssyncset.done $0x0  }
0xa4: {  	s25 =	simm.s32 $0x1B8E;
	s24 =	sld [smem:$0x3FFE];
	[sflag:s23] =	ssyncadd.s32 $0xFFFFFFFF  }
0xa5: {  	s26 =	simm.s32 $execute0_lowered;
	[smem:$0x3FD2] =	sst s25  }
0xa6: {  	s5 =	sshll.u32 s26, $0x1;
	_ =	strace $0x80000046;
	[dreg:$0x1] =	wrdreg $0xFFFFFFFF  }
0xa7: {  	s28 =	simm.s32 $_size_execute0_lowered;
	s3 =	sadd.s32 s3, s5;
	[dreg:$0x0] =	wrdreg $0x0  }
0xa8: {  	s5 =	sshll.u32 s28, $0x1;
	[dreg:$0x2] =	wrdreg s3  }
0xa9: {  	[dreg:$0x3] =	wrdreg s5  }
0xaa: {  	[dreg:$0x4] =	wrdreg $0xC0  }
0xab: {  	_ =	task [dreg:s7], $0x5FFFF  }
0xac: {  	[dreg:$0x1] =	wrdreg $0xFFFFFFFF  }
0xad: {  	[dreg:$0x0] =	wrdreg $0x60  }
0xae: {  	[dreg:$0x2] =	wrdreg s24  }
0xaf: {  	[dreg:$0x3] =	wrdreg s2  }
0xb0: {  	[dreg:$0x4] =	wrdreg $0x9  }
0xb1: {  	_ =	task.clear_ibuf [dreg:s7], $0x5FFFF;
	_ =	strace $0x90000046  }
0xb2: {  	s29 =	simm.s32 $0x9;
	_ =	strace $0x80000048  }
0xb3: {  	_ =	swait.ge [sflag:s29], $0x1  }
0xb4: {  	[sflag:s29] =	ssyncadd.s32 $0xFFFFFFFF  }
0xb5: {  	_ =	strace $0x90000048  }
0xb6: {  	_ =	sfence  }
0xb7: {  	s30 =	sld [smem:$0x0];
	_ =	sdelay $0x2  }
0xb8: {  	s31 =	sshll.u32 s1, $0xD;
	s1 =	sshrl.u32 s1, $0x2  }
0xb9: {  	s3 =	sand.u32 $0x4000, s31;
	s1 =	sadd.s32 s1, s30  }
0xba: {  	s0 =	sor.u32 s3, s0;
	s1 =	sshll.u32 s1, $0x11  }
0xbb: {  	s0 =	sor.u32 s1, s0  }
0xbc: {  	s0 =	sadd.s32 $0x8F2B, s0  }
0xbd: {  	[sflag:s0] =	ssyncadd.remote.s32 $0x1  }
0xbe: {  	_ =	sfence.sel $0xFFFF  }
0xbf: {  	[dreg:$0x0] =	wrdreg $0xFFFFFFFF;
	(pc) =	sbr.abs _section_cstart, $3  }
0xc0: {  	[dreg:$0x1] =	wrdreg $0xFFFFFFFF  }
0xc1: {  	_ =	task.clear_ibuf [dreg:s7], $0x2FFFF;
	_ =	strace $0x9FFFFFFF  }
0xc2: {  	(tm) =	ssettm $0x7FFFFFFF  }
0xc3: {  	_ =	shalt  }
tec
execute0_lowered:
.L_overlay_start_1:
0x0: {  	(tag) =	ssettag $0x1  }
0x1: {  	s0 =	rddreg [dreg:$0x0];
	s2 =	simm.s32 $0x0;
	s1 =	srdreg.scid  }
0x2: {  	s3 =	stileid.u32;
	[smem:$0x7FF] =	sst s2  }
0x3: {  	s1 =	sand.u32 $0x1, s1;
	s3 =	sshll.u32 s3, $0x1;
	s6 =	sadd.s32 $0x28C00, s0  }
0x4: {  	s7 =	sadd.s32 $0x2AC00, s0;
	s8 =	sadd.s32 $0x2CC00, s0;
	s3 =	sor.u32 s1, s3  }
0x5: {  	_ =	strace $0x80000047;
	s26 =	sshll.u32 s3, $0x8;
	s11 =	sshll.u32 s3, $0xB  }
0x6: {  	s25 =	ssub.s32 $0x2, s1;
	s19 =	sadd.s32 s6, s26;
	[dreg:$0x3] =	wrdreg s11  }
0x7: {  	s3 =	sshll.u32 s3, $0xA;
	s1 =	sadd.s32 s7, s26;
	[dreg:$0xc] =	wrdreg s19  }
0x8: {  	s5 =	sadd.s32 $0xC00, s0;
	s20 =	sadd.s32 s8, s3;
	[dreg:$0xd] =	wrdreg s1  }
0x9: {  	s31 =	simm.s32 $0x4;
	s12 =	sadd.s32 s5, s26;
	[dreg:$0xe] =	wrdreg s20  }
0xa: {  	s28 =	simm.s32 $0x3;
	s29 =	sadd.s32 $0x2000, s12;
	[dreg:$0x4] =	wrdreg s12  }
0xb: {  	s4 =	sadd.s32 $0x8C00, s0;
	s10 =	sadd.s32 $0x4000, s12;
	[dreg:$0x5] =	wrdreg s29  }
0xc: {  	s9 =	sshrl.u32 s25, $0x1;
	s14 =	sadd.s32 $0x6000, s12;
	[dreg:$0x6] =	wrdreg s10  }
0xd: {  	s0 =	ssub.s32 s25, s9;
	s16 =	sadd.s32 $0x2010, s12;
	[dreg:$0x7] =	wrdreg s14  }
0xe: {  	s30 =	sor.u32 $0x80, s11;
	s17 =	sadd.s32 $0x4010, s12;
	[dreg:$0x9] =	wrdreg s16  }
0xf: {  	s15 =	sshrl.u32 s30, $0x3;
	s18 =	sadd.s32 $0x6010, s12;
	[dreg:$0xa] =	wrdreg s17  }
0x10: {  	s21 =	sadd.s32 $0x20, s12;
	s24 =	sshrl.u32 s30, $0x1;
	[dreg:$0xb] =	wrdreg s18  }
0x11: {  	s0 =	smax.u32 s0, $0x1;
	s25 =	sadd.s32 $0x2020, s12;
	[dreg:$0xf] =	wrdreg s21  }
0x12: {  	s26 =	sadd.s32 $0x4020, s12;
	s30 =	sor.u32 $0x100, s11;
	[dreg:$0x13] =	wrdreg s0  }
0x13: {  	s11 =	simm.s32 $0x4180;
	s13 =	sadd.s32 s5, s15;
	[dreg:$0x14] =	wrdreg s25  }
0x14: {  	s22 =	sadd.s32 s6, s15;
	s23 =	sadd.s32 s7, s15;
	[dreg:$0x15] =	wrdreg s26  }
0x15: {  	s1 =	sadd.s32 s8, s24;
	s29 =	sadd.s32 $0x6020, s12;
	[dreg:$0x17] =	wrdreg s30  }
0x16: {  	s12 =	simm.s32 $0x1;
	s14 =	simm.s32 $0x4200;
	[dreg:$0x8] =	wrdreg s13  }
0x17: {  	s15 =	simm.s32 $0x6200;
	s16 =	simm.s32 $0x8200;
	[dreg:$0x10] =	wrdreg s22  }
0x18: {  	s17 =	simm.s32 $0xA200;
	s24 =	simm.s32 $0x10700;
	[dreg:$0x11] =	wrdreg s23  }
0x19: {  	s25 =	simm.s32 $0x12700;
	s26 =	simm.s32 $0x2;
	[dreg:$0x12] =	wrdreg s1  }
0x1a: {  	v0 =	vlaneseq.u32;
	s10 =	simm.s32 $0x5;
	s0 =	simm.s32 $0x0;
	[dreg:$0x16] =	wrdreg s29  }
0x1b: {  	v1 =	vmul.u32 $0x40, v0;
	s13 =	simm.s32 $0x80;
	s22 =	simm.s32 $0xC700;
	s23 =	simm.s32 $0xE700  }
.LBB2_1:
0x1c: {  	[dreg:$0x18] =	wrdreg s0  }
0x1d: {  	s9 =	rddreg [dreg:$0x1];
	s18 =	simm.s32 $0x6  }
0x1e: {  	[tilespmem:s2], [sflag:$0x6] =	stream.linear.gather [hbm4b:s9+s2], $0x4000, $0x38;
	[tilespmem:$0x14A00] =	vst v63  }
0x1f: {  	_ =	swait.ge [sflag:s18], $0x4000  }
0x20: {  	[sflag:s18] =	ssyncset.done $0x0  }
0x21: {  	s20 =	simm.s32 $0x4000;
	s19 =	rddreg [dreg:$0x4];
	[sflag:s18] =	ssyncadd.s32 $0xFFFFC000  }
0x22: {  	[tilespmem:s20], [sflag:$0x1] =	stream.linear.gather [hbm4b:s19+s2], $0x80, $0x38;
	[tilespmem:$0x14A00] =	vst v63  }
0x23: {  	s3 =	simm.s32 $0x4080;
	s21 =	rddreg [dreg:$0x5]  }
0x24: {  	[tilespmem:s3], [sflag:$0x1] =	stream.linear.gather [hbm4b:s21+s2], $0x80, $0x38;
	[tilespmem:$0x14A00] =	vst v63  }
0x25: {  	s1 =	simm.s32 $0x4100;
	s29 =	rddreg [dreg:$0x6]  }
0x26: {  	[tilespmem:s1], [sflag:$0x1] =	stream.linear.gather [hbm4b:s29+s2], $0x80, $0x38;
	[tilespmem:$0x14A00] =	vst v63  }
0x27: {  	s30 =	rddreg [dreg:$0x7]  }
0x28: {  	[tilespmem:s11], [sflag:$0x1] =	stream.linear.gather [hbm4b:s30+s2], $0x80, $0x38;
	[tilespmem:$0x14A00] =	vst v63  }
0x29: {  	_ =	swait.ge [sflag:s12], $0x80  }
0x2a: {  	[sflag:s12] =	ssyncset.done $0x0  }
0x2b: {  	[sflag:s12] =	ssyncadd.s32 $0xFFFFFF80  }
0x2c: {  	_ =	swait.ge [sflag:s12], $0x80  }
0x2d: {  	[sflag:s12] =	ssyncset.done $0x0  }
0x2e: {  	[sflag:s12] =	ssyncadd.s32 $0xFFFFFF80  }
0x2f: {  	_ =	swait.ge [sflag:s12], $0x80  }
0x30: {  	[sflag:s12] =	ssyncset.done $0x0  }
0x31: {  	[sflag:s12] =	ssyncadd.s32 $0xFFFFFF80  }
0x32: {  	_ =	swait.ge [sflag:s12], $0x80  }
0x33: {  	[sflag:s12] =	ssyncset.done $0x0  }
0x34: {  	[sflag:s12] =	ssyncadd.s32 $0xFFFFFF80  }
0x35: {  	v2 =	vld [tilespmem:$0x4100]  }
0x36: {  	v3 =	vld [tilespmem:$0x4000]  }
0x37: {  	v4 =	vld [tilespmem:$0x4180];
	_ =	sdelay $0x5  }
0x38: {  	v5 =	vld.idx.msk [tilespmem:v2+s2+$0x0], $0xffff  }
0x39: {  	v6 =	vld.idx.msk [tilespmem:v3+s2+$0x0], $0xffff  }
0x3a: {  	v7 =	vld.idx.msk [tilespmem:v4+s2+$0x0], $0xffff  }
0x3b: {  	v8 =	vld [tilespmem:$0x4110]  }
0x3c: {  	v9 =	vld [tilespmem:$0x4010]  }
0x3d: {  	v10 =	vld [tilespmem:$0x4190];
	v5 =	vshll.u32 v5, $0xE  }
0x3e: {  	v6 =	vshll.u32 v6, $0xE;
	v5 =	vadd.s32 v3, v5  }
0x3f: {  	v57 =	vshll.u32 v7, $0xE;
	v2 =	vadd.s32 v2, v6;
	[tilespmem:$0xC200] =	vst v5  }
0x40: {  	[tilespmem:$0xC280] =	vst v2;
	v2 =	vadd.s32 v3, v57  }
0x41: {  	[tilespmem:$0xC300] =	vst v2;
	v2 =	vadd.s32 v4, v6  }
0x42: {  	[tilespmem:$0xC380] =	vst v2  }
0x43: {  	v2 =	vld.idx.msk [tilespmem:v8+s2+$0x0], $0xffff  }
0x44: {  	v3 =	vld.idx.msk [tilespmem:v9+s2+$0x0], $0xffff  }
0x45: {  	v58 =	vld.idx.msk [tilespmem:v10+s2+$0x0], $0xffff  }
0x46: {  	v59 =	vld [tilespmem:$0x4120]  }
0x47: {  	v60 =	vld [tilespmem:$0x4020]  }
0x48: {  	v61 =	vld [tilespmem:$0x41A0];
	v2 =	vshll.u32 v2, $0xE  }
0x49: {  	v3 =	vshll.u32 v3, $0xE;
	v2 =	vadd.s32 v9, v2  }
0x4a: {  	v4 =	vshll.u32 v58, $0xE;
	[tilespmem:$0xC210] =	vst v2;
	v2 =	vadd.s32 v8, v3  }
0x4b: {  	[tilespmem:$0xC290] =	vst v2;
	v2 =	vadd.s32 v9, v4  }
0x4c: {  	[tilespmem:$0xC310] =	vst v2;
	v2 =	vadd.s32 v10, v3  }
0x4d: {  	[tilespmem:$0xC390] =	vst v2  }
0x4e: {  	v2 =	vld.idx.msk [tilespmem:v59+s2+$0x0], $0xffff  }
0x4f: {  	v3 =	vld.idx.msk [tilespmem:v60+s2+$0x0], $0xffff  }
0x50: {  	v62 =	vld.idx.msk [tilespmem:v61+s2+$0x0], $0xffff  }
0x51: {  	v63 =	vld [tilespmem:$0x4130]  }
0x52: {  	v12 =	vld [tilespmem:$0x4030]  }
0x53: {  	v13 =	vld [tilespmem:$0x41B0];
	v2 =	vshll.u32 v2, $0xE  }
0x54: {  	v3 =	vshll.u32 v3, $0xE;
	v2 =	vadd.s32 v60, v2  }
0x55: {  	v4 =	vshll.u32 v62, $0xE;
	[tilespmem:$0xC220] =	vst v2;
	v2 =	vadd.s32 v59, v3  }
0x56: {  	[tilespmem:$0xC2A0] =	vst v2;
	v2 =	vadd.s32 v60, v4  }
0x57: {  	[tilespmem:$0xC320] =	vst v2;
	v2 =	vadd.s32 v61, v3  }
0x58: {  	[tilespmem:$0xC3A0] =	vst v2  }
0x59: {  	v2 =	vld.idx.msk [tilespmem:v63+s2+$0x0], $0xffff  }
0x5a: {  	v3 =	vld.idx.msk [tilespmem:v12+s2+$0x0], $0xffff  }
0x5b: {  	v14 =	vld.idx.msk [tilespmem:v13+s2+$0x0], $0xffff  }
0x5c: {  	v15 =	vld [tilespmem:$0x4140]  }
0x5d: {  	v16 =	vld [tilespmem:$0x4040]  }
0x5e: {  	v17 =	vld [tilespmem:$0x41C0];
	v2 =	vshll.u32 v2, $0xE  }
0x5f: {  	v3 =	vshll.u32 v3, $0xE;
	v2 =	vadd.s32 v12, v2  }
0x60: {  	v4 =	vshll.u32 v14, $0xE;
	[tilespmem:$0xC230] =	vst v2;
	v2 =	vadd.s32 v63, v3  }
0x61: {  	[tilespmem:$0xC2B0] =	vst v2;
	v2 =	vadd.s32 v12, v4  }
0x62: {  	[tilespmem:$0xC330] =	vst v2;
	v2 =	vadd.s32 v13, v3  }
0x63: {  	[tilespmem:$0xC3B0] =	vst v2  }
0x64: {  	v2 =	vld.idx.msk [tilespmem:v15+s2+$0x0], $0xffff  }
0x65: {  	v3 =	vld.idx.msk [tilespmem:v16+s2+$0x0], $0xffff  }
0x66: {  	v18 =	vld.idx.msk [tilespmem:v17+s2+$0x0], $0xffff  }
0x67: {  	v19 =	vld [tilespmem:$0x4150]  }
0x68: {  	v20 =	vld [tilespmem:$0x4050]  }
0x69: {  	v21 =	vld [tilespmem:$0x41D0];
	v2 =	vshll.u32 v2, $0xE  }
0x6a: {  	v3 =	vshll.u32 v3, $0xE;
	v2 =	vadd.s32 v16, v2  }
0x6b: {  	v4 =	vshll.u32 v18, $0xE;
	[tilespmem:$0xC240] =	vst v2;
	v2 =	vadd.s32 v15, v3  }
0x6c: {  	[tilespmem:$0xC2C0] =	vst v2;
	v2 =	vadd.s32 v16, v4  }
0x6d: {  	[tilespmem:$0xC340] =	vst v2;
	v2 =	vadd.s32 v17, v3  }
0x6e: {  	[tilespmem:$0xC3C0] =	vst v2  }
0x6f: {  	v2 =	vld.idx.msk [tilespmem:v19+s2+$0x0], $0xffff  }
0x70: {  	v3 =	vld.idx.msk [tilespmem:v20+s2+$0x0], $0xffff  }
0x71: {  	v22 =	vld.idx.msk [tilespmem:v21+s2+$0x0], $0xffff  }
0x72: {  	v23 =	vld [tilespmem:$0x4160]  }
0x73: {  	v24 =	vld [tilespmem:$0x4060]  }
0x74: {  	v25 =	vld [tilespmem:$0x41E0];
	v2 =	vshll.u32 v2, $0xE  }
0x75: {  	v3 =	vshll.u32 v3, $0xE;
	v2 =	vadd.s32 v20, v2  }
0x76: {  	v4 =	vshll.u32 v22, $0xE;
	[tilespmem:$0xC250] =	vst v2;
	v2 =	vadd.s32 v19, v3  }
0x77: {  	[tilespmem:$0xC2D0] =	vst v2;
	v2 =	vadd.s32 v20, v4  }
0x78: {  	[tilespmem:$0xC350] =	vst v2;
	v2 =	vadd.s32 v21, v3  }
0x79: {  	[tilespmem:$0xC3D0] =	vst v2  }
0x7a: {  	v2 =	vld.idx.msk [tilespmem:v23+s2+$0x0], $0xffff  }
0x7b: {  	v3 =	vld.idx.msk [tilespmem:v24+s2+$0x0], $0xffff  }
0x7c: {  	v26 =	vld.idx.msk [tilespmem:v25+s2+$0x0], $0xffff  }
0x7d: {  	v27 =	vld [tilespmem:$0x4170]  }
0x7e: {  	v28 =	vld [tilespmem:$0x4070]  }
0x7f: {  	v29 =	vld [tilespmem:$0x41F0];
	v2 =	vshll.u32 v2, $0xE  }
0x80: {  	v3 =	vshll.u32 v3, $0xE;
	v2 =	vadd.s32 v24, v2  }
0x81: {  	v4 =	vshll.u32 v26, $0xE;
	[tilespmem:$0xC260] =	vst v2;
	v2 =	vadd.s32 v23, v3  }
0x82: {  	[tilespmem:$0xC2E0] =	vst v2;
	v2 =	vadd.s32 v24, v4  }
0x83: {  	[tilespmem:$0xC360] =	vst v2;
	v2 =	vadd.s32 v25, v3  }
0x84: {  	[tilespmem:$0xC3E0] =	vst v2  }
0x85: {  	v2 =	vld.idx.msk [tilespmem:v27+s2+$0x0], $0xffff  }
0x86: {  	v3 =	vld.idx.msk [tilespmem:v28+s2+$0x0], $0xffff  }
0x87: {  	v30 =	vld.idx.msk [tilespmem:v29+s2+$0x0], $0xffff;
	_ =	sdelay $0x2  }
0x88: {  	v2 =	vshll.u32 v2, $0xE  }
0x89: {  	v3 =	vshll.u32 v3, $0xE;
	v2 =	vadd.s32 v28, v2  }
0x8a: {  	v4 =	vshll.u32 v30, $0xE;
	[tilespmem:$0xC270] =	vst v2;
	v2 =	vadd.s32 v27, v3  }
0x8b: {  	[tilespmem:$0xC2F0] =	vst v2;
	v2 =	vadd.s32 v28, v4  }
0x8c: {  	[tilespmem:$0xC370] =	vst v2;
	v2 =	vadd.s32 v29, v3  }
0x8d: {  	[tilespmem:$0xC3F0] =	vst v2  }
0x8e: {  	[tilespmem:s14], [sflag:$0x2] =	stream.indirect.gather [hbm4b:s4+s13], $0x40, s20, s13, $0xb8;
	[tilespmem:$0x14A00] =	vst v63  }
0x8f: {  	_ = 	snop  }
0x90: {  	[tilespmem:s15], [sflag:$0x2] =	stream.indirect.gather [hbm4b:s4+s13], $0x40, s3, s13, $0xb8;
	[tilespmem:$0x14A00] =	vst v63  }
0x91: {  	_ = 	snop  }
0x92: {  	[tilespmem:s16], [sflag:$0x2] =	stream.indirect.gather [hbm4b:s4+s13], $0x40, s1, s13, $0xb8;
	[tilespmem:$0x14A00] =	vst v63  }
0x93: {  	_ = 	snop  }
0x94: {  	[tilespmem:s17], [sflag:$0x2] =	stream.indirect.gather [hbm4b:s4+s13], $0x40, s11, s13, $0xb8;
	[tilespmem:$0x14A00] =	vst v63  }
0x95: {  	s18 =	simm.s32 $0xC500;
	s1 =	rddreg [dreg:$0x8]  }
0x96: {  	[tilespmem:s18], [sflag:$0x1] =	stream.linear.gather [hbm4b:s1+s2], $0x80, $0x38;
	[tilespmem:$0x14A00] =	vst v63  }
0x97: {  	s19 =	simm.s32 $0xC580;
	s3 =	rddreg [dreg:$0x9]  }
0x98: {  	[tilespmem:s19], [sflag:$0x1] =	stream.linear.gather [hbm4b:s3+s2], $0x80, $0x38;
	[tilespmem:$0x14A00] =	vst v63  }
0x99: {  	s21 =	simm.s32 $0xC600;
	s20 =	rddreg [dreg:$0xa]  }
0x9a: {  	[tilespmem:s21], [sflag:$0x1] =	stream.linear.gather [hbm4b:s20+s2], $0x80, $0x38;
	[tilespmem:$0x14A00] =	vst v63  }
0x9b: {  	s30 =	simm.s32 $0xC680;
	s29 =	rddreg [dreg:$0xb]  }
0x9c: {  	[tilespmem:s30], [sflag:$0x1] =	stream.linear.gather [hbm4b:s29+s2], $0x80, $0x38;
	[tilespmem:$0x14A00] =	vst v63  }
0x9d: {  	_ =	swait.ge [sflag:s12], $0x80  }
0x9e: {  	[sflag:s12] =	ssyncset.done $0x0  }
0x9f: {  	[sflag:s12] =	ssyncadd.s32 $0xFFFFFF80  }
0xa0: {  	_ =	swait.ge [sflag:s12], $0x80  }
0xa1: {  	[sflag:s12] =	ssyncset.done $0x0  }
0xa2: {  	[sflag:s12] =	ssyncadd.s32 $0xFFFFFF80  }
0xa3: {  	_ =	swait.ge [sflag:s12], $0x80  }
0xa4: {  	[sflag:s12] =	ssyncset.done $0x0  }
0xa5: {  	[sflag:s12] =	ssyncadd.s32 $0xFFFFFF80  }
0xa6: {  	_ =	swait.ge [sflag:s12], $0x80  }
0xa7: {  	[sflag:s12] =	ssyncset.done $0x0  }
0xa8: {  	[sflag:s12] =	ssyncadd.s32 $0xFFFFFF80  }
0xa9: {  	v2 =	vld [tilespmem:$0xC600]  }
0xaa: {  	v3 =	vld [tilespmem:$0xC500]  }
0xab: {  	v31 =	vld [tilespmem:$0xC680];
	_ =	sdelay $0x5  }
0xac: {  	v32 =	vld.idx.msk [tilespmem:v2+s2+$0x0], $0xffff  }
0xad: {  	v33 =	vld.idx.msk [tilespmem:v3+s2+$0x0], $0xffff  }
0xae: {  	v34 =	vld.idx.msk [tilespmem:v31+s2+$0x0], $0xffff  }
0xaf: {  	v35 =	vld [tilespmem:$0xC610]  }
0xb0: {  	v36 =	vld [tilespmem:$0xC510]  }
0xb1: {  	v37 =	vld [tilespmem:$0xC690];
	v5 =	vshll.u32 v32, $0xE  }
0xb2: {  	v6 =	vshll.u32 v33, $0xE;
	v5 =	vadd.s32 v3, v5  }
0xb3: {  	v38 =	vshll.u32 v34, $0xE;
	v2 =	vadd.s32 v2, v6;
	[tilespmem:$0x14700] =	vst v5  }
0xb4: {  	[tilespmem:$0x14780] =	vst v2;
	v2 =	vadd.s32 v3, v38  }
0xb5: {  	[tilespmem:$0x14800] =	vst v2;
	v2 =	vadd.s32 v31, v6  }
0xb6: {  	[tilespmem:$0x14880] =	vst v2  }
0xb7: {  	v2 =	vld.idx.msk [tilespmem:v35+s2+$0x0], $0xffff  }
0xb8: {  	v3 =	vld.idx.msk [tilespmem:v36+s2+$0x0], $0xffff  }
0xb9: {  	v39 =	vld.idx.msk [tilespmem:v37+s2+$0x0], $0xffff  }
0xba: {  	v40 =	vld [tilespmem:$0xC620]  }
0xbb: {  	v41 =	vld [tilespmem:$0xC520]  }
0xbc: {  	v42 =	vld [tilespmem:$0xC6A0];
	v2 =	vshll.u32 v2, $0xE  }
0xbd: {  	v3 =	vshll.u32 v3, $0xE;
	v2 =	vadd.s32 v36, v2  }
0xbe: {  	v4 =	vshll.u32 v39, $0xE;
	[tilespmem:$0x14710] =	vst v2;
	v2 =	vadd.s32 v35, v3  }
0xbf: {  	[tilespmem:$0x14790] =	vst v2;
	v2 =	vadd.s32 v36, v4  }
0xc0: {  	[tilespmem:$0x14810] =	vst v2;
	v2 =	vadd.s32 v37, v3  }
0xc1: {  	[tilespmem:$0x14890] =	vst v2  }
0xc2: {  	v2 =	vld.idx.msk [tilespmem:v40+s2+$0x0], $0xffff  }
0xc3: {  	v3 =	vld.idx.msk [tilespmem:v41+s2+$0x0], $0xffff  }
0xc4: {  	v43 =	vld.idx.msk [tilespmem:v42+s2+$0x0], $0xffff  }
0xc5: {  	v44 =	vld [tilespmem:$0xC630]  }
0xc6: {  	v45 =	vld [tilespmem:$0xC530]  }
0xc7: {  	v46 =	vld [tilespmem:$0xC6B0];
	v2 =	vshll.u32 v2, $0xE  }
0xc8: {  	v3 =	vshll.u32 v3, $0xE;
	v2 =	vadd.s32 v41, v2  }
0xc9: {  	v4 =	vshll.u32 v43, $0xE;
	[tilespmem:$0x14720] =	vst v2;
	v2 =	vadd.s32 v40, v3  }
0xca: {  	[tilespmem:$0x147A0] =	vst v2;
	v2 =	vadd.s32 v41, v4  }
0xcb: {  	[tilespmem:$0x14820] =	vst v2;
	v2 =	vadd.s32 v42, v3  }
0xcc: {  	[tilespmem:$0x148A0] =	vst v2  }
0xcd: {  	v2 =	vld.idx.msk [tilespmem:v44+s2+$0x0], $0xffff  }
0xce: {  	v3 =	vld.idx.msk [tilespmem:v45+s2+$0x0], $0xffff  }
0xcf: {  	v47 =	vld.idx.msk [tilespmem:v46+s2+$0x0], $0xffff  }
0xd0: {  	v48 =	vld [tilespmem:$0xC640]  }
0xd1: {  	v49 =	vld [tilespmem:$0xC540]  }
0xd2: {  	v50 =	vld [tilespmem:$0xC6C0];
	v2 =	vshll.u32 v2, $0xE  }
0xd3: {  	v3 =	vshll.u32 v3, $0xE;
	v2 =	vadd.s32 v45, v2  }
0xd4: {  	v4 =	vshll.u32 v47, $0xE;
	[tilespmem:$0x14730] =	vst v2;
	v2 =	vadd.s32 v44, v3  }
0xd5: {  	[tilespmem:$0x147B0] =	vst v2;
	v2 =	vadd.s32 v45, v4  }
0xd6: {  	[tilespmem:$0x14830] =	vst v2;
	v2 =	vadd.s32 v46, v3  }
0xd7: {  	[tilespmem:$0x148B0] =	vst v2  }
0xd8: {  	v2 =	vld.idx.msk [tilespmem:v48+s2+$0x0], $0xffff  }
0xd9: {  	v3 =	vld.idx.msk [tilespmem:v49+s2+$0x0], $0xffff  }
0xda: {  	v51 =	vld.idx.msk [tilespmem:v50+s2+$0x0], $0xffff  }
0xdb: {  	v52 =	vld [tilespmem:$0xC650]  }
0xdc: {  	v53 =	vld [tilespmem:$0xC550]  }
0xdd: {  	v54 =	vld [tilespmem:$0xC6D0];
	v2 =	vshll.u32 v2, $0xE  }
0xde: {  	v3 =	vshll.u32 v3, $0xE;
	v2 =	vadd.s32 v49, v2  }
0xdf: {  	v4 =	vshll.u32 v51, $0xE;
	[tilespmem:$0x14740] =	vst v2;
	v2 =	vadd.s32 v48, v3  }
0xe0: {  	[tilespmem:$0x147C0] =	vst v2;
	v2 =	vadd.s32 v49, v4  }
0xe1: {  	[tilespmem:$0x14840] =	vst v2;
	v2 =	vadd.s32 v50, v3  }
0xe2: {  	[tilespmem:$0x148C0] =	vst v2  }
0xe3: {  	v2 =	vld.idx.msk [tilespmem:v52+s2+$0x0], $0xffff  }
0xe4: {  	v3 =	vld.idx.msk [tilespmem:v53+s2+$0x0], $0xffff  }
0xe5: {  	v55 =	vld.idx.msk [tilespmem:v54+s2+$0x0], $0xffff  }
0xe6: {  	v56 =	vld [tilespmem:$0xC660]  }
0xe7: {  	v57 =	vld [tilespmem:$0xC560]  }
0xe8: {  	v58 =	vld [tilespmem:$0xC6E0];
	v2 =	vshll.u32 v2, $0xE  }
0xe9: {  	v3 =	vshll.u32 v3, $0xE;
	v2 =	vadd.s32 v53, v2  }
0xea: {  	v4 =	vshll.u32 v55, $0xE;
	[tilespmem:$0x14750] =	vst v2;
	v2 =	vadd.s32 v52, v3  }
0xeb: {  	[tilespmem:$0x147D0] =	vst v2;
	v2 =	vadd.s32 v53, v4  }
0xec: {  	[tilespmem:$0x14850] =	vst v2;
	v2 =	vadd.s32 v54, v3  }
0xed: {  	[tilespmem:$0x148D0] =	vst v2  }
0xee: {  	v2 =	vld.idx.msk [tilespmem:v56+s2+$0x0], $0xffff  }
0xef: {  	v3 =	vld.idx.msk [tilespmem:v57+s2+$0x0], $0xffff  }
0xf0: {  	v59 =	vld.idx.msk [tilespmem:v58+s2+$0x0], $0xffff  }
0xf1: {  	v60 =	vld [tilespmem:$0xC670]  }
0xf2: {  	v61 =	vld [tilespmem:$0xC570]  }
0xf3: {  	v62 =	vld [tilespmem:$0xC6F0];
	v2 =	vshll.u32 v2, $0xE  }
0xf4: {  	v3 =	vshll.u32 v3, $0xE;
	v2 =	vadd.s32 v57, v2  }
0xf5: {  	v4 =	vshll.u32 v59, $0xE;
	[tilespmem:$0x14760] =	vst v2;
	v2 =	vadd.s32 v56, v3  }
0xf6: {  	[tilespmem:$0x147E0] =	vst v2;
	v2 =	vadd.s32 v57, v4  }
0xf7: {  	[tilespmem:$0x14860] =	vst v2;
	v2 =	vadd.s32 v58, v3  }
0xf8: {  	[tilespmem:$0x148E0] =	vst v2  }
0xf9: {  	v2 =	vld.idx.msk [tilespmem:v60+s2+$0x0], $0xffff  }
0xfa: {  	v3 =	vld.idx.msk [tilespmem:v61+s2+$0x0], $0xffff  }
0xfb: {  	v63 =	vld.idx.msk [tilespmem:v62+s2+$0x0], $0xffff;
	_ =	sdelay $0x2  }
0xfc: {  	v2 =	vshll.u32 v2, $0xE  }
0xfd: {  	v3 =	vshll.u32 v3, $0xE;
	v2 =	vadd.s32 v61, v2  }
0xfe: {  	v4 =	vshll.u32 v63, $0xE;
	[tilespmem:$0x14770] =	vst v2;
	v2 =	vadd.s32 v60, v3  }
0xff: {  	[tilespmem:$0x147F0] =	vst v2;
	v2 =	vadd.s32 v61, v4  }
0x100: {  	[tilespmem:$0x14870] =	vst v2;
	v2 =	vadd.s32 v62, v3  }
0x101: {  	[tilespmem:$0x148F0] =	vst v2  }
0x102: {  	[tilespmem:s22], [sflag:$0x3] =	stream.indirect.gather [hbm4b:s4+s13], $0x40, s18, s13, $0xb8;
	[tilespmem:$0x14A00] =	vst v63  }
0x103: {  	_ = 	snop  }
0x104: {  	[tilespmem:s23], [sflag:$0x3] =	stream.indirect.gather [hbm4b:s4+s13], $0x40, s19, s13, $0xb8;
	[tilespmem:$0x14A00] =	vst v63  }
0x105: {  	_ = 	snop  }
0x106: {  	[tilespmem:s24], [sflag:$0x3] =	stream.indirect.gather [hbm4b:s4+s13], $0x40, s21, s13, $0xb8;
	[tilespmem:$0x14A00] =	vst v63  }
0x107: {  	_ = 	snop  }
0x108: {  	[tilespmem:s25], [sflag:$0x3] =	stream.indirect.gather [hbm4b:s4+s13], $0x40, s30, s13, $0xb8;
	[tilespmem:$0x14A00] =	vst v63  }
0x109: {  	_ =	swait.ge [sflag:s26], $0x2000  }
0x10a: {  	[sflag:s26] =	ssyncset.done $0x0  }
0x10b: {  	[sflag:s26] =	ssyncadd.s32 $0xFFFFE000  }
0x10c: {  	_ =	swait.ge [sflag:s26], $0x2000  }
0x10d: {  	[sflag:s26] =	ssyncset.done $0x0  }
0x10e: {  	[sflag:s26] =	ssyncadd.s32 $0xFFFFE000  }
0x10f: {  	_ =	swait.ge [sflag:s26], $0x2000  }
0x110: {  	[sflag:s26] =	ssyncset.done $0x0  }
0x111: {  	[sflag:s26] =	ssyncadd.s32 $0xFFFFE000  }
0x112: {  	_ =	swait.ge [sflag:s26], $0x2000  }
0x113: {  	[sflag:s26] =	ssyncset.done $0x0  }
0x114: {  	s9 =	simm.s32 $0x0;
	[sflag:s26] =	ssyncadd.s32 $0xFFFFE000  }
.LBB2_2:
0x115: {  	s18 =	sshll.u32 s9, $0x4  }
0x116: {  	v10 =	vimm.s32 $0x0;
	v2 =	vmov s18  }
0x117: {  	v3 =	vadd.s32 v0, v10;
	v2 =	vshll.u32 v2, $0x6  }
0x118: {  	v9 =	vor.u32 v1, v2;
	v2 =	vand.u32 $0x3F, v3  }
0x119: {  	v4 =	vor.u32 v9, v2  }
0x11a: {  	v2 =	vadd.s32 $0x1, v0  }
0x11b: {  	v3 =	vadd.s32 v2, v10  }
0x11c: {  	v3 =	vand.u32 $0x3F, v3  }
0x11d: {  	v6 =	vor.u32 v9, v3  }
0x11e: {  	v3 =	vadd.s32 $0x2, v0;
	v7 =	vld.idx.msk [tilespmem:v4+s16+$0x0], $0xffff  }
0x11f: {  	v5 =	vadd.s32 v3, v10;
	v8 =	vld.idx.msk [tilespmem:v4+s17+$0x0], $0xffff  }
0x120: {  	v5 =	vand.u32 $0x3F, v5;
	v11 =	vld.idx.msk [tilespmem:v4+s15+$0x0], $0xffff  }
0x121: {  	v13 =	vld.idx.msk [tilespmem:v4+s14+$0x0], $0xffff;
	v12 =	vor.u32 v9, v5  }
0x122: {  	v4 =	vadd.s32 $0x3, v0;
	v16 =	vld.idx.msk [tilespmem:v6+s17+$0x0], $0xffff  }
0x123: {  	v5 =	vadd.s32 v4, v10;
	v15 =	vld.idx.msk [tilespmem:v6+s16+$0x0], $0xffff  }
0x124: {  	v14 =	vand.u32 $0x3F, v5;
	v17 =	vld.idx.msk [tilespmem:v6+s14+$0x0], $0xffff  }
0x125: {  	v5 =	vadd.s32 $0x4, v0;
	v27 =	vor.u32 v9, v14;
	v18 =	vld.idx.msk [tilespmem:v6+s15+$0x0], $0xffff  }
0x126: {  	v14 =	vadd.s32 v5, v10;
	v28 =	vld.idx.msk [tilespmem:v12+s17+$0x0], $0xffff  }
0x127: {  	v6 =	vand.u32 $0x3F, v14;
	v26 =	vld.idx.msk [tilespmem:v12+s16+$0x0], $0xffff  }
0x128: {  	v25 =	vor.u32 v9, v6;
	v32 =	vld.idx.msk [tilespmem:v12+s15+$0x0], $0xffff  }
0x129: {  	v6 =	vadd.s32 $0x5, v0;
	v8 =	vsub.f32 v13, v8;
	v33 =	vld.idx.msk [tilespmem:v12+s14+$0x0], $0xffff  }
0x12a: {  	v11 =	vsub.f32 v13, v11;
	v13 =	vsub.f32 v13, v7;
	v12 =	vadd.s32 v6, v10;
	v14 =	vld.idx.msk [tilespmem:v27+s17+$0x0], $0xffff  }
0x12b: {  	v23 =	vimm.f32 $0.0e+00;
	v7 =	vand.u32 $0x3F, v12;
	v30 =	vsub.f32 v17, v15;
	v15 =	vld.idx.msk [tilespmem:v27+s15+$0x0], $0xffff  }
0x12c: {  	v11 =	vmul.f32 v11, v11;
	v29 =	vmul.f32 v13, v13;
	v12 =	vsub.f32 v17, v18;
	v18 =	vld.idx.msk [tilespmem:v27+s14+$0x0], $0xffff  }
0x12d: {  	v22 =	vmul.f32 v8, v8;
	v8 =	vsub.f32 v17, v16;
	v16 =	vor.u32 v9, v7;
	v21 =	vld.idx.msk [tilespmem:v25+s15+$0x0], $0xffff  }
0x12e: {  	v7 =	vadd.s32 $0x6, v0;
	v13 =	vadd.f32 v11, v23;
	v29 =	vadd.f32 v29, v23;
	v24 =	vld.idx.msk [tilespmem:v25+s17+$0x0], $0xffff  }
0x12f: {  	v11 =	vimm.s32 $0x0;
	v19 =	vmul.f32 v8, v8;
	v20 =	vld.idx.msk [tilespmem:v25+s14+$0x0], $0xffff;
	v8 =	vadd.s32 v7, v10  }
0x130: {  	v12 =	vmul.f32 v12, v12;
	v25 =	vld.idx.msk [tilespmem:v25+s16+$0x0], $0xffff;
	v30 =	vmul.f32 v30, v30;
	v26 =	vsub.f32 v33, v26  }
0x131: {  	s19 =	simm.s32 $0x7;
	v27 =	vld.idx.msk [tilespmem:v27+s16+$0x0], $0xffff;
	v17 =	vsub.f32 v33, v28;
	v31 =	vand.u32 $0x3F, v8;
	v28 =	vsub.f32 v33, v32  }
.LBB2_3:
0x132: {  	p0 =	sne.s32 s19, $0x1;
	s19 =	sadd.s32 $0xFFFFFFFF, s19;
	v31 =	vor.u32 v9, v31;
	v8 =	vadd.s32 $0x7, v0;
	v10 =	vadd.s32 $0x8, v10  }
0x133: {  	v22 =	vadd.f32 v22, v23;
	v23 =	vadd.f32 v30, v29;
	v28 =	vmul.f32 v28, v28;
	v29 =	vld.idx.msk [tilespmem:v16+s14+$0x0], $0xffff  }
0x134: {  	v21 =	vsub.f32 v20, v21;
	v24 =	vsub.f32 v20, v24;
	v33 =	vadd.s32 v8, v11;
	v30 =	vld.idx.msk [tilespmem:v16+s16+$0x0], $0xffff  }
0x135: {  	v19 =	vadd.f32 v19, v22;
	v22 =	vmul.f32 v26, v26;
	v20 =	vsub.f32 v20, v25;
	v25 =	vld.idx.msk [tilespmem:v16+s15+$0x0], $0xffff  }
0x136: {  	v11 =	vmovc v10;
	v26 =	vadd.s32 v0, v10;
	v32 =	vand.u32 $0x3F, v33;
	v21 =	vmul.f32 v21, v21;
	v16 =	vld.idx.msk [tilespmem:v16+s17+$0x0], $0xffff  }
0x137: {  	v26 =	vand.u32 $0x3F, v26;
	v15 =	vsub.f32 v18, v15;
	v20 =	vmul.f32 v20, v20;
	v33 =	vld.idx.msk [tilespmem:v31+s17+$0x0], $0xffff  }
0x138: {  	v32 =	vor.u32 v9, v32;
	v26 =	vor.u32 v9, v26;
	v27 =	vsub.f32 v18, v27;
	v34 =	vld.idx.msk [tilespmem:v31+s16+$0x0], $0xffff  }
0x139: {  	v17 =	vmul.f32 v17, v17;
	v14 =	vsub.f32 v18, v14;
	v22 =	vadd.f32 v22, v23;
	v18 =	vld.idx.msk [tilespmem:v31+s14+$0x0], $0xffff  }
0x13a: {  	v23 =	vmul.f32 v27, v27;
	v27 =	vsub.f32 v29, v30;
	v30 =	vld.idx.msk [tilespmem:v31+s15+$0x0], $0xffff  }
0x13b: {  	v14 =	vmul.f32 v14, v14;
	v31 =	vadd.s32 v2, v10;
	v25 =	vsub.f32 v29, v25  }
0x13c: {  	v22 =	vadd.f32 v23, v22;
	v31 =	vand.u32 $0x3F, v31;
	v16 =	vsub.f32 v29, v16  }
0x13d: {  	v17 =	vadd.f32 v17, v19;
	v23 =	vor.u32 v9, v31;
	v19 =	vld.idx.msk [tilespmem:v32+s17+$0x0], $0xffff  }
0x13e: {  	v29 =	vadd.s32 v3, v10;
	v20 =	vadd.f32 v20, v22;
	v22 =	vmul.f32 v27, v27;
	v27 =	vld.idx.msk [tilespmem:v32+s15+$0x0], $0xffff  }
0x13f: {  	v29 =	vand.u32 $0x3F, v29;
	v25 =	vmul.f32 v25, v25;
	v34 =	vsub.f32 v18, v34;
	v31 =	vld.idx.msk [tilespmem:v26+s16+$0x0], $0xffff  }
0x140: {  	v29 =	vor.u32 v9, v29;
	v20 =	vadd.f32 v22, v20;
	v22 =	vsub.f32 v18, v33;
	v33 =	vld.idx.msk [tilespmem:v32+s16+$0x0], $0xffff  }
0x141: {  	v14 =	vadd.f32 v14, v17;
	v17 =	vsub.f32 v18, v30;
	v18 =	vmul.f32 v34, v34;
	v30 =	vld.idx.msk [tilespmem:v32+s14+$0x0], $0xffff  }
0x142: {  	v24 =	vmul.f32 v24, v24;
	v22 =	vmul.f32 v22, v22;
	v32 =	vld.idx.msk [tilespmem:v26+s17+$0x0], $0xffff  }
0x143: {  	v12 =	vadd.f32 v12, v13;
	v35 =	vadd.s32 v4, v10;
	v13 =	vmul.f32 v17, v17;
	v34 =	vld.idx.msk [tilespmem:v26+s15+$0x0], $0xffff  }
0x144: {  	v14 =	vadd.f32 v24, v14;
	v16 =	vmul.f32 v16, v16;
	v17 =	vld.idx.msk [tilespmem:v26+s14+$0x0], $0xffff;
	v26 =	vand.u32 $0x3F, v35  }
0x145: {  	v12 =	vadd.f32 v28, v12;
	v15 =	vmul.f32 v15, v15;
	v24 =	vld.idx.msk [tilespmem:v23+s17+$0x0], $0xffff;
	v35 =	vor.u32 v9, v26  }
0x146: {  	v14 =	vadd.f32 v16, v14;
	v26 =	vld.idx.msk [tilespmem:v23+s16+$0x0], $0xffff  }
0x147: {  	v12 =	vadd.f32 v15, v12;
	v16 =	vadd.s32 v5, v10;
	v15 =	vsub.f32 v30, v33;
	v28 =	vld.idx.msk [tilespmem:v23+s14+$0x0], $0xffff  }
0x148: {  	v16 =	vand.u32 $0x3F, v16;
	v27 =	vsub.f32 v30, v27;
	v19 =	vsub.f32 v30, v19;
	v23 =	vld.idx.msk [tilespmem:v23+s15+$0x0], $0xffff  }
0x149: {  	v12 =	vadd.f32 v21, v12;
	v18 =	vadd.f32 v18, v20;
	v33 =	vor.u32 v9, v16;
	v30 =	vld.idx.msk [tilespmem:v29+s17+$0x0], $0xffff  }
0x14a: {  	v36 =	vmul.f32 v15, v15;
	v16 =	vsub.f32 v17, v32;
	v32 =	vld.idx.msk [tilespmem:v29+s16+$0x0], $0xffff  }
0x14b: {  	v12 =	vadd.f32 v25, v12;
	v15 =	vadd.s32 v6, v10;
	v31 =	vsub.f32 v17, v31;
	v37 =	vld.idx.msk [tilespmem:v29+s15+$0x0], $0xffff  }
0x14c: {  	v25 =	vadd.f32 v22, v14;
	v20 =	vmul.f32 v27, v27;
	v17 =	vsub.f32 v17, v34;
	v34 =	vld.idx.msk [tilespmem:v29+s14+$0x0], $0xffff  }
0x14d: {  	v12 =	vadd.f32 v13, v12;
	v27 =	vsub.f32 v28, v26;
	v26 =	vand.u32 $0x3F, v15;
	v14 =	vld.idx.msk [tilespmem:v35+s17+$0x0], $0xffff  }
0x14e: {  	v13 =	vmul.f32 v17, v17;
	v22 =	vmul.f32 v16, v16;
	v17 =	vsub.f32 v28, v24;
	v15 =	vld.idx.msk [tilespmem:v35+s15+$0x0], $0xffff  }
0x14f: {  	v16 =	vor.u32 v9, v26;
	v26 =	vmul.f32 v19, v19;
	v21 =	vld.idx.msk [tilespmem:v33+s15+$0x0], $0xffff  }
.Ltmp0:
0x150: {  	v28 =	vsub.f32 v28, v23;
	v19 =	vmul.f32 v17, v17;
	v17 =	vadd.f32 v20, v12;
	v24 =	vld.idx.msk [tilespmem:v33+s17+$0x0], $0xffff;
	(pc) =	sbr.rel @p0 .LBB2_3-.Ltmp0, $4  }
0x151: {  	v36 =	vadd.f32 v36, v18;
	v29 =	vadd.s32 v7, v10;
	v23 =	vadd.f32 v26, v25;
	v20 =	vld.idx.msk [tilespmem:v33+s14+$0x0], $0xffff  }
0x152: {  	v38 =	vmul.f32 v31, v31;
	v12 =	vmul.f32 v28, v28;
	v26 =	vsub.f32 v34, v32;
	v25 =	vld.idx.msk [tilespmem:v33+s16+$0x0], $0xffff  }
0x153: {  	v31 =	vand.u32 $0x3F, v29;
	v13 =	vadd.f32 v13, v17;
	v17 =	vsub.f32 v34, v30;
	v18 =	vld.idx.msk [tilespmem:v35+s14+$0x0], $0xffff  }
0x154: {  	v29 =	vadd.f32 v38, v36;
	v30 =	vmul.f32 v27, v27;
	v28 =	vsub.f32 v34, v37;
	v27 =	vld.idx.msk [tilespmem:v35+s16+$0x0], $0xffff  }
0x155: {  	_ =	sdelay $0x2  }
0x156: {  	v10 =	vor.u32 v9, v31;
	v22 =	vadd.f32 v22, v23  }
0x157: {  	v35 =	vld.idx.msk [tilespmem:v16+s14+$0x0], $0xffff;
	v11 =	vadd.s32 v8, v11;
	v12 =	vadd.f32 v12, v13;
	v36 =	vadd.f32 v30, v29  }
0x158: {  	v37 =	vld.idx.msk [tilespmem:v16+s16+$0x0], $0xffff;
	v26 =	vmul.f32 v26, v26;
	v21 =	vsub.f32 v20, v21;
	v24 =	vsub.f32 v20, v24  }
0x159: {  	v38 =	vld.idx.msk [tilespmem:v16+s15+$0x0], $0xffff;
	v11 =	vand.u32 $0x3F, v11;
	v48 =	vmul.f32 v28, v28;
	v19 =	vadd.f32 v19, v22  }
0x15a: {  	v39 =	vld.idx.msk [tilespmem:v16+s17+$0x0], $0xffff;
	v40 =	vsub.f32 v20, v25;
	v9 =	vor.u32 v9, v11;
	v11 =	vsub.f32 v18, v15  }
0x15b: {  	v17 =	vmul.f32 v17, v17;
	v42 =	vadd.f32 v26, v36;
	v14 =	vsub.f32 v18, v14;
	v41 =	vld.idx.msk [tilespmem:v10+s16+$0x0], $0xffff  }
0x15c: {  	v12 =	vadd.f32 v48, v12;
	v27 =	vsub.f32 v18, v27;
	v44 =	vld.idx.msk [tilespmem:v10+s14+$0x0], $0xffff  }
0x15d: {  	v56 =	vmul.f32 v24, v24;
	v50 =	vadd.f32 v17, v19;
	v46 =	vld.idx.msk [tilespmem:v10+s17+$0x0], $0xffff;
	v49 =	vmul.f32 v14, v14  }
0x15e: {  	v45 =	vsub.f32 v35, v37;
	v10 =	vld.idx.msk [tilespmem:v10+s15+$0x0], $0xffff;
	v11 =	vmul.f32 v11, v11;
	v43 =	vmul.f32 v27, v27  }
0x15f: {  	v21 =	vmul.f32 v21, v21;
	v16 =	vsub.f32 v35, v39;
	v52 =	vld.idx.msk [tilespmem:v9+s16+$0x0], $0xffff;
	v13 =	vadd.f32 v49, v50  }
0x160: {  	v20 =	vmul.f32 v40, v40;
	v54 =	vld.idx.msk [tilespmem:v9+s14+$0x0], $0xffff;
	v11 =	vadd.f32 v11, v12;
	v22 =	vadd.f32 v43, v42  }
0x161: {  	v47 =	vsub.f32 v35, v38;
	v53 =	vmul.f32 v45, v45;
	v55 =	vld.idx.msk [tilespmem:v9+s15+$0x0], $0xffff;
	v13 =	vadd.f32 v56, v13  }
0x162: {  	v9 =	vld.idx.msk [tilespmem:v9+s17+$0x0], $0xffff;
	v58 =	vmul.f32 v16, v16;
	v11 =	vadd.f32 v21, v11;
	v51 =	vadd.f32 v20, v22  }
0x163: {  	v59 =	vmul.f32 v47, v47;
	v15 =	vsub.f32 v44, v41;
	v57 =	vsub.f32 v44, v46  }
0x164: {  	v10 =	vsub.f32 v44, v10;
	v13 =	vadd.f32 v58, v13  }
0x165: {  	v11 =	vadd.f32 v59, v11;
	v17 =	vadd.f32 v53, v51;
	v15 =	vmul.f32 v15, v15  }
0x166: {  	v60 =	vsub.f32 v54, v52;
	v10 =	vmul.f32 v10, v10;
	v61 =	vsub.f32 v54, v55  }
0x167: {  	v12 =	vmul.f32 v57, v57;
	v9 =	vsub.f32 v54, v9;
	v15 =	vadd.f32 v15, v17  }
0x168: {  	v14 =	vmul.f32 v60, v60;
	v62 =	vmul.f32 v61, v61;
	v10 =	vadd.f32 v10, v11  }
0x169: {  	s9 =	sadd.s32 $0x1, s9;
	v11 =	vadd.f32 v12, v13;
	v9 =	vmul.f32 v9, v9  }
0x16a: {  	p0 =	sne.s32 s9, $0x8;
	v10 =	vadd.f32 v62, v10;
	v63 =	vadd.f32 v14, v15  }
.Ltmp1:
0x16b: {  	v9 =	vadd.f32 v9, v11;
	(pc) =	sbr.rel @p0 .LBB2_2-.Ltmp1, $4  }
0x16c: {  	v10 =	vsub.f32 v10, v63  }
0x16d: {  	v9 =	vsub.f32 v63, v9  }
0x16e: {  	[tilespmem:s18+$0xC400] =	vst v10  }
0x16f: {  	[tilespmem:s18+$0xC480] =	vst v9  }
0x170: {  	s9 =	simm.s32 $0x0;
	s18 =	rddreg [dreg:$0xc];
	s0 =	simm.s32 $0xC400  }
0x171: {  	[hbm4b:s18+s9] =	stream.linear.scatter [tilespmem:s0], [sflag:$0x4], $0x80, $0x38;
	[tilespmem:$0x14A00] =	vst v63  }
0x172: {  	s29 =	rddreg [dreg:$0xd];
	s30 =	simm.s32 $0xC480  }
0x173: {  	[hbm4b:s29+s9] =	stream.linear.scatter [tilespmem:s30], [sflag:$0x4], $0x80, $0x38;
	[tilespmem:$0x14A00] =	vst v63  }
0x174: {  	s1 =	rddreg [dreg:$0xe];
	s3 =	simm.s32 $0xC200  }
0x175: {  	[hbm4b:s1+s9] =	stream.linear.scatter [tilespmem:s3], [sflag:$0x4], $0x200, $0x38;
	[tilespmem:$0x14A00] =	vst v63  }
0x176: {  	s19 =	rddreg [dreg:$0xf];
	s20 =	simm.s32 $0x4000  }
0x177: {  	[tilespmem:s20], [sflag:$0x1] =	stream.linear.gather [hbm4b:s19+s9], $0x80, $0x38;
	[tilespmem:$0x14A00] =	vst v63  }
0x178: {  	s21 =	rddreg [dreg:$0x14];
	s3 =	simm.s32 $0x4080  }
0x179: {  	[tilespmem:s3], [sflag:$0x1] =	stream.linear.gather [hbm4b:s21+s9], $0x80, $0x38;
	[tilespmem:$0x14A00] =	vst v63  }
0x17a: {  	s29 =	rddreg [dreg:$0x15];
	s1 =	simm.s32 $0x4100  }
0x17b: {  	[tilespmem:s1], [sflag:$0x1] =	stream.linear.gather [hbm4b:s29+s9], $0x80, $0x38;
	[tilespmem:$0x14A00] =	vst v63  }
0x17c: {  	s30 =	rddreg [dreg:$0x16]  }
0x17d: {  	[tilespmem:s11], [sflag:$0x1] =	stream.linear.gather [hbm4b:s30+s9], $0x80, $0x38;
	[tilespmem:$0x14A00] =	vst v63  }
0x17e: {  	_ =	swait.ge [sflag:s12], $0x80  }
0x17f: {  	[sflag:s12] =	ssyncset.done $0x0  }
0x180: {  	[sflag:s12] =	ssyncadd.s32 $0xFFFFFF80  }
0x181: {  	_ =	swait.ge [sflag:s12], $0x80  }
0x182: {  	[sflag:s12] =	ssyncset.done $0x0  }
0x183: {  	[sflag:s12] =	ssyncadd.s32 $0xFFFFFF80  }
0x184: {  	_ =	swait.ge [sflag:s12], $0x80  }
0x185: {  	[sflag:s12] =	ssyncset.done $0x0  }
0x186: {  	[sflag:s12] =	ssyncadd.s32 $0xFFFFFF80  }
0x187: {  	_ =	swait.ge [sflag:s12], $0x80  }
0x188: {  	[sflag:s12] =	ssyncset.done $0x0  }
0x189: {  	[sflag:s12] =	ssyncadd.s32 $0xFFFFFF80  }
0x18a: {  	_ =	swait.ge [sflag:s31], $0x200  }
0x18b: {  	[sflag:s31] =	ssyncset.done $0x0  }
0x18c: {  	[sflag:s31] =	ssyncadd.s32 $0xFFFFFE00  }
0x18d: {  	v9 =	vld [tilespmem:$0x4100]  }
0x18e: {  	v10 =	vld [tilespmem:$0x4000]  }
0x18f: {  	v11 =	vld [tilespmem:$0x4180];
	_ =	sdelay $0x5  }
0x190: {  	v12 =	vld.idx.msk [tilespmem:v9+s9+$0x0], $0xffff  }
0x191: {  	v13 =	vld.idx.msk [tilespmem:v10+s9+$0x0], $0xffff  }
0x192: {  	v14 =	vld.idx.msk [tilespmem:v11+s9+$0x0], $0xffff  }
0x193: {  	v15 =	vld [tilespmem:$0x4110]  }
0x194: {  	v16 =	vld [tilespmem:$0x4010]  }
0x195: {  	v17 =	vld [tilespmem:$0x4190];
	v12 =	vshll.u32 v12, $0xE  }
0x196: {  	v13 =	vshll.u32 v13, $0xE;
	v12 =	vadd.s32 v10, v12  }
0x197: {  	v45 =	vshll.u32 v14, $0xE;
	v9 =	vadd.s32 v9, v13;
	[tilespmem:$0xC200] =	vst v12  }
0x198: {  	[tilespmem:$0xC280] =	vst v9;
	v9 =	vadd.s32 v10, v45  }
0x199: {  	[tilespmem:$0xC300] =	vst v9;
	v9 =	vadd.s32 v11, v13  }
0x19a: {  	[tilespmem:$0xC380] =	vst v9  }
0x19b: {  	v9 =	vld.idx.msk [tilespmem:v15+s9+$0x0], $0xffff  }
0x19c: {  	v10 =	vld.idx.msk [tilespmem:v16+s9+$0x0], $0xffff  }
0x19d: {  	v11 =	vld.idx.msk [tilespmem:v17+s9+$0x0], $0xffff  }
0x19e: {  	v46 =	vld [tilespmem:$0x4120]  }
0x19f: {  	v47 =	vld [tilespmem:$0x4020]  }
0x1a0: {  	v48 =	vld [tilespmem:$0x41A0];
	v9 =	vshll.u32 v9, $0xE  }
0x1a1: {  	v10 =	vshll.u32 v10, $0xE;
	v9 =	vadd.s32 v16, v9  }
0x1a2: {  	v11 =	vshll.u32 v11, $0xE;
	[tilespmem:$0xC210] =	vst v9;
	v9 =	vadd.s32 v15, v10  }
0x1a3: {  	[tilespmem:$0xC290] =	vst v9;
	v9 =	vadd.s32 v16, v11  }
0x1a4: {  	[tilespmem:$0xC310] =	vst v9;
	v9 =	vadd.s32 v17, v10  }
0x1a5: {  	[tilespmem:$0xC390] =	vst v9  }
0x1a6: {  	v9 =	vld.idx.msk [tilespmem:v46+s9+$0x0], $0xffff  }
0x1a7: {  	v10 =	vld.idx.msk [tilespmem:v47+s9+$0x0], $0xffff  }
0x1a8: {  	v11 =	vld.idx.msk [tilespmem:v48+s9+$0x0], $0xffff  }
0x1a9: {  	v49 =	vld [tilespmem:$0x4130]  }
0x1aa: {  	v50 =	vld [tilespmem:$0x4030]  }
0x1ab: {  	v51 =	vld [tilespmem:$0x41B0];
	v9 =	vshll.u32 v9, $0xE  }
0x1ac: {  	v10 =	vshll.u32 v10, $0xE;
	v9 =	vadd.s32 v47, v9  }
0x1ad: {  	v11 =	vshll.u32 v11, $0xE;
	[tilespmem:$0xC220] =	vst v9;
	v9 =	vadd.s32 v46, v10  }
0x1ae: {  	[tilespmem:$0xC2A0] =	vst v9;
	v9 =	vadd.s32 v47, v11  }
0x1af: {  	[tilespmem:$0xC320] =	vst v9;
	v9 =	vadd.s32 v48, v10  }
0x1b0: {  	[tilespmem:$0xC3A0] =	vst v9  }
0x1b1: {  	v9 =	vld.idx.msk [tilespmem:v49+s9+$0x0], $0xffff  }
0x1b2: {  	v10 =	vld.idx.msk [tilespmem:v50+s9+$0x0], $0xffff  }
0x1b3: {  	v11 =	vld.idx.msk [tilespmem:v51+s9+$0x0], $0xffff  }
0x1b4: {  	v52 =	vld [tilespmem:$0x4140]  }
0x1b5: {  	v53 =	vld [tilespmem:$0x4040]  }
0x1b6: {  	v54 =	vld [tilespmem:$0x41C0];
	v9 =	vshll.u32 v9, $0xE  }
0x1b7: {  	v10 =	vshll.u32 v10, $0xE;
	v9 =	vadd.s32 v50, v9  }
0x1b8: {  	v11 =	vshll.u32 v11, $0xE;
	[tilespmem:$0xC230] =	vst v9;
	v9 =	vadd.s32 v49, v10  }
0x1b9: {  	[tilespmem:$0xC2B0] =	vst v9;
	v9 =	vadd.s32 v50, v11  }
0x1ba: {  	[tilespmem:$0xC330] =	vst v9;
	v9 =	vadd.s32 v51, v10  }
0x1bb: {  	[tilespmem:$0xC3B0] =	vst v9  }
0x1bc: {  	v9 =	vld.idx.msk [tilespmem:v52+s9+$0x0], $0xffff  }
0x1bd: {  	v10 =	vld.idx.msk [tilespmem:v53+s9+$0x0], $0xffff  }
0x1be: {  	v11 =	vld.idx.msk [tilespmem:v54+s9+$0x0], $0xffff  }
0x1bf: {  	v55 =	vld [tilespmem:$0x4150]  }
0x1c0: {  	v56 =	vld [tilespmem:$0x4050]  }
0x1c1: {  	v57 =	vld [tilespmem:$0x41D0];
	v9 =	vshll.u32 v9, $0xE  }
0x1c2: {  	v10 =	vshll.u32 v10, $0xE;
	v9 =	vadd.s32 v53, v9  }
0x1c3: {  	v11 =	vshll.u32 v11, $0xE;
	[tilespmem:$0xC240] =	vst v9;
	v9 =	vadd.s32 v52, v10  }
0x1c4: {  	[tilespmem:$0xC2C0] =	vst v9;
	v9 =	vadd.s32 v53, v11  }
0x1c5: {  	[tilespmem:$0xC340] =	vst v9;
	v9 =	vadd.s32 v54, v10  }
0x1c6: {  	[tilespmem:$0xC3C0] =	vst v9  }
0x1c7: {  	v9 =	vld.idx.msk [tilespmem:v55+s9+$0x0], $0xffff  }
0x1c8: {  	v10 =	vld.idx.msk [tilespmem:v56+s9+$0x0], $0xffff  }
0x1c9: {  	v11 =	vld.idx.msk [tilespmem:v57+s9+$0x0], $0xffff  }
0x1ca: {  	v58 =	vld [tilespmem:$0x4160]  }
0x1cb: {  	v59 =	vld [tilespmem:$0x4060]  }
0x1cc: {  	v60 =	vld [tilespmem:$0x41E0];
	v9 =	vshll.u32 v9, $0xE  }
0x1cd: {  	v10 =	vshll.u32 v10, $0xE;
	v9 =	vadd.s32 v56, v9  }
0x1ce: {  	v11 =	vshll.u32 v11, $0xE;
	[tilespmem:$0xC250] =	vst v9;
	v9 =	vadd.s32 v55, v10  }
0x1cf: {  	[tilespmem:$0xC2D0] =	vst v9;
	v9 =	vadd.s32 v56, v11  }
0x1d0: {  	[tilespmem:$0xC350] =	vst v9;
	v9 =	vadd.s32 v57, v10  }
0x1d1: {  	[tilespmem:$0xC3D0] =	vst v9  }
0x1d2: {  	v9 =	vld.idx.msk [tilespmem:v58+s9+$0x0], $0xffff  }
0x1d3: {  	v10 =	vld.idx.msk [tilespmem:v59+s9+$0x0], $0xffff  }
0x1d4: {  	v11 =	vld.idx.msk [tilespmem:v60+s9+$0x0], $0xffff  }
0x1d5: {  	v61 =	vld [tilespmem:$0x4170]  }
0x1d6: {  	v62 =	vld [tilespmem:$0x4070]  }
0x1d7: {  	v63 =	vld [tilespmem:$0x41F0];
	v9 =	vshll.u32 v9, $0xE  }
0x1d8: {  	v10 =	vshll.u32 v10, $0xE;
	v9 =	vadd.s32 v59, v9  }
0x1d9: {  	v11 =	vshll.u32 v11, $0xE;
	[tilespmem:$0xC260] =	vst v9;
	v9 =	vadd.s32 v58, v10  }
0x1da: {  	[tilespmem:$0xC2E0] =	vst v9;
	v9 =	vadd.s32 v59, v11  }
0x1db: {  	[tilespmem:$0xC360] =	vst v9;
	v9 =	vadd.s32 v60, v10  }
0x1dc: {  	[tilespmem:$0xC3E0] =	vst v9  }
0x1dd: {  	v9 =	vld.idx.msk [tilespmem:v61+s9+$0x0], $0xffff  }
0x1de: {  	v10 =	vld.idx.msk [tilespmem:v62+s9+$0x0], $0xffff  }
0x1df: {  	v11 =	vld.idx.msk [tilespmem:v63+s9+$0x0], $0xffff;
	_ =	sdelay $0x2  }
0x1e0: {  	v9 =	vshll.u32 v9, $0xE  }
0x1e1: {  	v10 =	vshll.u32 v10, $0xE;
	v9 =	vadd.s32 v62, v9  }
0x1e2: {  	v11 =	vshll.u32 v11, $0xE;
	[tilespmem:$0xC270] =	vst v9;
	v9 =	vadd.s32 v61, v10  }
0x1e3: {  	[tilespmem:$0xC2F0] =	vst v9;
	v9 =	vadd.s32 v62, v11  }
0x1e4: {  	[tilespmem:$0xC370] =	vst v9;
	v9 =	vadd.s32 v63, v10  }
0x1e5: {  	[tilespmem:$0xC3F0] =	vst v9  }
0x1e6: {  	[tilespmem:s14], [sflag:$0x2] =	stream.indirect.gather [hbm4b:s4+s13], $0x40, s20, s13, $0xb8;
	[tilespmem:$0x14A00] =	vst v63  }
0x1e7: {  	_ = 	snop  }
0x1e8: {  	[tilespmem:s15], [sflag:$0x2] =	stream.indirect.gather [hbm4b:s4+s13], $0x40, s3, s13, $0xb8;
	[tilespmem:$0x14A00] =	vst v63  }
0x1e9: {  	_ = 	snop  }
0x1ea: {  	[tilespmem:s16], [sflag:$0x2] =	stream.indirect.gather [hbm4b:s4+s13], $0x40, s1, s13, $0xb8;
	[tilespmem:$0x14A00] =	vst v63  }
0x1eb: {  	_ = 	snop  }
0x1ec: {  	[tilespmem:s17], [sflag:$0x2] =	stream.indirect.gather [hbm4b:s4+s13], $0x40, s11, s13, $0xb8;
	[tilespmem:$0x14A00] =	vst v63  }
0x1ed: {  	_ =	swait.ge [sflag:s28], $0x2000  }
0x1ee: {  	[sflag:s28] =	ssyncset.done $0x0  }
0x1ef: {  	[sflag:s28] =	ssyncadd.s32 $0xFFFFE000  }
0x1f0: {  	_ =	swait.ge [sflag:s28], $0x2000  }
0x1f1: {  	[sflag:s28] =	ssyncset.done $0x0  }
0x1f2: {  	[sflag:s28] =	ssyncadd.s32 $0xFFFFE000  }
0x1f3: {  	_ =	swait.ge [sflag:s28], $0x2000  }
0x1f4: {  	[sflag:s28] =	ssyncset.done $0x0  }
0x1f5: {  	[sflag:s28] =	ssyncadd.s32 $0xFFFFE000  }
0x1f6: {  	_ =	swait.ge [sflag:s28], $0x2000  }
0x1f7: {  	[sflag:s28] =	ssyncset.done $0x0  }
0x1f8: {  	[sflag:s28] =	ssyncadd.s32 $0xFFFFE000  }
.LBB2_6:
0x1f9: {  	s18 =	sshll.u32 s9, $0x4  }
0x1fa: {  	v10 =	vimm.s32 $0x0;
	v9 =	vmov s18  }
0x1fb: {  	v11 =	vadd.s32 v3, v10;
	v9 =	vshll.u32 v9, $0x6  }
0x1fc: {  	v11 =	vand.u32 $0x3F, v11;
	v9 =	vor.u32 v1, v9  }
0x1fd: {  	v11 =	vor.u32 v9, v11;
	_ =	sdelay $0x1  }
0x1fe: {  	v12 =	vadd.s32 v0, v10  }
0x1ff: {  	v12 =	vand.u32 $0x3F, v12  }
0x200: {  	v12 =	vor.u32 v9, v12  }
0x201: {  	v13 =	vld.idx.msk [tilespmem:v11+s23+$0x0], $0xffff  }
0x202: {  	v14 =	vadd.s32 v2, v10;
	v15 =	vld.idx.msk [tilespmem:v11+s25+$0x0], $0xffff  }
0x203: {  	v14 =	vand.u32 $0x3F, v14;
	v16 =	vld.idx.msk [tilespmem:v11+s24+$0x0], $0xffff  }
0x204: {  	v14 =	vor.u32 v9, v14;
	v11 =	vld.idx.msk [tilespmem:v11+s22+$0x0], $0xffff  }
0x205: {  	v17 =	vadd.s32 v4, v10;
	v18 =	vld.idx.msk [tilespmem:v12+s25+$0x0], $0xffff  }
0x206: {  	v17 =	vand.u32 $0x3F, v17;
	v19 =	vld.idx.msk [tilespmem:v12+s24+$0x0], $0xffff  }
0x207: {  	v17 =	vor.u32 v9, v17;
	v20 =	vld.idx.msk [tilespmem:v12+s23+$0x0], $0xffff  }
0x208: {  	v12 =	vld.idx.msk [tilespmem:v12+s22+$0x0], $0xffff  }
0x209: {  	v22 =	vld.idx.msk [tilespmem:v14+s23+$0x0], $0xffff  }
0x20a: {  	v27 =	vadd.s32 v6, v10;
	v23 =	vld.idx.msk [tilespmem:v14+s25+$0x0], $0xffff  }
0x20b: {  	v27 =	vand.u32 $0x3F, v27;
	v24 =	vld.idx.msk [tilespmem:v14+s22+$0x0], $0xffff  }
0x20c: {  	v27 =	vor.u32 v9, v27;
	v25 =	vld.idx.msk [tilespmem:v17+s24+$0x0], $0xffff  }
0x20d: {  	v26 =	vld.idx.msk [tilespmem:v17+s22+$0x0], $0xffff  }
0x20e: {  	v28 =	vld.idx.msk [tilespmem:v17+s25+$0x0], $0xffff  }
0x20f: {  	v21 =	vadd.s32 v5, v10;
	v17 =	vld.idx.msk [tilespmem:v17+s23+$0x0], $0xffff  }
0x210: {  	v29 =	vimm.f32 $0.0e+00;
	v31 =	vadd.s32 v7, v10;
	v21 =	vand.u32 $0x3F, v21;
	v14 =	vld.idx.msk [tilespmem:v14+s24+$0x0], $0xffff  }
0x211: {  	v33 =	vadd.s32 v8, v10;
	v39 =	vadd.s32 $0x8, v10;
	v21 =	vor.u32 v9, v21;
	v34 =	vld.idx.msk [tilespmem:v27+s24+$0x0], $0xffff  }
0x212: {  	v31 =	vand.u32 $0x3F, v31;
	v37 =	vadd.s32 v0, v39;
	v35 =	vld.idx.msk [tilespmem:v27+s23+$0x0], $0xffff;
	v13 =	vsub.f32 v11, v13  }
0x213: {  	v31 =	vor.u32 v9, v31;
	v36 =	vld.idx.msk [tilespmem:v27+s22+$0x0], $0xffff;
	v15 =	vsub.f32 v11, v15;
	v18 =	vsub.f32 v12, v18  }
0x214: {  	v37 =	vand.u32 $0x3F, v37;
	v27 =	vld.idx.msk [tilespmem:v27+s25+$0x0], $0xffff;
	v20 =	vsub.f32 v12, v20;
	v12 =	vsub.f32 v12, v19  }
0x215: {  	v51 =	vor.u32 v9, v37;
	v19 =	vsub.f32 v24, v22;
	v23 =	vsub.f32 v24, v23  }
0x216: {  	v55 =	vadd.s32 v4, v39;
	v30 =	vld.idx.msk [tilespmem:v21+s23+$0x0], $0xffff;
	v10 =	vsub.f32 v26, v28;
	v25 =	vsub.f32 v26, v25  }
0x217: {  	v37 =	vadd.s32 v8, v39;
	v32 =	vld.idx.msk [tilespmem:v21+s25+$0x0], $0xffff;
	v14 =	vsub.f32 v24, v14;
	v11 =	vsub.f32 v11, v16  }
0x218: {  	v40 =	vld.idx.msk [tilespmem:v31+s24+$0x0], $0xffff;
	v28 =	vadd.s32 v3, v39;
	v16 =	vsub.f32 v26, v17;
	v26 =	vsub.f32 v36, v35  }
0x219: {  	v52 =	vld.idx.msk [tilespmem:v31+s25+$0x0], $0xffff;
	v27 =	vsub.f32 v36, v27;
	v35 =	vand.u32 $0x3F, v55;
	v13 =	vmul.f32 v13, v13  }
0x21a: {  	v60 =	vld.idx.msk [tilespmem:v51+s22+$0x0], $0xffff;
	v28 =	vand.u32 $0x3F, v28;
	v18 =	vmul.f32 v18, v18;
	v20 =	vmul.f32 v20, v20  }
0x21b: {  	v22 =	vld.idx.msk [tilespmem:v21+s22+$0x0], $0xffff;
	v35 =	vor.u32 v9, v35;
	v15 =	vmul.f32 v15, v15;
	v19 =	vmul.f32 v19, v19  }
0x21c: {  	v21 =	vld.idx.msk [tilespmem:v21+s24+$0x0], $0xffff;
	v12 =	vmul.f32 v12, v12;
	v23 =	vmul.f32 v23, v23;
	v28 =	vor.u32 v9, v28  }
0x21d: {  	v24 =	vld.idx.msk [tilespmem:v31+s22+$0x0], $0xffff;
	v38 =	vmul.f32 v10, v10;
	v10 =	vand.u32 $0x3F, v33;
	v26 =	vmul.f32 v26, v26  }
0x21e: {  	v17 =	vld.idx.msk [tilespmem:v31+s23+$0x0], $0xffff;
	v14 =	vmul.f32 v14, v14;
	v53 =	vmul.f32 v27, v27;
	v12 =	vadd.f32 v12, v29  }
0x21f: {  	v27 =	vmul.f32 v11, v11;
	v18 =	vadd.f32 v18, v29;
	v20 =	vadd.f32 v20, v29;
	v29 =	vld.idx.msk [tilespmem:v51+s25+$0x0], $0xffff  }
0x220: {  	v25 =	vmul.f32 v25, v25;
	v16 =	vmul.f32 v16, v16;
	v12 =	vadd.f32 v14, v12;
	v14 =	vld.idx.msk [tilespmem:v51+s24+$0x0], $0xffff  }
0x221: {  	v41 =	vor.u32 v9, v10;
	v10 =	vadd.s32 v2, v39;
	v18 =	vadd.f32 v23, v18;
	v23 =	vld.idx.msk [tilespmem:v28+s23+$0x0], $0xffff  }
0x222: {  	v10 =	vand.u32 $0x3F, v10;
	v32 =	vsub.f32 v22, v32;
	v21 =	vsub.f32 v22, v21;
	v31 =	vld.idx.msk [tilespmem:v28+s25+$0x0], $0xffff  }
0x223: {  	v17 =	vsub.f32 v24, v17;
	v19 =	vadd.f32 v19, v20;
	v20 =	vor.u32 v9, v10;
	v10 =	vld.idx.msk [tilespmem:v28+s24+$0x0], $0xffff  }
0x224: {  	v54 =	vsub.f32 v24, v52;
	v24 =	vsub.f32 v24, v40;
	v11 =	vld.idx.msk [tilespmem:v28+s22+$0x0], $0xffff;
	v28 =	vmul.f32 v32, v32  }
0x225: {  	v46 =	vld.idx.msk [tilespmem:v35+s25+$0x0], $0xffff;
	v57 =	vmul.f32 v17, v17;
	v17 =	vsub.f32 v22, v30;
	v15 =	vadd.f32 v15, v18  }
0x226: {  	v59 =	vmul.f32 v54, v54;
	v13 =	vadd.f32 v13, v19;
	v19 =	vld.idx.msk [tilespmem:v41+s25+$0x0], $0xffff;
	v12 =	vadd.f32 v27, v12  }
0x227: {  	v21 =	vmul.f32 v21, v21;
	v18 =	vsub.f32 v36, v34;
	v58 =	vld.idx.msk [tilespmem:v41+s23+$0x0], $0xffff;
	v17 =	vmul.f32 v17, v17  }
0x228: {  	v22 =	vld.idx.msk [tilespmem:v41+s22+$0x0], $0xffff;
	v15 =	vadd.f32 v38, v15;
	v12 =	vadd.f32 v25, v12;
	v25 =	vadd.s32 v7, v39  }
0x229: {  	v56 =	vld.idx.msk [tilespmem:v41+s24+$0x0], $0xffff;
	v13 =	vadd.f32 v16, v13;
	v18 =	vmul.f32 v18, v18;
	v45 =	vand.u32 $0x3F, v25  }
0x22a: {  	v30 =	vld.idx.msk [tilespmem:v51+s23+$0x0], $0xffff;
	v14 =	vsub.f32 v60, v14;
	v28 =	vadd.f32 v28, v15;
	v15 =	vmul.f32 v24, v24  }
0x22b: {  	v61 =	vld.idx.msk [tilespmem:v20+s23+$0x0], $0xffff;
	v24 =	vadd.s32 v5, v39;
	v23 =	vsub.f32 v11, v23;
	v42 =	vsub.f32 v11, v31  }
0x22c: {  	v44 =	vld.idx.msk [tilespmem:v20+s25+$0x0], $0xffff;
	v13 =	vadd.f32 v17, v13;
	v17 =	vadd.f32 v21, v12;
	v24 =	vand.u32 $0x3F, v24  }
0x22d: {  	v16 =	vld.idx.msk [tilespmem:v20+s22+$0x0], $0xffff;
	v25 =	vsub.f32 v22, v58;
	v19 =	vsub.f32 v22, v19;
	v43 =	vor.u32 v9, v24  }
0x22e: {  	v21 =	vld.idx.msk [tilespmem:v35+s24+$0x0], $0xffff;
	v12 =	vmul.f32 v23, v23;
	v23 =	vsub.f32 v22, v56;
	v26 =	vadd.f32 v26, v13  }
0x22f: {  	v24 =	vadd.s32 v6, v39;
	v13 =	vadd.f32 v18, v17;
	v17 =	vld.idx.msk [tilespmem:v35+s22+$0x0], $0xffff;
	v63 =	vadd.f32 v53, v28  }
0x230: {  	v28 =	vld.idx.msk [tilespmem:v20+s24+$0x0], $0xffff;
	v20 =	vmul.f32 v14, v14;
	v62 =	vand.u32 $0x3F, v24;
	v24 =	vsub.f32 v60, v29  }
0x231: {  	v18 =	vld.idx.msk [tilespmem:v35+s23+$0x0], $0xffff;
	v27 =	vadd.f32 v15, v13;
	v15 =	vsub.f32 v60, v30;
	v29 =	vor.u32 v9, v62  }
0x232: {  	v14 =	vadd.s32 $0x8, v39;
	v32 =	vmul.f32 v25, v25;
	v35 =	vmul.f32 v19, v19;
	v33 =	vld.idx.msk [tilespmem:v43+s25+$0x0], $0xffff  }
0x233: {  	v19 =	vmul.f32 v42, v42;
	v22 =	vsub.f32 v16, v61;
	v25 =	vmul.f32 v15, v15;
	v15 =	vld.idx.msk [tilespmem:v43+s22+$0x0], $0xffff  }
0x234: {  	v31 =	vmul.f32 v23, v23;
	v23 =	vsub.f32 v16, v44;
	v38 =	vadd.f32 v57, v26;
	v13 =	vld.idx.msk [tilespmem:v43+s23+$0x0], $0xffff  }
0x235: {  	v26 =	vor.u32 v9, v45;
	v39 =	vadd.f32 v59, v63;
	v24 =	vmul.f32 v24, v24;
	v36 =	vld.idx.msk [tilespmem:v43+s24+$0x0], $0xffff  }
0x236: {  	s19 =	simm.s32 $0x6;
	v22 =	vmul.f32 v22, v22;
	v30 =	vmul.f32 v23, v23;
	v34 =	vsub.f32 v17, v46;
	v23 =	vld.idx.msk [tilespmem:v29+s24+$0x0], $0xffff  }
.LBB2_7:
0x237: {  	v40 =	vadd.s32 v3, v14;
	p0 =	sne.s32 s19, $0x1;
	s19 =	sadd.s32 $0xFFFFFFFF, s19;
	v21 =	vsub.f32 v17, v21;
	v41 =	vld.idx.msk [tilespmem:v29+s23+$0x0], $0xffff;
	v27 =	vadd.f32 v31, v27  }
0x238: {  	v33 =	vsub.f32 v15, v33;
	v32 =	vadd.f32 v32, v38;
	v31 =	vand.u32 $0x3F, v40;
	v40 =	vld.idx.msk [tilespmem:v29+s22+$0x0], $0xffff  }
0x239: {  	v38 =	vadd.s32 v0, v14;
	v35 =	vadd.f32 v35, v39;
	v31 =	vor.u32 v9, v31;
	v29 =	vld.idx.msk [tilespmem:v29+s25+$0x0], $0xffff  }
0x23a: {  	v34 =	vmul.f32 v34, v34;
	v37 =	vand.u32 $0x3F, v37;
	v38 =	vand.u32 $0x3F, v38;
	v39 =	vld.idx.msk [tilespmem:v26+s24+$0x0], $0xffff  }
0x23b: {  	v38 =	vor.u32 v9, v38;
	v24 =	vadd.f32 v24, v35;
	v35 =	vsub.f32 v15, v36;
	v36 =	vld.idx.msk [tilespmem:v26+s25+$0x0], $0xffff  }
0x23c: {  	v16 =	vsub.f32 v16, v28;
	v25 =	vadd.f32 v25, v32;
	v32 =	vor.u32 v9, v37;
	v28 =	vld.idx.msk [tilespmem:v26+s22+$0x0], $0xffff  }
0x23d: {  	v42 =	vsub.f32 v11, v10;
	v17 =	vsub.f32 v17, v18;
	v37 =	vadd.s32 v2, v14;
	v18 =	vld.idx.msk [tilespmem:v26+s23+$0x0], $0xffff  }
0x23e: {  	v10 =	vand.u32 $0x3F, v37;
	v11 =	vadd.f32 v30, v24;
	v24 =	vsub.f32 v40, v41;
	v26 =	vld.idx.msk [tilespmem:v31+s23+$0x0], $0xffff  }
0x23f: {  	v22 =	vadd.f32 v22, v25;
	v30 =	vor.u32 v9, v10;
	v25 =	vsub.f32 v40, v29;
	v37 =	vld.idx.msk [tilespmem:v31+s25+$0x0], $0xffff  }
0x240: {  	v23 =	vsub.f32 v40, v23;
	v19 =	vadd.f32 v19, v11;
	v24 =	vmul.f32 v24, v24;
	v10 =	vld.idx.msk [tilespmem:v31+s24+$0x0], $0xffff  }
0x241: {  	v16 =	vmul.f32 v16, v16;
	v12 =	vadd.f32 v12, v22;
	v22 =	vmul.f32 v25, v25;
	v25 =	vld.idx.msk [tilespmem:v32+s25+$0x0], $0xffff  }
0x242: {  	v29 =	vmul.f32 v42, v42;
	v11 =	vld.idx.msk [tilespmem:v31+s22+$0x0], $0xffff;
	v31 =	vmul.f32 v33, v33;
	v33 =	vsub.f32 v28, v36  }
0x243: {  	v19 =	vadd.f32 v34, v19;
	v36 =	vadd.s32 v4, v14;
	v18 =	vsub.f32 v28, v18;
	v34 =	vld.idx.msk [tilespmem:v32+s24+$0x0], $0xffff  }
0x244: {  	v20 =	vadd.f32 v20, v27;
	v27 =	vsub.f32 v28, v39;
	v36 =	vand.u32 $0x3F, v36;
	v40 =	vld.idx.msk [tilespmem:v38+s25+$0x0], $0xffff  }
0x245: {  	v21 =	vmul.f32 v21, v21;
	v28 =	vor.u32 v9, v36;
	v39 =	vmul.f32 v18, v18;
	v18 =	vld.idx.msk [tilespmem:v32+s23+$0x0], $0xffff  }
0x246: {  	v16 =	vadd.f32 v16, v20;
	v20 =	vadd.f32 v31, v19;
	v19 =	vmul.f32 v27, v27;
	v36 =	vld.idx.msk [tilespmem:v38+s24+$0x0], $0xffff  }
0x247: {  	v13 =	vsub.f32 v15, v13;
	v17 =	vmul.f32 v17, v17;
	v41 =	vmul.f32 v33, v33;
	v15 =	vld.idx.msk [tilespmem:v32+s22+$0x0], $0xffff  }
0x248: {  	v16 =	vadd.f32 v29, v16;
	v29 =	vmul.f32 v35, v35;
	v27 =	vadd.s32 v5, v14;
	v31 =	vld.idx.msk [tilespmem:v38+s23+$0x0], $0xffff  }
0x249: {  	v13 =	vmul.f32 v13, v13;
	v23 =	vmul.f32 v23, v23;
	v27 =	vand.u32 $0x3F, v27;
	v32 =	vld.idx.msk [tilespmem:v38+s22+$0x0], $0xffff  }
0x24a: {  	v12 =	vadd.f32 v17, v12;
	v17 =	vadd.f32 v21, v16;
	v38 =	vor.u32 v9, v27;
	v35 =	vld.idx.msk [tilespmem:v30+s23+$0x0], $0xffff  }
0x24b: {  	v21 =	vsub.f32 v11, v26;
	v26 =	vsub.f32 v11, v37;
	v42 =	vld.idx.msk [tilespmem:v30+s25+$0x0], $0xffff  }
0x24c: {  	v13 =	vadd.f32 v13, v12;
	v29 =	vadd.f32 v29, v17;
	v27 =	vadd.s32 v6, v14;
	v16 =	vld.idx.msk [tilespmem:v30+s22+$0x0], $0xffff  }
0x24d: {  	v33 =	vadd.s32 v7, v14;
	v12 =	vmul.f32 v21, v21;
	v34 =	vsub.f32 v15, v34;
	v21 =	vld.idx.msk [tilespmem:v28+s24+$0x0], $0xffff  }
0x24e: {  	v44 =	vadd.f32 v24, v13;
	v43 =	vand.u32 $0x3F, v33;
	v13 =	vadd.f32 v23, v29;
	v17 =	vld.idx.msk [tilespmem:v28+s22+$0x0], $0xffff  }
0x24f: {  	v29 =	vand.u32 $0x3F, v27;
	v23 =	vsub.f32 v32, v36;
	v36 =	vsub.f32 v15, v18;
	v45 =	vld.idx.msk [tilespmem:v28+s25+$0x0], $0xffff  }
0x250: {  	v27 =	vadd.f32 v19, v13;
	v24 =	vsub.f32 v32, v40;
	v18 =	vld.idx.msk [tilespmem:v28+s23+$0x0], $0xffff  }
0x251: {  	v19 =	vsub.f32 v32, v31;
	v31 =	vmul.f32 v34, v34;
	v28 =	vsub.f32 v15, v25;
	v13 =	vld.idx.msk [tilespmem:v38+s23+$0x0], $0xffff  }
0x252: {  	v29 =	vor.u32 v9, v29;
	v24 =	vmul.f32 v24, v24;
	v32 =	vmul.f32 v36, v36;
	v33 =	vld.idx.msk [tilespmem:v38+s25+$0x0], $0xffff  }
.Ltmp2:
0x253: {  	v25 =	vmul.f32 v19, v19;
	v34 =	vsub.f32 v16, v35;
	v35 =	vmul.f32 v28, v28;
	v15 =	vld.idx.msk [tilespmem:v38+s22+$0x0], $0xffff;
	(pc) =	sbr.rel @p0 .LBB2_7-.Ltmp2, $4  }
0x254: {  	v40 =	vadd.f32 v22, v20;
	v19 =	vmul.f32 v26, v26;
	v28 =	vld.idx.msk [tilespmem:v30+s24+$0x0], $0xffff;
	v30 =	vsub.f32 v16, v42  }
0x255: {  	v37 =	vadd.s32 v8, v14;
	v22 =	vmul.f32 v34, v34;
	v36 =	vld.idx.msk [tilespmem:v38+s24+$0x0], $0xffff;
	v38 =	vadd.f32 v39, v44  }
0x256: {  	v20 =	vmul.f32 v23, v23;
	v26 =	vor.u32 v9, v43;
	v34 =	vsub.f32 v17, v45  }
0x257: {  	v14 =	vadd.s32 $0x8, v14;
	v39 =	vadd.f32 v41, v40;
	v30 =	vmul.f32 v30, v30;
	v23 =	vld.idx.msk [tilespmem:v29+s24+$0x0], $0xffff  }
0x258: {  	_ =	sdelay $0x3  }
0x259: {  	v14 =	vsub.f32 v17, v21;
	v58 =	vld.idx.msk [tilespmem:v29+s23+$0x0], $0xffff;
	v27 =	vadd.f32 v31, v27  }
0x25a: {  	v33 =	vsub.f32 v15, v33;
	v60 =	vld.idx.msk [tilespmem:v29+s22+$0x0], $0xffff;
	v32 =	vadd.f32 v32, v38  }
0x25b: {  	v61 =	vld.idx.msk [tilespmem:v29+s25+$0x0], $0xffff;
	v10 =	vsub.f32 v11, v10;
	v11 =	vsub.f32 v17, v18  }
0x25c: {  	v63 =	vand.u32 $0x3F, v37;
	v41 =	vld.idx.msk [tilespmem:v26+s22+$0x0], $0xffff;
	v13 =	vsub.f32 v15, v13;
	v59 =	vadd.f32 v35, v39  }
0x25d: {  	v44 =	vld.idx.msk [tilespmem:v26+s24+$0x0], $0xffff;
	v16 =	vsub.f32 v16, v28;
	v9 =	vor.u32 v9, v63;
	v25 =	vadd.f32 v25, v32  }
0x25e: {  	v43 =	vmul.f32 v34, v34;
	v46 =	vld.idx.msk [tilespmem:v26+s23+$0x0], $0xffff;
	v62 =	vsub.f32 v15, v36;
	v24 =	vadd.f32 v24, v59  }
0x25f: {  	v20 =	vadd.f32 v20, v27;
	v16 =	vmul.f32 v16, v16;
	v22 =	vadd.f32 v22, v25  }
0x260: {  	v39 =	vld.idx.msk [tilespmem:v26+s25+$0x0], $0xffff;
	v10 =	vmul.f32 v10, v10;
	v40 =	vadd.f32 v30, v24;
	v21 =	vsub.f32 v60, v58  }
0x261: {  	v14 =	vmul.f32 v14, v14;
	v42 =	vsub.f32 v60, v61;
	v16 =	vadd.f32 v16, v20  }
0x262: {  	v47 =	vmul.f32 v33, v33;
	v45 =	vsub.f32 v60, v23;
	v54 =	vsub.f32 v41, v44;
	v48 =	vld.idx.msk [tilespmem:v9+s24+$0x0], $0xffff  }
0x263: {  	v11 =	vmul.f32 v11, v11;
	v56 =	vsub.f32 v41, v46;
	v12 =	vadd.f32 v12, v22;
	v50 =	vld.idx.msk [tilespmem:v9+s22+$0x0], $0xffff  }
0x264: {  	v13 =	vmul.f32 v13, v13;
	v53 =	vld.idx.msk [tilespmem:v9+s23+$0x0], $0xffff;
	v18 =	vadd.f32 v19, v40;
	v10 =	vadd.f32 v10, v16  }
0x265: {  	v51 =	vmul.f32 v62, v62;
	v49 =	vsub.f32 v41, v39;
	v11 =	vadd.f32 v11, v12  }
0x266: {  	v9 =	vld.idx.msk [tilespmem:v9+s25+$0x0], $0xffff;
	v19 =	vmul.f32 v45, v45;
	v10 =	vadd.f32 v14, v10;
	v52 =	vadd.f32 v43, v18  }
0x267: {  	v55 =	vmul.f32 v21, v21;
	v58 =	vmul.f32 v42, v42;
	v11 =	vadd.f32 v13, v11  }
0x268: {  	v60 =	vmul.f32 v56, v56;
	v10 =	vadd.f32 v51, v10;
	v57 =	vadd.f32 v47, v52  }
0x269: {  	v12 =	vmul.f32 v54, v54;
	v59 =	vsub.f32 v50, v48;
	v18 =	vsub.f32 v50, v53  }
0x26a: {  	v61 =	vmul.f32 v49, v49;
	v11 =	vadd.f32 v55, v11;
	v10 =	vadd.f32 v19, v10  }
0x26b: {  	v9 =	vsub.f32 v50, v9;
	v13 =	vadd.f32 v58, v57;
	v62 =	vmul.f32 v59, v59  }
0x26c: {  	v63 =	vmul.f32 v18, v18;
	v11 =	vadd.f32 v60, v11;
	v10 =	vadd.f32 v12, v10  }
0x26d: {  	s9 =	sadd.s32 $0x1, s9;
	v9 =	vmul.f32 v9, v9;
	v12 =	vadd.f32 v61, v13  }
0x26e: {  	p0 =	sne.s32 s9, $0x8;
	v11 =	vadd.f32 v63, v11;
	v10 =	vadd.f32 v62, v10  }
.Ltmp3:
0x26f: {  	v9 =	vadd.f32 v9, v12;
	(pc) =	sbr.rel @p0 .LBB2_6-.Ltmp3, $4  }
0x270: {  	v11 =	vsub.f32 v11, v10  }
0x271: {  	v9 =	vsub.f32 v10, v9  }
0x272: {  	[tilespmem:s18+$0x14900] =	vst v11  }
0x273: {  	[tilespmem:s18+$0x14980] =	vst v9  }
0x274: {  	s9 =	rddreg [dreg:$0x10];
	s0 =	simm.s32 $0x14900  }
0x275: {  	[hbm4b:s9+s2] =	stream.linear.scatter [tilespmem:s0], [sflag:$0x5], $0x80, $0x38;
	[tilespmem:$0x14A00] =	vst v63  }
0x276: {  	s19 =	rddreg [dreg:$0x11];
	s20 =	simm.s32 $0x14980  }
0x277: {  	[hbm4b:s19+s2] =	stream.linear.scatter [tilespmem:s20], [sflag:$0x5], $0x80, $0x38;
	[tilespmem:$0x14A00] =	vst v63  }
0x278: {  	s21 =	rddreg [dreg:$0x12];
	s30 =	simm.s32 $0x14700;
	s29 =	simm.s32 $0x1  }
0x279: {  	[hbm4b:s21+s2] =	stream.linear.scatter [tilespmem:s30], [sflag:$0x5], $0x200, $0x38;
	[tilespmem:$0x14A00] =	vst v63  }
.LBB2_10:
0x27a: {  	s9 =	sshll.u32 s29, $0x8;
	s18 =	rddreg [dreg:$0x3]  }
0x27b: {  	s18 =	sor.u32 s9, s18  }
0x27c: {  	s9 =	sor.u32 $0x80, s18  }
0x27d: {  	s19 =	simm.s32 $0x0;
	s30 =	sshrl.u32 s9, $0x3  }
0x27e: {  	s21 =	simm.s32 $0xC500;
	s20 =	sadd.s32 s5, s30;
	s1 =	sor.u32 $0x2000, s30  }
0x27f: {  	[tilespmem:s21], [sflag:$0x1] =	stream.linear.gather [hbm4b:s20+s19], $0x80, $0x38;
	[tilespmem:$0x14A00] =	vst v63  }
0x280: {  	s0 =	simm.s32 $0xC580;
	s3 =	sor.u32 $0x4000, s30;
	s20 =	sadd.s32 s5, s1  }
0x281: {  	[tilespmem:s0], [sflag:$0x1] =	stream.linear.gather [hbm4b:s20+s19], $0x80, $0x38;
	[tilespmem:$0x14A00] =	vst v63  }
0x282: {  	s1 =	sor.u32 $0x6000, s30;
	s20 =	sadd.s32 s5, s3;
	s3 =	simm.s32 $0xC600  }
0x283: {  	[tilespmem:s3], [sflag:$0x1] =	stream.linear.gather [hbm4b:s20+s19], $0x80, $0x38;
	[tilespmem:$0x14A00] =	vst v63  }
0x284: {  	s20 =	sadd.s32 s5, s1;
	s1 =	simm.s32 $0xC680  }
0x285: {  	[tilespmem:s1], [sflag:$0x1] =	stream.linear.gather [hbm4b:s20+s19], $0x80, $0x38;
	[tilespmem:$0x14A00] =	vst v63  }
0x286: {  	_ =	swait.ge [sflag:s12], $0x80  }
0x287: {  	[sflag:s12] =	ssyncset.done $0x0  }
0x288: {  	[sflag:s12] =	ssyncadd.s32 $0xFFFFFF80  }
0x289: {  	_ =	swait.ge [sflag:s12], $0x80  }
0x28a: {  	[sflag:s12] =	ssyncset.done $0x0  }
0x28b: {  	[sflag:s12] =	ssyncadd.s32 $0xFFFFFF80  }
0x28c: {  	_ =	swait.ge [sflag:s12], $0x80  }
0x28d: {  	[sflag:s12] =	ssyncset.done $0x0  }
0x28e: {  	[sflag:s12] =	ssyncadd.s32 $0xFFFFFF80  }
0x28f: {  	_ =	swait.ge [sflag:s12], $0x80  }
0x290: {  	[sflag:s12] =	ssyncset.done $0x0  }
0x291: {  	[sflag:s12] =	ssyncadd.s32 $0xFFFFFF80  }
0x292: {  	_ =	swait.ge [sflag:s10], $0x200  }
0x293: {  	[sflag:s10] =	ssyncset.done $0x0  }
0x294: {  	[sflag:s10] =	ssyncadd.s32 $0xFFFFFE00  }
0x295: {  	v9 =	vld [tilespmem:$0xC600]  }
0x296: {  	v10 =	vld [tilespmem:$0xC500]  }
0x297: {  	v11 =	vld [tilespmem:$0xC680];
	_ =	sdelay $0x5  }
0x298: {  	v12 =	vld.idx.msk [tilespmem:v9+s19+$0x0], $0xffff  }
0x299: {  	v13 =	vld.idx.msk [tilespmem:v10+s19+$0x0], $0xffff  }
0x29a: {  	v14 =	vld.idx.msk [tilespmem:v11+s19+$0x0], $0xffff  }
0x29b: {  	v15 =	vld [tilespmem:$0xC610]  }
0x29c: {  	v16 =	vld [tilespmem:$0xC510]  }
0x29d: {  	v17 =	vld [tilespmem:$0xC690];
	v12 =	vshll.u32 v12, $0xE  }
0x29e: {  	v13 =	vshll.u32 v13, $0xE;
	v12 =	vadd.s32 v10, v12  }
0x29f: {  	v45 =	vshll.u32 v14, $0xE;
	v9 =	vadd.s32 v9, v13;
	[tilespmem:$0x14700] =	vst v12  }
0x2a0: {  	[tilespmem:$0x14780] =	vst v9;
	v9 =	vadd.s32 v10, v45  }
0x2a1: {  	[tilespmem:$0x14800] =	vst v9;
	v9 =	vadd.s32 v11, v13  }
0x2a2: {  	[tilespmem:$0x14880] =	vst v9  }
0x2a3: {  	v9 =	vld.idx.msk [tilespmem:v15+s19+$0x0], $0xffff  }
0x2a4: {  	v10 =	vld.idx.msk [tilespmem:v16+s19+$0x0], $0xffff  }
0x2a5: {  	v11 =	vld.idx.msk [tilespmem:v17+s19+$0x0], $0xffff  }
0x2a6: {  	v46 =	vld [tilespmem:$0xC620]  }
0x2a7: {  	v47 =	vld [tilespmem:$0xC520]  }
0x2a8: {  	v48 =	vld [tilespmem:$0xC6A0];
	v9 =	vshll.u32 v9, $0xE  }
0x2a9: {  	v10 =	vshll.u32 v10, $0xE;
	v9 =	vadd.s32 v16, v9  }
0x2aa: {  	v11 =	vshll.u32 v11, $0xE;
	[tilespmem:$0x14710] =	vst v9;
	v9 =	vadd.s32 v15, v10  }
0x2ab: {  	[tilespmem:$0x14790] =	vst v9;
	v9 =	vadd.s32 v16, v11  }
0x2ac: {  	[tilespmem:$0x14810] =	vst v9;
	v9 =	vadd.s32 v17, v10  }
0x2ad: {  	[tilespmem:$0x14890] =	vst v9  }
0x2ae: {  	v9 =	vld.idx.msk [tilespmem:v46+s19+$0x0], $0xffff  }
0x2af: {  	v10 =	vld.idx.msk [tilespmem:v47+s19+$0x0], $0xffff  }
0x2b0: {  	v11 =	vld.idx.msk [tilespmem:v48+s19+$0x0], $0xffff  }
0x2b1: {  	v49 =	vld [tilespmem:$0xC630]  }
0x2b2: {  	v50 =	vld [tilespmem:$0xC530]  }
0x2b3: {  	v51 =	vld [tilespmem:$0xC6B0];
	v9 =	vshll.u32 v9, $0xE  }
0x2b4: {  	v10 =	vshll.u32 v10, $0xE;
	v9 =	vadd.s32 v47, v9  }
0x2b5: {  	v11 =	vshll.u32 v11, $0xE;
	[tilespmem:$0x14720] =	vst v9;
	v9 =	vadd.s32 v46, v10  }
0x2b6: {  	[tilespmem:$0x147A0] =	vst v9;
	v9 =	vadd.s32 v47, v11  }
0x2b7: {  	[tilespmem:$0x14820] =	vst v9;
	v9 =	vadd.s32 v48, v10  }
0x2b8: {  	[tilespmem:$0x148A0] =	vst v9  }
0x2b9: {  	v9 =	vld.idx.msk [tilespmem:v49+s19+$0x0], $0xffff  }
0x2ba: {  	v10 =	vld.idx.msk [tilespmem:v50+s19+$0x0], $0xffff  }
0x2bb: {  	v11 =	vld.idx.msk [tilespmem:v51+s19+$0x0], $0xffff  }
0x2bc: {  	v52 =	vld [tilespmem:$0xC640]  }
0x2bd: {  	v53 =	vld [tilespmem:$0xC540]  }
0x2be: {  	v54 =	vld [tilespmem:$0xC6C0];
	v9 =	vshll.u32 v9, $0xE  }
0x2bf: {  	v10 =	vshll.u32 v10, $0xE;
	v9 =	vadd.s32 v50, v9  }
0x2c0: {  	v11 =	vshll.u32 v11, $0xE;
	[tilespmem:$0x14730] =	vst v9;
	v9 =	vadd.s32 v49, v10  }
0x2c1: {  	[tilespmem:$0x147B0] =	vst v9;
	v9 =	vadd.s32 v50, v11  }
0x2c2: {  	[tilespmem:$0x14830] =	vst v9;
	v9 =	vadd.s32 v51, v10  }
0x2c3: {  	[tilespmem:$0x148B0] =	vst v9  }
0x2c4: {  	v9 =	vld.idx.msk [tilespmem:v52+s19+$0x0], $0xffff  }
0x2c5: {  	v10 =	vld.idx.msk [tilespmem:v53+s19+$0x0], $0xffff  }
0x2c6: {  	v11 =	vld.idx.msk [tilespmem:v54+s19+$0x0], $0xffff  }
0x2c7: {  	v55 =	vld [tilespmem:$0xC650]  }
0x2c8: {  	v56 =	vld [tilespmem:$0xC550]  }
0x2c9: {  	v57 =	vld [tilespmem:$0xC6D0];
	v9 =	vshll.u32 v9, $0xE  }
0x2ca: {  	v10 =	vshll.u32 v10, $0xE;
	v9 =	vadd.s32 v53, v9  }
0x2cb: {  	v11 =	vshll.u32 v11, $0xE;
	[tilespmem:$0x14740] =	vst v9;
	v9 =	vadd.s32 v52, v10  }
0x2cc: {  	[tilespmem:$0x147C0] =	vst v9;
	v9 =	vadd.s32 v53, v11  }
0x2cd: {  	[tilespmem:$0x14840] =	vst v9;
	v9 =	vadd.s32 v54, v10  }
0x2ce: {  	[tilespmem:$0x148C0] =	vst v9  }
0x2cf: {  	v9 =	vld.idx.msk [tilespmem:v55+s19+$0x0], $0xffff  }
0x2d0: {  	v10 =	vld.idx.msk [tilespmem:v56+s19+$0x0], $0xffff  }
0x2d1: {  	v11 =	vld.idx.msk [tilespmem:v57+s19+$0x0], $0xffff  }
0x2d2: {  	v58 =	vld [tilespmem:$0xC660]  }
0x2d3: {  	v59 =	vld [tilespmem:$0xC560]  }
0x2d4: {  	v60 =	vld [tilespmem:$0xC6E0];
	v9 =	vshll.u32 v9, $0xE  }
0x2d5: {  	v10 =	vshll.u32 v10, $0xE;
	v9 =	vadd.s32 v56, v9  }
0x2d6: {  	v11 =	vshll.u32 v11, $0xE;
	[tilespmem:$0x14750] =	vst v9;
	v9 =	vadd.s32 v55, v10  }
0x2d7: {  	[tilespmem:$0x147D0] =	vst v9;
	v9 =	vadd.s32 v56, v11  }
0x2d8: {  	[tilespmem:$0x14850] =	vst v9;
	v9 =	vadd.s32 v57, v10  }
0x2d9: {  	[tilespmem:$0x148D0] =	vst v9  }
0x2da: {  	v9 =	vld.idx.msk [tilespmem:v58+s19+$0x0], $0xffff  }
0x2db: {  	v10 =	vld.idx.msk [tilespmem:v59+s19+$0x0], $0xffff  }
0x2dc: {  	v11 =	vld.idx.msk [tilespmem:v60+s19+$0x0], $0xffff  }
0x2dd: {  	v61 =	vld [tilespmem:$0xC670]  }
0x2de: {  	v62 =	vld [tilespmem:$0xC570]  }
0x2df: {  	v63 =	vld [tilespmem:$0xC6F0];
	v9 =	vshll.u32 v9, $0xE  }
0x2e0: {  	v10 =	vshll.u32 v10, $0xE;
	v9 =	vadd.s32 v59, v9  }
0x2e1: {  	v11 =	vshll.u32 v11, $0xE;
	[tilespmem:$0x14760] =	vst v9;
	v9 =	vadd.s32 v58, v10  }
0x2e2: {  	[tilespmem:$0x147E0] =	vst v9;
	v9 =	vadd.s32 v59, v11  }
0x2e3: {  	[tilespmem:$0x14860] =	vst v9;
	v9 =	vadd.s32 v60, v10  }
0x2e4: {  	[tilespmem:$0x148E0] =	vst v9  }
0x2e5: {  	v9 =	vld.idx.msk [tilespmem:v61+s19+$0x0], $0xffff  }
0x2e6: {  	v10 =	vld.idx.msk [tilespmem:v62+s19+$0x0], $0xffff  }
0x2e7: {  	v11 =	vld.idx.msk [tilespmem:v63+s19+$0x0], $0xffff;
	_ =	sdelay $0x2  }
0x2e8: {  	v9 =	vshll.u32 v9, $0xE  }
0x2e9: {  	v10 =	vshll.u32 v10, $0xE;
	v9 =	vadd.s32 v62, v9  }
0x2ea: {  	v11 =	vshll.u32 v11, $0xE;
	[tilespmem:$0x14770] =	vst v9;
	v9 =	vadd.s32 v61, v10  }
0x2eb: {  	[tilespmem:$0x147F0] =	vst v9;
	v9 =	vadd.s32 v62, v11  }
0x2ec: {  	[tilespmem:$0x14870] =	vst v9;
	v9 =	vadd.s32 v63, v10  }
0x2ed: {  	[tilespmem:$0x148F0] =	vst v9  }
0x2ee: {  	[tilespmem:s22], [sflag:$0x3] =	stream.indirect.gather [hbm4b:s4+s13], $0x40, s21, s13, $0xb8;
	[tilespmem:$0x14A00] =	vst v63  }
0x2ef: {  	_ = 	snop  }
0x2f0: {  	[tilespmem:s23], [sflag:$0x3] =	stream.indirect.gather [hbm4b:s4+s13], $0x40, s0, s13, $0xb8;
	[tilespmem:$0x14A00] =	vst v63  }
0x2f1: {  	_ = 	snop  }
0x2f2: {  	[tilespmem:s24], [sflag:$0x3] =	stream.indirect.gather [hbm4b:s4+s13], $0x40, s3, s13, $0xb8;
	[tilespmem:$0x14A00] =	vst v63  }
0x2f3: {  	_ = 	snop  }
0x2f4: {  	[tilespmem:s25], [sflag:$0x3] =	stream.indirect.gather [hbm4b:s4+s13], $0x40, s1, s13, $0xb8;
	[tilespmem:$0x14A00] =	vst v63  }
0x2f5: {  	_ =	swait.ge [sflag:s26], $0x2000  }
0x2f6: {  	[sflag:s26] =	ssyncset.done $0x0  }
0x2f7: {  	[sflag:s26] =	ssyncadd.s32 $0xFFFFE000  }
0x2f8: {  	_ =	swait.ge [sflag:s26], $0x2000  }
0x2f9: {  	[sflag:s26] =	ssyncset.done $0x0  }
0x2fa: {  	[sflag:s26] =	ssyncadd.s32 $0xFFFFE000  }
0x2fb: {  	_ =	swait.ge [sflag:s26], $0x2000  }
0x2fc: {  	[sflag:s26] =	ssyncset.done $0x0  }
0x2fd: {  	[sflag:s26] =	ssyncadd.s32 $0xFFFFE000  }
0x2fe: {  	_ =	swait.ge [sflag:s26], $0x2000  }
0x2ff: {  	[sflag:s26] =	ssyncset.done $0x0  }
0x300: {  	[sflag:s26] =	ssyncadd.s32 $0xFFFFE000  }
0x301: {  	_ =	swait.ge [sflag:s31], $0x80  }
0x302: {  	[sflag:s31] =	ssyncset.done $0x0  }
0x303: {  	[sflag:s31] =	ssyncadd.s32 $0xFFFFFF80  }
0x304: {  	_ =	swait.ge [sflag:s31], $0x80  }
0x305: {  	[sflag:s31] =	ssyncset.done $0x0  }
0x306: {  	[sflag:s31] =	ssyncadd.s32 $0xFFFFFF80  }
.LBB2_11:
0x307: {  	s20 =	sshll.u32 s19, $0x4  }
0x308: {  	v10 =	vimm.s32 $0x0;
	v9 =	vmov s20  }
0x309: {  	v11 =	vadd.s32 v3, v10;
	v9 =	vshll.u32 v9, $0x6  }
0x30a: {  	v11 =	vand.u32 $0x3F, v11;
	v9 =	vor.u32 v1, v9  }
0x30b: {  	v11 =	vor.u32 v9, v11;
	_ =	sdelay $0x1  }
0x30c: {  	v12 =	vadd.s32 v0, v10  }
0x30d: {  	v12 =	vand.u32 $0x3F, v12  }
0x30e: {  	v12 =	vor.u32 v9, v12  }
0x30f: {  	v13 =	vld.idx.msk [tilespmem:v11+s15+$0x0], $0xffff  }
0x310: {  	v14 =	vadd.s32 v2, v10;
	v15 =	vld.idx.msk [tilespmem:v11+s17+$0x0], $0xffff  }
0x311: {  	v14 =	vand.u32 $0x3F, v14;
	v16 =	vld.idx.msk [tilespmem:v11+s16+$0x0], $0xffff  }
0x312: {  	v14 =	vor.u32 v9, v14;
	v11 =	vld.idx.msk [tilespmem:v11+s14+$0x0], $0xffff  }
0x313: {  	v17 =	vadd.s32 v4, v10;
	v18 =	vld.idx.msk [tilespmem:v12+s17+$0x0], $0xffff  }
0x314: {  	v17 =	vand.u32 $0x3F, v17;
	v19 =	vld.idx.msk [tilespmem:v12+s16+$0x0], $0xffff  }
0x315: {  	v17 =	vor.u32 v9, v17;
	v20 =	vld.idx.msk [tilespmem:v12+s15+$0x0], $0xffff  }
0x316: {  	v12 =	vld.idx.msk [tilespmem:v12+s14+$0x0], $0xffff  }
0x317: {  	v22 =	vld.idx.msk [tilespmem:v14+s15+$0x0], $0xffff  }
0x318: {  	v27 =	vadd.s32 v6, v10;
	v23 =	vld.idx.msk [tilespmem:v14+s17+$0x0], $0xffff  }
0x319: {  	v27 =	vand.u32 $0x3F, v27;
	v24 =	vld.idx.msk [tilespmem:v14+s14+$0x0], $0xffff  }
0x31a: {  	v27 =	vor.u32 v9, v27;
	v25 =	vld.idx.msk [tilespmem:v17+s16+$0x0], $0xffff  }
0x31b: {  	v26 =	vld.idx.msk [tilespmem:v17+s14+$0x0], $0xffff  }
0x31c: {  	v28 =	vld.idx.msk [tilespmem:v17+s17+$0x0], $0xffff  }
0x31d: {  	v21 =	vadd.s32 v5, v10;
	v17 =	vld.idx.msk [tilespmem:v17+s15+$0x0], $0xffff  }
0x31e: {  	v29 =	vimm.f32 $0.0e+00;
	v31 =	vadd.s32 v7, v10;
	v21 =	vand.u32 $0x3F, v21;
	v14 =	vld.idx.msk [tilespmem:v14+s16+$0x0], $0xffff  }
0x31f: {  	v33 =	vadd.s32 v8, v10;
	v39 =	vadd.s32 $0x8, v10;
	v21 =	vor.u32 v9, v21;
	v34 =	vld.idx.msk [tilespmem:v27+s16+$0x0], $0xffff  }
0x320: {  	v31 =	vand.u32 $0x3F, v31;
	v37 =	vadd.s32 v0, v39;
	v35 =	vld.idx.msk [tilespmem:v27+s15+$0x0], $0xffff;
	v13 =	vsub.f32 v11, v13  }
0x321: {  	v31 =	vor.u32 v9, v31;
	v36 =	vld.idx.msk [tilespmem:v27+s14+$0x0], $0xffff;
	v15 =	vsub.f32 v11, v15;
	v18 =	vsub.f32 v12, v18  }
0x322: {  	v37 =	vand.u32 $0x3F, v37;
	v27 =	vld.idx.msk [tilespmem:v27+s17+$0x0], $0xffff;
	v20 =	vsub.f32 v12, v20;
	v12 =	vsub.f32 v12, v19  }
0x323: {  	v51 =	vor.u32 v9, v37;
	v19 =	vsub.f32 v24, v22;
	v23 =	vsub.f32 v24, v23  }
0x324: {  	v55 =	vadd.s32 v4, v39;
	v30 =	vld.idx.msk [tilespmem:v21+s15+$0x0], $0xffff;
	v10 =	vsub.f32 v26, v28;
	v25 =	vsub.f32 v26, v25  }
0x325: {  	v37 =	vadd.s32 v8, v39;
	v32 =	vld.idx.msk [tilespmem:v21+s17+$0x0], $0xffff;
	v14 =	vsub.f32 v24, v14;
	v11 =	vsub.f32 v11, v16  }
0x326: {  	v40 =	vld.idx.msk [tilespmem:v31+s16+$0x0], $0xffff;
	v28 =	vadd.s32 v3, v39;
	v16 =	vsub.f32 v26, v17;
	v26 =	vsub.f32 v36, v35  }
0x327: {  	v52 =	vld.idx.msk [tilespmem:v31+s17+$0x0], $0xffff;
	v27 =	vsub.f32 v36, v27;
	v35 =	vand.u32 $0x3F, v55;
	v13 =	vmul.f32 v13, v13  }
0x328: {  	v60 =	vld.idx.msk [tilespmem:v51+s14+$0x0], $0xffff;
	v28 =	vand.u32 $0x3F, v28;
	v18 =	vmul.f32 v18, v18;
	v20 =	vmul.f32 v20, v20  }
0x329: {  	v22 =	vld.idx.msk [tilespmem:v21+s14+$0x0], $0xffff;
	v35 =	vor.u32 v9, v35;
	v15 =	vmul.f32 v15, v15;
	v19 =	vmul.f32 v19, v19  }
0x32a: {  	v21 =	vld.idx.msk [tilespmem:v21+s16+$0x0], $0xffff;
	v12 =	vmul.f32 v12, v12;
	v23 =	vmul.f32 v23, v23;
	v28 =	vor.u32 v9, v28  }
0x32b: {  	v24 =	vld.idx.msk [tilespmem:v31+s14+$0x0], $0xffff;
	v38 =	vmul.f32 v10, v10;
	v10 =	vand.u32 $0x3F, v33;
	v26 =	vmul.f32 v26, v26  }
0x32c: {  	v17 =	vld.idx.msk [tilespmem:v31+s15+$0x0], $0xffff;
	v14 =	vmul.f32 v14, v14;
	v53 =	vmul.f32 v27, v27;
	v12 =	vadd.f32 v12, v29  }
0x32d: {  	v27 =	vmul.f32 v11, v11;
	v18 =	vadd.f32 v18, v29;
	v20 =	vadd.f32 v20, v29;
	v29 =	vld.idx.msk [tilespmem:v51+s17+$0x0], $0xffff  }
0x32e: {  	v25 =	vmul.f32 v25, v25;
	v16 =	vmul.f32 v16, v16;
	v12 =	vadd.f32 v14, v12;
	v14 =	vld.idx.msk [tilespmem:v51+s16+$0x0], $0xffff  }
0x32f: {  	v41 =	vor.u32 v9, v10;
	v10 =	vadd.s32 v2, v39;
	v18 =	vadd.f32 v23, v18;
	v23 =	vld.idx.msk [tilespmem:v28+s15+$0x0], $0xffff  }
0x330: {  	v10 =	vand.u32 $0x3F, v10;
	v32 =	vsub.f32 v22, v32;
	v21 =	vsub.f32 v22, v21;
	v31 =	vld.idx.msk [tilespmem:v28+s17+$0x0], $0xffff  }
0x331: {  	v17 =	vsub.f32 v24, v17;
	v19 =	vadd.f32 v19, v20;
	v20 =	vor.u32 v9, v10;
	v10 =	vld.idx.msk [tilespmem:v28+s16+$0x0], $0xffff  }
0x332: {  	v54 =	vsub.f32 v24, v52;
	v24 =	vsub.f32 v24, v40;
	v11 =	vld.idx.msk [tilespmem:v28+s14+$0x0], $0xffff;
	v28 =	vmul.f32 v32, v32  }
0x333: {  	v46 =	vld.idx.msk [tilespmem:v35+s17+$0x0], $0xffff;
	v57 =	vmul.f32 v17, v17;
	v17 =	vsub.f32 v22, v30;
	v15 =	vadd.f32 v15, v18  }
0x334: {  	v59 =	vmul.f32 v54, v54;
	v13 =	vadd.f32 v13, v19;
	v19 =	vld.idx.msk [tilespmem:v41+s17+$0x0], $0xffff;
	v12 =	vadd.f32 v27, v12  }
0x335: {  	v21 =	vmul.f32 v21, v21;
	v18 =	vsub.f32 v36, v34;
	v58 =	vld.idx.msk [tilespmem:v41+s15+$0x0], $0xffff;
	v17 =	vmul.f32 v17, v17  }
0x336: {  	v22 =	vld.idx.msk [tilespmem:v41+s14+$0x0], $0xffff;
	v15 =	vadd.f32 v38, v15;
	v12 =	vadd.f32 v25, v12;
	v25 =	vadd.s32 v7, v39  }
0x337: {  	v56 =	vld.idx.msk [tilespmem:v41+s16+$0x0], $0xffff;
	v13 =	vadd.f32 v16, v13;
	v18 =	vmul.f32 v18, v18;
	v45 =	vand.u32 $0x3F, v25  }
0x338: {  	v30 =	vld.idx.msk [tilespmem:v51+s15+$0x0], $0xffff;
	v14 =	vsub.f32 v60, v14;
	v28 =	vadd.f32 v28, v15;
	v15 =	vmul.f32 v24, v24  }
0x339: {  	v61 =	vld.idx.msk [tilespmem:v20+s15+$0x0], $0xffff;
	v24 =	vadd.s32 v5, v39;
	v23 =	vsub.f32 v11, v23;
	v42 =	vsub.f32 v11, v31  }
0x33a: {  	v44 =	vld.idx.msk [tilespmem:v20+s17+$0x0], $0xffff;
	v13 =	vadd.f32 v17, v13;
	v17 =	vadd.f32 v21, v12;
	v24 =	vand.u32 $0x3F, v24  }
0x33b: {  	v16 =	vld.idx.msk [tilespmem:v20+s14+$0x0], $0xffff;
	v25 =	vsub.f32 v22, v58;
	v19 =	vsub.f32 v22, v19;
	v43 =	vor.u32 v9, v24  }
0x33c: {  	v21 =	vld.idx.msk [tilespmem:v35+s16+$0x0], $0xffff;
	v12 =	vmul.f32 v23, v23;
	v23 =	vsub.f32 v22, v56;
	v26 =	vadd.f32 v26, v13  }
0x33d: {  	v24 =	vadd.s32 v6, v39;
	v13 =	vadd.f32 v18, v17;
	v17 =	vld.idx.msk [tilespmem:v35+s14+$0x0], $0xffff;
	v63 =	vadd.f32 v53, v28  }
0x33e: {  	v28 =	vld.idx.msk [tilespmem:v20+s16+$0x0], $0xffff;
	v20 =	vmul.f32 v14, v14;
	v62 =	vand.u32 $0x3F, v24;
	v24 =	vsub.f32 v60, v29  }
0x33f: {  	v18 =	vld.idx.msk [tilespmem:v35+s15+$0x0], $0xffff;
	v27 =	vadd.f32 v15, v13;
	v15 =	vsub.f32 v60, v30;
	v29 =	vor.u32 v9, v62  }
0x340: {  	v14 =	vadd.s32 $0x8, v39;
	v32 =	vmul.f32 v25, v25;
	v35 =	vmul.f32 v19, v19;
	v33 =	vld.idx.msk [tilespmem:v43+s17+$0x0], $0xffff  }
0x341: {  	v19 =	vmul.f32 v42, v42;
	v22 =	vsub.f32 v16, v61;
	v25 =	vmul.f32 v15, v15;
	v15 =	vld.idx.msk [tilespmem:v43+s14+$0x0], $0xffff  }
0x342: {  	v31 =	vmul.f32 v23, v23;
	v23 =	vsub.f32 v16, v44;
	v38 =	vadd.f32 v57, v26;
	v13 =	vld.idx.msk [tilespmem:v43+s15+$0x0], $0xffff  }
0x343: {  	v26 =	vor.u32 v9, v45;
	v39 =	vadd.f32 v59, v63;
	v24 =	vmul.f32 v24, v24;
	v36 =	vld.idx.msk [tilespmem:v43+s16+$0x0], $0xffff  }
0x344: {  	s21 =	simm.s32 $0x6;
	v22 =	vmul.f32 v22, v22;
	v30 =	vmul.f32 v23, v23;
	v34 =	vsub.f32 v17, v46;
	v23 =	vld.idx.msk [tilespmem:v29+s16+$0x0], $0xffff  }
.LBB2_12:
0x345: {  	v40 =	vadd.s32 v3, v14;
	p0 =	sne.s32 s21, $0x1;
	s21 =	sadd.s32 $0xFFFFFFFF, s21;
	v21 =	vsub.f32 v17, v21;
	v41 =	vld.idx.msk [tilespmem:v29+s15+$0x0], $0xffff;
	v27 =	vadd.f32 v31, v27  }
0x346: {  	v33 =	vsub.f32 v15, v33;
	v32 =	vadd.f32 v32, v38;
	v31 =	vand.u32 $0x3F, v40;
	v40 =	vld.idx.msk [tilespmem:v29+s14+$0x0], $0xffff  }
0x347: {  	v38 =	vadd.s32 v0, v14;
	v35 =	vadd.f32 v35, v39;
	v31 =	vor.u32 v9, v31;
	v29 =	vld.idx.msk [tilespmem:v29+s17+$0x0], $0xffff  }
0x348: {  	v34 =	vmul.f32 v34, v34;
	v37 =	vand.u32 $0x3F, v37;
	v38 =	vand.u32 $0x3F, v38;
	v39 =	vld.idx.msk [tilespmem:v26+s16+$0x0], $0xffff  }
0x349: {  	v38 =	vor.u32 v9, v38;
	v24 =	vadd.f32 v24, v35;
	v35 =	vsub.f32 v15, v36;
	v36 =	vld.idx.msk [tilespmem:v26+s17+$0x0], $0xffff  }
0x34a: {  	v16 =	vsub.f32 v16, v28;
	v25 =	vadd.f32 v25, v32;
	v32 =	vor.u32 v9, v37;
	v28 =	vld.idx.msk [tilespmem:v26+s14+$0x0], $0xffff  }
0x34b: {  	v42 =	vsub.f32 v11, v10;
	v17 =	vsub.f32 v17, v18;
	v37 =	vadd.s32 v2, v14;
	v18 =	vld.idx.msk [tilespmem:v26+s15+$0x0], $0xffff  }
0x34c: {  	v10 =	vand.u32 $0x3F, v37;
	v11 =	vadd.f32 v30, v24;
	v24 =	vsub.f32 v40, v41;
	v26 =	vld.idx.msk [tilespmem:v31+s15+$0x0], $0xffff  }
0x34d: {  	v22 =	vadd.f32 v22, v25;
	v30 =	vor.u32 v9, v10;
	v25 =	vsub.f32 v40, v29;
	v37 =	vld.idx.msk [tilespmem:v31+s17+$0x0], $0xffff  }
0x34e: {  	v23 =	vsub.f32 v40, v23;
	v19 =	vadd.f32 v19, v11;
	v24 =	vmul.f32 v24, v24;
	v10 =	vld.idx.msk [tilespmem:v31+s16+$0x0], $0xffff  }
0x34f: {  	v16 =	vmul.f32 v16, v16;
	v12 =	vadd.f32 v12, v22;
	v22 =	vmul.f32 v25, v25;
	v25 =	vld.idx.msk [tilespmem:v32+s17+$0x0], $0xffff  }
0x350: {  	v29 =	vmul.f32 v42, v42;
	v11 =	vld.idx.msk [tilespmem:v31+s14+$0x0], $0xffff;
	v31 =	vmul.f32 v33, v33;
	v33 =	vsub.f32 v28, v36  }
0x351: {  	v19 =	vadd.f32 v34, v19;
	v36 =	vadd.s32 v4, v14;
	v18 =	vsub.f32 v28, v18;
	v34 =	vld.idx.msk [tilespmem:v32+s16+$0x0], $0xffff  }
0x352: {  	v20 =	vadd.f32 v20, v27;
	v27 =	vsub.f32 v28, v39;
	v36 =	vand.u32 $0x3F, v36;
	v40 =	vld.idx.msk [tilespmem:v38+s17+$0x0], $0xffff  }
0x353: {  	v21 =	vmul.f32 v21, v21;
	v28 =	vor.u32 v9, v36;
	v39 =	vmul.f32 v18, v18;
	v18 =	vld.idx.msk [tilespmem:v32+s15+$0x0], $0xffff  }
0x354: {  	v16 =	vadd.f32 v16, v20;
	v20 =	vadd.f32 v31, v19;
	v19 =	vmul.f32 v27, v27;
	v36 =	vld.idx.msk [tilespmem:v38+s16+$0x0], $0xffff  }
0x355: {  	v13 =	vsub.f32 v15, v13;
	v17 =	vmul.f32 v17, v17;
	v41 =	vmul.f32 v33, v33;
	v15 =	vld.idx.msk [tilespmem:v32+s14+$0x0], $0xffff  }
0x356: {  	v16 =	vadd.f32 v29, v16;
	v29 =	vmul.f32 v35, v35;
	v27 =	vadd.s32 v5, v14;
	v31 =	vld.idx.msk [tilespmem:v38+s15+$0x0], $0xffff  }
0x357: {  	v13 =	vmul.f32 v13, v13;
	v23 =	vmul.f32 v23, v23;
	v27 =	vand.u32 $0x3F, v27;
	v32 =	vld.idx.msk [tilespmem:v38+s14+$0x0], $0xffff  }
0x358: {  	v12 =	vadd.f32 v17, v12;
	v17 =	vadd.f32 v21, v16;
	v38 =	vor.u32 v9, v27;
	v35 =	vld.idx.msk [tilespmem:v30+s15+$0x0], $0xffff  }
0x359: {  	v21 =	vsub.f32 v11, v26;
	v26 =	vsub.f32 v11, v37;
	v42 =	vld.idx.msk [tilespmem:v30+s17+$0x0], $0xffff  }
0x35a: {  	v13 =	vadd.f32 v13, v12;
	v29 =	vadd.f32 v29, v17;
	v27 =	vadd.s32 v6, v14;
	v16 =	vld.idx.msk [tilespmem:v30+s14+$0x0], $0xffff  }
0x35b: {  	v33 =	vadd.s32 v7, v14;
	v12 =	vmul.f32 v21, v21;
	v34 =	vsub.f32 v15, v34;
	v21 =	vld.idx.msk [tilespmem:v28+s16+$0x0], $0xffff  }
0x35c: {  	v44 =	vadd.f32 v24, v13;
	v43 =	vand.u32 $0x3F, v33;
	v13 =	vadd.f32 v23, v29;
	v17 =	vld.idx.msk [tilespmem:v28+s14+$0x0], $0xffff  }
0x35d: {  	v29 =	vand.u32 $0x3F, v27;
	v23 =	vsub.f32 v32, v36;
	v36 =	vsub.f32 v15, v18;
	v45 =	vld.idx.msk [tilespmem:v28+s17+$0x0], $0xffff  }
0x35e: {  	v27 =	vadd.f32 v19, v13;
	v24 =	vsub.f32 v32, v40;
	v18 =	vld.idx.msk [tilespmem:v28+s15+$0x0], $0xffff  }
0x35f: {  	v19 =	vsub.f32 v32, v31;
	v31 =	vmul.f32 v34, v34;
	v28 =	vsub.f32 v15, v25;
	v13 =	vld.idx.msk [tilespmem:v38+s15+$0x0], $0xffff  }
0x360: {  	v29 =	vor.u32 v9, v29;
	v24 =	vmul.f32 v24, v24;
	v32 =	vmul.f32 v36, v36;
	v33 =	vld.idx.msk [tilespmem:v38+s17+$0x0], $0xffff  }
.Ltmp4:
0x361: {  	v25 =	vmul.f32 v19, v19;
	v34 =	vsub.f32 v16, v35;
	v35 =	vmul.f32 v28, v28;
	v15 =	vld.idx.msk [tilespmem:v38+s14+$0x0], $0xffff;
	(pc) =	sbr.rel @p0 .LBB2_12-.Ltmp4, $4  }
0x362: {  	v40 =	vadd.f32 v22, v20;
	v19 =	vmul.f32 v26, v26;
	v28 =	vld.idx.msk [tilespmem:v30+s16+$0x0], $0xffff;
	v30 =	vsub.f32 v16, v42  }
0x363: {  	v37 =	vadd.s32 v8, v14;
	v22 =	vmul.f32 v34, v34;
	v36 =	vld.idx.msk [tilespmem:v38+s16+$0x0], $0xffff;
	v38 =	vadd.f32 v39, v44  }
0x364: {  	v20 =	vmul.f32 v23, v23;
	v26 =	vor.u32 v9, v43;
	v34 =	vsub.f32 v17, v45  }
0x365: {  	v14 =	vadd.s32 $0x8, v14;
	v39 =	vadd.f32 v41, v40;
	v30 =	vmul.f32 v30, v30;
	v23 =	vld.idx.msk [tilespmem:v29+s16+$0x0], $0xffff  }
0x366: {  	_ =	sdelay $0x3  }
0x367: {  	v14 =	vsub.f32 v17, v21;
	v58 =	vld.idx.msk [tilespmem:v29+s15+$0x0], $0xffff;
	v27 =	vadd.f32 v31, v27  }
0x368: {  	v33 =	vsub.f32 v15, v33;
	v60 =	vld.idx.msk [tilespmem:v29+s14+$0x0], $0xffff;
	v32 =	vadd.f32 v32, v38  }
0x369: {  	v61 =	vld.idx.msk [tilespmem:v29+s17+$0x0], $0xffff;
	v10 =	vsub.f32 v11, v10;
	v11 =	vsub.f32 v17, v18  }
0x36a: {  	v63 =	vand.u32 $0x3F, v37;
	v41 =	vld.idx.msk [tilespmem:v26+s14+$0x0], $0xffff;
	v13 =	vsub.f32 v15, v13;
	v59 =	vadd.f32 v35, v39  }
0x36b: {  	v44 =	vld.idx.msk [tilespmem:v26+s16+$0x0], $0xffff;
	v16 =	vsub.f32 v16, v28;
	v9 =	vor.u32 v9, v63;
	v25 =	vadd.f32 v25, v32  }
0x36c: {  	v43 =	vmul.f32 v34, v34;
	v46 =	vld.idx.msk [tilespmem:v26+s15+$0x0], $0xffff;
	v62 =	vsub.f32 v15, v36;
	v24 =	vadd.f32 v24, v59  }
0x36d: {  	v20 =	vadd.f32 v20, v27;
	v16 =	vmul.f32 v16, v16;
	v22 =	vadd.f32 v22, v25  }
0x36e: {  	v39 =	vld.idx.msk [tilespmem:v26+s17+$0x0], $0xffff;
	v10 =	vmul.f32 v10, v10;
	v40 =	vadd.f32 v30, v24;
	v21 =	vsub.f32 v60, v58  }
0x36f: {  	v14 =	vmul.f32 v14, v14;
	v42 =	vsub.f32 v60, v61;
	v16 =	vadd.f32 v16, v20  }
0x370: {  	v47 =	vmul.f32 v33, v33;
	v45 =	vsub.f32 v60, v23;
	v54 =	vsub.f32 v41, v44;
	v48 =	vld.idx.msk [tilespmem:v9+s16+$0x0], $0xffff  }
0x371: {  	v11 =	vmul.f32 v11, v11;
	v56 =	vsub.f32 v41, v46;
	v12 =	vadd.f32 v12, v22;
	v50 =	vld.idx.msk [tilespmem:v9+s14+$0x0], $0xffff  }
0x372: {  	v13 =	vmul.f32 v13, v13;
	v53 =	vld.idx.msk [tilespmem:v9+s15+$0x0], $0xffff;
	v18 =	vadd.f32 v19, v40;
	v10 =	vadd.f32 v10, v16  }
0x373: {  	v51 =	vmul.f32 v62, v62;
	v49 =	vsub.f32 v41, v39;
	v11 =	vadd.f32 v11, v12  }
0x374: {  	v9 =	vld.idx.msk [tilespmem:v9+s17+$0x0], $0xffff;
	v19 =	vmul.f32 v45, v45;
	v10 =	vadd.f32 v14, v10;
	v52 =	vadd.f32 v43, v18  }
0x375: {  	v55 =	vmul.f32 v21, v21;
	v58 =	vmul.f32 v42, v42;
	v11 =	vadd.f32 v13, v11  }
0x376: {  	v60 =	vmul.f32 v56, v56;
	v10 =	vadd.f32 v51, v10;
	v57 =	vadd.f32 v47, v52  }
0x377: {  	v12 =	vmul.f32 v54, v54;
	v59 =	vsub.f32 v50, v48;
	v18 =	vsub.f32 v50, v53  }
0x378: {  	v61 =	vmul.f32 v49, v49;
	v11 =	vadd.f32 v55, v11;
	v10 =	vadd.f32 v19, v10  }
0x379: {  	v9 =	vsub.f32 v50, v9;
	v13 =	vadd.f32 v58, v57;
	v62 =	vmul.f32 v59, v59  }
0x37a: {  	v63 =	vmul.f32 v18, v18;
	v11 =	vadd.f32 v60, v11;
	v10 =	vadd.f32 v12, v10  }
0x37b: {  	s19 =	sadd.s32 $0x1, s19;
	v9 =	vmul.f32 v9, v9;
	v12 =	vadd.f32 v61, v13  }
0x37c: {  	p0 =	sne.s32 s19, $0x8;
	v11 =	vadd.f32 v63, v11;
	v10 =	vadd.f32 v62, v10  }
.Ltmp5:
0x37d: {  	v9 =	vadd.f32 v9, v12;
	(pc) =	sbr.rel @p0 .LBB2_11-.Ltmp5, $4  }
0x37e: {  	v11 =	vsub.f32 v11, v10  }
0x37f: {  	v9 =	vsub.f32 v10, v9  }
0x380: {  	[tilespmem:s20+$0xC400] =	vst v11  }
0x381: {  	[tilespmem:s20+$0xC480] =	vst v9  }
0x382: {  	s20 =	sshrl.u32 s18, $0x3  }
0x383: {  	s19 =	simm.s32 $0x0;
	s0 =	simm.s32 $0xC400;
	s21 =	sadd.s32 s6, s20  }
0x384: {  	[hbm4b:s21+s19] =	stream.linear.scatter [tilespmem:s0], [sflag:$0x4], $0x80, $0x38;
	[tilespmem:$0x14A00] =	vst v63  }
0x385: {  	s20 =	sadd.s32 s7, s20;
	s21 =	simm.s32 $0xC480;
	s0 =	sshll.u32 s29, $0x1  }
0x386: {  	[hbm4b:s20+s19] =	stream.linear.scatter [tilespmem:s21], [sflag:$0x4], $0x80, $0x38;
	[tilespmem:$0x14A00] =	vst v63  }
0x387: {  	s1 =	sshrl.u32 s18, $0x1;
	s3 =	simm.s32 $0xC200;
	s20 =	smin.u32 s0, $0xC  }
0x388: {  	s18 =	sadd.s32 s8, s1;
	s0 =	rddreg [dreg:$0x17];
	s21 =	sshll.u32 s20, $0x7  }
0x389: {  	[hbm4b:s18+s19] =	stream.linear.scatter [tilespmem:s3], [sflag:$0x4], $0x200, $0x38;
	[tilespmem:$0x14A00] =	vst v63  }
0x38a: {  	s18 =	sadd.s32 s21, s0  }
0x38b: {  	s18 =	sshrl.u32 s18, $0x3  }
0x38c: {  	s0 =	simm.s32 $0x4000;
	s18 =	sadd.s32 s5, s18  }
0x38d: {  	[tilespmem:s0], [sflag:$0x1] =	stream.linear.gather [hbm4b:s18+s19], $0x80, $0x38;
	[tilespmem:$0x14A00] =	vst v63  }
0x38e: {  	s3 =	simm.s32 $0x4080;
	s1 =	sadd.s32 $0x2000, s18  }
0x38f: {  	[tilespmem:s3], [sflag:$0x1] =	stream.linear.gather [hbm4b:s1+s19], $0x80, $0x38;
	[tilespmem:$0x14A00] =	vst v63  }
0x390: {  	s21 =	sadd.s32 $0x4000, s18;
	s1 =	simm.s32 $0x4100  }
0x391: {  	[tilespmem:s1], [sflag:$0x1] =	stream.linear.gather [hbm4b:s21+s19], $0x80, $0x38;
	[tilespmem:$0x14A00] =	vst v63  }
0x392: {  	s18 =	sadd.s32 $0x6000, s18  }
0x393: {  	[tilespmem:s11], [sflag:$0x1] =	stream.linear.gather [hbm4b:s18+s19], $0x80, $0x38;
	[tilespmem:$0x14A00] =	vst v63  }
0x394: {  	_ =	swait.ge [sflag:s12], $0x80  }
0x395: {  	[sflag:s12] =	ssyncset.done $0x0  }
0x396: {  	[sflag:s12] =	ssyncadd.s32 $0xFFFFFF80  }
0x397: {  	_ =	swait.ge [sflag:s12], $0x80  }
0x398: {  	[sflag:s12] =	ssyncset.done $0x0  }
0x399: {  	[sflag:s12] =	ssyncadd.s32 $0xFFFFFF80  }
0x39a: {  	_ =	swait.ge [sflag:s12], $0x80  }
0x39b: {  	[sflag:s12] =	ssyncset.done $0x0  }
0x39c: {  	[sflag:s12] =	ssyncadd.s32 $0xFFFFFF80  }
0x39d: {  	_ =	swait.ge [sflag:s12], $0x80  }
0x39e: {  	[sflag:s12] =	ssyncset.done $0x0  }
0x39f: {  	[sflag:s12] =	ssyncadd.s32 $0xFFFFFF80  }
0x3a0: {  	_ =	swait.ge [sflag:s31], $0x200  }
0x3a1: {  	[sflag:s31] =	ssyncset.done $0x0  }
0x3a2: {  	[sflag:s31] =	ssyncadd.s32 $0xFFFFFE00  }
0x3a3: {  	v9 =	vld [tilespmem:$0x4100]  }
0x3a4: {  	v10 =	vld [tilespmem:$0x4000]  }
0x3a5: {  	v11 =	vld [tilespmem:$0x4180];
	_ =	sdelay $0x5  }
0x3a6: {  	v12 =	vld.idx.msk [tilespmem:v9+s19+$0x0], $0xffff  }
0x3a7: {  	v13 =	vld.idx.msk [tilespmem:v10+s19+$0x0], $0xffff  }
0x3a8: {  	v14 =	vld.idx.msk [tilespmem:v11+s19+$0x0], $0xffff  }
0x3a9: {  	v15 =	vld [tilespmem:$0x4110]  }
0x3aa: {  	v16 =	vld [tilespmem:$0x4010]  }
0x3ab: {  	v17 =	vld [tilespmem:$0x4190];
	v12 =	vshll.u32 v12, $0xE  }
0x3ac: {  	v13 =	vshll.u32 v13, $0xE;
	v12 =	vadd.s32 v10, v12  }
0x3ad: {  	v45 =	vshll.u32 v14, $0xE;
	v9 =	vadd.s32 v9, v13;
	[tilespmem:$0xC200] =	vst v12  }
0x3ae: {  	[tilespmem:$0xC280] =	vst v9;
	v9 =	vadd.s32 v10, v45  }
0x3af: {  	[tilespmem:$0xC300] =	vst v9;
	v9 =	vadd.s32 v11, v13  }
0x3b0: {  	[tilespmem:$0xC380] =	vst v9  }
0x3b1: {  	v9 =	vld.idx.msk [tilespmem:v15+s19+$0x0], $0xffff  }
0x3b2: {  	v10 =	vld.idx.msk [tilespmem:v16+s19+$0x0], $0xffff  }
0x3b3: {  	v11 =	vld.idx.msk [tilespmem:v17+s19+$0x0], $0xffff  }
0x3b4: {  	v46 =	vld [tilespmem:$0x4120]  }
0x3b5: {  	v47 =	vld [tilespmem:$0x4020]  }
0x3b6: {  	v48 =	vld [tilespmem:$0x41A0];
	v9 =	vshll.u32 v9, $0xE  }
0x3b7: {  	v10 =	vshll.u32 v10, $0xE;
	v9 =	vadd.s32 v16, v9  }
0x3b8: {  	v11 =	vshll.u32 v11, $0xE;
	[tilespmem:$0xC210] =	vst v9;
	v9 =	vadd.s32 v15, v10  }
0x3b9: {  	[tilespmem:$0xC290] =	vst v9;
	v9 =	vadd.s32 v16, v11  }
0x3ba: {  	[tilespmem:$0xC310] =	vst v9;
	v9 =	vadd.s32 v17, v10  }
0x3bb: {  	[tilespmem:$0xC390] =	vst v9  }
0x3bc: {  	v9 =	vld.idx.msk [tilespmem:v46+s19+$0x0], $0xffff  }
0x3bd: {  	v10 =	vld.idx.msk [tilespmem:v47+s19+$0x0], $0xffff  }
0x3be: {  	v11 =	vld.idx.msk [tilespmem:v48+s19+$0x0], $0xffff  }
0x3bf: {  	v49 =	vld [tilespmem:$0x4130]  }
0x3c0: {  	v50 =	vld [tilespmem:$0x4030]  }
0x3c1: {  	v51 =	vld [tilespmem:$0x41B0];
	v9 =	vshll.u32 v9, $0xE  }
0x3c2: {  	v10 =	vshll.u32 v10, $0xE;
	v9 =	vadd.s32 v47, v9  }
0x3c3: {  	v11 =	vshll.u32 v11, $0xE;
	[tilespmem:$0xC220] =	vst v9;
	v9 =	vadd.s32 v46, v10  }
0x3c4: {  	[tilespmem:$0xC2A0] =	vst v9;
	v9 =	vadd.s32 v47, v11  }
0x3c5: {  	[tilespmem:$0xC320] =	vst v9;
	v9 =	vadd.s32 v48, v10  }
0x3c6: {  	[tilespmem:$0xC3A0] =	vst v9  }
0x3c7: {  	v9 =	vld.idx.msk [tilespmem:v49+s19+$0x0], $0xffff  }
0x3c8: {  	v10 =	vld.idx.msk [tilespmem:v50+s19+$0x0], $0xffff  }
0x3c9: {  	v11 =	vld.idx.msk [tilespmem:v51+s19+$0x0], $0xffff  }
0x3ca: {  	v52 =	vld [tilespmem:$0x4140]  }
0x3cb: {  	v53 =	vld [tilespmem:$0x4040]  }
0x3cc: {  	v54 =	vld [tilespmem:$0x41C0];
	v9 =	vshll.u32 v9, $0xE  }
0x3cd: {  	v10 =	vshll.u32 v10, $0xE;
	v9 =	vadd.s32 v50, v9  }
0x3ce: {  	v11 =	vshll.u32 v11, $0xE;
	[tilespmem:$0xC230] =	vst v9;
	v9 =	vadd.s32 v49, v10  }
0x3cf: {  	[tilespmem:$0xC2B0] =	vst v9;
	v9 =	vadd.s32 v50, v11  }
0x3d0: {  	[tilespmem:$0xC330] =	vst v9;
	v9 =	vadd.s32 v51, v10  }
0x3d1: {  	[tilespmem:$0xC3B0] =	vst v9  }
0x3d2: {  	v9 =	vld.idx.msk [tilespmem:v52+s19+$0x0], $0xffff  }
0x3d3: {  	v10 =	vld.idx.msk [tilespmem:v53+s19+$0x0], $0xffff  }
0x3d4: {  	v11 =	vld.idx.msk [tilespmem:v54+s19+$0x0], $0xffff  }
0x3d5: {  	v55 =	vld [tilespmem:$0x4150]  }
0x3d6: {  	v56 =	vld [tilespmem:$0x4050]  }
0x3d7: {  	v57 =	vld [tilespmem:$0x41D0];
	v9 =	vshll.u32 v9, $0xE  }
0x3d8: {  	v10 =	vshll.u32 v10, $0xE;
	v9 =	vadd.s32 v53, v9  }
0x3d9: {  	v11 =	vshll.u32 v11, $0xE;
	[tilespmem:$0xC240] =	vst v9;
	v9 =	vadd.s32 v52, v10  }
0x3da: {  	[tilespmem:$0xC2C0] =	vst v9;
	v9 =	vadd.s32 v53, v11  }
0x3db: {  	[tilespmem:$0xC340] =	vst v9;
	v9 =	vadd.s32 v54, v10  }
0x3dc: {  	[tilespmem:$0xC3C0] =	vst v9  }
0x3dd: {  	v9 =	vld.idx.msk [tilespmem:v55+s19+$0x0], $0xffff  }
0x3de: {  	v10 =	vld.idx.msk [tilespmem:v56+s19+$0x0], $0xffff  }
0x3df: {  	v11 =	vld.idx.msk [tilespmem:v57+s19+$0x0], $0xffff  }
0x3e0: {  	v58 =	vld [tilespmem:$0x4160]  }
0x3e1: {  	v59 =	vld [tilespmem:$0x4060]  }
0x3e2: {  	v60 =	vld [tilespmem:$0x41E0];
	v9 =	vshll.u32 v9, $0xE  }
0x3e3: {  	v10 =	vshll.u32 v10, $0xE;
	v9 =	vadd.s32 v56, v9  }
0x3e4: {  	v11 =	vshll.u32 v11, $0xE;
	[tilespmem:$0xC250] =	vst v9;
	v9 =	vadd.s32 v55, v10  }
0x3e5: {  	[tilespmem:$0xC2D0] =	vst v9;
	v9 =	vadd.s32 v56, v11  }
0x3e6: {  	[tilespmem:$0xC350] =	vst v9;
	v9 =	vadd.s32 v57, v10  }
0x3e7: {  	[tilespmem:$0xC3D0] =	vst v9  }
0x3e8: {  	v9 =	vld.idx.msk [tilespmem:v58+s19+$0x0], $0xffff  }
0x3e9: {  	v10 =	vld.idx.msk [tilespmem:v59+s19+$0x0], $0xffff  }
0x3ea: {  	v11 =	vld.idx.msk [tilespmem:v60+s19+$0x0], $0xffff  }
0x3eb: {  	v61 =	vld [tilespmem:$0x4170]  }
0x3ec: {  	v62 =	vld [tilespmem:$0x4070]  }
0x3ed: {  	v63 =	vld [tilespmem:$0x41F0];
	v9 =	vshll.u32 v9, $0xE  }
0x3ee: {  	v10 =	vshll.u32 v10, $0xE;
	v9 =	vadd.s32 v59, v9  }
0x3ef: {  	v11 =	vshll.u32 v11, $0xE;
	[tilespmem:$0xC260] =	vst v9;
	v9 =	vadd.s32 v58, v10  }
0x3f0: {  	[tilespmem:$0xC2E0] =	vst v9;
	v9 =	vadd.s32 v59, v11  }
0x3f1: {  	[tilespmem:$0xC360] =	vst v9;
	v9 =	vadd.s32 v60, v10  }
0x3f2: {  	[tilespmem:$0xC3E0] =	vst v9  }
0x3f3: {  	v9 =	vld.idx.msk [tilespmem:v61+s19+$0x0], $0xffff  }
0x3f4: {  	v10 =	vld.idx.msk [tilespmem:v62+s19+$0x0], $0xffff  }
0x3f5: {  	v11 =	vld.idx.msk [tilespmem:v63+s19+$0x0], $0xffff;
	_ =	sdelay $0x2  }
0x3f6: {  	v9 =	vshll.u32 v9, $0xE  }
0x3f7: {  	v10 =	vshll.u32 v10, $0xE;
	v9 =	vadd.s32 v62, v9  }
0x3f8: {  	v11 =	vshll.u32 v11, $0xE;
	[tilespmem:$0xC270] =	vst v9;
	v9 =	vadd.s32 v61, v10  }
0x3f9: {  	[tilespmem:$0xC2F0] =	vst v9;
	v9 =	vadd.s32 v62, v11  }
0x3fa: {  	[tilespmem:$0xC370] =	vst v9;
	v9 =	vadd.s32 v63, v10  }
0x3fb: {  	[tilespmem:$0xC3F0] =	vst v9  }
0x3fc: {  	[tilespmem:s14], [sflag:$0x2] =	stream.indirect.gather [hbm4b:s4+s13], $0x40, s0, s13, $0xb8;
	[tilespmem:$0x14A00] =	vst v63  }
0x3fd: {  	_ = 	snop  }
0x3fe: {  	[tilespmem:s15], [sflag:$0x2] =	stream.indirect.gather [hbm4b:s4+s13], $0x40, s3, s13, $0xb8;
	[tilespmem:$0x14A00] =	vst v63  }
0x3ff: {  	_ = 	snop  }
0x400: {  	[tilespmem:s16], [sflag:$0x2] =	stream.indirect.gather [hbm4b:s4+s13], $0x40, s1, s13, $0xb8;
	[tilespmem:$0x14A00] =	vst v63  }
0x401: {  	_ = 	snop  }
0x402: {  	[tilespmem:s17], [sflag:$0x2] =	stream.indirect.gather [hbm4b:s4+s13], $0x40, s11, s13, $0xb8;
	[tilespmem:$0x14A00] =	vst v63  }
0x403: {  	_ =	swait.ge [sflag:s28], $0x2000  }
0x404: {  	[sflag:s28] =	ssyncset.done $0x0  }
0x405: {  	[sflag:s28] =	ssyncadd.s32 $0xFFFFE000  }
0x406: {  	_ =	swait.ge [sflag:s28], $0x2000  }
0x407: {  	[sflag:s28] =	ssyncset.done $0x0  }
0x408: {  	[sflag:s28] =	ssyncadd.s32 $0xFFFFE000  }
0x409: {  	_ =	swait.ge [sflag:s28], $0x2000  }
0x40a: {  	[sflag:s28] =	ssyncset.done $0x0  }
0x40b: {  	[sflag:s28] =	ssyncadd.s32 $0xFFFFE000  }
0x40c: {  	_ =	swait.ge [sflag:s28], $0x2000  }
0x40d: {  	[sflag:s28] =	ssyncset.done $0x0  }
0x40e: {  	[sflag:s28] =	ssyncadd.s32 $0xFFFFE000  }
0x40f: {  	_ =	swait.ge [sflag:s10], $0x80  }
0x410: {  	[sflag:s10] =	ssyncset.done $0x0  }
0x411: {  	[sflag:s10] =	ssyncadd.s32 $0xFFFFFF80  }
0x412: {  	_ =	swait.ge [sflag:s10], $0x80  }
0x413: {  	[sflag:s10] =	ssyncset.done $0x0  }
0x414: {  	[sflag:s10] =	ssyncadd.s32 $0xFFFFFF80  }
.LBB2_15:
0x415: {  	s18 =	sshll.u32 s19, $0x4  }
0x416: {  	v10 =	vimm.s32 $0x0;
	v9 =	vmov s18  }
0x417: {  	v11 =	vadd.s32 v3, v10;
	v9 =	vshll.u32 v9, $0x6  }
0x418: {  	v11 =	vand.u32 $0x3F, v11;
	v9 =	vor.u32 v1, v9  }
0x419: {  	v11 =	vor.u32 v9, v11;
	_ =	sdelay $0x1  }
0x41a: {  	v12 =	vadd.s32 v0, v10  }
0x41b: {  	v12 =	vand.u32 $0x3F, v12  }
0x41c: {  	v12 =	vor.u32 v9, v12  }
0x41d: {  	v13 =	vld.idx.msk [tilespmem:v11+s23+$0x0], $0xffff  }
0x41e: {  	v14 =	vadd.s32 v2, v10;
	v15 =	vld.idx.msk [tilespmem:v11+s25+$0x0], $0xffff  }
0x41f: {  	v14 =	vand.u32 $0x3F, v14;
	v16 =	vld.idx.msk [tilespmem:v11+s24+$0x0], $0xffff  }
0x420: {  	v14 =	vor.u32 v9, v14;
	v11 =	vld.idx.msk [tilespmem:v11+s22+$0x0], $0xffff  }
0x421: {  	v17 =	vadd.s32 v4, v10;
	v18 =	vld.idx.msk [tilespmem:v12+s25+$0x0], $0xffff  }
0x422: {  	v17 =	vand.u32 $0x3F, v17;
	v19 =	vld.idx.msk [tilespmem:v12+s24+$0x0], $0xffff  }
0x423: {  	v17 =	vor.u32 v9, v17;
	v20 =	vld.idx.msk [tilespmem:v12+s23+$0x0], $0xffff  }
0x424: {  	v12 =	vld.idx.msk [tilespmem:v12+s22+$0x0], $0xffff  }
0x425: {  	v22 =	vld.idx.msk [tilespmem:v14+s23+$0x0], $0xffff  }
0x426: {  	v27 =	vadd.s32 v6, v10;
	v23 =	vld.idx.msk [tilespmem:v14+s25+$0x0], $0xffff  }
0x427: {  	v27 =	vand.u32 $0x3F, v27;
	v24 =	vld.idx.msk [tilespmem:v14+s22+$0x0], $0xffff  }
0x428: {  	v27 =	vor.u32 v9, v27;
	v25 =	vld.idx.msk [tilespmem:v17+s24+$0x0], $0xffff  }
0x429: {  	v26 =	vld.idx.msk [tilespmem:v17+s22+$0x0], $0xffff  }
0x42a: {  	v28 =	vld.idx.msk [tilespmem:v17+s25+$0x0], $0xffff  }
0x42b: {  	v21 =	vadd.s32 v5, v10;
	v17 =	vld.idx.msk [tilespmem:v17+s23+$0x0], $0xffff  }
0x42c: {  	v29 =	vimm.f32 $0.0e+00;
	v31 =	vadd.s32 v7, v10;
	v21 =	vand.u32 $0x3F, v21;
	v14 =	vld.idx.msk [tilespmem:v14+s24+$0x0], $0xffff  }
0x42d: {  	v33 =	vadd.s32 v8, v10;
	v39 =	vadd.s32 $0x8, v10;
	v21 =	vor.u32 v9, v21;
	v34 =	vld.idx.msk [tilespmem:v27+s24+$0x0], $0xffff  }
0x42e: {  	v31 =	vand.u32 $0x3F, v31;
	v37 =	vadd.s32 v0, v39;
	v35 =	vld.idx.msk [tilespmem:v27+s23+$0x0], $0xffff;
	v13 =	vsub.f32 v11, v13  }
0x42f: {  	v31 =	vor.u32 v9, v31;
	v36 =	vld.idx.msk [tilespmem:v27+s22+$0x0], $0xffff;
	v15 =	vsub.f32 v11, v15;
	v18 =	vsub.f32 v12, v18  }
0x430: {  	v37 =	vand.u32 $0x3F, v37;
	v27 =	vld.idx.msk [tilespmem:v27+s25+$0x0], $0xffff;
	v20 =	vsub.f32 v12, v20;
	v12 =	vsub.f32 v12, v19  }
0x431: {  	v51 =	vor.u32 v9, v37;
	v19 =	vsub.f32 v24, v22;
	v23 =	vsub.f32 v24, v23  }
0x432: {  	v55 =	vadd.s32 v4, v39;
	v30 =	vld.idx.msk [tilespmem:v21+s23+$0x0], $0xffff;
	v10 =	vsub.f32 v26, v28;
	v25 =	vsub.f32 v26, v25  }
0x433: {  	v37 =	vadd.s32 v8, v39;
	v32 =	vld.idx.msk [tilespmem:v21+s25+$0x0], $0xffff;
	v14 =	vsub.f32 v24, v14;
	v11 =	vsub.f32 v11, v16  }
0x434: {  	v40 =	vld.idx.msk [tilespmem:v31+s24+$0x0], $0xffff;
	v28 =	vadd.s32 v3, v39;
	v16 =	vsub.f32 v26, v17;
	v26 =	vsub.f32 v36, v35  }
0x435: {  	v52 =	vld.idx.msk [tilespmem:v31+s25+$0x0], $0xffff;
	v27 =	vsub.f32 v36, v27;
	v35 =	vand.u32 $0x3F, v55;
	v13 =	vmul.f32 v13, v13  }
0x436: {  	v60 =	vld.idx.msk [tilespmem:v51+s22+$0x0], $0xffff;
	v28 =	vand.u32 $0x3F, v28;
	v18 =	vmul.f32 v18, v18;
	v20 =	vmul.f32 v20, v20  }
0x437: {  	v22 =	vld.idx.msk [tilespmem:v21+s22+$0x0], $0xffff;
	v35 =	vor.u32 v9, v35;
	v15 =	vmul.f32 v15, v15;
	v19 =	vmul.f32 v19, v19  }
0x438: {  	v21 =	vld.idx.msk [tilespmem:v21+s24+$0x0], $0xffff;
	v12 =	vmul.f32 v12, v12;
	v23 =	vmul.f32 v23, v23;
	v28 =	vor.u32 v9, v28  }
0x439: {  	v24 =	vld.idx.msk [tilespmem:v31+s22+$0x0], $0xffff;
	v38 =	vmul.f32 v10, v10;
	v10 =	vand.u32 $0x3F, v33;
	v26 =	vmul.f32 v26, v26  }
0x43a: {  	v17 =	vld.idx.msk [tilespmem:v31+s23+$0x0], $0xffff;
	v14 =	vmul.f32 v14, v14;
	v53 =	vmul.f32 v27, v27;
	v12 =	vadd.f32 v12, v29  }
0x43b: {  	v27 =	vmul.f32 v11, v11;
	v18 =	vadd.f32 v18, v29;
	v20 =	vadd.f32 v20, v29;
	v29 =	vld.idx.msk [tilespmem:v51+s25+$0x0], $0xffff  }
0x43c: {  	v25 =	vmul.f32 v25, v25;
	v16 =	vmul.f32 v16, v16;
	v12 =	vadd.f32 v14, v12;
	v14 =	vld.idx.msk [tilespmem:v51+s24+$0x0], $0xffff  }
0x43d: {  	v41 =	vor.u32 v9, v10;
	v10 =	vadd.s32 v2, v39;
	v18 =	vadd.f32 v23, v18;
	v23 =	vld.idx.msk [tilespmem:v28+s23+$0x0], $0xffff  }
0x43e: {  	v10 =	vand.u32 $0x3F, v10;
	v32 =	vsub.f32 v22, v32;
	v21 =	vsub.f32 v22, v21;
	v31 =	vld.idx.msk [tilespmem:v28+s25+$0x0], $0xffff  }
0x43f: {  	v17 =	vsub.f32 v24, v17;
	v19 =	vadd.f32 v19, v20;
	v20 =	vor.u32 v9, v10;
	v10 =	vld.idx.msk [tilespmem:v28+s24+$0x0], $0xffff  }
0x440: {  	v54 =	vsub.f32 v24, v52;
	v24 =	vsub.f32 v24, v40;
	v11 =	vld.idx.msk [tilespmem:v28+s22+$0x0], $0xffff;
	v28 =	vmul.f32 v32, v32  }
0x441: {  	v46 =	vld.idx.msk [tilespmem:v35+s25+$0x0], $0xffff;
	v57 =	vmul.f32 v17, v17;
	v17 =	vsub.f32 v22, v30;
	v15 =	vadd.f32 v15, v18  }
0x442: {  	v59 =	vmul.f32 v54, v54;
	v13 =	vadd.f32 v13, v19;
	v19 =	vld.idx.msk [tilespmem:v41+s25+$0x0], $0xffff;
	v12 =	vadd.f32 v27, v12  }
0x443: {  	v21 =	vmul.f32 v21, v21;
	v18 =	vsub.f32 v36, v34;
	v58 =	vld.idx.msk [tilespmem:v41+s23+$0x0], $0xffff;
	v17 =	vmul.f32 v17, v17  }
0x444: {  	v22 =	vld.idx.msk [tilespmem:v41+s22+$0x0], $0xffff;
	v15 =	vadd.f32 v38, v15;
	v12 =	vadd.f32 v25, v12;
	v25 =	vadd.s32 v7, v39  }
0x445: {  	v56 =	vld.idx.msk [tilespmem:v41+s24+$0x0], $0xffff;
	v13 =	vadd.f32 v16, v13;
	v18 =	vmul.f32 v18, v18;
	v45 =	vand.u32 $0x3F, v25  }
0x446: {  	v30 =	vld.idx.msk [tilespmem:v51+s23+$0x0], $0xffff;
	v14 =	vsub.f32 v60, v14;
	v28 =	vadd.f32 v28, v15;
	v15 =	vmul.f32 v24, v24  }
0x447: {  	v61 =	vld.idx.msk [tilespmem:v20+s23+$0x0], $0xffff;
	v24 =	vadd.s32 v5, v39;
	v23 =	vsub.f32 v11, v23;
	v42 =	vsub.f32 v11, v31  }
0x448: {  	v44 =	vld.idx.msk [tilespmem:v20+s25+$0x0], $0xffff;
	v13 =	vadd.f32 v17, v13;
	v17 =	vadd.f32 v21, v12;
	v24 =	vand.u32 $0x3F, v24  }
0x449: {  	v16 =	vld.idx.msk [tilespmem:v20+s22+$0x0], $0xffff;
	v25 =	vsub.f32 v22, v58;
	v19 =	vsub.f32 v22, v19;
	v43 =	vor.u32 v9, v24  }
0x44a: {  	v21 =	vld.idx.msk [tilespmem:v35+s24+$0x0], $0xffff;
	v12 =	vmul.f32 v23, v23;
	v23 =	vsub.f32 v22, v56;
	v26 =	vadd.f32 v26, v13  }
0x44b: {  	v24 =	vadd.s32 v6, v39;
	v13 =	vadd.f32 v18, v17;
	v17 =	vld.idx.msk [tilespmem:v35+s22+$0x0], $0xffff;
	v63 =	vadd.f32 v53, v28  }
0x44c: {  	v28 =	vld.idx.msk [tilespmem:v20+s24+$0x0], $0xffff;
	v20 =	vmul.f32 v14, v14;
	v62 =	vand.u32 $0x3F, v24;
	v24 =	vsub.f32 v60, v29  }
0x44d: {  	v18 =	vld.idx.msk [tilespmem:v35+s23+$0x0], $0xffff;
	v27 =	vadd.f32 v15, v13;
	v15 =	vsub.f32 v60, v30;
	v29 =	vor.u32 v9, v62  }
0x44e: {  	v14 =	vadd.s32 $0x8, v39;
	v32 =	vmul.f32 v25, v25;
	v35 =	vmul.f32 v19, v19;
	v33 =	vld.idx.msk [tilespmem:v43+s25+$0x0], $0xffff  }
0x44f: {  	v19 =	vmul.f32 v42, v42;
	v22 =	vsub.f32 v16, v61;
	v25 =	vmul.f32 v15, v15;
	v15 =	vld.idx.msk [tilespmem:v43+s22+$0x0], $0xffff  }
0x450: {  	v31 =	vmul.f32 v23, v23;
	v23 =	vsub.f32 v16, v44;
	v38 =	vadd.f32 v57, v26;
	v13 =	vld.idx.msk [tilespmem:v43+s23+$0x0], $0xffff  }
0x451: {  	v26 =	vor.u32 v9, v45;
	v39 =	vadd.f32 v59, v63;
	v24 =	vmul.f32 v24, v24;
	v36 =	vld.idx.msk [tilespmem:v43+s24+$0x0], $0xffff  }
0x452: {  	s20 =	simm.s32 $0x6;
	v22 =	vmul.f32 v22, v22;
	v30 =	vmul.f32 v23, v23;
	v34 =	vsub.f32 v17, v46;
	v23 =	vld.idx.msk [tilespmem:v29+s24+$0x0], $0xffff  }
.LBB2_16:
0x453: {  	v40 =	vadd.s32 v3, v14;
	p0 =	sne.s32 s20, $0x1;
	s20 =	sadd.s32 $0xFFFFFFFF, s20;
	v21 =	vsub.f32 v17, v21;
	v41 =	vld.idx.msk [tilespmem:v29+s23+$0x0], $0xffff;
	v27 =	vadd.f32 v31, v27  }
0x454: {  	v33 =	vsub.f32 v15, v33;
	v32 =	vadd.f32 v32, v38;
	v31 =	vand.u32 $0x3F, v40;
	v40 =	vld.idx.msk [tilespmem:v29+s22+$0x0], $0xffff  }
0x455: {  	v38 =	vadd.s32 v0, v14;
	v35 =	vadd.f32 v35, v39;
	v31 =	vor.u32 v9, v31;
	v29 =	vld.idx.msk [tilespmem:v29+s25+$0x0], $0xffff  }
0x456: {  	v34 =	vmul.f32 v34, v34;
	v37 =	vand.u32 $0x3F, v37;
	v38 =	vand.u32 $0x3F, v38;
	v39 =	vld.idx.msk [tilespmem:v26+s24+$0x0], $0xffff  }
0x457: {  	v38 =	vor.u32 v9, v38;
	v24 =	vadd.f32 v24, v35;
	v35 =	vsub.f32 v15, v36;
	v36 =	vld.idx.msk [tilespmem:v26+s25+$0x0], $0xffff  }
0x458: {  	v16 =	vsub.f32 v16, v28;
	v25 =	vadd.f32 v25, v32;
	v32 =	vor.u32 v9, v37;
	v28 =	vld.idx.msk [tilespmem:v26+s22+$0x0], $0xffff  }
0x459: {  	v42 =	vsub.f32 v11, v10;
	v17 =	vsub.f32 v17, v18;
	v37 =	vadd.s32 v2, v14;
	v18 =	vld.idx.msk [tilespmem:v26+s23+$0x0], $0xffff  }
0x45a: {  	v10 =	vand.u32 $0x3F, v37;
	v11 =	vadd.f32 v30, v24;
	v24 =	vsub.f32 v40, v41;
	v26 =	vld.idx.msk [tilespmem:v31+s23+$0x0], $0xffff  }
0x45b: {  	v22 =	vadd.f32 v22, v25;
	v30 =	vor.u32 v9, v10;
	v25 =	vsub.f32 v40, v29;
	v37 =	vld.idx.msk [tilespmem:v31+s25+$0x0], $0xffff  }
0x45c: {  	v23 =	vsub.f32 v40, v23;
	v19 =	vadd.f32 v19, v11;
	v24 =	vmul.f32 v24, v24;
	v10 =	vld.idx.msk [tilespmem:v31+s24+$0x0], $0xffff  }
0x45d: {  	v16 =	vmul.f32 v16, v16;
	v12 =	vadd.f32 v12, v22;
	v22 =	vmul.f32 v25, v25;
	v25 =	vld.idx.msk [tilespmem:v32+s25+$0x0], $0xffff  }
0x45e: {  	v29 =	vmul.f32 v42, v42;
	v11 =	vld.idx.msk [tilespmem:v31+s22+$0x0], $0xffff;
	v31 =	vmul.f32 v33, v33;
	v33 =	vsub.f32 v28, v36  }
0x45f: {  	v19 =	vadd.f32 v34, v19;
	v36 =	vadd.s32 v4, v14;
	v18 =	vsub.f32 v28, v18;
	v34 =	vld.idx.msk [tilespmem:v32+s24+$0x0], $0xffff  }
0x460: {  	v20 =	vadd.f32 v20, v27;
	v27 =	vsub.f32 v28, v39;
	v36 =	vand.u32 $0x3F, v36;
	v40 =	vld.idx.msk [tilespmem:v38+s25+$0x0], $0xffff  }
0x461: {  	v21 =	vmul.f32 v21, v21;
	v28 =	vor.u32 v9, v36;
	v39 =	vmul.f32 v18, v18;
	v18 =	vld.idx.msk [tilespmem:v32+s23+$0x0], $0xffff  }
0x462: {  	v16 =	vadd.f32 v16, v20;
	v20 =	vadd.f32 v31, v19;
	v19 =	vmul.f32 v27, v27;
	v36 =	vld.idx.msk [tilespmem:v38+s24+$0x0], $0xffff  }
0x463: {  	v13 =	vsub.f32 v15, v13;
	v17 =	vmul.f32 v17, v17;
	v41 =	vmul.f32 v33, v33;
	v15 =	vld.idx.msk [tilespmem:v32+s22+$0x0], $0xffff  }
0x464: {  	v16 =	vadd.f32 v29, v16;
	v29 =	vmul.f32 v35, v35;
	v27 =	vadd.s32 v5, v14;
	v31 =	vld.idx.msk [tilespmem:v38+s23+$0x0], $0xffff  }
0x465: {  	v13 =	vmul.f32 v13, v13;
	v23 =	vmul.f32 v23, v23;
	v27 =	vand.u32 $0x3F, v27;
	v32 =	vld.idx.msk [tilespmem:v38+s22+$0x0], $0xffff  }
0x466: {  	v12 =	vadd.f32 v17, v12;
	v17 =	vadd.f32 v21, v16;
	v38 =	vor.u32 v9, v27;
	v35 =	vld.idx.msk [tilespmem:v30+s23+$0x0], $0xffff  }
0x467: {  	v21 =	vsub.f32 v11, v26;
	v26 =	vsub.f32 v11, v37;
	v42 =	vld.idx.msk [tilespmem:v30+s25+$0x0], $0xffff  }
0x468: {  	v13 =	vadd.f32 v13, v12;
	v29 =	vadd.f32 v29, v17;
	v27 =	vadd.s32 v6, v14;
	v16 =	vld.idx.msk [tilespmem:v30+s22+$0x0], $0xffff  }
0x469: {  	v33 =	vadd.s32 v7, v14;
	v12 =	vmul.f32 v21, v21;
	v34 =	vsub.f32 v15, v34;
	v21 =	vld.idx.msk [tilespmem:v28+s24+$0x0], $0xffff  }
0x46a: {  	v44 =	vadd.f32 v24, v13;
	v43 =	vand.u32 $0x3F, v33;
	v13 =	vadd.f32 v23, v29;
	v17 =	vld.idx.msk [tilespmem:v28+s22+$0x0], $0xffff  }
0x46b: {  	v29 =	vand.u32 $0x3F, v27;
	v23 =	vsub.f32 v32, v36;
	v36 =	vsub.f32 v15, v18;
	v45 =	vld.idx.msk [tilespmem:v28+s25+$0x0], $0xffff  }
0x46c: {  	v27 =	vadd.f32 v19, v13;
	v24 =	vsub.f32 v32, v40;
	v18 =	vld.idx.msk [tilespmem:v28+s23+$0x0], $0xffff  }
0x46d: {  	v19 =	vsub.f32 v32, v31;
	v31 =	vmul.f32 v34, v34;
	v28 =	vsub.f32 v15, v25;
	v13 =	vld.idx.msk [tilespmem:v38+s23+$0x0], $0xffff  }
0x46e: {  	v29 =	vor.u32 v9, v29;
	v24 =	vmul.f32 v24, v24;
	v32 =	vmul.f32 v36, v36;
	v33 =	vld.idx.msk [tilespmem:v38+s25+$0x0], $0xffff  }
.Ltmp6:
0x46f: {  	v25 =	vmul.f32 v19, v19;
	v34 =	vsub.f32 v16, v35;
	v35 =	vmul.f32 v28, v28;
	v15 =	vld.idx.msk [tilespmem:v38+s22+$0x0], $0xffff;
	(pc) =	sbr.rel @p0 .LBB2_16-.Ltmp6, $4  }
0x470: {  	v40 =	vadd.f32 v22, v20;
	v19 =	vmul.f32 v26, v26;
	v28 =	vld.idx.msk [tilespmem:v30+s24+$0x0], $0xffff;
	v30 =	vsub.f32 v16, v42  }
0x471: {  	v37 =	vadd.s32 v8, v14;
	v22 =	vmul.f32 v34, v34;
	v36 =	vld.idx.msk [tilespmem:v38+s24+$0x0], $0xffff;
	v38 =	vadd.f32 v39, v44  }
0x472: {  	v20 =	vmul.f32 v23, v23;
	v26 =	vor.u32 v9, v43;
	v34 =	vsub.f32 v17, v45  }
0x473: {  	v14 =	vadd.s32 $0x8, v14;
	v39 =	vadd.f32 v41, v40;
	v30 =	vmul.f32 v30, v30;
	v23 =	vld.idx.msk [tilespmem:v29+s24+$0x0], $0xffff  }
0x474: {  	_ =	sdelay $0x3  }
0x475: {  	v14 =	vsub.f32 v17, v21;
	v58 =	vld.idx.msk [tilespmem:v29+s23+$0x0], $0xffff;
	v27 =	vadd.f32 v31, v27  }
0x476: {  	v33 =	vsub.f32 v15, v33;
	v60 =	vld.idx.msk [tilespmem:v29+s22+$0x0], $0xffff;
	v32 =	vadd.f32 v32, v38  }
0x477: {  	v61 =	vld.idx.msk [tilespmem:v29+s25+$0x0], $0xffff;
	v10 =	vsub.f32 v11, v10;
	v11 =	vsub.f32 v17, v18  }
0x478: {  	v63 =	vand.u32 $0x3F, v37;
	v41 =	vld.idx.msk [tilespmem:v26+s22+$0x0], $0xffff;
	v13 =	vsub.f32 v15, v13;
	v59 =	vadd.f32 v35, v39  }
0x479: {  	v44 =	vld.idx.msk [tilespmem:v26+s24+$0x0], $0xffff;
	v16 =	vsub.f32 v16, v28;
	v9 =	vor.u32 v9, v63;
	v25 =	vadd.f32 v25, v32  }
0x47a: {  	v43 =	vmul.f32 v34, v34;
	v46 =	vld.idx.msk [tilespmem:v26+s23+$0x0], $0xffff;
	v62 =	vsub.f32 v15, v36;
	v24 =	vadd.f32 v24, v59  }
0x47b: {  	v20 =	vadd.f32 v20, v27;
	v16 =	vmul.f32 v16, v16;
	v22 =	vadd.f32 v22, v25  }
0x47c: {  	v39 =	vld.idx.msk [tilespmem:v26+s25+$0x0], $0xffff;
	v10 =	vmul.f32 v10, v10;
	v40 =	vadd.f32 v30, v24;
	v21 =	vsub.f32 v60, v58  }
0x47d: {  	v14 =	vmul.f32 v14, v14;
	v42 =	vsub.f32 v60, v61;
	v16 =	vadd.f32 v16, v20  }
0x47e: {  	v47 =	vmul.f32 v33, v33;
	v45 =	vsub.f32 v60, v23;
	v54 =	vsub.f32 v41, v44;
	v48 =	vld.idx.msk [tilespmem:v9+s24+$0x0], $0xffff  }
0x47f: {  	v11 =	vmul.f32 v11, v11;
	v56 =	vsub.f32 v41, v46;
	v12 =	vadd.f32 v12, v22;
	v50 =	vld.idx.msk [tilespmem:v9+s22+$0x0], $0xffff  }
0x480: {  	v13 =	vmul.f32 v13, v13;
	v53 =	vld.idx.msk [tilespmem:v9+s23+$0x0], $0xffff;
	v18 =	vadd.f32 v19, v40;
	v10 =	vadd.f32 v10, v16  }
0x481: {  	v51 =	vmul.f32 v62, v62;
	v49 =	vsub.f32 v41, v39;
	v11 =	vadd.f32 v11, v12  }
0x482: {  	v9 =	vld.idx.msk [tilespmem:v9+s25+$0x0], $0xffff;
	v19 =	vmul.f32 v45, v45;
	v10 =	vadd.f32 v14, v10;
	v52 =	vadd.f32 v43, v18  }
0x483: {  	v55 =	vmul.f32 v21, v21;
	v58 =	vmul.f32 v42, v42;
	v11 =	vadd.f32 v13, v11  }
0x484: {  	v60 =	vmul.f32 v56, v56;
	v10 =	vadd.f32 v51, v10;
	v57 =	vadd.f32 v47, v52  }
0x485: {  	v12 =	vmul.f32 v54, v54;
	v59 =	vsub.f32 v50, v48;
	v18 =	vsub.f32 v50, v53  }
0x486: {  	v61 =	vmul.f32 v49, v49;
	v11 =	vadd.f32 v55, v11;
	v10 =	vadd.f32 v19, v10  }
0x487: {  	v9 =	vsub.f32 v50, v9;
	v13 =	vadd.f32 v58, v57;
	v62 =	vmul.f32 v59, v59  }
0x488: {  	v63 =	vmul.f32 v18, v18;
	v11 =	vadd.f32 v60, v11;
	v10 =	vadd.f32 v12, v10  }
0x489: {  	s19 =	sadd.s32 $0x1, s19;
	v9 =	vmul.f32 v9, v9;
	v12 =	vadd.f32 v61, v13  }
0x48a: {  	p0 =	sne.s32 s19, $0x8;
	v11 =	vadd.f32 v63, v11;
	v10 =	vadd.f32 v62, v10  }
.Ltmp7:
0x48b: {  	v9 =	vadd.f32 v9, v12;
	(pc) =	sbr.rel @p0 .LBB2_15-.Ltmp7, $4  }
0x48c: {  	v11 =	vsub.f32 v11, v10  }
0x48d: {  	v9 =	vsub.f32 v10, v9  }
0x48e: {  	[tilespmem:s18+$0x14900] =	vst v11  }
0x48f: {  	[tilespmem:s18+$0x14980] =	vst v9  }
0x490: {  	s18 =	sadd.s32 s6, s30;
	s0 =	simm.s32 $0x14900;
	s29 =	sadd.s32 $0x1, s29  }
0x491: {  	[hbm4b:s18+s2] =	stream.linear.scatter [tilespmem:s0], [sflag:$0x5], $0x80, $0x38;
	[tilespmem:$0x14A00] =	vst v63  }
0x492: {  	p0 =	sne.s32 s29, $0x8  }
.Ltmp8:
0x493: {  	_ = 	snop;
	(pc) =	sbr.rel @p0 .LBB2_10-.Ltmp8, $4  }
0x494: {  	s20 =	sadd.s32 s7, s30;
	s21 =	simm.s32 $0x14980;
	s9 =	sshrl.u32 s9, $0x1  }
0x495: {  	[hbm4b:s20+s2] =	stream.linear.scatter [tilespmem:s21], [sflag:$0x5], $0x80, $0x38;
	[tilespmem:$0x14A00] =	vst v63  }
0x496: {  	s30 =	simm.s32 $0x14700;
	s9 =	sadd.s32 s8, s9  }
0x497: {  	[hbm4b:s9+s2] =	stream.linear.scatter [tilespmem:s30], [sflag:$0x5], $0x200, $0x38;
	[tilespmem:$0x14A00] =	vst v63  }
0x498: {  	_ =	swait.ge [sflag:s26], $0x2000  }
0x499: {  	[sflag:s26] =	ssyncset.done $0x0  }
0x49a: {  	[sflag:s26] =	ssyncadd.s32 $0xFFFFE000  }
0x49b: {  	_ =	swait.ge [sflag:s26], $0x2000  }
0x49c: {  	[sflag:s26] =	ssyncset.done $0x0  }
0x49d: {  	[sflag:s26] =	ssyncadd.s32 $0xFFFFE000  }
0x49e: {  	_ =	swait.ge [sflag:s26], $0x2000  }
0x49f: {  	[sflag:s26] =	ssyncset.done $0x0  }
0x4a0: {  	[sflag:s26] =	ssyncadd.s32 $0xFFFFE000  }
0x4a1: {  	_ =	swait.ge [sflag:s26], $0x2000  }
0x4a2: {  	[sflag:s26] =	ssyncset.done $0x0  }
0x4a3: {  	[sflag:s26] =	ssyncadd.s32 $0xFFFFE000  }
0x4a4: {  	_ =	swait.ge [sflag:s31], $0x80  }
0x4a5: {  	[sflag:s31] =	ssyncset.done $0x0  }
0x4a6: {  	[sflag:s31] =	ssyncadd.s32 $0xFFFFFF80  }
0x4a7: {  	_ =	swait.ge [sflag:s31], $0x80  }
0x4a8: {  	[sflag:s31] =	ssyncset.done $0x0  }
0x4a9: {  	[sflag:s31] =	ssyncadd.s32 $0xFFFFFF80  }
0x4aa: {  	_ =	swait.ge [sflag:s10], $0x200  }
0x4ab: {  	[sflag:s10] =	ssyncset.done $0x0  }
0x4ac: {  	[sflag:s10] =	ssyncadd.s32 $0xFFFFFE00  }
0x4ad: {  	_ =	swait.ge [sflag:s10], $0x80  }
0x4ae: {  	[sflag:s10] =	ssyncset.done $0x0  }
0x4af: {  	[sflag:s10] =	ssyncadd.s32 $0xFFFFFF80  }
0x4b0: {  	_ =	swait.ge [sflag:s10], $0x80  }
0x4b1: {  	s0 =	rddreg [dreg:$0x18]  }
0x4b2: {  	s9 =	rddreg [dreg:$0x13];
	s0 =	sadd.s32 $0x1, s0  }
0x4b3: {  	p0 =	sne.s32 s0, s9  }
.Ltmp9:
0x4b4: {  	_ = 	snop;
	(pc) =	sbr.rel @p0 .LBB2_1-.Ltmp9, $3  }
0x4b5: {  	_ =	sdelay $0x1  }
0x4b6: {  	[sflag:s10] =	ssyncset.done $0x0  }
0x4b7: {  	[sflag:s10] =	ssyncadd.s32 $0xFFFFFF80  }
0x4b8: {  	_ =	sfence.sel $0x180000  }
0x4b9: {  	[bflag:$0x0] =	sbarrier.arrive $0xFFFF  }
0x4ba: {  	_ =	strace $0x90000047  }
0x4bb: {  	s0 =	stileid.u32;
	[bflag:$0x2] =	sbarrier.arrive $0xFFFF  }
0x4bc: {  	p0 =	sne.s32 s0, $0x0;
	s0 =	rddreg [dreg:$0x2]  }
0x4bd: {  	s0 =	sadd.s32 @!p0 $0x100000, s0  }
0x4be: {  	[sflag:s0] =	ssyncadd.tile.s32 @!p0 $0x1;
	_ =	shalt  }
.Lfunc_end2:
_tile_overlayer_lowered:
.L_overlay_start_2:
0x4bf: {  	(tag) =	ssettag $0x2  }
0x4c0: {  	s0 =	rddreg [dreg:$0x0];
	s2 =	stileid.u32  }
0x4c1: {  	s1 =	rddreg [dreg:$0x1];
	p0 =	sne.s32 s2, $0x0  }
0x4c2: {  	s3 =	rddreg [dreg:$0x2];
	[bflag:$0x3] =	sbarrier.arrive $0xFFFF;
	s2 =	simm.s32 @!p0 $0x1C06  }
0x4c3: {  	[timem:s3], [sflag:s2] =	dma.local @!p0 [hbm:s0], s1  }
0x4c4: {  	s0 =	simm.s32 @!p0 $0x6  }
0x4c5: {  	_ =	swait.ge @!p0 [sflag:s0], s1  }
0x4c6: {  	s1 =	ssub.s32 @!p0 $0x0, s1;
	[sflag:s0] =	ssyncset.done @!p0 $0x0  }
0x4c7: {  	[sflag:s0] =	ssyncadd.s32 @!p0 s1  }
0x4c8: {  	[bflag:$0x3] =	sbarrier.arrive $0xFFFF  }
0x4c9: {  	_ =	shalt  }

// kernel: kernel.8.cloned.1.call-start
scs
__scs_entry_jumppad:
0x0: {  	(pc) =	sbr.rel $0x88, $3  }
0x1: {  	(tag) =	ssettag $0x0;
	lr =	simm.s32 $0x1  }
0x2: {  	[smem:$0x3F9D] =	sst lr;
	_ =	strace $0xD0000000  }
0x3: {  	_ = 	snop  }
0x4: {  	_ = 	snop  }
0x5: {  	_ = 	snop  }
0x6: {  	_ = 	snop  }
0x7: {  	_ = 	snop  }
__scs_overlays_trampoline_lowered:
0x8: {  	[smem:$0x3FAC] =	sst s0  }
0x9: {  	[smem:$0x3FAD] =	sst s1  }
0xa: {  	[smem:$0x3FAE] =	sst s2  }
0xb: {  	[smem:$0x3FAF] =	sst s3  }
0xc: {  	[smem:$0x3FB0] =	sst s4  }
0xd: {  	[smem:$0x3FB1] =	sst s5  }
0xe: {  	[smem:$0x3FB2] =	sst s6  }
0xf: {  	[smem:$0x3FB3] =	sst s7  }
0x10: {  	[smem:$0x3FB4] =	sst s8  }
0x11: {  	[smem:$0x3FB5] =	sst s9;
	s0 =	simm.s32 @!p0 $0x0  }
0x12: {  	s1 =	sld [smem:$0x3F9B];
	s0 =	simm.s32 @p0 $0x1  }
0x13: {  	[smem:$0x3FB6] =	sst s0;
	s0 =	simm.s32 @!p1 $0x0  }
0x14: {  	s2 =	sld [smem:$0x3F9A];
	s0 =	simm.s32 @p1 $0x1  }
0x15: {  	[smem:$0x3FB7] =	sst s0;
	s0 =	simm.s32 @!p2 $0x0  }
0x16: {  	s3 =	sld [smem:$0x3FDB];
	s0 =	simm.s32 @p2 $0x1  }
0x17: {  	s4 =	simm.s32 $0x1BF5;
	[smem:$0x3FB9] =	sst s0  }
0x18: {  	s0 =	sld [smem:$0x3F9C];
	_ =	swait.ge [sflag:s4], $0x0  }
0x19: {  	s7 =	sld [smem:$0x3F9D]  }
0x1a: {  	s8 =	sadd.s32 $0xFFFFE003, lr  }
0x1b: {  	s9 =	sadd.s32 $0xFFFFFEF7, lr;
	s5 =	simm.s32 $0xFFFFFFFF;
	p2 =	slt.u32 s8, $0xFFFFF086  }
0x1c: {  	p1 =	slt.u32 s9, $0xF7A;
	s5 =	simm.s32 @!p2 $0x0  }
0x1d: {  	s5 =	simm.s32 @p1 $0x1;
	p0 =	seq.s32 s7, s2  }
0x1e: {  	s7 =	smul.u32 @!p0 $0xF7A, s2;
	p2 =	seq.s32 @!p0 s5, $0x0  }
0x1f: {  	s9 =	smul.u32 $0xF7A, s1;
	s8 =	simm.s32 @!p0 $0x1BF5;
	p2 =	por !p2, p0  }
0x20: {  	[sflag:s8] =	ssyncset.s32 @!p0 $0xFFFFF086;
	s6 =	sadd.s32 @!p0 s3, s7;
	s7 =	simm.s32 @!p0 $0x108  }
0x21: {  	s3 =	sadd.s32 s3, s9;
	s6 =	sadd.s32 @!p0 $0x88, s6;
	s7 =	simm.s32 @p2 $0x1082  }
0x22: {  	[simem:s7], [sflag:s8] =	dma.local @!p0 [hbm:s6], $0xF7A  }
0x23: {  	s9 =	sor.u32 $0xD0000000, s2;
	s6 =	simm.s32 $0x108;
	_ =	swait.ge @!p0 [sflag:s8], $0x0  }
0x24: {  	s3 =	sadd.s32 $0x88, s3;
	s6 =	simm.s32 @!p1 $0x1082;
	[sflag:s4] =	ssyncset.s32 $0xFFFFF086  }
0x25: {  	[simem:s6], [sflag:s4] =	dma.local [hbm:s3], $0xF7A  }
0x26: {  	[smem:$0x3F9D] =	sst s1;
	(tag) =	ssettag s2;
	_ =	strace s9  }
0x27: {  	s1 =	sld [smem:$0x3FAD]  }
0x28: {  	s2 =	sld [smem:$0x3FAE]  }
0x29: {  	s4 =	sld [smem:$0x3FB0]  }
0x2a: {  	p0 =	seq.s32 s5, $0x0;
	s5 =	sld [smem:$0x3FB1]  }
0x2b: {  	s6 =	sld [smem:$0x3FB2]  }
0x2c: {  	s7 =	sld [smem:$0x3FB3]  }
0x2d: {  	s3 =	simm.s32 $0x108;
	s8 =	sld [smem:$0x3FB4]  }
0x2e: {  	s3 =	simm.s32 @!p0 $0x1082;
	s9 =	sld [smem:$0x3FB5]  }
0x2f: {  	lr =	sadd.s32 s0, s3;
	s0 =	sld [smem:$0x3FAC]  }
0x30: {  	s3 =	sld [smem:$0x3FAF]  }
0x31: {  	[smem:$0x3FB8] =	sst s10  }
0x32: {  	s10 =	sld [smem:$0x3FB6];
	_ =	sdelay $0x3  }
0x33: {  	p0 =	seq.s32 s10, $0x1;
	s10 =	sld [smem:$0x3FB8];
	_ =	sdelay $0x3  }
0x34: {  	[smem:$0x3FB8] =	sst s10  }
0x35: {  	s10 =	sld [smem:$0x3FB7];
	_ =	sdelay $0x3  }
0x36: {  	p1 =	seq.s32 s10, $0x1;
	s10 =	sld [smem:$0x3FB8];
	_ =	sdelay $0x3  }
0x37: {  	[smem:$0x3FB8] =	sst s10  }
0x38: {  	s10 =	sld [smem:$0x3FB9]  }
0x39: {  	_ = 	snop;
	(pc) =	sbr.ind lr, $3  }
0x3a: {  	_ = 	snop  }
0x3b: {  	_ = 	snop  }
0x3c: {  	p2 =	seq.s32 s10, $0x1;
	s10 =	sld [smem:$0x3FB8]  }
0x3d: {  	_ =	shalt  }
0x3e: {  	_ =	shalt  }
0x3f: {  	_ =	shalt  }
0x40: {  	_ =	shalt  }
0x41: {  	_ =	shalt  }
0x42: {  	_ =	shalt  }
0x43: {  	_ =	shalt  }
0x44: {  	_ =	shalt  }
0x45: {  	_ =	shalt  }
0x46: {  	_ =	shalt  }
0x47: {  	_ =	shalt  }
0x48: {  	_ =	shalt  }
0x49: {  	_ =	shalt  }
0x4a: {  	_ =	shalt  }
0x4b: {  	_ =	shalt  }
0x4c: {  	_ =	shalt  }
0x4d: {  	_ =	shalt  }
0x4e: {  	_ =	shalt  }
0x4f: {  	_ =	shalt  }
0x50: {  	_ =	shalt  }
0x51: {  	_ =	shalt  }
0x52: {  	_ =	shalt  }
0x53: {  	_ =	shalt  }
0x54: {  	_ =	shalt  }
0x55: {  	_ =	shalt  }
0x56: {  	_ =	shalt  }
0x57: {  	_ =	shalt  }
0x58: {  	_ =	shalt  }
0x59: {  	_ =	shalt  }
0x5a: {  	_ =	shalt  }
0x5b: {  	_ =	shalt  }
0x5c: {  	_ =	shalt  }
0x5d: {  	_ =	shalt  }
0x5e: {  	_ =	shalt  }
0x5f: {  	_ =	shalt  }
0x60: {  	_ =	shalt  }
0x61: {  	_ =	shalt  }
0x62: {  	_ =	shalt  }
0x63: {  	_ =	shalt  }
0x64: {  	_ =	shalt  }
0x65: {  	_ =	shalt  }
0x66: {  	_ =	shalt  }
0x67: {  	_ =	shalt  }
0x68: {  	_ =	shalt  }
0x69: {  	_ =	shalt  }
0x6a: {  	_ =	shalt  }
0x6b: {  	_ =	shalt  }
0x6c: {  	_ =	shalt  }
0x6d: {  	_ =	shalt  }
0x6e: {  	_ =	shalt  }
0x6f: {  	_ =	shalt  }
0x70: {  	_ =	shalt  }
0x71: {  	_ =	shalt  }
0x72: {  	_ =	shalt  }
0x73: {  	_ =	shalt  }
0x74: {  	_ =	shalt  }
0x75: {  	_ =	shalt  }
0x76: {  	_ =	shalt  }
0x77: {  	_ =	shalt  }
0x78: {  	_ =	shalt  }
0x79: {  	_ =	shalt  }
0x7a: {  	_ =	shalt  }
0x7b: {  	_ =	shalt  }
0x7c: {  	_ =	shalt  }
0x7d: {  	_ =	shalt  }
0x7e: {  	_ =	shalt  }
0x7f: {  	_ =	shalt  }
0x80: {  	_ =	shalt  }
0x81: {  	_ =	shalt  }
0x82: {  	_ =	shalt  }
0x83: {  	_ =	shalt  }
0x84: {  	_ =	shalt  }
0x85: {  	_ =	shalt  }
0x86: {  	_ =	shalt  }
0x87: {  	_ =	shalt  }
.Lfunc_end0:
.L_simem_size_0:
called_computation.1_lowered:
.L_overlay_start_0:
0x88: {  	s2 =	sld [smem:$0x3FD9]  }
0x89: {  	s3 =	sld [smem:$0x3FFE];
	_ =	sdelay $0x1  }
0x8a: {  	s1 =	srdreg.scid  }
0x8b: {  	s0 =	sand.u32 $0x1, s1  }
0x8c: {  	s16 =	sshll.u32 s0, $0xA;
	s2 =	sadd.s32 s3, s2  }
0x8d: {  	s2 =	sadd.s32 s2, s16  }
0x8e: {  	[smem:$0x3FC4] =	sst s2  }
0x8f: {  	_ = 	snop  }
0x90: {  	(tm) =	ssettm $0x1  }
0x91: {  	s17 =	sld [smem:$0x3FFB];
	_ =	sdelay $0x3  }
0x92: {  	_ =	strace s17  }
0x93: {  	s2 =	sld [smem:$0x3FFC];
	_ =	sdelay $0x3  }
0x94: {  	_ =	strace s2  }
0x95: {  	s2 =	sld [smem:$0x3FFD];
	_ =	sdelay $0x3  }
0x96: {  	_ =	strace s2  }
0x97: {  	_ =	strace $0x8FFFFFFF  }
0x98: {  	s18 =	sld [smem:$0x3FDB];
	_ =	sdelay $0x1  }
0x99: {  	s19 =	simm.s32 $_scs_section_size  }
0x9a: {  	s4 =	simm.s32 $_size__tile_overlayer_lowered;
	s5 =	simm.s32 $_tile_overlayer_lowered  }
0x9b: {  	s22 =	simm.s32 $0x1BFF;
	s21 =	sshll.u32 s5, $0x1;
	s2 =	sadd.s32 s19, s18  }
0x9c: {  	s6 =	simm.s32 $0x0;
	s20 =	sshll.u32 s4, $0x1;
	s4 =	sadd.s32 s21, s2  }
0x9d: {  	[timem:s6], [sflag:s22] =	dma.local [hbm:s4], s20  }
0x9e: {  	_ =	swait.ge [sflag:s22], s20  }
0x9f: {  	s3 =	ssub.s32 $0x0, s20;
	[sflag:s22] =	ssyncset.done $0x0  }
0xa0: {  	[sflag:s22] =	ssyncadd.s32 s3;
	_ =	sdelay $0x1  }
0xa1: {  	s23 =	simm.s32 $0x1B8B  }
0xa2: {  	_ =	swait.ge [sflag:s23], $0x1  }
0xa3: {  	[sflag:s23] =	ssyncset.done $0x0  }
0xa4: {  	s25 =	simm.s32 $0x1B8E;
	s24 =	sld [smem:$0x3FFE];
	[sflag:s23] =	ssyncadd.s32 $0xFFFFFFFF  }
0xa5: {  	s26 =	simm.s32 $execute0_lowered;
	[smem:$0x3FD2] =	sst s25  }
0xa6: {  	s4 =	sshll.u32 s26, $0x1;
	_ =	strace $0x80000049;
	[dreg:$0x1] =	wrdreg $0xFFFFFFFF  }
0xa7: {  	s28 =	simm.s32 $_size_execute0_lowered;
	s2 =	sadd.s32 s2, s4;
	[dreg:$0x0] =	wrdreg $0x0  }
0xa8: {  	s4 =	sshll.u32 s28, $0x1;
	[dreg:$0x2] =	wrdreg s2  }
0xa9: {  	[dreg:$0x3] =	wrdreg s4  }
0xaa: {  	[dreg:$0x4] =	wrdreg $0xC0  }
0xab: {  	_ =	task [dreg:s6], $0x5FFFF  }
0xac: {  	[dreg:$0x1] =	wrdreg $0xFFFFFFFF  }
0xad: {  	[dreg:$0x0] =	wrdreg $0x60  }
0xae: {  	[dreg:$0x2] =	wrdreg s24  }
0xaf: {  	[dreg:$0x3] =	wrdreg $0x9  }
0xb0: {  	_ =	task.clear_ibuf [dreg:s6], $0x4FFFF;
	_ =	strace $0x90000049  }
0xb1: {  	s29 =	simm.s32 $0x9;
	_ =	strace $0x8000004B  }
0xb2: {  	_ =	swait.ge [sflag:s29], $0x1  }
0xb3: {  	[sflag:s29] =	ssyncadd.s32 $0xFFFFFFFF  }
0xb4: {  	_ =	strace $0x9000004B  }
0xb5: {  	_ =	sfence  }
0xb6: {  	s30 =	sld [smem:$0x0];
	_ =	sdelay $0x2  }
0xb7: {  	s31 =	sshll.u32 s1, $0xD;
	s1 =	sshrl.u32 s1, $0x2  }
0xb8: {  	s3 =	sand.u32 $0x4000, s31;
	s1 =	sadd.s32 s1, s30  }
0xb9: {  	s0 =	sor.u32 s3, s0;
	s1 =	sshll.u32 s1, $0x11  }
0xba: {  	s0 =	sor.u32 s1, s0  }
0xbb: {  	s0 =	sadd.s32 $0x8F2B, s0  }
0xbc: {  	[sflag:s0] =	ssyncadd.remote.s32 $0x1  }
0xbd: {  	_ =	sfence.sel $0xFFFF  }
0xbe: {  	[dreg:$0x0] =	wrdreg $0xFFFFFFFF;
	(pc) =	sbr.abs _section_cstart, $3  }
0xbf: {  	[dreg:$0x1] =	wrdreg $0xFFFFFFFF  }
0xc0: {  	_ =	task.clear_ibuf [dreg:s6], $0x2FFFF;
	_ =	strace $0x9FFFFFFF  }
0xc1: {  	(tm) =	ssettm $0x7FFFFFFF  }
tec
execute0_lowered:
.L_overlay_start_1:
0x0: {  	(tag) =	ssettag $0x1  }
0x1: {  	s0 =	rddreg [dreg:$0x0];
	s1 =	simm.s32 $0x0  }
0x2: {  	s2 =	srdreg.scid;
	s4 =	stileid.u32;
	s28 =	simm.s32 $0x5200  }
0x3: {  	s29 =	simm.s32 $0x5400;
	s30 =	simm.s32 $0x5600;
	s31 =	simm.s32 $0x5800  }
0x4: {  	s13 =	simm.s32 $0x0;
	[smem:$0x7FF] =	sst s1;
	s3 =	sadd.s32 $0xC00, s0  }
0x5: {  	s5 =	sadd.s32 $0x228C00, s0;
	s2 =	sand.u32 $0x1, s2;
	s4 =	sshll.u32 s4, $0x1  }
0x6: {  	s6 =	sadd.s32 $0x2CC00, s0;
	s7 =	sadd.s32 $0x28C00, s0;
	s8 =	sadd.s32 $0x2AC00, s0  }
0x7: {  	_ =	strace $0x8000004A;
	[dreg:$0x2] =	wrdreg s5;
	s4 =	sor.u32 s2, s4  }
0x8: {  	s5 =	sadd.s32 $0x34C00, s0;
	s2 =	ssub.s32 $0x2, s2;
	s9 =	sshll.u32 s4, $0x1  }
0x9: {  	s19 =	sshrl.u32 s2, $0x1;
	s20 =	sshll.u32 s4, $0xA;
	s10 =	sshll.u32 s4, $0x8  }
0xa: {  	s4 =	sshll.u32 s4, $0xB;
	s0 =	sadd.s32 s9, s0;
	s2 =	ssub.s32 s2, s19  }
0xb: {  	s9 =	sadd.s32 s6, s20;
	s11 =	sadd.s32 s3, s10;
	s23 =	sor.u32 $0x400, s4  }
0xc: {  	s12 =	sadd.s32 s7, s10;
	s10 =	sadd.s32 s8, s10;
	[dreg:$0x3] =	wrdreg s9  }
0xd: {  	s15 =	sor.u32 $0x200, s4;
	s4 =	simm.s32 $0x4800;
	[dreg:$0x7] =	wrdreg s12  }
0xe: {  	s21 =	sadd.s32 $0x4000, s11;
	s22 =	sadd.s32 $0x6000, s11;
	[dreg:$0x8] =	wrdreg s10  }
0xf: {  	s24 =	sshrl.u32 s23, $0x1;
	s25 =	sshrl.u32 s23, $0x3;
	s18 =	sadd.s32 $0x4080, s11  }
0x10: {  	[dreg:$0x4] =	wrdreg s11;
	s19 =	sadd.s32 $0x6080, s11;
	s0 =	sadd.s32 $0x8C00, s0  }
0x11: {  	s26 =	smax.u32 s2, $0x1;
	s12 =	simm.s32 $0x3;
	s2 =	simm.s32 $0x800  }
0x12: {  	s9 =	simm.s32 $0x5A00;
	s23 =	simm.s32 $0x2;
	[dreg:$0x5] =	wrdreg s21  }
0x13: {  	s10 =	simm.s32 $0x6200;
	[dreg:$0x6] =	wrdreg s22;
	s16 =	sadd.s32 s6, s24  }
0x14: {  	s17 =	sadd.s32 s3, s25;
	s20 =	sadd.s32 s7, s25;
	[dreg:$0x9] =	wrdreg s0  }
0x15: {  	s21 =	sadd.s32 s8, s25;
	[dreg:$0xa] =	wrdreg s26;
	s25 =	simm.s32 $0x4000  }
0x16: {  	s26 =	simm.s32 $0x5000;
	s0 =	simm.s32 $0x1;
	s22 =	simm.s32 $0x7200  }
.LBB2_1:
0x17: {  	[dreg:$0xb] =	wrdreg s13  }
0x18: {  	s11 =	rddreg [dreg:$0x2]  }
0x19: {  	[tilespmem:s1], [sflag:$0x3] =	stream.linear.gather [hbm4b:s11+s1], $0x4000, $0x38;
	[tilespmem:$0x7410] =	vst v63  }
0x1a: {  	_ =	swait.ge [sflag:s12], $0x4000  }
0x1b: {  	[sflag:s12] =	ssyncset.done $0x0  }
0x1c: {  	s14 =	rddreg [dreg:$0x3];
	[sflag:s12] =	ssyncadd.s32 $0xFFFFC000  }
0x1d: {  	[tilespmem:s25], [sflag:$0x1] =	stream.linear.gather [hbm4b:s14+s1], $0x800, $0x38;
	[tilespmem:$0x7410] =	vst v63  }
0x1e: {  	s24 =	rddreg [dreg:$0x4]  }
0x1f: {  	[tilespmem:s26], [sflag:$0x1] =	stream.linear.gather [hbm4b:s24+s1], $0x200, $0x38;
	[tilespmem:$0x7410] =	vst v63  }
0x20: {  	s12 =	rddreg [dreg:$0x5]  }
0x21: {  	[tilespmem:s28], [sflag:$0x1] =	stream.linear.gather [hbm4b:s12+s1], $0x200, $0x38;
	[tilespmem:$0x7410] =	vst v63  }
0x22: {  	s13 =	rddreg [dreg:$0x6]  }
0x23: {  	[tilespmem:s29], [sflag:$0x1] =	stream.linear.gather [hbm4b:s13+s1], $0x200, $0x38;
	[tilespmem:$0x7410] =	vst v63  }
0x24: {  	s14 =	rddreg [dreg:$0x7]  }
0x25: {  	[tilespmem:s30], [sflag:$0x1] =	stream.linear.gather [hbm4b:s14+s1], $0x200, $0x38;
	[tilespmem:$0x7410] =	vst v63  }
0x26: {  	s24 =	rddreg [dreg:$0x8]  }
0x27: {  	[tilespmem:s31], [sflag:$0x1] =	stream.linear.gather [hbm4b:s24+s1], $0x200, $0x38;
	[tilespmem:$0x7410] =	vst v63  }
0x28: {  	_ =	swait.ge [sflag:s0], $0x800  }
0x29: {  	[sflag:s0] =	ssyncset.done $0x0  }
0x2a: {  	[sflag:s0] =	ssyncadd.s32 $0xFFFFF800  }
0x2b: {  	_ =	swait.ge [sflag:s0], $0x200  }
0x2c: {  	[sflag:s0] =	ssyncset.done $0x0  }
0x2d: {  	[sflag:s0] =	ssyncadd.s32 $0xFFFFFE00  }
0x2e: {  	_ =	swait.ge [sflag:s0], $0x200  }
0x2f: {  	[sflag:s0] =	ssyncset.done $0x0  }
0x30: {  	[sflag:s0] =	ssyncadd.s32 $0xFFFFFE00  }
0x31: {  	_ =	swait.ge [sflag:s0], $0x200  }
0x32: {  	[sflag:s0] =	ssyncset.done $0x0  }
0x33: {  	[sflag:s0] =	ssyncadd.s32 $0xFFFFFE00  }
0x34: {  	_ =	swait.ge [sflag:s0], $0x200  }
0x35: {  	[sflag:s0] =	ssyncset.done $0x0  }
0x36: {  	[sflag:s0] =	ssyncadd.s32 $0xFFFFFE00  }
0x37: {  	_ =	swait.ge [sflag:s0], $0x200  }
0x38: {  	[sflag:s0] =	ssyncset.done $0x0  }
0x39: {  	p1 =	por $0x1, $0x1;
	s11 =	simm.s32 $0x0;
	[sflag:s0] =	ssyncadd.s32 $0xFFFFFE00  }
0x3a: {  	v0 =	vimm.f32 $0.0e+00;
	[tilespmem:s4], [sflag:$0x1] =	stream.indirect.gather [hbm4b:s5+s2], $0x1, s25, s2, $0xb8;
	[tilespmem:$0x7410] =	vst v63  }
.LBB2_2:
0x3b: {  	s11 =	sor.u32 s15, s11  }
0x3c: {  	s12 =	sshrl.u32 s11, $0x1  }
0x3d: {  	s13 =	simm.s32 $0x0;
	s11 =	sshrl.u32 s11, $0x3;
	s12 =	sadd.s32 s6, s12  }
0x3e: {  	[tilespmem:s9], [sflag:$0x2] =	stream.linear.gather [hbm4b:s12+s13], $0x800, $0x38;
	[tilespmem:$0x7410] =	vst v63  }
0x3f: {  	s14 =	simm.s32 $0x6A00;
	s24 =	sadd.s32 s3, s11  }
0x40: {  	[tilespmem:s14], [sflag:$0x2] =	stream.linear.gather [hbm4b:s24+s13], $0x200, $0x38;
	[tilespmem:$0x7410] =	vst v63  }
0x41: {  	s14 =	sor.u32 $0x4000, s11  }
0x42: {  	s24 =	simm.s32 $0x6C00;
	s12 =	sadd.s32 s3, s14;
	s14 =	sor.u32 $0x6000, s11  }
0x43: {  	[tilespmem:s24], [sflag:$0x2] =	stream.linear.gather [hbm4b:s12+s13], $0x200, $0x38;
	[tilespmem:$0x7410] =	vst v63  }
0x44: {  	s12 =	sadd.s32 s3, s14;
	s24 =	simm.s32 $0x6E00  }
0x45: {  	[tilespmem:s24], [sflag:$0x2] =	stream.linear.gather [hbm4b:s12+s13], $0x200, $0x38;
	[tilespmem:$0x7410] =	vst v63  }
0x46: {  	s14 =	sadd.s32 s7, s11;
	s24 =	simm.s32 $0x7000  }
0x47: {  	[tilespmem:s24], [sflag:$0x2] =	stream.linear.gather [hbm4b:s14+s13], $0x200, $0x38;
	[tilespmem:$0x7410] =	vst v63  }
0x48: {  	s11 =	sadd.s32 s8, s11  }
0x49: {  	[tilespmem:s22], [sflag:$0x2] =	stream.linear.gather [hbm4b:s11+s13], $0x200, $0x38;
	[tilespmem:$0x7410] =	vst v63  }
0x4a: {  	_ =	swait.ge [sflag:s23], $0x800  }
0x4b: {  	[sflag:s23] =	ssyncset.done $0x0  }
0x4c: {  	[sflag:s23] =	ssyncadd.s32 $0xFFFFF800  }
0x4d: {  	_ =	swait.ge [sflag:s23], $0x200  }
0x4e: {  	[sflag:s23] =	ssyncset.done $0x0  }
0x4f: {  	[sflag:s23] =	ssyncadd.s32 $0xFFFFFE00  }
0x50: {  	_ =	swait.ge [sflag:s23], $0x200  }
0x51: {  	[sflag:s23] =	ssyncset.done $0x0  }
0x52: {  	[sflag:s23] =	ssyncadd.s32 $0xFFFFFE00  }
0x53: {  	_ =	swait.ge [sflag:s23], $0x200  }
0x54: {  	[sflag:s23] =	ssyncset.done $0x0  }
0x55: {  	[sflag:s23] =	ssyncadd.s32 $0xFFFFFE00  }
0x56: {  	_ =	swait.ge [sflag:s23], $0x200  }
0x57: {  	[sflag:s23] =	ssyncset.done $0x0  }
0x58: {  	[sflag:s23] =	ssyncadd.s32 $0xFFFFFE00  }
0x59: {  	_ =	swait.ge [sflag:s23], $0x200  }
0x5a: {  	[sflag:s23] =	ssyncset.done $0x0  }
0x5b: {  	[sflag:s23] =	ssyncadd.s32 $0xFFFFFE00  }
0x5c: {  	[tilespmem:s10], [sflag:$0x2] =	stream.indirect.gather [hbm4b:s5+s2], $0x1, s9, s2, $0xb8;
	[tilespmem:$0x7410] =	vst v63  }
0x5d: {  	_ =	swait.ge [sflag:s0], $0x800  }
0x5e: {  	[sflag:s0] =	ssyncset.done $0x0  }
0x5f: {  	s14 =	simm.s32 $0x0;
	[sflag:s0] =	ssyncadd.s32 $0xFFFFF800  }
0x60: {  	v1 =	vld [tilespmem:s14+$0x5000]  }
0x61: {  	v2 =	vld [tilespmem:s14+$0x5200];
	_ =	sdelay $0x1  }
0x62: {  	v3 =	vld [tilespmem:s14+$0x5400]  }
0x63: {  	v4 =	vld [tilespmem:s14+$0x4800]  }
0x64: {  	v5 =	vld [tilespmem:s14+$0x4A00]  }
0x65: {  	v6 =	vld [tilespmem:s14+$0x4C00]  }
0x66: {  	v7 =	vld [tilespmem:s14+$0x4E00]  }
0x67: {  	v1 =	vld.idx.msk [tilespmem:v1+s1+$0x0], $0xffff  }
0x68: {  	s13 =	simm.s32 $0x10;
	v2 =	vld.idx.msk [tilespmem:v2+s1+$0x0], $0xffff  }
0x69: {  	v8 =	vld [tilespmem:s13+$0x5000]  }
0x6a: {  	v3 =	vld.idx.msk [tilespmem:v3+s1+$0x0], $0xffff  }
0x6b: {  	v9 =	vld [tilespmem:s13+$0x5200]  }
0x6c: {  	v4 =	vsub.f32 v4, v1  }
0x6d: {  	v10 =	vld [tilespmem:s13+$0x5400];
	v2 =	vsub.f32 v5, v2  }
0x6e: {  	v1 =	vsub.f32 v6, v1;
	v5 =	vld [tilespmem:s13+$0x4800];
	v4 =	vmul.f32 $1.442695020e+00, v4  }
0x6f: {  	s11 =	simm.s32 $0x20;
	v3 =	vsub.f32 v7, v3;
	v6 =	vld [tilespmem:s13+$0x4A00];
	v2 =	vmul.f32 $1.442695020e+00, v2  }
0x70: {  	v7 =	vld [tilespmem:s11+$0x5000];
	v1 =	vmul.f32 $1.442695020e+00, v1;
	(erf) = vpow2.f32 v4  }
0x71: {  	v3 =	vmul.f32 $1.442695020e+00, v3;
	(erf) = vpow2.f32 v2;
	v2 =	vld.idx.msk [tilespmem:v8+s1+$0x0], $0xffff  }
0x72: {  	v4 =	vld [tilespmem:s13+$0x4C00];
	(erf) = vpow2.f32 v1  }
0x73: {  	v1 =	vld.idx.msk [tilespmem:v9+s1+$0x0], $0xffff;
	(erf) = vpow2.f32 v3  }
0x74: {  	v8 =	vld [tilespmem:s11+$0x5200]  }
0x75: {  	v9 =	vld.idx.msk [tilespmem:v10+s1+$0x0], $0xffff  }
0x76: {  	v3 =	vld [tilespmem:s13+$0x4E00];
	v5 =	vsub.f32 v5, v2;
	_ =	sdelay $0x1  }
0x77: {  	v1 =	vsub.f32 v6, v1;
	v5 =	vmul.f32 $1.442695020e+00, v5  }
0x78: {  	v10 =	vld [tilespmem:s11+$0x5400];
	v6 =	vpop (erf)  }
0x79: {  	v11 =	vld [tilespmem:s11+$0x4800];
	v2 =	vsub.f32 v4, v2;
	v1 =	vmul.f32 $1.442695020e+00, v1;
	v4 =	vpop (erf)  }
0x7a: {  	v12 =	vld [tilespmem:s11+$0x4A00];
	v3 =	vsub.f32 v3, v9;
	v9 =	vpop (erf);
	(erf) = vpow2.f32 v5  }
0x7b: {  	s24 =	simm.s32 $0x30;
	v7 =	vld.idx.msk [tilespmem:v7+s1+$0x0], $0xffff;
	v2 =	vmul.f32 $1.442695020e+00, v2;
	v4 =	vadd.f32 v4, v6;
	v5 =	vpop (erf);
	(erf) = vpow2.f32 v1  }
0x7c: {  	v3 =	vmul.f32 $1.442695020e+00, v3;
	v6 =	vld [tilespmem:s24+$0x5000];
	v1 =	vadd.f32 v5, v9  }
0x7d: {  	v5 =	vld.idx.msk [tilespmem:v8+s1+$0x0], $0xffff;
	(erf) = vpow2.f32 v2;
	v4 =	vmul.f32 $1.442695020e+00, v4  }
0x7e: {  	v13 =	vld [tilespmem:s11+$0x4C00];
	(erf) = vpow2.f32 v3;
	v1 =	vmul.f32 $1.442695020e+00, v1  }
0x7f: {  	v2 =	vld [tilespmem:s11+$0x4E00];
	(erf) = vpow2.f32 v4  }
0x80: {  	v3 =	vld.idx.msk [tilespmem:v10+s1+$0x0], $0xffff;
	(erf) = vpow2.f32 v1  }
0x81: {  	v8 =	vld [tilespmem:s24+$0x5400];
	v1 =	vsub.f32 v11, v7  }
0x82: {  	v4 =	vld [tilespmem:s24+$0x5200];
	v5 =	vsub.f32 v12, v5  }
0x83: {  	v14 =	vld [tilespmem:s24+$0x4A00];
	v7 =	vsub.f32 v13, v7;
	v1 =	vmul.f32 $1.442695020e+00, v1;
	v11 =	vpop (erf)  }
0x84: {  	v9 =	vld [tilespmem:s14+$0x5600];
	v5 =	vmul.f32 $1.442695020e+00, v5;
	v13 =	vpop (erf)  }
0x85: {  	v15 =	vld.idx.msk [tilespmem:v6+s1+$0x0], $0xffff;
	(erf) = vpow2.f32 v1;
	v1 =	vsub.f32 v2, v3;
	v6 =	vadd.f32 v13, v11  }
0x86: {  	v10 =	vld [tilespmem:s14+$0x5800];
	v2 =	vpop (erf);
	(erf) = vpow2.f32 v5;
	v5 =	vmul.f32 $1.442695020e+00, v7  }
0x87: {  	v12 =	vld [tilespmem:s24+$0x4800];
	v7 =	vpop (erf);
	v1 =	vmul.f32 $1.442695020e+00, v1  }
0x88: {  	v3 =	vld [tilespmem:s24+$0x4C00];
	v13 =	vpop (erf);
	(erf) = vpow2.f32 v5  }
0x89: {  	v8 =	vld.idx.msk [tilespmem:v8+s1+$0x0], $0xffff;
	v2 =	vadd.f32 v7, v2;
	v5 =	vmul.f32 $1.442695020e+00, v6;
	(erf) = vpow2.f32 v1;
	v6 =	vpop (erf)  }
0x8a: {  	v11 =	vld.idx.msk [tilespmem:v4+s1+$0x0], $0xffff;
	v16 =	vmul.f32 $4.000000060e-01, v6  }
0x8b: {  	s12 =	simm.s32 $0x40;
	v4 =	vld [tilespmem:s24+$0x4E00];
	v13 =	vmul.f32 $4.000000060e-01, v13;
	v1 =	vmul.f32 $1.442695020e+00, v2  }
0x8c: {  	v7 =	vld [tilespmem:s12+$0x5000];
	(erf) = vpow2.f32 v5;
	v10 =	vadd.f32 v16, v10  }
0x8d: {  	v6 =	vld [tilespmem:s12+$0x5200];
	v2 =	vadd.f32 v13, v9;
	(erf) = vpow2.f32 v1  }
0x8e: {  	v12 =	vsub.f32 v12, v15;
	v5 =	vld [tilespmem:s12+$0x5400]  }
0x8f: {  	v1 =	vld [tilespmem:s13+$0x5600];
	v11 =	vsub.f32 v14, v11;
	v14 =	vmax.f32 v2, $0.0e+00;
	v9 =	vpop (erf);
	v16 =	vmax.f32 v10, $0.0e+00  }
0x90: {  	p0 =	por p1, p1;
	s14 =	simm.s32 $0x140;
	v12 =	vmul.f32 $1.442695020e+00, v12;
	v13 =	vsub.f32 v3, v15;
	v2 =	vld [tilespmem:s13+$0x5800];
	v3 =	vadd.f32 v16, v14;
	v10 =	vpop (erf)  }
.LBB2_3:
0x91: {  	p1 =	sne.s32 s14, $0x7C0;
	v14 =	vld [tilespmem:s12+$0x4800];
	v11 =	vmul.f32 $1.442695020e+00, v11;
	v4 =	vsub.f32 v4, v8;
	v8 =	vpop (erf);
	s13 =	smov.u32 s12  }
0x92: {  	v15 =	vld [tilespmem:s13+$0x4A00];
	v13 =	vmul.f32 $1.442695020e+00, v13;
	(erf) = vpow2.f32 v12;
	v12 =	vpop (erf);
	v0 =	vadd.f32 v3, v0  }
0x93: {  	v3 =	vld [tilespmem:s13+$0x4C00];
	v4 =	vmul.f32 $1.442695020e+00, v4;
	(erf) = vpow2.f32 v11  }
0x94: {  	v8 =	vadd.f32 v12, v8;
	v16 =	vld.idx.msk [tilespmem:v7+s1+$0x0], $0xffff;
	(erf) = vpow2.f32 v13;
	v13 =	vadd.f32 v10, v9  }
0x95: {  	v9 =	vld.idx.msk [tilespmem:v6+s1+$0x0], $0xffff;
	(erf) = vpow2.f32 v4;
	v6 =	vpop (erf)  }
0x96: {  	v11 =	vmul.f32 $1.442695020e+00, v8;
	v4 =	vld [tilespmem:s13+$0x4E00];
	v10 =	vmul.f32 $1.442695020e+00, v13;
	v7 =	vpop (erf)  }
0x97: {  	s12 =	sshra.s32 s14, $0x2;
	v8 =	vld.idx.msk [tilespmem:v5+s1+$0x0], $0xffff;
	v5 =	vmul.f32 $4.000000060e-01, v6;
	v12 =	vmul.f32 $4.000000060e-01, v7  }
.Ltmp0:
0x98: {  	v7 =	vld [tilespmem:s12+$0x5000];
	(erf) = vpow2.f32 v10;
	(pc) =	sbr.rel @p1 .LBB2_3-.Ltmp0, $4  }
0x99: {  	v6 =	vld [tilespmem:s12+$0x5200];
	(erf) = vpow2.f32 v11;
	v17 =	vadd.f32 v5, v1;
	v2 =	vadd.f32 v12, v2  }
0x9a: {  	v12 =	vsub.f32 v14, v16;
	v1 =	vld [tilespmem:s11+$0x5600]  }
0x9b: {  	v11 =	vsub.f32 v15, v9;
	v5 =	vld [tilespmem:s12+$0x5400];
	v9 =	vpop (erf);
	v14 =	vmax.f32 v17, $0.0e+00;
	v15 =	vmax.f32 v2, $0.0e+00  }
0x9c: {  	s14 =	sadd.s32 $0x40, s14;
	v13 =	vsub.f32 v3, v16;
	v12 =	vmul.f32 $1.442695020e+00, v12;
	v10 =	vpop (erf);
	v2 =	vld [tilespmem:s11+$0x5800];
	v3 =	vadd.f32 v15, v14;
	s11 =	smov.u32 s24;
	s24 =	smov.u32 s13  }
0x9d: {  	_ = 	snop  }
0x9e: {  	v14 =	vld [tilespmem:s12+$0x4800]  }
0x9f: {  	v15 =	vld [tilespmem:s12+$0x4A00]  }
0xa0: {  	v16 =	vld [tilespmem:s12+$0x4C00]  }
0xa1: {  	v7 =	vld.idx.msk [tilespmem:v7+s1+$0x0], $0xffff  }
0xa2: {  	v17 =	vld [tilespmem:s12+$0x4E00]  }
0xa3: {  	v11 =	vmul.f32 $1.442695020e+00, v11;
	v4 =	vsub.f32 v4, v8;
	v8 =	vpop (erf);
	v6 =	vld.idx.msk [tilespmem:v6+s1+$0x0], $0xffff  }
0xa4: {  	v9 =	vadd.f32 v10, v9;
	v13 =	vmul.f32 $1.442695020e+00, v13;
	(erf) = vpow2.f32 v12;
	v12 =	vpop (erf);
	v5 =	vld.idx.msk [tilespmem:v5+s1+$0x0], $0xffff  }
0xa5: {  	v4 =	vmul.f32 $1.442695020e+00, v4;
	(erf) = vpow2.f32 v11;
	v8 =	vadd.f32 v12, v8  }
0xa6: {  	v9 =	vmul.f32 $1.442695020e+00, v9;
	(erf) = vpow2.f32 v13  }
0xa7: {  	(erf) = vpow2.f32 v4;
	v4 =	vmul.f32 $1.442695020e+00, v8;
	v10 =	vsub.f32 v14, v7  }
0xa8: {  	(erf) = vpow2.f32 v9;
	v7 =	vsub.f32 v16, v7;
	v6 =	vsub.f32 v15, v6  }
0xa9: {  	(erf) = vpow2.f32 v4;
	v8 =	vmul.f32 $1.442695020e+00, v10;
	v5 =	vsub.f32 v17, v5  }
0xaa: {  	v4 =	vmul.f32 $1.442695020e+00, v6;
	v6 =	vmul.f32 $1.442695020e+00, v7  }
0xab: {  	(erf) = vpow2.f32 v8;
	v5 =	vmul.f32 $1.442695020e+00, v5  }
0xac: {  	v10 =	vpop (erf);
	(erf) = vpow2.f32 v4  }
0xad: {  	v11 =	vpop (erf);
	(erf) = vpow2.f32 v6  }
0xae: {  	v4 =	vpop (erf);
	(erf) = vpow2.f32 v5  }
0xaf: {  	v5 =	vpop (erf)  }
0xb0: {  	v6 =	vpop (erf)  }
0xb1: {  	v7 =	vpop (erf)  }
0xb2: {  	v12 =	vpop (erf)  }
0xb3: {  	v13 =	vpop (erf)  }
0xb4: {  	v14 =	vpop (erf)  }
0xb5: {  	v4 =	vadd.f32 v5, v4;
	v5 =	vpop (erf)  }
0xb6: {  	v9 =	vld [tilespmem:s11+$0x5800];
	v6 =	vadd.f32 v7, v6;
	v37 =	vpop (erf)  }
0xb7: {  	v15 =	vld [tilespmem:s11+$0x5600];
	v4 =	vmul.f32 $1.442695020e+00, v4;
	v5 =	vadd.f32 v5, v14;
	v38 =	vpop (erf)  }
0xb8: {  	v8 =	vld [tilespmem:s24+$0x5600];
	v6 =	vmul.f32 $1.442695020e+00, v6;
	v14 =	vadd.f32 v38, v37  }
0xb9: {  	v7 =	vld [tilespmem:s24+$0x5800];
	(erf) = vpow2.f32 v4;
	v39 =	vmul.f32 $1.442695020e+00, v5  }
0xba: {  	s24 =	simm.s32 $0x0;
	v4 =	vld [tilespmem:s12+$0x5800];
	(erf) = vpow2.f32 v6;
	v6 =	vmul.f32 $1.442695020e+00, v14  }
0xbb: {  	v5 =	vld [tilespmem:s12+$0x5600];
	[tilespmem:s25], [sflag:$0x1] =	stream.linear.gather [hbm4b:s16+s24], $0x800, $0x38;
	(erf) = vpow2.f32 v39  }
0xbc: {  	(erf) = vpow2.f32 v6  }
0xbd: {  	[tilespmem:s26], [sflag:$0x1] =	stream.linear.gather [hbm4b:s17+s24], $0x200, $0x38;
	[tilespmem:$0x7410] =	vst v63  }
0xbe: {  	_ = 	snop  }
0xbf: {  	[tilespmem:s28], [sflag:$0x1] =	stream.linear.gather [hbm4b:s18+s24], $0x200, $0x38;
	[tilespmem:$0x7410] =	vst v63  }
0xc0: {  	_ = 	snop  }
0xc1: {  	[tilespmem:s29], [sflag:$0x1] =	stream.linear.gather [hbm4b:s19+s24], $0x200, $0x38;
	[tilespmem:$0x7410] =	vst v63  }
0xc2: {  	v14 =	vpop (erf)  }
0xc3: {  	v40 =	vpop (erf);
	[tilespmem:s30], [sflag:$0x1] =	stream.linear.gather [hbm4b:s20+s24], $0x200, $0x38;
	[tilespmem:$0x7410] =	vst v63  }
0xc4: {  	v41 =	vpop (erf)  }
0xc5: {  	[tilespmem:s31], [sflag:$0x1] =	stream.linear.gather [hbm4b:s21+s24], $0x200, $0x38;
	v6 =	vpop (erf);
	[tilespmem:$0x7410] =	vst v63  }
0xc6: {  	_ =	swait.ge [sflag:s0], $0x800  }
0xc7: {  	[sflag:s0] =	ssyncset.done $0x0  }
0xc8: {  	[sflag:s0] =	ssyncadd.s32 $0xFFFFF800  }
0xc9: {  	_ =	swait.ge [sflag:s0], $0x200  }
0xca: {  	[sflag:s0] =	ssyncset.done $0x0  }
0xcb: {  	[sflag:s0] =	ssyncadd.s32 $0xFFFFFE00  }
0xcc: {  	_ =	swait.ge [sflag:s0], $0x200  }
0xcd: {  	[sflag:s0] =	ssyncset.done $0x0  }
0xce: {  	[sflag:s0] =	ssyncadd.s32 $0xFFFFFE00  }
0xcf: {  	_ =	swait.ge [sflag:s0], $0x200  }
0xd0: {  	[sflag:s0] =	ssyncset.done $0x0  }
0xd1: {  	[sflag:s0] =	ssyncadd.s32 $0xFFFFFE00  }
0xd2: {  	_ =	swait.ge [sflag:s0], $0x200  }
0xd3: {  	[sflag:s0] =	ssyncset.done $0x0  }
0xd4: {  	[sflag:s0] =	ssyncadd.s32 $0xFFFFFE00  }
0xd5: {  	_ =	swait.ge [sflag:s0], $0x200  }
0xd6: {  	[sflag:s0] =	ssyncset.done $0x0  }
0xd7: {  	[sflag:s0] =	ssyncadd.s32 $0xFFFFFE00  }
0xd8: {  	[tilespmem:s4], [sflag:$0x1] =	stream.indirect.gather [hbm4b:s5+s2], $0x1, s25, s2, $0xb8;
	[tilespmem:$0x7410] =	vst v63  }
0xd9: {  	_ =	swait.ge [sflag:s23], $0x800  }
0xda: {  	[sflag:s23] =	ssyncset.done $0x0  }
0xdb: {  	s13 =	simm.s32 $0x0;
	[sflag:s23] =	ssyncadd.s32 $0xFFFFF800  }
0xdc: {  	v18 =	vld [tilespmem:s13+$0x6A00]  }
0xdd: {  	v19 =	vld [tilespmem:s13+$0x6C00];
	_ =	sdelay $0x1  }
0xde: {  	v20 =	vld [tilespmem:s13+$0x6E00]  }
0xdf: {  	v21 =	vld [tilespmem:s13+$0x6200]  }
0xe0: {  	v22 =	vld [tilespmem:s13+$0x6400]  }
0xe1: {  	v23 =	vld [tilespmem:s13+$0x6600]  }
0xe2: {  	v24 =	vld [tilespmem:s13+$0x6800]  }
0xe3: {  	v18 =	vld.idx.msk [tilespmem:v18+s1+$0x0], $0xffff  }
0xe4: {  	s12 =	simm.s32 $0x10;
	v19 =	vld.idx.msk [tilespmem:v19+s1+$0x0], $0xffff  }
0xe5: {  	v25 =	vld [tilespmem:s12+$0x6A00]  }
0xe6: {  	v20 =	vld.idx.msk [tilespmem:v20+s1+$0x0], $0xffff  }
0xe7: {  	v26 =	vld [tilespmem:s12+$0x6C00]  }
0xe8: {  	v27 =	vld [tilespmem:s12+$0x6E00];
	v21 =	vsub.f32 v21, v18  }
0xe9: {  	v42 =	vld [tilespmem:s12+$0x6200];
	v19 =	vsub.f32 v22, v19  }
0xea: {  	v10 =	vmul.f32 $4.000000060e-01, v10;
	v43 =	vld [tilespmem:s12+$0x6400];
	v18 =	vsub.f32 v23, v18;
	v21 =	vmul.f32 $1.442695020e+00, v21  }
0xeb: {  	v11 =	vmul.f32 $4.000000060e-01, v11;
	v44 =	vld [tilespmem:s12+$0x6600];
	v20 =	vsub.f32 v24, v20;
	v19 =	vmul.f32 $1.442695020e+00, v19  }
0xec: {  	v1 =	vadd.f32 v10, v1;
	s24 =	simm.s32 $0x20;
	v47 =	vld [tilespmem:s12+$0x6800];
	v18 =	vmul.f32 $1.442695020e+00, v18;
	(erf) = vpow2.f32 v21  }
0xed: {  	v2 =	vadd.f32 v11, v2;
	v49 =	vld [tilespmem:s24+$0x6A00];
	v20 =	vmul.f32 $1.442695020e+00, v20;
	(erf) = vpow2.f32 v19  }
0xee: {  	v45 =	vld.idx.msk [tilespmem:v25+s1+$0x0], $0xffff;
	(erf) = vpow2.f32 v18  }
0xef: {  	v1 =	vmax.f32 v1, $0.0e+00;
	v2 =	vmax.f32 v2, $0.0e+00;
	v46 =	vld.idx.msk [tilespmem:v26+s1+$0x0], $0xffff;
	(erf) = vpow2.f32 v20  }
0xf0: {  	v0 =	vadd.f32 v3, v0;
	v1 =	vadd.f32 v2, v1;
	v50 =	vld [tilespmem:s24+$0x6C00]  }
0xf1: {  	v12 =	vmul.f32 $4.000000060e-01, v12;
	v48 =	vld.idx.msk [tilespmem:v27+s1+$0x0], $0xffff  }
0xf2: {  	v0 =	vadd.f32 v1, v0;
	v13 =	vmul.f32 $4.000000060e-01, v13  }
0xf3: {  	v12 =	vadd.f32 v12, v15;
	v10 =	vsub.f32 v42, v45  }
0xf4: {  	v9 =	vadd.f32 v13, v9;
	v11 =	vld [tilespmem:s24+$0x6E00];
	v19 =	vsub.f32 v43, v46  }
0xf5: {  	v12 =	vmax.f32 v12, $0.0e+00;
	v52 =	vld [tilespmem:s24+$0x6200];
	v10 =	vmul.f32 $1.442695020e+00, v10;
	v21 =	vsub.f32 v44, v45;
	v51 =	vpop (erf)  }
0xf6: {  	v14 =	vmul.f32 $4.000000060e-01, v14;
	v3 =	vld [tilespmem:s24+$0x6600];
	v18 =	vsub.f32 v47, v48;
	v19 =	vmul.f32 $1.442695020e+00, v19;
	v53 =	vpop (erf)  }
0xf7: {  	v9 =	vmax.f32 v9, $0.0e+00;
	v1 =	vld [tilespmem:s24+$0x6800];
	v21 =	vmul.f32 $1.442695020e+00, v21;
	(erf) = vpow2.f32 v10;
	v2 =	vpop (erf)  }
0xf8: {  	v56 =	vld.idx.msk [tilespmem:v49+s1+$0x0], $0xffff;
	v18 =	vmul.f32 $1.442695020e+00, v18;
	(erf) = vpow2.f32 v19;
	v54 =	vadd.f32 v53, v51;
	v55 =	vpop (erf)  }
0xf9: {  	v13 =	vmul.f32 $4.000000060e-01, v40;
	v57 =	vld.idx.msk [tilespmem:v50+s1+$0x0], $0xffff;
	(erf) = vpow2.f32 v21;
	v2 =	vadd.f32 v55, v2  }
0xfa: {  	s11 =	simm.s32 $0x30;
	v9 =	vadd.f32 v9, v12;
	v10 =	vld [tilespmem:s24+$0x6400];
	(erf) = vpow2.f32 v18;
	v58 =	vmul.f32 $1.442695020e+00, v54  }
0xfb: {  	v8 =	vadd.f32 v14, v8;
	v7 =	vadd.f32 v13, v7;
	v15 =	vld [tilespmem:s11+$0x6A00];
	v2 =	vmul.f32 $1.442695020e+00, v2  }
0xfc: {  	v0 =	vadd.f32 v9, v0;
	v11 =	vld.idx.msk [tilespmem:v11+s1+$0x0], $0xffff;
	(erf) = vpow2.f32 v58  }
0xfd: {  	v8 =	vmax.f32 v8, $0.0e+00;
	v7 =	vmax.f32 v7, $0.0e+00;
	v14 =	vld [tilespmem:s13+$0x7000];
	(erf) = vpow2.f32 v2  }
0xfe: {  	v7 =	vadd.f32 v7, v8;
	v13 =	vsub.f32 v52, v56;
	v2 =	vld [tilespmem:s11+$0x6C00]  }
0xff: {  	v59 =	vmul.f32 $4.000000060e-01, v41;
	v6 =	vmul.f32 $4.000000060e-01, v6;
	v12 =	vld [tilespmem:s11+$0x6E00];
	v10 =	vsub.f32 v10, v57  }
0x100: {  	v0 =	vadd.f32 v7, v0;
	v60 =	vld [tilespmem:s13+$0x7200];
	v3 =	vsub.f32 v3, v56;
	v13 =	vmul.f32 $1.442695020e+00, v13;
	v8 =	vpop (erf)  }
0x101: {  	v6 =	vadd.f32 v6, v4;
	v9 =	vld [tilespmem:s11+$0x6200];
	v1 =	vsub.f32 v1, v11;
	v10 =	vmul.f32 $1.442695020e+00, v10;
	v61 =	vpop (erf)  }
0x102: {  	v4 =	vld [tilespmem:s11+$0x6800];
	v3 =	vmul.f32 $1.442695020e+00, v3;
	v11 =	vpop (erf);
	v7 =	vadd.f32 v61, v8;
	(erf) = vpow2.f32 v13  }
0x103: {  	v15 =	vld.idx.msk [tilespmem:v15+s1+$0x0], $0xffff;
	v1 =	vmul.f32 $1.442695020e+00, v1;
	(erf) = vpow2.f32 v10;
	v8 =	vpop (erf)  }
0x104: {  	v5 =	vadd.f32 v59, v5;
	v13 =	vld [tilespmem:s11+$0x6400];
	(erf) = vpow2.f32 v3;
	v3 =	vadd.f32 v8, v11  }
0x105: {  	v10 =	vld [tilespmem:s11+$0x6600];
	(erf) = vpow2.f32 v1;
	v62 =	vpop (erf)  }
0x106: {  	v5 =	vmax.f32 v5, $0.0e+00;
	v11 =	vmul.f32 $1.442695020e+00, v7;
	v1 =	vmul.f32 $1.442695020e+00, v3;
	v2 =	vld.idx.msk [tilespmem:v2+s1+$0x0], $0xffff;
	v7 =	vpop (erf)  }
0x107: {  	v6 =	vmax.f32 v6, $0.0e+00;
	s13 =	simm.s32 $0x40;
	v8 =	vld.idx.msk [tilespmem:v12+s1+$0x0], $0xffff;
	v12 =	vmul.f32 $4.000000060e-01, v62;
	v63 =	vmul.f32 $4.000000060e-01, v7  }
0x108: {  	v5 =	vadd.f32 v6, v5;
	(erf) = vpow2.f32 v11;
	v7 =	vld [tilespmem:s13+$0x6A00]  }
0x109: {  	v6 =	vld [tilespmem:s13+$0x6C00];
	(erf) = vpow2.f32 v1;
	v3 =	vadd.f32 v12, v14;
	v12 =	vadd.f32 v63, v60  }
0x10a: {  	v0 =	vadd.f32 v5, v0;
	v5 =	vld [tilespmem:s13+$0x6E00];
	v14 =	vsub.f32 v9, v15  }
0x10b: {  	v1 =	vld [tilespmem:s12+$0x7000];
	v9 =	vpop (erf);
	v3 =	vmax.f32 v3, $0.0e+00;
	v11 =	vsub.f32 v13, v2;
	v16 =	vmax.f32 v12, $0.0e+00  }
0x10c: {  	s14 =	simm.s32 $0x140;
	v13 =	vsub.f32 v10, v15;
	v10 =	vpop (erf);
	v2 =	vld [tilespmem:s12+$0x7200];
	v12 =	vmul.f32 $1.442695020e+00, v14;
	v3 =	vadd.f32 v16, v3  }
.LBB2_5:
0x10d: {  	p1 =	sne.s32 s14, $0x7C0;
	v14 =	vld [tilespmem:s13+$0x6200];
	v11 =	vmul.f32 $1.442695020e+00, v11;
	v4 =	vsub.f32 v4, v8;
	v8 =	vpop (erf);
	s12 =	smov.u32 s13  }
0x10e: {  	v15 =	vld [tilespmem:s12+$0x6400];
	v13 =	vmul.f32 $1.442695020e+00, v13;
	(erf) = vpow2.f32 v12;
	v12 =	vpop (erf);
	v0 =	vadd.f32 v3, v0  }
0x10f: {  	v3 =	vld [tilespmem:s12+$0x6600];
	v4 =	vmul.f32 $1.442695020e+00, v4;
	(erf) = vpow2.f32 v11  }
0x110: {  	v8 =	vadd.f32 v12, v8;
	v16 =	vld.idx.msk [tilespmem:v7+s1+$0x0], $0xffff;
	(erf) = vpow2.f32 v13;
	v13 =	vadd.f32 v10, v9  }
0x111: {  	v9 =	vld.idx.msk [tilespmem:v6+s1+$0x0], $0xffff;
	(erf) = vpow2.f32 v4;
	v6 =	vpop (erf)  }
0x112: {  	v11 =	vmul.f32 $1.442695020e+00, v8;
	v4 =	vld [tilespmem:s12+$0x6800];
	v10 =	vmul.f32 $1.442695020e+00, v13;
	v7 =	vpop (erf)  }
0x113: {  	s13 =	sshra.s32 s14, $0x2;
	v8 =	vld.idx.msk [tilespmem:v5+s1+$0x0], $0xffff;
	v5 =	vmul.f32 $4.000000060e-01, v6;
	v12 =	vmul.f32 $4.000000060e-01, v7  }
.Ltmp1:
0x114: {  	v7 =	vld [tilespmem:s13+$0x6A00];
	(erf) = vpow2.f32 v10;
	(pc) =	sbr.rel @p1 .LBB2_5-.Ltmp1, $4  }
0x115: {  	v6 =	vld [tilespmem:s13+$0x6C00];
	(erf) = vpow2.f32 v11;
	v17 =	vadd.f32 v5, v1;
	v2 =	vadd.f32 v12, v2  }
0x116: {  	v12 =	vsub.f32 v14, v16;
	v1 =	vld [tilespmem:s24+$0x7000]  }
0x117: {  	v11 =	vsub.f32 v15, v9;
	v5 =	vld [tilespmem:s13+$0x6E00];
	v9 =	vpop (erf);
	v14 =	vmax.f32 v17, $0.0e+00;
	v15 =	vmax.f32 v2, $0.0e+00  }
0x118: {  	s14 =	sadd.s32 $0x40, s14;
	v13 =	vsub.f32 v3, v16;
	v12 =	vmul.f32 $1.442695020e+00, v12;
	v10 =	vpop (erf);
	v2 =	vld [tilespmem:s24+$0x7200];
	v3 =	vadd.f32 v15, v14;
	s24 =	smov.u32 s11;
	s11 =	smov.u32 s12  }
0x119: {  	_ = 	snop  }
0x11a: {  	v14 =	vld [tilespmem:s13+$0x6200]  }
0x11b: {  	v15 =	vld [tilespmem:s13+$0x6400]  }
0x11c: {  	v16 =	vld [tilespmem:s13+$0x6600]  }
0x11d: {  	v7 =	vld.idx.msk [tilespmem:v7+s1+$0x0], $0xffff  }
0x11e: {  	v6 =	vld.idx.msk [tilespmem:v6+s1+$0x0], $0xffff  }
0x11f: {  	v11 =	vmul.f32 $1.442695020e+00, v11;
	v4 =	vsub.f32 v4, v8;
	v27 =	vpop (erf);
	v17 =	vld [tilespmem:s13+$0x6800]  }
0x120: {  	v9 =	vadd.f32 v10, v9;
	(erf) = vpow2.f32 v12;
	v28 =	vmul.f32 $1.442695020e+00, v13;
	v29 =	vpop (erf);
	v5 =	vld.idx.msk [tilespmem:v5+s1+$0x0], $0xffff  }
0x121: {  	(erf) = vpow2.f32 v11;
	v4 =	vmul.f32 $1.442695020e+00, v4;
	v8 =	vadd.f32 v29, v27  }
0x122: {  	v9 =	vmul.f32 $1.442695020e+00, v9;
	(erf) = vpow2.f32 v28;
	v30 =	vsub.f32 v14, v7  }
0x123: {  	(erf) = vpow2.f32 v4;
	v31 =	vmul.f32 $1.442695020e+00, v8;
	v6 =	vsub.f32 v15, v6  }
0x124: {  	(erf) = vpow2.f32 v9;
	v7 =	vsub.f32 v16, v7;
	v32 =	vmul.f32 $1.442695020e+00, v30  }
0x125: {  	(erf) = vpow2.f32 v31;
	v33 =	vmul.f32 $1.442695020e+00, v6;
	v5 =	vsub.f32 v17, v5  }
0x126: {  	v34 =	vmul.f32 $1.442695020e+00, v7;
	(erf) = vpow2.f32 v32  }
0x127: {  	v35 =	vpop (erf);
	v5 =	vmul.f32 $1.442695020e+00, v5;
	(erf) = vpow2.f32 v33  }
0x128: {  	v36 =	vpop (erf);
	(erf) = vpow2.f32 v34  }
0x129: {  	v37 =	vpop (erf);
	(erf) = vpow2.f32 v5  }
0x12a: {  	v38 =	vpop (erf)  }
0x12b: {  	v39 =	vpop (erf)  }
0x12c: {  	v40 =	vpop (erf)  }
0x12d: {  	v41 =	vpop (erf)  }
0x12e: {  	v42 =	vpop (erf)  }
0x12f: {  	v43 =	vpop (erf)  }
0x130: {  	v5 =	vadd.f32 v38, v37;
	v44 =	vpop (erf)  }
0x131: {  	v8 =	vadd.f32 v40, v39;
	v45 =	vpop (erf)  }
0x132: {  	v5 =	vmul.f32 $1.442695020e+00, v5;
	v6 =	vadd.f32 v44, v43;
	v46 =	vpop (erf)  }
0x133: {  	v8 =	vmul.f32 $1.442695020e+00, v8;
	v9 =	vadd.f32 v46, v45  }
0x134: {  	(erf) = vpow2.f32 v5;
	v47 =	vmul.f32 $1.442695020e+00, v6  }
0x135: {  	(erf) = vpow2.f32 v8;
	v48 =	vmul.f32 $1.442695020e+00, v9  }
0x136: {  	(erf) = vpow2.f32 v47  }
0x137: {  	(erf) = vpow2.f32 v48  }
0x138: {  	v49 =	vld [tilespmem:s24+$0x7000]  }
0x139: {  	v51 =	vld [tilespmem:s24+$0x7200];
	v50 =	vmul.f32 $4.000000060e-01, v35;
	v4 =	vmul.f32 $4.000000060e-01, v36;
	_ =	sdelay $0x1  }
0x13a: {  	v52 =	vld [tilespmem:s11+$0x7000];
	v1 =	vadd.f32 v50, v1;
	v2 =	vadd.f32 v4, v2  }
0x13b: {  	v55 =	vld [tilespmem:s11+$0x7200];
	v53 =	vmul.f32 $4.000000060e-01, v41;
	v54 =	vmul.f32 $4.000000060e-01, v42  }
0x13c: {  	v57 =	vld [tilespmem:s13+$0x7000];
	v1 =	vmax.f32 v1, $0.0e+00;
	v2 =	vmax.f32 v2, $0.0e+00;
	v56 =	vpop (erf)  }
0x13d: {  	v61 =	vld [tilespmem:s13+$0x7200];
	v58 =	vadd.f32 v54, v51;
	v5 =	vadd.f32 v53, v49;
	v59 =	vpop (erf);
	v60 =	vmul.f32 $4.000000060e-01, v56  }
0x13e: {  	v0 =	vadd.f32 v3, v0;
	v1 =	vadd.f32 v2, v1;
	v2 =	vmul.f32 $4.000000060e-01, v59;
	v3 =	vpop (erf)  }
0x13f: {  	v5 =	vmax.f32 v5, $0.0e+00;
	v6 =	vmax.f32 v58, $0.0e+00;
	v4 =	vadd.f32 v60, v52;
	v62 =	vpop (erf)  }
0x140: {  	v2 =	vadd.f32 v2, v55;
	v3 =	vmul.f32 $4.000000060e-01, v3;
	v7 =	vmul.f32 $4.000000060e-01, v62  }
0x141: {  	v0 =	vadd.f32 v1, v0;
	v1 =	vadd.f32 v6, v5;
	v4 =	vmax.f32 v4, $0.0e+00  }
0x142: {  	v2 =	vmax.f32 v2, $0.0e+00;
	v3 =	vadd.f32 v3, v57;
	v63 =	vadd.f32 v7, v61  }
.Ltmp2:
0x143: {  	v0 =	vadd.f32 v1, v0;
	v1 =	vadd.f32 v2, v4;
	(pc) =	sbr.rel @p0 .LBB2_2-.Ltmp2, $3  }
0x144: {  	v2 =	vmax.f32 v3, $0.0e+00;
	v3 =	vmax.f32 v63, $0.0e+00  }
0x145: {  	v0 =	vadd.f32 v1, v0;
	v1 =	vadd.f32 v3, v2;
	_ =	sdelay $0x1  }
0x146: {  	s11 =	simm.s32 $0x400;
	p1 =	por $0x0, $0x0;
	v0 =	vadd.f32 v1, v0  }
0x147: {  	_ =	swait.ge [sflag:s0], $0x800  }
0x148: {  	[sflag:s0] =	ssyncset.done $0x0  }
0x149: {  	[sflag:s0] =	ssyncadd.s32 $0xFFFFF800  }
0x14a: {  	s12 =	simm.s32 $0x7400;
	s11 =	rddreg [dreg:$0x9];
	[tilespmem:$0x7400] =	vst v0  }
0x14b: {  	[hbm4b:s11+s1] =	stream.linear.scatter [tilespmem:s12], [sflag:$0x3], $0x10, $0x38;
	[tilespmem:$0x7410] =	vst v63  }
0x14c: {  	s12 =	simm.s32 $0x3  }
0x14d: {  	_ =	swait.ge [sflag:s12], $0x10  }
0x14e: {  	s13 =	rddreg [dreg:$0xb]  }
0x14f: {  	s24 =	rddreg [dreg:$0xa];
	s13 =	sadd.s32 $0x1, s13  }
0x150: {  	p0 =	sne.s32 s13, s24  }
.Ltmp3:
0x151: {  	_ = 	snop;
	(pc) =	sbr.rel @p0 .LBB2_1-.Ltmp3, $3  }
0x152: {  	_ =	sdelay $0x1  }
0x153: {  	[sflag:s12] =	ssyncset.done $0x0  }
0x154: {  	[sflag:s12] =	ssyncadd.s32 $0xFFFFFFF0  }
0x155: {  	_ =	sfence.sel $0x180000  }
0x156: {  	[bflag:$0x0] =	sbarrier.arrive $0xFFFF  }
0x157: {  	_ =	strace $0x9000004A  }
0x158: {  	s0 =	stileid.u32;
	[bflag:$0x2] =	sbarrier.arrive $0xFFFF  }
0x159: {  	p0 =	sne.s32 s0, $0x0;
	s0 =	rddreg [dreg:$0x1]  }
0x15a: {  	s0 =	sadd.s32 @!p0 $0x100000, s0  }
0x15b: {  	[sflag:s0] =	ssyncadd.tile.s32 @!p0 $0x1;
	_ =	shalt  }
.Lfunc_end2:
_tile_overlayer_lowered:
.L_overlay_start_2:
0x15c: {  	(tag) =	ssettag $0x2  }
0x15d: {  	s0 =	rddreg [dreg:$0x0];
	s2 =	stileid.u32  }
0x15e: {  	s1 =	rddreg [dreg:$0x1];
	p0 =	sne.s32 s2, $0x0  }
0x15f: {  	s3 =	rddreg [dreg:$0x2];
	[bflag:$0x3] =	sbarrier.arrive $0xFFFF;
	s2 =	simm.s32 @!p0 $0x1C03  }
0x160: {  	[timem:s3], [sflag:s2] =	dma.local @!p0 [hbm:s0], s1  }
0x161: {  	s0 =	simm.s32 @!p0 $0x3  }
0x162: {  	_ =	swait.ge @!p0 [sflag:s0], s1  }
0x163: {  	s1 =	ssub.s32 @!p0 $0x0, s1;
	[sflag:s0] =	ssyncset.done @!p0 $0x0  }
0x164: {  	[sflag:s0] =	ssyncadd.s32 @!p0 s1  }
0x165: {  	[bflag:$0x3] =	sbarrier.arrive $0xFFFF  }
0x166: {  	_ =	shalt  }

</sc_bundles>
